<compile_context>
chip_gen: v7x
topology: tpu7x:2x2x1
jax: 0.10.2.dev20260603
libtpu: 0.0.44.dev20260713+nightly
codegen_flags: <defaults>
</compile_context>

<pallas_src>
import functools

import jax
import jax.numpy as jnp
from jax import lax
from jax.experimental import pallas as pl
from jax.experimental.pallas import tpu as pltpu
from jax.experimental.pallas import tpu_sc as plsc

D = 64
B = 16384
NSEC = 20
NC = 2
NS = 16
NW = NC * NS
BPW = B // NW
CH = 128
NCH = BPW // CH
LANES = 16

_mesh = plsc.VectorSubcoreMesh(core_axis_name="c", subcore_axis_name="s")


@functools.partial(
    pl.kernel,
    mesh=_mesh,
    out_type=jax.ShapeDtypeStruct((NW, BPW, D), jnp.float32),
    scratch_types=[
        pltpu.VMEM((BPW,), jnp.int32),
        pltpu.VMEM((NSEC, D), jnp.float32),
        pltpu.VMEM((BPW, D), jnp.float32),
        pltpu.SemaphoreType.DMA,
        pltpu.SemaphoreType.DMA,
    ],
    compiler_params=pltpu.CompilerParams(use_tc_tiling_on_sc=False),
)
def _sector_kernel(secs_hbm, sector_hbm, out_hbm, cidv, secT, buf, isem, wsem):
    wid = lax.axis_index("s") * NC + lax.axis_index("c")
    base = wid * BPW

    c1 = pltpu.async_copy(secs_hbm.at[pl.ds(base, BPW)], cidv, isem)
    c2 = pltpu.async_copy(sector_hbm, secT, isem)
    c1.wait()
    c2.wait()

    writes = []
    for j in range(NCH):
        def body(g, carry):
            rbase = g * LANES
            sidv = cidv[pl.ds(rbase, LANES)]
            for l in range(LANES):
                s = sidv[l]
                r = rbase + l
                for c in range(D // LANES):
                    sl = pl.ds(c * LANES, LANES)
                    buf[r, sl] = secT[s, sl]
            return carry

        lax.fori_loop(j * (CH // LANES), (j + 1) * (CH // LANES), body, 0)
        writes.append(pltpu.async_copy(
            buf.at[pl.ds(j * CH, CH)], out_hbm.at[wid].at[pl.ds(j * CH, CH)],
            wsem))
    for w in writes:
        w.wait()


@functools.partial(
    pl.kernel,
    mesh=_mesh,
    out_type=jax.ShapeDtypeStruct((NW, BPW, D), jnp.float32),
    scratch_types=[
        pltpu.VMEM((BPW,), jnp.int32),
        pltpu.VMEM((BPW, D), jnp.float32),
        pltpu.SemaphoreType.DMA,
        [pltpu.SemaphoreType.DMA] * NCH,
        [pltpu.SemaphoreType.DMA] * NCH,
        pltpu.SemaphoreType.DMA,
    ],
    compiler_params=pltpu.CompilerParams(use_tc_tiling_on_sc=False),
)
def _stock_kernel(sids_hbm, partial_hbm, stock_hbm, out_hbm,
                  sidx, buf, isem, psems, gsems, wsem):
    wid = lax.axis_index("s") * NC + lax.axis_index("c")
    base = wid * BPW

    i1 = pltpu.async_copy(sids_hbm.at[pl.ds(base, BPW)], sidx, isem)
    ploads = [
        pltpu.async_copy(
            partial_hbm.at[wid].at[pl.ds(j * CH, CH)],
            buf.at[pl.ds(j * CH, CH)], psems[j])
        for j in range(NCH)
    ]
    i1.wait()

    adds = []
    for j in range(NCH):
        ploads[j].wait()
        adds.append(pltpu.async_copy(
            stock_hbm.at[sidx.at[pl.ds(j * CH, CH)]],
            buf.at[pl.ds(j * CH, CH)], gsems[j], add=True))
    writes = []
    for j in range(NCH):
        adds[j].wait()
        writes.append(pltpu.async_copy(
            buf.at[pl.ds(j * CH, CH)], out_hbm.at[wid].at[pl.ds(j * CH, CH)],
            wsem))
    for w in writes:
        w.wait()


def kernel(stock_ids, sector_ids, stock_table, sector_table):
    partial = _sector_kernel(sector_ids, sector_table)
    out = _stock_kernel(stock_ids, partial, stock_table)
    return out.reshape(B, D)

# --- scband reference (transcript-rebuilt; emitter-appended) ---
"""Pipeline reference for scband-stock-embedding-30751965839476 (READ-ONLY COPY).

The authoritative reference and input builder live on the scoring server;
editing this copy changes nothing except your own understanding.
"""

import jax, jax.numpy as jnp
import numpy as np

N_STOCKS = 100000
N_SECTORS = 20
D_MODEL = 64
BATCH = 16384

def setup_inputs(seed: int = 0) -> dict:
    key = jax.random.key(seed)
    k1, k2, k3, k4 = jax.random.split(key, 4)
    stock_ids = jax.random.randint(k1, (BATCH,), 0, N_STOCKS, dtype=jnp.int64 if jax.config.jax_enable_x64 else jnp.int32)
    sector_ids = jax.random.randint(k2, (BATCH,), 0, N_SECTORS, dtype=jnp.int64 if jax.config.jax_enable_x64 else jnp.int32)
    stock_table = jax.random.normal(k3, (N_STOCKS, D_MODEL), dtype=jnp.float32)
    sector_table = jax.random.normal(k4, (N_SECTORS, D_MODEL), dtype=jnp.float32)
    return {"stock_ids": stock_ids, "sector_ids": sector_ids, "stock_table": stock_table, "sector_table": sector_table}

def reference(stock_ids, sector_ids, stock_table, sector_table):
    # nn.Embedding lookup -> jnp.take along axis 0
    stock_emb = jnp.take(stock_table, stock_ids, axis=0)
    sector_emb = jnp.take(sector_table, sector_ids, axis=0)
    return stock_emb + sector_emb

if __name__ == "__main__":
    import jax
    _d = setup_inputs()
    print(jax.jit(kernel)(*tuple(_d.values())))

</pallas_src>

<mosaic_0001>
#map = affine_map<(d0, d1) -> (0)>
#map1 = affine_map<(d0, d1) -> (0, 0, 0)>
#map2 = affine_map<(d0, d1) -> (0, 0)>
module attributes {stable_mosaic.version = 14 : i64} {
  func.func @_stock_kernel(%arg0: i32, %arg1: i32, %arg2: memref<16384xi32, #tpu.memory_space<hbm>>, %arg3: memref<32x512x64xf32, #tpu.memory_space<hbm>>, %arg4: memref<100000x64xf32, #tpu.memory_space<hbm>>, %arg5: memref<32x512x64xf32, #tpu.memory_space<hbm>>, %arg6: memref<512xi32, #tpu.memory_space<vmem>>, %arg7: memref<512x64xf32, #tpu.memory_space<vmem>>, %arg8: memref<!tpu.dma_semaphore, #tpu.memory_space<semaphore_mem>>, %arg9: memref<!tpu.dma_semaphore, #tpu.memory_space<semaphore_mem>>, %arg10: memref<!tpu.dma_semaphore, #tpu.memory_space<semaphore_mem>>, %arg11: memref<!tpu.dma_semaphore, #tpu.memory_space<semaphore_mem>>, %arg12: memref<!tpu.dma_semaphore, #tpu.memory_space<semaphore_mem>>, %arg13: memref<!tpu.dma_semaphore, #tpu.memory_space<semaphore_mem>>, %arg14: memref<!tpu.dma_semaphore, #tpu.memory_space<semaphore_mem>>, %arg15: memref<!tpu.dma_semaphore, #tpu.memory_space<semaphore_mem>>, %arg16: memref<!tpu.dma_semaphore, #tpu.memory_space<semaphore_mem>>, %arg17: memref<!tpu.dma_semaphore, #tpu.memory_space<semaphore_mem>>) attributes {dimension_semantics = [#tpu.dimension_semantics<core_parallel>, #tpu.dimension_semantics<subcore_parallel>], iteration_bounds = array<i64: 2, 16>, scalar_prefetch = 0 : i64, scratch_operands = 12 : i64, tpu.core_type = #tpu.core_type<sc_vector_subcore>, window_params = [{transform_indices = #map}, {transform_indices = #map1}, {transform_indices = #map2}, {transform_indices = #map1}]} {
    %mul3A = arith.constant 2 : i32
    %mul3A_0 = arith.muli %arg1, %mul3A : i32
    %add3A = arith.addi %mul3A_0, %arg0 : i32
    %mul3A_1 = arith.constant 512 : i32
    %mul3A_2 = arith.muli %add3A, %mul3A_1 : i32
    %dma_start3A = tpu.memref_slice %arg2[%mul3A_2] : memref<16384xi32, #tpu.memory_space<hbm>> -> memref<512xi32, #tpu.memory_space<hbm>>
    %dma_start3A_3 = tpu.memref_slice %arg2[%mul3A_2] : memref<16384xi32, #tpu.memory_space<hbm>> -> memref<512xi32, #tpu.memory_space<hbm>>
    tpu.enqueue_dma source(%dma_start3A_3 : memref<512xi32, #tpu.memory_space<hbm>>) target(%arg6 : memref<512xi32, #tpu.memory_space<vmem>>) target_semaphore(%arg8 : memref<!tpu.dma_semaphore, #tpu.memory_space<semaphore_mem>>)
    %dma_start3A_4 = arith.constant 0 : i32
    %dma_start3A_5 = arith.constant 0 : i32
    %dma_start3A_6 = tpu.memref_slice %arg7[%dma_start3A_4, %dma_start3A_5] : memref<512x64xf32, #tpu.memory_space<vmem>> -> memref<128x64xf32, #tpu.memory_space<vmem>>
    %dma_start3A_7 = arith.constant 0 : i32
    %dma_start3A_8 = arith.constant 0 : i32
    %dma_start3A_9 = tpu.memref_slice %arg3[%add3A, %dma_start3A_7, %dma_start3A_8] : memref<32x512x64xf32, #tpu.memory_space<hbm>> -> memref<1x512x64xf32, #tpu.memory_space<hbm>>
    %dma_start3A_10 = tpu.memref_squeeze %dma_start3A_9 : memref<1x512x64xf32, #tpu.memory_space<hbm>> -> memref<512x64xf32, #tpu.memory_space<hbm>>
    %dma_start3A_11 = arith.constant 0 : i32
    %dma_start3A_12 = arith.constant 0 : i32
    %dma_start3A_13 = tpu.memref_slice %dma_start3A_10[%dma_start3A_11, %dma_start3A_12] : memref<512x64xf32, #tpu.memory_space<hbm>> -> memref<128x64xf32, #tpu.memory_space<hbm>>
    %dma_start3A_14 = arith.constant 0 : i32
    %dma_start3A_15 = arith.constant 0 : i32
    %dma_start3A_16 = tpu.memref_slice %arg7[%dma_start3A_14, %dma_start3A_15] : memref<512x64xf32, #tpu.memory_space<vmem>> -> memref<128x64xf32, #tpu.memory_space<vmem>>
    %dma_start3A_17 = arith.constant 0 : i32
    %dma_start3A_18 = arith.constant 0 : i32
    %dma_start3A_19 = tpu.memref_slice %arg3[%add3A, %dma_start3A_17, %dma_start3A_18] : memref<32x512x64xf32, #tpu.memory_space<hbm>> -> memref<1x512x64xf32, #tpu.memory_space<hbm>>
    %dma_start3A_20 = tpu.memref_squeeze %dma_start3A_19 : memref<1x512x64xf32, #tpu.memory_space<hbm>> -> memref<512x64xf32, #tpu.memory_space<hbm>>
    %dma_start3A_21 = arith.constant 0 : i32
    %dma_start3A_22 = arith.constant 0 : i32
    %dma_start3A_23 = tpu.memref_slice %dma_start3A_20[%dma_start3A_21, %dma_start3A_22] : memref<512x64xf32, #tpu.memory_space<hbm>> -> memref<128x64xf32, #tpu.memory_space<hbm>>
    tpu.enqueue_dma source(%dma_start3A_23 : memref<128x64xf32, #tpu.memory_space<hbm>>) target(%dma_start3A_16 : memref<128x64xf32, #tpu.memory_space<vmem>>) target_semaphore(%arg9 : memref<!tpu.dma_semaphore, #tpu.memory_space<semaphore_mem>>)
    %dma_start3A_24 = arith.constant 128 : i32
    %dma_start3A_25 = arith.constant 0 : i32
    %dma_start3A_26 = tpu.memref_slice %arg7[%dma_start3A_24, %dma_start3A_25] : memref<512x64xf32, #tpu.memory_space<vmem>> -> memref<128x64xf32, #tpu.memory_space<vmem>>
    %dma_start3A_27 = arith.constant 0 : i32
    %dma_start3A_28 = arith.constant 0 : i32
    %dma_start3A_29 = tpu.memref_slice %arg3[%add3A, %dma_start3A_27, %dma_start3A_28] : memref<32x512x64xf32, #tpu.memory_space<hbm>> -> memref<1x512x64xf32, #tpu.memory_space<hbm>>
    %dma_start3A_30 = tpu.memref_squeeze %dma_start3A_29 : memref<1x512x64xf32, #tpu.memory_space<hbm>> -> memref<512x64xf32, #tpu.memory_space<hbm>>
    %dma_start3A_31 = arith.constant 128 : i32
    %dma_start3A_32 = arith.constant 0 : i32
    %dma_start3A_33 = tpu.memref_slice %dma_start3A_30[%dma_start3A_31, %dma_start3A_32] : memref<512x64xf32, #tpu.memory_space<hbm>> -> memref<128x64xf32, #tpu.memory_space<hbm>>
    %dma_start3A_34 = arith.constant 128 : i32
    %dma_start3A_35 = arith.constant 0 : i32
    %dma_start3A_36 = tpu.memref_slice %arg7[%dma_start3A_34, %dma_start3A_35] : memref<512x64xf32, #tpu.memory_space<vmem>> -> memref<128x64xf32, #tpu.memory_space<vmem>>
    %dma_start3A_37 = arith.constant 0 : i32
    %dma_start3A_38 = arith.constant 0 : i32
    %dma_start3A_39 = tpu.memref_slice %arg3[%add3A, %dma_start3A_37, %dma_start3A_38] : memref<32x512x64xf32, #tpu.memory_space<hbm>> -> memref<1x512x64xf32, #tpu.memory_space<hbm>>
    %dma_start3A_40 = tpu.memref_squeeze %dma_start3A_39 : memref<1x512x64xf32, #tpu.memory_space<hbm>> -> memref<512x64xf32, #tpu.memory_space<hbm>>
    %dma_start3A_41 = arith.constant 128 : i32
    %dma_start3A_42 = arith.constant 0 : i32
    %dma_start3A_43 = tpu.memref_slice %dma_start3A_40[%dma_start3A_41, %dma_start3A_42] : memref<512x64xf32, #tpu.memory_space<hbm>> -> memref<128x64xf32, #tpu.memory_space<hbm>>
    tpu.enqueue_dma source(%dma_start3A_43 : memref<128x64xf32, #tpu.memory_space<hbm>>) target(%dma_start3A_36 : memref<128x64xf32, #tpu.memory_space<vmem>>) target_semaphore(%arg10 : memref<!tpu.dma_semaphore, #tpu.memory_space<semaphore_mem>>)
    %dma_start3A_44 = arith.constant 256 : i32
    %dma_start3A_45 = arith.constant 0 : i32
    %dma_start3A_46 = tpu.memref_slice %arg7[%dma_start3A_44, %dma_start3A_45] : memref<512x64xf32, #tpu.memory_space<vmem>> -> memref<128x64xf32, #tpu.memory_space<vmem>>
    %dma_start3A_47 = arith.constant 0 : i32
    %dma_start3A_48 = arith.constant 0 : i32
    %dma_start3A_49 = tpu.memref_slice %arg3[%add3A, %dma_start3A_47, %dma_start3A_48] : memref<32x512x64xf32, #tpu.memory_space<hbm>> -> memref<1x512x64xf32, #tpu.memory_space<hbm>>
    %dma_start3A_50 = tpu.memref_squeeze %dma_start3A_49 : memref<1x512x64xf32, #tpu.memory_space<hbm>> -> memref<512x64xf32, #tpu.memory_space<hbm>>
    %dma_start3A_51 = arith.constant 256 : i32
    %dma_start3A_52 = arith.constant 0 : i32
    %dma_start3A_53 = tpu.memref_slice %dma_start3A_50[%dma_start3A_51, %dma_start3A_52] : memref<512x64xf32, #tpu.memory_space<hbm>> -> memref<128x64xf32, #tpu.memory_space<hbm>>
    %dma_start3A_54 = arith.constant 256 : i32
    %dma_start3A_55 = arith.constant 0 : i32
    %dma_start3A_56 = tpu.memref_slice %arg7[%dma_start3A_54, %dma_start3A_55] : memref<512x64xf32, #tpu.memory_space<vmem>> -> memref<128x64xf32, #tpu.memory_space<vmem>>
    %dma_start3A_57 = arith.constant 0 : i32
    %dma_start3A_58 = arith.constant 0 : i32
    %dma_start3A_59 = tpu.memref_slice %arg3[%add3A, %dma_start3A_57, %dma_start3A_58] : memref<32x512x64xf32, #tpu.memory_space<hbm>> -> memref<1x512x64xf32, #tpu.memory_space<hbm>>
    %dma_start3A_60 = tpu.memref_squeeze %dma_start3A_59 : memref<1x512x64xf32, #tpu.memory_space<hbm>> -> memref<512x64xf32, #tpu.memory_space<hbm>>
    %dma_start3A_61 = arith.constant 256 : i32
    %dma_start3A_62 = arith.constant 0 : i32
    %dma_start3A_63 = tpu.memref_slice %dma_start3A_60[%dma_start3A_61, %dma_start3A_62] : memref<512x64xf32, #tpu.memory_space<hbm>> -> memref<128x64xf32, #tpu.memory_space<hbm>>
    tpu.enqueue_dma source(%dma_start3A_63 : memref<128x64xf32, #tpu.memory_space<hbm>>) target(%dma_start3A_56 : memref<128x64xf32, #tpu.memory_space<vmem>>) target_semaphore(%arg11 : memref<!tpu.dma_semaphore, #tpu.memory_space<semaphore_mem>>)
    %dma_start3A_64 = arith.constant 384 : i32
    %dma_start3A_65 = arith.constant 0 : i32
    %dma_start3A_66 = tpu.memref_slice %arg7[%dma_start3A_64, %dma_start3A_65] : memref<512x64xf32, #tpu.memory_space<vmem>> -> memref<128x64xf32, #tpu.memory_space<vmem>>
    %dma_start3A_67 = arith.constant 0 : i32
    %dma_start3A_68 = arith.constant 0 : i32
    %dma_start3A_69 = tpu.memref_slice %arg3[%add3A, %dma_start3A_67, %dma_start3A_68] : memref<32x512x64xf32, #tpu.memory_space<hbm>> -> memref<1x512x64xf32, #tpu.memory_space<hbm>>
    %dma_start3A_70 = tpu.memref_squeeze %dma_start3A_69 : memref<1x512x64xf32, #tpu.memory_space<hbm>> -> memref<512x64xf32, #tpu.memory_space<hbm>>
    %dma_start3A_71 = arith.constant 384 : i32
    %dma_start3A_72 = arith.constant 0 : i32
    %dma_start3A_73 = tpu.memref_slice %dma_start3A_70[%dma_start3A_71, %dma_start3A_72] : memref<512x64xf32, #tpu.memory_space<hbm>> -> memref<128x64xf32, #tpu.memory_space<hbm>>
    %dma_start3A_74 = arith.constant 384 : i32
    %dma_start3A_75 = arith.constant 0 : i32
    %dma_start3A_76 = tpu.memref_slice %arg7[%dma_start3A_74, %dma_start3A_75] : memref<512x64xf32, #tpu.memory_space<vmem>> -> memref<128x64xf32, #tpu.memory_space<vmem>>
    %dma_start3A_77 = arith.constant 0 : i32
    %dma_start3A_78 = arith.constant 0 : i32
    %dma_start3A_79 = tpu.memref_slice %arg3[%add3A, %dma_start3A_77, %dma_start3A_78] : memref<32x512x64xf32, #tpu.memory_space<hbm>> -> memref<1x512x64xf32, #tpu.memory_space<hbm>>
    %dma_start3A_80 = tpu.memref_squeeze %dma_start3A_79 : memref<1x512x64xf32, #tpu.memory_space<hbm>> -> memref<512x64xf32, #tpu.memory_space<hbm>>
    %dma_start3A_81 = arith.constant 384 : i32
    %dma_start3A_82 = arith.constant 0 : i32
    %dma_start3A_83 = tpu.memref_slice %dma_start3A_80[%dma_start3A_81, %dma_start3A_82] : memref<512x64xf32, #tpu.memory_space<hbm>> -> memref<128x64xf32, #tpu.memory_space<hbm>>
    tpu.enqueue_dma source(%dma_start3A_83 : memref<128x64xf32, #tpu.memory_space<hbm>>) target(%dma_start3A_76 : memref<128x64xf32, #tpu.memory_space<vmem>>) target_semaphore(%arg12 : memref<!tpu.dma_semaphore, #tpu.memory_space<semaphore_mem>>)
    %dma_wait3A = tpu.memref_slice %arg2[%mul3A_2] : memref<16384xi32, #tpu.memory_space<hbm>> -> memref<512xi32, #tpu.memory_space<hbm>>
    %dma_wait3A_84 = tpu.memref_slice %arg2[%mul3A_2] : memref<16384xi32, #tpu.memory_space<hbm>> -> memref<512xi32, #tpu.memory_space<hbm>>
    tpu.wait_dma2 semaphore(%arg8 : memref<!tpu.dma_semaphore, #tpu.memory_space<semaphore_mem>>) src(%dma_wait3A_84 : memref<512xi32, #tpu.memory_space<hbm>>) dst(%arg6 : memref<512xi32, #tpu.memory_space<vmem>>)
    %dma_wait3A_85 = arith.constant 0 : i32
    %dma_wait3A_86 = arith.constant 0 : i32
    %dma_wait3A_87 = tpu.memref_slice %arg7[%dma_wait3A_85, %dma_wait3A_86] : memref<512x64xf32, #tpu.memory_space<vmem>> -> memref<128x64xf32, #tpu.memory_space<vmem>>
    %dma_wait3A_88 = arith.constant 0 : i32
    %dma_wait3A_89 = arith.constant 0 : i32
    %dma_wait3A_90 = tpu.memref_slice %arg3[%add3A, %dma_wait3A_88, %dma_wait3A_89] : memref<32x512x64xf32, #tpu.memory_space<hbm>> -> memref<1x512x64xf32, #tpu.memory_space<hbm>>
    %dma_wait3A_91 = tpu.memref_squeeze %dma_wait3A_90 : memref<1x512x64xf32, #tpu.memory_space<hbm>> -> memref<512x64xf32, #tpu.memory_space<hbm>>
    %dma_wait3A_92 = arith.constant 0 : i32
    %dma_wait3A_93 = arith.constant 0 : i32
    %dma_wait3A_94 = tpu.memref_slice %dma_wait3A_91[%dma_wait3A_92, %dma_wait3A_93] : memref<512x64xf32, #tpu.memory_space<hbm>> -> memref<128x64xf32, #tpu.memory_space<hbm>>
    %dma_wait3A_95 = arith.constant 0 : i32
    %dma_wait3A_96 = arith.constant 0 : i32
    %dma_wait3A_97 = tpu.memref_slice %arg7[%dma_wait3A_95, %dma_wait3A_96] : memref<512x64xf32, #tpu.memory_space<vmem>> -> memref<128x64xf32, #tpu.memory_space<vmem>>
    %dma_wait3A_98 = arith.constant 0 : i32
    %dma_wait3A_99 = arith.constant 0 : i32
    %dma_wait3A_100 = tpu.memref_slice %arg3[%add3A, %dma_wait3A_98, %dma_wait3A_99] : memref<32x512x64xf32, #tpu.memory_space<hbm>> -> memref<1x512x64xf32, #tpu.memory_space<hbm>>
    %dma_wait3A_101 = tpu.memref_squeeze %dma_wait3A_100 : memref<1x512x64xf32, #tpu.memory_space<hbm>> -> memref<512x64xf32, #tpu.memory_space<hbm>>
    %dma_wait3A_102 = arith.constant 0 : i32
    %dma_wait3A_103 = arith.constant 0 : i32
    %dma_wait3A_104 = tpu.memref_slice %dma_wait3A_101[%dma_wait3A_102, %dma_wait3A_103] : memref<512x64xf32, #tpu.memory_space<hbm>> -> memref<128x64xf32, #tpu.memory_space<hbm>>
    tpu.wait_dma2 semaphore(%arg9 : memref<!tpu.dma_semaphore, #tpu.memory_space<semaphore_mem>>) src(%dma_wait3A_104 : memref<128x64xf32, #tpu.memory_space<hbm>>) dst(%dma_wait3A_97 : memref<128x64xf32, #tpu.memory_space<vmem>>)
    %dma_start3A_105 = arith.constant 0 : i32
    %dma_start3A_106 = arith.constant 0 : i32
    %dma_start3A_107 = tpu.memref_slice %arg7[%dma_start3A_105, %dma_start3A_106] : memref<512x64xf32, #tpu.memory_space<vmem>> -> memref<128x64xf32, #tpu.memory_space<vmem>>
    %dma_start3A_108 = arith.constant 0 : i32
    %dma_start3A_109 = tpu.memref_slice %arg6[%dma_start3A_108] : memref<512xi32, #tpu.memory_space<vmem>> -> memref<128xi32, #tpu.memory_space<vmem>>
    %dma_start3A_110 = arith.constant 0 : i32
    %dma_start3A_111 = arith.constant 0 : i32
    %dma_start3A_112 = tpu.memref_slice %arg4[%dma_start3A_110, %dma_start3A_111] : memref<100000x64xf32, #tpu.memory_space<hbm>> -> memref<100000x64xf32, #tpu.memory_space<hbm>>
    tpu.enqueue_indirect_dma source(%dma_start3A_112 : memref<100000x64xf32, #tpu.memory_space<hbm>>) target(%dma_start3A_107 : memref<128x64xf32, #tpu.memory_space<vmem>>) offsets(%dma_start3A_109 : memref<128xi32, #tpu.memory_space<vmem>>) semaphore(%arg13 : memref<!tpu.dma_semaphore, #tpu.memory_space<semaphore_mem>>) {add = true}
    %dma_wait3A_113 = arith.constant 128 : i32
    %dma_wait3A_114 = arith.constant 0 : i32
    %dma_wait3A_115 = tpu.memref_slice %arg7[%dma_wait3A_113, %dma_wait3A_114] : memref<512x64xf32, #tpu.memory_space<vmem>> -> memref<128x64xf32, #tpu.memory_space<vmem>>
    %dma_wait3A_116 = arith.constant 0 : i32
    %dma_wait3A_117 = arith.constant 0 : i32
    %dma_wait3A_118 = tpu.memref_slice %arg3[%add3A, %dma_wait3A_116, %dma_wait3A_117] : memref<32x512x64xf32, #tpu.memory_space<hbm>> -> memref<1x512x64xf32, #tpu.memory_space<hbm>>
    %dma_wait3A_119 = tpu.memref_squeeze %dma_wait3A_118 : memref<1x512x64xf32, #tpu.memory_space<hbm>> -> memref<512x64xf32, #tpu.memory_space<hbm>>
    %dma_wait3A_120 = arith.constant 128 : i32
    %dma_wait3A_121 = arith.constant 0 : i32
    %dma_wait3A_122 = tpu.memref_slice %dma_wait3A_119[%dma_wait3A_120, %dma_wait3A_121] : memref<512x64xf32, #tpu.memory_space<hbm>> -> memref<128x64xf32, #tpu.memory_space<hbm>>
    %dma_wait3A_123 = arith.constant 128 : i32
    %dma_wait3A_124 = arith.constant 0 : i32
    %dma_wait3A_125 = tpu.memref_slice %arg7[%dma_wait3A_123, %dma_wait3A_124] : memref<512x64xf32, #tpu.memory_space<vmem>> -> memref<128x64xf32, #tpu.memory_space<vmem>>
    %dma_wait3A_126 = arith.constant 0 : i32
    %dma_wait3A_127 = arith.constant 0 : i32
    %dma_wait3A_128 = tpu.memref_slice %arg3[%add3A, %dma_wait3A_126, %dma_wait3A_127] : memref<32x512x64xf32, #tpu.memory_space<hbm>> -> memref<1x512x64xf32, #tpu.memory_space<hbm>>
    %dma_wait3A_129 = tpu.memref_squeeze %dma_wait3A_128 : memref<1x512x64xf32, #tpu.memory_space<hbm>> -> memref<512x64xf32, #tpu.memory_space<hbm>>
    %dma_wait3A_130 = arith.constant 128 : i32
    %dma_wait3A_131 = arith.constant 0 : i32
    %dma_wait3A_132 = tpu.memref_slice %dma_wait3A_129[%dma_wait3A_130, %dma_wait3A_131] : memref<512x64xf32, #tpu.memory_space<hbm>> -> memref<128x64xf32, #tpu.memory_space<hbm>>
    tpu.wait_dma2 semaphore(%arg10 : memref<!tpu.dma_semaphore, #tpu.memory_space<semaphore_mem>>) src(%dma_wait3A_132 : memref<128x64xf32, #tpu.memory_space<hbm>>) dst(%dma_wait3A_125 : memref<128x64xf32, #tpu.memory_space<vmem>>)
    %dma_start3A_133 = arith.constant 128 : i32
    %dma_start3A_134 = arith.constant 0 : i32
    %dma_start3A_135 = tpu.memref_slice %arg7[%dma_start3A_133, %dma_start3A_134] : memref<512x64xf32, #tpu.memory_space<vmem>> -> memref<128x64xf32, #tpu.memory_space<vmem>>
    %dma_start3A_136 = arith.constant 128 : i32
    %dma_start3A_137 = tpu.memref_slice %arg6[%dma_start3A_136] : memref<512xi32, #tpu.memory_space<vmem>> -> memref<128xi32, #tpu.memory_space<vmem>>
    %dma_start3A_138 = arith.constant 0 : i32
    %dma_start3A_139 = arith.constant 0 : i32
    %dma_start3A_140 = tpu.memref_slice %arg4[%dma_start3A_138, %dma_start3A_139] : memref<100000x64xf32, #tpu.memory_space<hbm>> -> memref<100000x64xf32, #tpu.memory_space<hbm>>
    tpu.enqueue_indirect_dma source(%dma_start3A_140 : memref<100000x64xf32, #tpu.memory_space<hbm>>) target(%dma_start3A_135 : memref<128x64xf32, #tpu.memory_space<vmem>>) offsets(%dma_start3A_137 : memref<128xi32, #tpu.memory_space<vmem>>) semaphore(%arg14 : memref<!tpu.dma_semaphore, #tpu.memory_space<semaphore_mem>>) {add = true}
    %dma_wait3A_141 = arith.constant 256 : i32
    %dma_wait3A_142 = arith.constant 0 : i32
    %dma_wait3A_143 = tpu.memref_slice %arg7[%dma_wait3A_141, %dma_wait3A_142] : memref<512x64xf32, #tpu.memory_space<vmem>> -> memref<128x64xf32, #tpu.memory_space<vmem>>
    %dma_wait3A_144 = arith.constant 0 : i32
    %dma_wait3A_145 = arith.constant 0 : i32
    %dma_wait3A_146 = tpu.memref_slice %arg3[%add3A, %dma_wait3A_144, %dma_wait3A_145] : memref<32x512x64xf32, #tpu.memory_space<hbm>> -> memref<1x512x64xf32, #tpu.memory_space<hbm>>
    %dma_wait3A_147 = tpu.memref_squeeze %dma_wait3A_146 : memref<1x512x64xf32, #tpu.memory_space<hbm>> -> memref<512x64xf32, #tpu.memory_space<hbm>>
    %dma_wait3A_148 = arith.constant 256 : i32
    %dma_wait3A_149 = arith.constant 0 : i32
    %dma_wait3A_150 = tpu.memref_slice %dma_wait3A_147[%dma_wait3A_148, %dma_wait3A_149] : memref<512x64xf32, #tpu.memory_space<hbm>> -> memref<128x64xf32, #tpu.memory_space<hbm>>
    %dma_wait3A_151 = arith.constant 256 : i32
    %dma_wait3A_152 = arith.constant 0 : i32
    %dma_wait3A_153 = tpu.memref_slice %arg7[%dma_wait3A_151, %dma_wait3A_152] : memref<512x64xf32, #tpu.memory_space<vmem>> -> memref<128x64xf32, #tpu.memory_space<vmem>>
    %dma_wait3A_154 = arith.constant 0 : i32
    %dma_wait3A_155 = arith.constant 0 : i32
    %dma_wait3A_156 = tpu.memref_slice %arg3[%add3A, %dma_wait3A_154, %dma_wait3A_155] : memref<32x512x64xf32, #tpu.memory_space<hbm>> -> memref<1x512x64xf32, #tpu.memory_space<hbm>>
    %dma_wait3A_157 = tpu.memref_squeeze %dma_wait3A_156 : memref<1x512x64xf32, #tpu.memory_space<hbm>> -> memref<512x64xf32, #tpu.memory_space<hbm>>
    %dma_wait3A_158 = arith.constant 256 : i32
    %dma_wait3A_159 = arith.constant 0 : i32
    %dma_wait3A_160 = tpu.memref_slice %dma_wait3A_157[%dma_wait3A_158, %dma_wait3A_159] : memref<512x64xf32, #tpu.memory_space<hbm>> -> memref<128x64xf32, #tpu.memory_space<hbm>>
    tpu.wait_dma2 semaphore(%arg11 : memref<!tpu.dma_semaphore, #tpu.memory_space<semaphore_mem>>) src(%dma_wait3A_160 : memref<128x64xf32, #tpu.memory_space<hbm>>) dst(%dma_wait3A_153 : memref<128x64xf32, #tpu.memory_space<vmem>>)
    %dma_start3A_161 = arith.constant 256 : i32
    %dma_start3A_162 = arith.constant 0 : i32
    %dma_start3A_163 = tpu.memref_slice %arg7[%dma_start3A_161, %dma_start3A_162] : memref<512x64xf32, #tpu.memory_space<vmem>> -> memref<128x64xf32, #tpu.memory_space<vmem>>
    %dma_start3A_164 = arith.constant 256 : i32
    %dma_start3A_165 = tpu.memref_slice %arg6[%dma_start3A_164] : memref<512xi32, #tpu.memory_space<vmem>> -> memref<128xi32, #tpu.memory_space<vmem>>
    %dma_start3A_166 = arith.constant 0 : i32
    %dma_start3A_167 = arith.constant 0 : i32
    %dma_start3A_168 = tpu.memref_slice %arg4[%dma_start3A_166, %dma_start3A_167] : memref<100000x64xf32, #tpu.memory_space<hbm>> -> memref<100000x64xf32, #tpu.memory_space<hbm>>
    tpu.enqueue_indirect_dma source(%dma_start3A_168 : memref<100000x64xf32, #tpu.memory_space<hbm>>) target(%dma_start3A_163 : memref<128x64xf32, #tpu.memory_space<vmem>>) offsets(%dma_start3A_165 : memref<128xi32, #tpu.memory_space<vmem>>) semaphore(%arg15 : memref<!tpu.dma_semaphore, #tpu.memory_space<semaphore_mem>>) {add = true}
    %dma_wait3A_169 = arith.constant 384 : i32
    %dma_wait3A_170 = arith.constant 0 : i32
    %dma_wait3A_171 = tpu.memref_slice %arg7[%dma_wait3A_169, %dma_wait3A_170] : memref<512x64xf32, #tpu.memory_space<vmem>> -> memref<128x64xf32, #tpu.memory_space<vmem>>
    %dma_wait3A_172 = arith.constant 0 : i32
    %dma_wait3A_173 = arith.constant 0 : i32
    %dma_wait3A_174 = tpu.memref_slice %arg3[%add3A, %dma_wait3A_172, %dma_wait3A_173] : memref<32x512x64xf32, #tpu.memory_space<hbm>> -> memref<1x512x64xf32, #tpu.memory_space<hbm>>
    %dma_wait3A_175 = tpu.memref_squeeze %dma_wait3A_174 : memref<1x512x64xf32, #tpu.memory_space<hbm>> -> memref<512x64xf32, #tpu.memory_space<hbm>>
    %dma_wait3A_176 = arith.constant 384 : i32
    %dma_wait3A_177 = arith.constant 0 : i32
    %dma_wait3A_178 = tpu.memref_slice %dma_wait3A_175[%dma_wait3A_176, %dma_wait3A_177] : memref<512x64xf32, #tpu.memory_space<hbm>> -> memref<128x64xf32, #tpu.memory_space<hbm>>
    %dma_wait3A_179 = arith.constant 384 : i32
    %dma_wait3A_180 = arith.constant 0 : i32
    %dma_wait3A_181 = tpu.memref_slice %arg7[%dma_wait3A_179, %dma_wait3A_180] : memref<512x64xf32, #tpu.memory_space<vmem>> -> memref<128x64xf32, #tpu.memory_space<vmem>>
    %dma_wait3A_182 = arith.constant 0 : i32
    %dma_wait3A_183 = arith.constant 0 : i32
    %dma_wait3A_184 = tpu.memref_slice %arg3[%add3A, %dma_wait3A_182, %dma_wait3A_183] : memref<32x512x64xf32, #tpu.memory_space<hbm>> -> memref<1x512x64xf32, #tpu.memory_space<hbm>>
    %dma_wait3A_185 = tpu.memref_squeeze %dma_wait3A_184 : memref<1x512x64xf32, #tpu.memory_space<hbm>> -> memref<512x64xf32, #tpu.memory_space<hbm>>
    %dma_wait3A_186 = arith.constant 384 : i32
    %dma_wait3A_187 = arith.constant 0 : i32
    %dma_wait3A_188 = tpu.memref_slice %dma_wait3A_185[%dma_wait3A_186, %dma_wait3A_187] : memref<512x64xf32, #tpu.memory_space<hbm>> -> memref<128x64xf32, #tpu.memory_space<hbm>>
    tpu.wait_dma2 semaphore(%arg12 : memref<!tpu.dma_semaphore, #tpu.memory_space<semaphore_mem>>) src(%dma_wait3A_188 : memref<128x64xf32, #tpu.memory_space<hbm>>) dst(%dma_wait3A_181 : memref<128x64xf32, #tpu.memory_space<vmem>>)
    %dma_start3A_189 = arith.constant 384 : i32
    %dma_start3A_190 = arith.constant 0 : i32
    %dma_start3A_191 = tpu.memref_slice %arg7[%dma_start3A_189, %dma_start3A_190] : memref<512x64xf32, #tpu.memory_space<vmem>> -> memref<128x64xf32, #tpu.memory_space<vmem>>
    %dma_start3A_192 = arith.constant 384 : i32
    %dma_start3A_193 = tpu.memref_slice %arg6[%dma_start3A_192] : memref<512xi32, #tpu.memory_space<vmem>> -> memref<128xi32, #tpu.memory_space<vmem>>
    %dma_start3A_194 = arith.constant 0 : i32
    %dma_start3A_195 = arith.constant 0 : i32
    %dma_start3A_196 = tpu.memref_slice %arg4[%dma_start3A_194, %dma_start3A_195] : memref<100000x64xf32, #tpu.memory_space<hbm>> -> memref<100000x64xf32, #tpu.memory_space<hbm>>
    tpu.enqueue_indirect_dma source(%dma_start3A_196 : memref<100000x64xf32, #tpu.memory_space<hbm>>) target(%dma_start3A_191 : memref<128x64xf32, #tpu.memory_space<vmem>>) offsets(%dma_start3A_193 : memref<128xi32, #tpu.memory_space<vmem>>) semaphore(%arg16 : memref<!tpu.dma_semaphore, #tpu.memory_space<semaphore_mem>>) {add = true}
    %dma_wait3A_197 = arith.constant 0 : i32
    %dma_wait3A_198 = arith.constant 0 : i32
    %dma_wait3A_199 = tpu.memref_slice %arg7[%dma_wait3A_197, %dma_wait3A_198] : memref<512x64xf32, #tpu.memory_space<vmem>> -> memref<128x64xf32, #tpu.memory_space<vmem>>
    %dma_wait3A_200 = arith.constant 0 : i32
    %dma_wait3A_201 = tpu.memref_slice %arg6[%dma_wait3A_200] : memref<512xi32, #tpu.memory_space<vmem>> -> memref<128xi32, #tpu.memory_space<vmem>>
    %dma_wait3A_202 = arith.constant 0 : i32
    %dma_wait3A_203 = arith.constant 0 : i32
    %dma_wait3A_204 = tpu.memref_slice %arg4[%dma_wait3A_202, %dma_wait3A_203] : memref<100000x64xf32, #tpu.memory_space<hbm>> -> memref<100000x64xf32, #tpu.memory_space<hbm>>
    tpu.wait_indirect_dma semaphore(%arg13 : memref<!tpu.dma_semaphore, #tpu.memory_space<semaphore_mem>>) src(%dma_wait3A_204 : memref<100000x64xf32, #tpu.memory_space<hbm>>) dst(%dma_wait3A_199 : memref<128x64xf32, #tpu.memory_space<vmem>>)
    %dma_start3A_205 = arith.constant 0 : i32
    %dma_start3A_206 = arith.constant 0 : i32
    %dma_start3A_207 = tpu.memref_slice %arg7[%dma_start3A_205, %dma_start3A_206] : memref<512x64xf32, #tpu.memory_space<vmem>> -> memref<128x64xf32, #tpu.memory_space<vmem>>
    %dma_start3A_208 = arith.constant 0 : i32
    %dma_start3A_209 = arith.constant 0 : i32
    %dma_start3A_210 = tpu.memref_slice %arg5[%add3A, %dma_start3A_208, %dma_start3A_209] : memref<32x512x64xf32, #tpu.memory_space<hbm>> -> memref<1x512x64xf32, #tpu.memory_space<hbm>>
    %dma_start3A_211 = tpu.memref_squeeze %dma_start3A_210 : memref<1x512x64xf32, #tpu.memory_space<hbm>> -> memref<512x64xf32, #tpu.memory_space<hbm>>
    %dma_start3A_212 = arith.constant 0 : i32
    %dma_start3A_213 = arith.constant 0 : i32
    %dma_start3A_214 = tpu.memref_slice %dma_start3A_211[%dma_start3A_212, %dma_start3A_213] : memref<512x64xf32, #tpu.memory_space<hbm>> -> memref<128x64xf32, #tpu.memory_space<hbm>>
    %dma_start3A_215 = arith.constant 0 : i32
    %dma_start3A_216 = arith.constant 0 : i32
    %dma_start3A_217 = tpu.memref_slice %arg5[%add3A, %dma_start3A_215, %dma_start3A_216] : memref<32x512x64xf32, #tpu.memory_space<hbm>> -> memref<1x512x64xf32, #tpu.memory_space<hbm>>
    %dma_start3A_218 = tpu.memref_squeeze %dma_start3A_217 : memref<1x512x64xf32, #tpu.memory_space<hbm>> -> memref<512x64xf32, #tpu.memory_space<hbm>>
    %dma_start3A_219 = arith.constant 0 : i32
    %dma_start3A_220 = arith.constant 0 : i32
    %dma_start3A_221 = tpu.memref_slice %dma_start3A_218[%dma_start3A_219, %dma_start3A_220] : memref<512x64xf32, #tpu.memory_space<hbm>> -> memref<128x64xf32, #tpu.memory_space<hbm>>
    %dma_start3A_222 = arith.constant 0 : i32
    %dma_start3A_223 = arith.constant 0 : i32
    %dma_start3A_224 = tpu.memref_slice %arg7[%dma_start3A_222, %dma_start3A_223] : memref<512x64xf32, #tpu.memory_space<vmem>> -> memref<128x64xf32, #tpu.memory_space<vmem>>
    tpu.enqueue_dma source(%dma_start3A_224 : memref<128x64xf32, #tpu.memory_space<vmem>>) target(%dma_start3A_221 : memref<128x64xf32, #tpu.memory_space<hbm>>) target_semaphore(%arg17 : memref<!tpu.dma_semaphore, #tpu.memory_space<semaphore_mem>>)
    %dma_wait3A_225 = arith.constant 128 : i32
    %dma_wait3A_226 = arith.constant 0 : i32
    %dma_wait3A_227 = tpu.memref_slice %arg7[%dma_wait3A_225, %dma_wait3A_226] : memref<512x64xf32, #tpu.memory_space<vmem>> -> memref<128x64xf32, #tpu.memory_space<vmem>>
    %dma_wait3A_228 = arith.constant 128 : i32
    %dma_wait3A_229 = tpu.memref_slice %arg6[%dma_wait3A_228] : memref<512xi32, #tpu.memory_space<vmem>> -> memref<128xi32, #tpu.memory_space<vmem>>
    %dma_wait3A_230 = arith.constant 0 : i32
    %dma_wait3A_231 = arith.constant 0 : i32
    %dma_wait3A_232 = tpu.memref_slice %arg4[%dma_wait3A_230, %dma_wait3A_231] : memref<100000x64xf32, #tpu.memory_space<hbm>> -> memref<100000x64xf32, #tpu.memory_space<hbm>>
    tpu.wait_indirect_dma semaphore(%arg14 : memref<!tpu.dma_semaphore, #tpu.memory_space<semaphore_mem>>) src(%dma_wait3A_232 : memref<100000x64xf32, #tpu.memory_space<hbm>>) dst(%dma_wait3A_227 : memref<128x64xf32, #tpu.memory_space<vmem>>)
    %dma_start3A_233 = arith.constant 128 : i32
    %dma_start3A_234 = arith.constant 0 : i32
    %dma_start3A_235 = tpu.memref_slice %arg7[%dma_start3A_233, %dma_start3A_234] : memref<512x64xf32, #tpu.memory_space<vmem>> -> memref<128x64xf32, #tpu.memory_space<vmem>>
    %dma_start3A_236 = arith.constant 0 : i32
    %dma_start3A_237 = arith.constant 0 : i32
    %dma_start3A_238 = tpu.memref_slice %arg5[%add3A, %dma_start3A_236, %dma_start3A_237] : memref<32x512x64xf32, #tpu.memory_space<hbm>> -> memref<1x512x64xf32, #tpu.memory_space<hbm>>
    %dma_start3A_239 = tpu.memref_squeeze %dma_start3A_238 : memref<1x512x64xf32, #tpu.memory_space<hbm>> -> memref<512x64xf32, #tpu.memory_space<hbm>>
    %dma_start3A_240 = arith.constant 128 : i32
    %dma_start3A_241 = arith.constant 0 : i32
    %dma_start3A_242 = tpu.memref_slice %dma_start3A_239[%dma_start3A_240, %dma_start3A_241] : memref<512x64xf32, #tpu.memory_space<hbm>> -> memref<128x64xf32, #tpu.memory_space<hbm>>
    %dma_start3A_243 = arith.constant 0 : i32
    %dma_start3A_244 = arith.constant 0 : i32
    %dma_start3A_245 = tpu.memref_slice %arg5[%add3A, %dma_start3A_243, %dma_start3A_244] : memref<32x512x64xf32, #tpu.memory_space<hbm>> -> memref<1x512x64xf32, #tpu.memory_space<hbm>>
    %dma_start3A_246 = tpu.memref_squeeze %dma_start3A_245 : memref<1x512x64xf32, #tpu.memory_space<hbm>> -> memref<512x64xf32, #tpu.memory_space<hbm>>
    %dma_start3A_247 = arith.constant 128 : i32
    %dma_start3A_248 = arith.constant 0 : i32
    %dma_start3A_249 = tpu.memref_slice %dma_start3A_246[%dma_start3A_247, %dma_start3A_248] : memref<512x64xf32, #tpu.memory_space<hbm>> -> memref<128x64xf32, #tpu.memory_space<hbm>>
    %dma_start3A_250 = arith.constant 128 : i32
    %dma_start3A_251 = arith.constant 0 : i32
    %dma_start3A_252 = tpu.memref_slice %arg7[%dma_start3A_250, %dma_start3A_251] : memref<512x64xf32, #tpu.memory_space<vmem>> -> memref<128x64xf32, #tpu.memory_space<vmem>>
    tpu.enqueue_dma source(%dma_start3A_252 : memref<128x64xf32, #tpu.memory_space<vmem>>) target(%dma_start3A_249 : memref<128x64xf32, #tpu.memory_space<hbm>>) target_semaphore(%arg17 : memref<!tpu.dma_semaphore, #tpu.memory_space<semaphore_mem>>)
    %dma_wait3A_253 = arith.constant 256 : i32
    %dma_wait3A_254 = arith.constant 0 : i32
    %dma_wait3A_255 = tpu.memref_slice %arg7[%dma_wait3A_253, %dma_wait3A_254] : memref<512x64xf32, #tpu.memory_space<vmem>> -> memref<128x64xf32, #tpu.memory_space<vmem>>
    %dma_wait3A_256 = arith.constant 256 : i32
    %dma_wait3A_257 = tpu.memref_slice %arg6[%dma_wait3A_256] : memref<512xi32, #tpu.memory_space<vmem>> -> memref<128xi32, #tpu.memory_space<vmem>>
    %dma_wait3A_258 = arith.constant 0 : i32
    %dma_wait3A_259 = arith.constant 0 : i32
    %dma_wait3A_260 = tpu.memref_slice %arg4[%dma_wait3A_258, %dma_wait3A_259] : memref<100000x64xf32, #tpu.memory_space<hbm>> -> memref<100000x64xf32, #tpu.memory_space<hbm>>
    tpu.wait_indirect_dma semaphore(%arg15 : memref<!tpu.dma_semaphore, #tpu.memory_space<semaphore_mem>>) src(%dma_wait3A_260 : memref<100000x64xf32, #tpu.memory_space<hbm>>) dst(%dma_wait3A_255 : memref<128x64xf32, #tpu.memory_space<vmem>>)
    %dma_start3A_261 = arith.constant 256 : i32
    %dma_start3A_262 = arith.constant 0 : i32
    %dma_start3A_263 = tpu.memref_slice %arg7[%dma_start3A_261, %dma_start3A_262] : memref<512x64xf32, #tpu.memory_space<vmem>> -> memref<128x64xf32, #tpu.memory_space<vmem>>
    %dma_start3A_264 = arith.constant 0 : i32
    %dma_start3A_265 = arith.constant 0 : i32
    %dma_start3A_266 = tpu.memref_slice %arg5[%add3A, %dma_start3A_264, %dma_start3A_265] : memref<32x512x64xf32, #tpu.memory_space<hbm>> -> memref<1x512x64xf32, #tpu.memory_space<hbm>>
    %dma_start3A_267 = tpu.memref_squeeze %dma_start3A_266 : memref<1x512x64xf32, #tpu.memory_space<hbm>> -> memref<512x64xf32, #tpu.memory_space<hbm>>
    %dma_start3A_268 = arith.constant 256 : i32
    %dma_start3A_269 = arith.constant 0 : i32
    %dma_start3A_270 = tpu.memref_slice %dma_start3A_267[%dma_start3A_268, %dma_start3A_269] : memref<512x64xf32, #tpu.memory_space<hbm>> -> memref<128x64xf32, #tpu.memory_space<hbm>>
    %dma_start3A_271 = arith.constant 0 : i32
    %dma_start3A_272 = arith.constant 0 : i32
    %dma_start3A_273 = tpu.memref_slice %arg5[%add3A, %dma_start3A_271, %dma_start3A_272] : memref<32x512x64xf32, #tpu.memory_space<hbm>> -> memref<1x512x64xf32, #tpu.memory_space<hbm>>
    %dma_start3A_274 = tpu.memref_squeeze %dma_start3A_273 : memref<1x512x64xf32, #tpu.memory_space<hbm>> -> memref<512x64xf32, #tpu.memory_space<hbm>>
    %dma_start3A_275 = arith.constant 256 : i32
    %dma_start3A_276 = arith.constant 0 : i32
    %dma_start3A_277 = tpu.memref_slice %dma_start3A_274[%dma_start3A_275, %dma_start3A_276] : memref<512x64xf32, #tpu.memory_space<hbm>> -> memref<128x64xf32, #tpu.memory_space<hbm>>
    %dma_start3A_278 = arith.constant 256 : i32
    %dma_start3A_279 = arith.constant 0 : i32
    %dma_start3A_280 = tpu.memref_slice %arg7[%dma_start3A_278, %dma_start3A_279] : memref<512x64xf32, #tpu.memory_space<vmem>> -> memref<128x64xf32, #tpu.memory_space<vmem>>
    tpu.enqueue_dma source(%dma_start3A_280 : memref<128x64xf32, #tpu.memory_space<vmem>>) target(%dma_start3A_277 : memref<128x64xf32, #tpu.memory_space<hbm>>) target_semaphore(%arg17 : memref<!tpu.dma_semaphore, #tpu.memory_space<semaphore_mem>>)
    %dma_wait3A_281 = arith.constant 384 : i32
    %dma_wait3A_282 = arith.constant 0 : i32
    %dma_wait3A_283 = tpu.memref_slice %arg7[%dma_wait3A_281, %dma_wait3A_282] : memref<512x64xf32, #tpu.memory_space<vmem>> -> memref<128x64xf32, #tpu.memory_space<vmem>>
    %dma_wait3A_284 = arith.constant 384 : i32
    %dma_wait3A_285 = tpu.memref_slice %arg6[%dma_wait3A_284] : memref<512xi32, #tpu.memory_space<vmem>> -> memref<128xi32, #tpu.memory_space<vmem>>
    %dma_wait3A_286 = arith.constant 0 : i32
    %dma_wait3A_287 = arith.constant 0 : i32
    %dma_wait3A_288 = tpu.memref_slice %arg4[%dma_wait3A_286, %dma_wait3A_287] : memref<100000x64xf32, #tpu.memory_space<hbm>> -> memref<100000x64xf32, #tpu.memory_space<hbm>>
    tpu.wait_indirect_dma semaphore(%arg16 : memref<!tpu.dma_semaphore, #tpu.memory_space<semaphore_mem>>) src(%dma_wait3A_288 : memref<100000x64xf32, #tpu.memory_space<hbm>>) dst(%dma_wait3A_283 : memref<128x64xf32, #tpu.memory_space<vmem>>)
    %dma_start3A_289 = arith.constant 384 : i32
    %dma_start3A_290 = arith.constant 0 : i32
    %dma_start3A_291 = tpu.memref_slice %arg7[%dma_start3A_289, %dma_start3A_290] : memref<512x64xf32, #tpu.memory_space<vmem>> -> memref<128x64xf32, #tpu.memory_space<vmem>>
    %dma_start3A_292 = arith.constant 0 : i32
    %dma_start3A_293 = arith.constant 0 : i32
    %dma_start3A_294 = tpu.memref_slice %arg5[%add3A, %dma_start3A_292, %dma_start3A_293] : memref<32x512x64xf32, #tpu.memory_space<hbm>> -> memref<1x512x64xf32, #tpu.memory_space<hbm>>
    %dma_start3A_295 = tpu.memref_squeeze %dma_start3A_294 : memref<1x512x64xf32, #tpu.memory_space<hbm>> -> memref<512x64xf32, #tpu.memory_space<hbm>>
    %dma_start3A_296 = arith.constant 384 : i32
    %dma_start3A_297 = arith.constant 0 : i32
    %dma_start3A_298 = tpu.memref_slice %dma_start3A_295[%dma_start3A_296, %dma_start3A_297] : memref<512x64xf32, #tpu.memory_space<hbm>> -> memref<128x64xf32, #tpu.memory_space<hbm>>
    %dma_start3A_299 = arith.constant 0 : i32
    %dma_start3A_300 = arith.constant 0 : i32
    %dma_start3A_301 = tpu.memref_slice %arg5[%add3A, %dma_start3A_299, %dma_start3A_300] : memref<32x512x64xf32, #tpu.memory_space<hbm>> -> memref<1x512x64xf32, #tpu.memory_space<hbm>>
    %dma_start3A_302 = tpu.memref_squeeze %dma_start3A_301 : memref<1x512x64xf32, #tpu.memory_space<hbm>> -> memref<512x64xf32, #tpu.memory_space<hbm>>
    %dma_start3A_303 = arith.constant 384 : i32
    %dma_start3A_304 = arith.constant 0 : i32
    %dma_start3A_305 = tpu.memref_slice %dma_start3A_302[%dma_start3A_303, %dma_start3A_304] : memref<512x64xf32, #tpu.memory_space<hbm>> -> memref<128x64xf32, #tpu.memory_space<hbm>>
    %dma_start3A_306 = arith.constant 384 : i32
    %dma_start3A_307 = arith.constant 0 : i32
    %dma_start3A_308 = tpu.memref_slice %arg7[%dma_start3A_306, %dma_start3A_307] : memref<512x64xf32, #tpu.memory_space<vmem>> -> memref<128x64xf32, #tpu.memory_space<vmem>>
    tpu.enqueue_dma source(%dma_start3A_308 : memref<128x64xf32, #tpu.memory_space<vmem>>) target(%dma_start3A_305 : memref<128x64xf32, #tpu.memory_space<hbm>>) target_semaphore(%arg17 : memref<!tpu.dma_semaphore, #tpu.memory_space<semaphore_mem>>)
    %dma_wait3A_309 = arith.constant 0 : i32
    %dma_wait3A_310 = arith.constant 0 : i32
    %dma_wait3A_311 = tpu.memref_slice %arg7[%dma_wait3A_309, %dma_wait3A_310] : memref<512x64xf32, #tpu.memory_space<vmem>> -> memref<128x64xf32, #tpu.memory_space<vmem>>
    %dma_wait3A_312 = arith.constant 0 : i32
    %dma_wait3A_313 = arith.constant 0 : i32
    %dma_wait3A_314 = tpu.memref_slice %arg5[%add3A, %dma_wait3A_312, %dma_wait3A_313] : memref<32x512x64xf32, #tpu.memory_space<hbm>> -> memref<1x512x64xf32, #tpu.memory_space<hbm>>
    %dma_wait3A_315 = tpu.memref_squeeze %dma_wait3A_314 : memref<1x512x64xf32, #tpu.memory_space<hbm>> -> memref<512x64xf32, #tpu.memory_space<hbm>>
    %dma_wait3A_316 = arith.constant 0 : i32
    %dma_wait3A_317 = arith.constant 0 : i32
    %dma_wait3A_318 = tpu.memref_slice %dma_wait3A_315[%dma_wait3A_316, %dma_wait3A_317] : memref<512x64xf32, #tpu.memory_space<hbm>> -> memref<128x64xf32, #tpu.memory_space<hbm>>
    %dma_wait3A_319 = arith.constant 0 : i32
    %dma_wait3A_320 = arith.constant 0 : i32
    %dma_wait3A_321 = tpu.memref_slice %arg5[%add3A, %dma_wait3A_319, %dma_wait3A_320] : memref<32x512x64xf32, #tpu.memory_space<hbm>> -> memref<1x512x64xf32, #tpu.memory_space<hbm>>
    %dma_wait3A_322 = tpu.memref_squeeze %dma_wait3A_321 : memref<1x512x64xf32, #tpu.memory_space<hbm>> -> memref<512x64xf32, #tpu.memory_space<hbm>>
    %dma_wait3A_323 = arith.constant 0 : i32
    %dma_wait3A_324 = arith.constant 0 : i32
    %dma_wait3A_325 = tpu.memref_slice %dma_wait3A_322[%dma_wait3A_323, %dma_wait3A_324] : memref<512x64xf32, #tpu.memory_space<hbm>> -> memref<128x64xf32, #tpu.memory_space<hbm>>
    %dma_wait3A_326 = arith.constant 0 : i32
    %dma_wait3A_327 = arith.constant 0 : i32
    %dma_wait3A_328 = tpu.memref_slice %arg7[%dma_wait3A_326, %dma_wait3A_327] : memref<512x64xf32, #tpu.memory_space<vmem>> -> memref<128x64xf32, #tpu.memory_space<vmem>>
    tpu.wait_dma2 semaphore(%arg17 : memref<!tpu.dma_semaphore, #tpu.memory_space<semaphore_mem>>) src(%dma_wait3A_328 : memref<128x64xf32, #tpu.memory_space<vmem>>) dst(%dma_wait3A_325 : memref<128x64xf32, #tpu.memory_space<hbm>>)
    %dma_wait3A_329 = arith.constant 128 : i32
    %dma_wait3A_330 = arith.constant 0 : i32
    %dma_wait3A_331 = tpu.memref_slice %arg7[%dma_wait3A_329, %dma_wait3A_330] : memref<512x64xf32, #tpu.memory_space<vmem>> -> memref<128x64xf32, #tpu.memory_space<vmem>>
    %dma_wait3A_332 = arith.constant 0 : i32
    %dma_wait3A_333 = arith.constant 0 : i32
    %dma_wait3A_334 = tpu.memref_slice %arg5[%add3A, %dma_wait3A_332, %dma_wait3A_333] : memref<32x512x64xf32, #tpu.memory_space<hbm>> -> memref<1x512x64xf32, #tpu.memory_space<hbm>>
    %dma_wait3A_335 = tpu.memref_squeeze %dma_wait3A_334 : memref<1x512x64xf32, #tpu.memory_space<hbm>> -> memref<512x64xf32, #tpu.memory_space<hbm>>
    %dma_wait3A_336 = arith.constant 128 : i32
    %dma_wait3A_337 = arith.constant 0 : i32
    %dma_wait3A_338 = tpu.memref_slice %dma_wait3A_335[%dma_wait3A_336, %dma_wait3A_337] : memref<512x64xf32, #tpu.memory_space<hbm>> -> memref<128x64xf32, #tpu.memory_space<hbm>>
    %dma_wait3A_339 = arith.constant 0 : i32
    %dma_wait3A_340 = arith.constant 0 : i32
    %dma_wait3A_341 = tpu.memref_slice %arg5[%add3A, %dma_wait3A_339, %dma_wait3A_340] : memref<32x512x64xf32, #tpu.memory_space<hbm>> -> memref<1x512x64xf32, #tpu.memory_space<hbm>>
    %dma_wait3A_342 = tpu.memref_squeeze %dma_wait3A_341 : memref<1x512x64xf32, #tpu.memory_space<hbm>> -> memref<512x64xf32, #tpu.memory_space<hbm>>
    %dma_wait3A_343 = arith.constant 128 : i32
    %dma_wait3A_344 = arith.constant 0 : i32
    %dma_wait3A_345 = tpu.memref_slice %dma_wait3A_342[%dma_wait3A_343, %dma_wait3A_344] : memref<512x64xf32, #tpu.memory_space<hbm>> -> memref<128x64xf32, #tpu.memory_space<hbm>>
    %dma_wait3A_346 = arith.constant 128 : i32
    %dma_wait3A_347 = arith.constant 0 : i32
    %dma_wait3A_348 = tpu.memref_slice %arg7[%dma_wait3A_346, %dma_wait3A_347] : memref<512x64xf32, #tpu.memory_space<vmem>> -> memref<128x64xf32, #tpu.memory_space<vmem>>
    tpu.wait_dma2 semaphore(%arg17 : memref<!tpu.dma_semaphore, #tpu.memory_space<semaphore_mem>>) src(%dma_wait3A_348 : memref<128x64xf32, #tpu.memory_space<vmem>>) dst(%dma_wait3A_345 : memref<128x64xf32, #tpu.memory_space<hbm>>)
    %dma_wait3A_349 = arith.constant 256 : i32
    %dma_wait3A_350 = arith.constant 0 : i32
    %dma_wait3A_351 = tpu.memref_slice %arg7[%dma_wait3A_349, %dma_wait3A_350] : memref<512x64xf32, #tpu.memory_space<vmem>> -> memref<128x64xf32, #tpu.memory_space<vmem>>
    %dma_wait3A_352 = arith.constant 0 : i32
    %dma_wait3A_353 = arith.constant 0 : i32
    %dma_wait3A_354 = tpu.memref_slice %arg5[%add3A, %dma_wait3A_352, %dma_wait3A_353] : memref<32x512x64xf32, #tpu.memory_space<hbm>> -> memref<1x512x64xf32, #tpu.memory_space<hbm>>
    %dma_wait3A_355 = tpu.memref_squeeze %dma_wait3A_354 : memref<1x512x64xf32, #tpu.memory_space<hbm>> -> memref<512x64xf32, #tpu.memory_space<hbm>>
    %dma_wait3A_356 = arith.constant 256 : i32
    %dma_wait3A_357 = arith.constant 0 : i32
    %dma_wait3A_358 = tpu.memref_slice %dma_wait3A_355[%dma_wait3A_356, %dma_wait3A_357] : memref<512x64xf32, #tpu.memory_space<hbm>> -> memref<128x64xf32, #tpu.memory_space<hbm>>
    %dma_wait3A_359 = arith.constant 0 : i32
    %dma_wait3A_360 = arith.constant 0 : i32
    %dma_wait3A_361 = tpu.memref_slice %arg5[%add3A, %dma_wait3A_359, %dma_wait3A_360] : memref<32x512x64xf32, #tpu.memory_space<hbm>> -> memref<1x512x64xf32, #tpu.memory_space<hbm>>
    %dma_wait3A_362 = tpu.memref_squeeze %dma_wait3A_361 : memref<1x512x64xf32, #tpu.memory_space<hbm>> -> memref<512x64xf32, #tpu.memory_space<hbm>>
    %dma_wait3A_363 = arith.constant 256 : i32
    %dma_wait3A_364 = arith.constant 0 : i32
    %dma_wait3A_365 = tpu.memref_slice %dma_wait3A_362[%dma_wait3A_363, %dma_wait3A_364] : memref<512x64xf32, #tpu.memory_space<hbm>> -> memref<128x64xf32, #tpu.memory_space<hbm>>
    %dma_wait3A_366 = arith.constant 256 : i32
    %dma_wait3A_367 = arith.constant 0 : i32
    %dma_wait3A_368 = tpu.memref_slice %arg7[%dma_wait3A_366, %dma_wait3A_367] : memref<512x64xf32, #tpu.memory_space<vmem>> -> memref<128x64xf32, #tpu.memory_space<vmem>>
    tpu.wait_dma2 semaphore(%arg17 : memref<!tpu.dma_semaphore, #tpu.memory_space<semaphore_mem>>) src(%dma_wait3A_368 : memref<128x64xf32, #tpu.memory_space<vmem>>) dst(%dma_wait3A_365 : memref<128x64xf32, #tpu.memory_space<hbm>>)
    %dma_wait3A_369 = arith.constant 384 : i32
    %dma_wait3A_370 = arith.constant 0 : i32
    %dma_wait3A_371 = tpu.memref_slice %arg7[%dma_wait3A_369, %dma_wait3A_370] : memref<512x64xf32, #tpu.memory_space<vmem>> -> memref<128x64xf32, #tpu.memory_space<vmem>>
    %dma_wait3A_372 = arith.constant 0 : i32
    %dma_wait3A_373 = arith.constant 0 : i32
    %dma_wait3A_374 = tpu.memref_slice %arg5[%add3A, %dma_wait3A_372, %dma_wait3A_373] : memref<32x512x64xf32, #tpu.memory_space<hbm>> -> memref<1x512x64xf32, #tpu.memory_space<hbm>>
    %dma_wait3A_375 = tpu.memref_squeeze %dma_wait3A_374 : memref<1x512x64xf32, #tpu.memory_space<hbm>> -> memref<512x64xf32, #tpu.memory_space<hbm>>
    %dma_wait3A_376 = arith.constant 384 : i32
    %dma_wait3A_377 = arith.constant 0 : i32
    %dma_wait3A_378 = tpu.memref_slice %dma_wait3A_375[%dma_wait3A_376, %dma_wait3A_377] : memref<512x64xf32, #tpu.memory_space<hbm>> -> memref<128x64xf32, #tpu.memory_space<hbm>>
    %dma_wait3A_379 = arith.constant 0 : i32
    %dma_wait3A_380 = arith.constant 0 : i32
    %dma_wait3A_381 = tpu.memref_slice %arg5[%add3A, %dma_wait3A_379, %dma_wait3A_380] : memref<32x512x64xf32, #tpu.memory_space<hbm>> -> memref<1x512x64xf32, #tpu.memory_space<hbm>>
    %dma_wait3A_382 = tpu.memref_squeeze %dma_wait3A_381 : memref<1x512x64xf32, #tpu.memory_space<hbm>> -> memref<512x64xf32, #tpu.memory_space<hbm>>
    %dma_wait3A_383 = arith.constant 384 : i32
    %dma_wait3A_384 = arith.constant 0 : i32
    %dma_wait3A_385 = tpu.memref_slice %dma_wait3A_382[%dma_wait3A_383, %dma_wait3A_384] : memref<512x64xf32, #tpu.memory_space<hbm>> -> memref<128x64xf32, #tpu.memory_space<hbm>>
    %dma_wait3A_386 = arith.constant 384 : i32
    %dma_wait3A_387 = arith.constant 0 : i32
    %dma_wait3A_388 = tpu.memref_slice %arg7[%dma_wait3A_386, %dma_wait3A_387] : memref<512x64xf32, #tpu.memory_space<vmem>> -> memref<128x64xf32, #tpu.memory_space<vmem>>
    tpu.wait_dma2 semaphore(%arg17 : memref<!tpu.dma_semaphore, #tpu.memory_space<semaphore_mem>>) src(%dma_wait3A_388 : memref<128x64xf32, #tpu.memory_space<vmem>>) dst(%dma_wait3A_385 : memref<128x64xf32, #tpu.memory_space<hbm>>)
    return
  }
}

#map = affine_map<(d0, d1) -> (0)>
#map1 = affine_map<(d0, d1) -> (0, 0)>
#map2 = affine_map<(d0, d1) -> (0, 0, 0)>
module attributes {stable_mosaic.version = 14 : i64} {
  func.func @_sector_kernel(%arg0: i32, %arg1: i32, %arg2: memref<16384xi32, #tpu.memory_space<hbm>>, %arg3: memref<20x64xf32, #tpu.memory_space<hbm>>, %arg4: memref<32x512x64xf32, #tpu.memory_space<hbm>>, %arg5: memref<512xi32, #tpu.memory_space<vmem>>, %arg6: memref<20x64xf32, #tpu.memory_space<vmem>>, %arg7: memref<512x64xf32, #tpu.memory_space<vmem>>, %arg8: memref<!tpu.dma_semaphore, #tpu.memory_space<semaphore_mem>>, %arg9: memref<!tpu.dma_semaphore, #tpu.memory_space<semaphore_mem>>) attributes {dimension_semantics = [#tpu.dimension_semantics<core_parallel>, #tpu.dimension_semantics<subcore_parallel>], iteration_bounds = array<i64: 2, 16>, scalar_prefetch = 0 : i64, scratch_operands = 5 : i64, tpu.core_type = #tpu.core_type<sc_vector_subcore>, window_params = [{transform_indices = #map}, {transform_indices = #map1}, {transform_indices = #map2}]} {
    %mul3A = arith.constant 2 : i32
    %mul3A_0 = arith.muli %arg1, %mul3A : i32
    %add3A = arith.addi %mul3A_0, %arg0 : i32
    %mul3A_1 = arith.constant 512 : i32
    %mul3A_2 = arith.muli %add3A, %mul3A_1 : i32
    %dma_start3A = tpu.memref_slice %arg2[%mul3A_2] : memref<16384xi32, #tpu.memory_space<hbm>> -> memref<512xi32, #tpu.memory_space<hbm>>
    %dma_start3A_3 = tpu.memref_slice %arg2[%mul3A_2] : memref<16384xi32, #tpu.memory_space<hbm>> -> memref<512xi32, #tpu.memory_space<hbm>>
    tpu.enqueue_dma source(%dma_start3A_3 : memref<512xi32, #tpu.memory_space<hbm>>) target(%arg5 : memref<512xi32, #tpu.memory_space<vmem>>) target_semaphore(%arg8 : memref<!tpu.dma_semaphore, #tpu.memory_space<semaphore_mem>>)
    tpu.enqueue_dma source(%arg3 : memref<20x64xf32, #tpu.memory_space<hbm>>) target(%arg6 : memref<20x64xf32, #tpu.memory_space<vmem>>) target_semaphore(%arg8 : memref<!tpu.dma_semaphore, #tpu.memory_space<semaphore_mem>>)
    %dma_wait3A = tpu.memref_slice %arg2[%mul3A_2] : memref<16384xi32, #tpu.memory_space<hbm>> -> memref<512xi32, #tpu.memory_space<hbm>>
    %dma_wait3A_4 = tpu.memref_slice %arg2[%mul3A_2] : memref<16384xi32, #tpu.memory_space<hbm>> -> memref<512xi32, #tpu.memory_space<hbm>>
    tpu.wait_dma2 semaphore(%arg8 : memref<!tpu.dma_semaphore, #tpu.memory_space<semaphore_mem>>) src(%dma_wait3A_4 : memref<512xi32, #tpu.memory_space<hbm>>) dst(%arg5 : memref<512xi32, #tpu.memory_space<vmem>>)
    tpu.wait_dma2 semaphore(%arg8 : memref<!tpu.dma_semaphore, #tpu.memory_space<semaphore_mem>>) src(%arg3 : memref<20x64xf32, #tpu.memory_space<hbm>>) dst(%arg6 : memref<20x64xf32, #tpu.memory_space<vmem>>)
    %scan3A = arith.constant 0 : i32
    %scan3A_5 = arith.constant 0 : i32
    %scan3A_6 = arith.constant 8 : i32
    %scan3A_7 = arith.addi %scan3A_5, %scan3A_6 : i32
    %scan3A_8 = arith.constant 1 : i32
    scf.for %scan3A_188 = %scan3A_5 to %scan3A_7 step %scan3A_8  : i32 {
      %mul3A_189 = arith.constant 16 : i32
      %mul3A_190 = arith.muli %scan3A_188, %mul3A_189 : i32
      %get3A = arith.index_cast %mul3A_190 : i32 to index
      %get3A_191 = tpu.vector_load %arg5[%get3A] {strides = array<i32>} : memref<512xi32, #tpu.memory_space<vmem>>, vector<16xi32>,
      %get3A_192 = vector.shape_cast %get3A_191 : vector<16xi32> to vector<16xi32>
      %slice3A = vector.extract_strided_slice %get3A_192 {offsets = [0], sizes = [1], strides = [1]} : vector<16xi32> to vector<1xi32>
      %squeeze3A = vector.extract %slice3A[0] : i32 from vector<1xi32>
      %add3A_193 = arith.constant 0 : i32
      %add3A_194 = arith.addi %mul3A_190, %add3A_193 : i32
      %get3A_195 = arith.index_cast %squeeze3A : i32 to index
      %get3A_196 = arith.constant 0 : index
      %get3A_197 = tpu.vector_load %arg6[%get3A_195, %get3A_196] {strides = array<i32>} : memref<20x64xf32, #tpu.memory_space<vmem>>, vector<1x16xf32>,
      %get3A_198 = vector.shape_cast %get3A_197 : vector<1x16xf32> to vector<16xf32>
      %swap3A = arith.index_cast %add3A_194 : i32 to index
      %swap3A_199 = arith.constant 0 : index
      %swap3A_200 = tpu.vector_load %arg7[%swap3A, %swap3A_199] {strides = array<i32>} : memref<512x64xf32, #tpu.memory_space<vmem>>, vector<1x16xf32>,
      %swap3A_201 = vector.shape_cast %swap3A_200 : vector<1x16xf32> to vector<16xf32>
      %swap3A_202 = vector.shape_cast %get3A_198 : vector<16xf32> to vector<1x16xf32>
      tpu.vector_store %arg7[%swap3A, %swap3A_199], %swap3A_202 {strides = array<i32>} : memref<512x64xf32, #tpu.memory_space<vmem>>, vector<1x16xf32>,
      %get3A_203 = arith.index_cast %squeeze3A : i32 to index
      %get3A_204 = arith.constant 16 : index
      %get3A_205 = tpu.vector_load %arg6[%get3A_203, %get3A_204] {strides = array<i32>} : memref<20x64xf32, #tpu.memory_space<vmem>>, vector<1x16xf32>,
      %get3A_206 = vector.shape_cast %get3A_205 : vector<1x16xf32> to vector<16xf32>
      %swap3A_207 = arith.index_cast %add3A_194 : i32 to index
      %swap3A_208 = arith.constant 16 : index
      %swap3A_209 = tpu.vector_load %arg7[%swap3A_207, %swap3A_208] {strides = array<i32>} : memref<512x64xf32, #tpu.memory_space<vmem>>, vector<1x16xf32>,
      %swap3A_210 = vector.shape_cast %swap3A_209 : vector<1x16xf32> to vector<16xf32>
      %swap3A_211 = vector.shape_cast %get3A_206 : vector<16xf32> to vector<1x16xf32>
      tpu.vector_store %arg7[%swap3A_207, %swap3A_208], %swap3A_211 {strides = array<i32>} : memref<512x64xf32, #tpu.memory_space<vmem>>, vector<1x16xf32>,
      %get3A_212 = arith.index_cast %squeeze3A : i32 to index
      %get3A_213 = arith.constant 32 : index
      %get3A_214 = tpu.vector_load %arg6[%get3A_212, %get3A_213] {strides = array<i32>} : memref<20x64xf32, #tpu.memory_space<vmem>>, vector<1x16xf32>,
      %get3A_215 = vector.shape_cast %get3A_214 : vector<1x16xf32> to vector<16xf32>
      %swap3A_216 = arith.index_cast %add3A_194 : i32 to index
      %swap3A_217 = arith.constant 32 : index
      %swap3A_218 = tpu.vector_load %arg7[%swap3A_216, %swap3A_217] {strides = array<i32>} : memref<512x64xf32, #tpu.memory_space<vmem>>, vector<1x16xf32>,
      %swap3A_219 = vector.shape_cast %swap3A_218 : vector<1x16xf32> to vector<16xf32>
      %swap3A_220 = vector.shape_cast %get3A_215 : vector<16xf32> to vector<1x16xf32>
      tpu.vector_store %arg7[%swap3A_216, %swap3A_217], %swap3A_220 {strides = array<i32>} : memref<512x64xf32, #tpu.memory_space<vmem>>, vector<1x16xf32>,
      %get3A_221 = arith.index_cast %squeeze3A : i32 to index
      %get3A_222 = arith.constant 48 : index
      %get3A_223 = tpu.vector_load %arg6[%get3A_221, %get3A_222] {strides = array<i32>} : memref<20x64xf32, #tpu.memory_space<vmem>>, vector<1x16xf32>,
      %get3A_224 = vector.shape_cast %get3A_223 : vector<1x16xf32> to vector<16xf32>
      %swap3A_225 = arith.index_cast %add3A_194 : i32 to index
      %swap3A_226 = arith.constant 48 : index
      %swap3A_227 = tpu.vector_load %arg7[%swap3A_225, %swap3A_226] {strides = array<i32>} : memref<512x64xf32, #tpu.memory_space<vmem>>, vector<1x16xf32>,
      %swap3A_228 = vector.shape_cast %swap3A_227 : vector<1x16xf32> to vector<16xf32>
      %swap3A_229 = vector.shape_cast %get3A_224 : vector<16xf32> to vector<1x16xf32>
      tpu.vector_store %arg7[%swap3A_225, %swap3A_226], %swap3A_229 {strides = array<i32>} : memref<512x64xf32, #tpu.memory_space<vmem>>, vector<1x16xf32>,
      %slice3A_230 = vector.extract_strided_slice %get3A_192 {offsets = [1], sizes = [1], strides = [1]} : vector<16xi32> to vector<1xi32>
      %squeeze3A_231 = vector.extract %slice3A_230[0] : i32 from vector<1xi32>
      %add3A_232 = arith.constant 1 : i32
      %add3A_233 = arith.addi %mul3A_190, %add3A_232 : i32
      %get3A_234 = arith.index_cast %squeeze3A_231 : i32 to index
      %get3A_235 = arith.constant 0 : index
      %get3A_236 = tpu.vector_load %arg6[%get3A_234, %get3A_235] {strides = array<i32>} : memref<20x64xf32, #tpu.memory_space<vmem>>, vector<1x16xf32>,
      %get3A_237 = vector.shape_cast %get3A_236 : vector<1x16xf32> to vector<16xf32>
      %swap3A_238 = arith.index_cast %add3A_233 : i32 to index
      %swap3A_239 = arith.constant 0 : index
      %swap3A_240 = tpu.vector_load %arg7[%swap3A_238, %swap3A_239] {strides = array<i32>} : memref<512x64xf32, #tpu.memory_space<vmem>>, vector<1x16xf32>,
      %swap3A_241 = vector.shape_cast %swap3A_240 : vector<1x16xf32> to vector<16xf32>
      %swap3A_242 = vector.shape_cast %get3A_237 : vector<16xf32> to vector<1x16xf32>
      tpu.vector_store %arg7[%swap3A_238, %swap3A_239], %swap3A_242 {strides = array<i32>} : memref<512x64xf32, #tpu.memory_space<vmem>>, vector<1x16xf32>,
      %get3A_243 = arith.index_cast %squeeze3A_231 : i32 to index
      %get3A_244 = arith.constant 16 : index
      %get3A_245 = tpu.vector_load %arg6[%get3A_243, %get3A_244] {strides = array<i32>} : memref<20x64xf32, #tpu.memory_space<vmem>>, vector<1x16xf32>,
      %get3A_246 = vector.shape_cast %get3A_245 : vector<1x16xf32> to vector<16xf32>
      %swap3A_247 = arith.index_cast %add3A_233 : i32 to index
      %swap3A_248 = arith.constant 16 : index
      %swap3A_249 = tpu.vector_load %arg7[%swap3A_247, %swap3A_248] {strides = array<i32>} : memref<512x64xf32, #tpu.memory_space<vmem>>, vector<1x16xf32>,
      %swap3A_250 = vector.shape_cast %swap3A_249 : vector<1x16xf32> to vector<16xf32>
      %swap3A_251 = vector.shape_cast %get3A_246 : vector<16xf32> to vector<1x16xf32>
      tpu.vector_store %arg7[%swap3A_247, %swap3A_248], %swap3A_251 {strides = array<i32>} : memref<512x64xf32, #tpu.memory_space<vmem>>, vector<1x16xf32>,
      %get3A_252 = arith.index_cast %squeeze3A_231 : i32 to index
      %get3A_253 = arith.constant 32 : index
      %get3A_254 = tpu.vector_load %arg6[%get3A_252, %get3A_253] {strides = array<i32>} : memref<20x64xf32, #tpu.memory_space<vmem>>, vector<1x16xf32>,
      %get3A_255 = vector.shape_cast %get3A_254 : vector<1x16xf32> to vector<16xf32>
      %swap3A_256 = arith.index_cast %add3A_233 : i32 to index
      %swap3A_257 = arith.constant 32 : index
      %swap3A_258 = tpu.vector_load %arg7[%swap3A_256, %swap3A_257] {strides = array<i32>} : memref<512x64xf32, #tpu.memory_space<vmem>>, vector<1x16xf32>,
      %swap3A_259 = vector.shape_cast %swap3A_258 : vector<1x16xf32> to vector<16xf32>
      %swap3A_260 = vector.shape_cast %get3A_255 : vector<16xf32> to vector<1x16xf32>
      tpu.vector_store %arg7[%swap3A_256, %swap3A_257], %swap3A_260 {strides = array<i32>} : memref<512x64xf32, #tpu.memory_space<vmem>>, vector<1x16xf32>,
      %get3A_261 = arith.index_cast %squeeze3A_231 : i32 to index
      %get3A_262 = arith.constant 48 : index
      %get3A_263 = tpu.vector_load %arg6[%get3A_261, %get3A_262] {strides = array<i32>} : memref<20x64xf32, #tpu.memory_space<vmem>>, vector<1x16xf32>,
      %get3A_264 = vector.shape_cast %get3A_263 : vector<1x16xf32> to vector<16xf32>
      %swap3A_265 = arith.index_cast %add3A_233 : i32 to index
      %swap3A_266 = arith.constant 48 : index
      %swap3A_267 = tpu.vector_load %arg7[%swap3A_265, %swap3A_266] {strides = array<i32>} : memref<512x64xf32, #tpu.memory_space<vmem>>, vector<1x16xf32>,
      %swap3A_268 = vector.shape_cast %swap3A_267 : vector<1x16xf32> to vector<16xf32>
      %swap3A_269 = vector.shape_cast %get3A_264 : vector<16xf32> to vector<1x16xf32>
      tpu.vector_store %arg7[%swap3A_265, %swap3A_266], %swap3A_269 {strides = array<i32>} : memref<512x64xf32, #tpu.memory_space<vmem>>, vector<1x16xf32>,
      %slice3A_270 = vector.extract_strided_slice %get3A_192 {offsets = [2], sizes = [1], strides = [1]} : vector<16xi32> to vector<1xi32>
      %squeeze3A_271 = vector.extract %slice3A_270[0] : i32 from vector<1xi32>
      %add3A_272 = arith.constant 2 : i32
      %add3A_273 = arith.addi %mul3A_190, %add3A_272 : i32
      %get3A_274 = arith.index_cast %squeeze3A_271 : i32 to index
      %get3A_275 = arith.constant 0 : index
      %get3A_276 = tpu.vector_load %arg6[%get3A_274, %get3A_275] {strides = array<i32>} : memref<20x64xf32, #tpu.memory_space<vmem>>, vector<1x16xf32>,
      %get3A_277 = vector.shape_cast %get3A_276 : vector<1x16xf32> to vector<16xf32>
      %swap3A_278 = arith.index_cast %add3A_273 : i32 to index
      %swap3A_279 = arith.constant 0 : index
      %swap3A_280 = tpu.vector_load %arg7[%swap3A_278, %swap3A_279] {strides = array<i32>} : memref<512x64xf32, #tpu.memory_space<vmem>>, vector<1x16xf32>,
      %swap3A_281 = vector.shape_cast %swap3A_280 : vector<1x16xf32> to vector<16xf32>
      %swap3A_282 = vector.shape_cast %get3A_277 : vector<16xf32> to vector<1x16xf32>
      tpu.vector_store %arg7[%swap3A_278, %swap3A_279], %swap3A_282 {strides = array<i32>} : memref<512x64xf32, #tpu.memory_space<vmem>>, vector<1x16xf32>,
      %get3A_283 = arith.index_cast %squeeze3A_271 : i32 to index
      %get3A_284 = arith.constant 16 : index
      %get3A_285 = tpu.vector_load %arg6[%get3A_283, %get3A_284] {strides = array<i32>} : memref<20x64xf32, #tpu.memory_space<vmem>>, vector<1x16xf32>,
      %get3A_286 = vector.shape_cast %get3A_285 : vector<1x16xf32> to vector<16xf32>
      %swap3A_287 = arith.index_cast %add3A_273 : i32 to index
      %swap3A_288 = arith.constant 16 : index
      %swap3A_289 = tpu.vector_load %arg7[%swap3A_287, %swap3A_288] {strides = array<i32>} : memref<512x64xf32, #tpu.memory_space<vmem>>, vector<1x16xf32>,
      %swap3A_290 = vector.shape_cast %swap3A_289 : vector<1x16xf32> to vector<16xf32>
      %swap3A_291 = vector.shape_cast %get3A_286 : vector<16xf32> to vector<1x16xf32>
      tpu.vector_store %arg7[%swap3A_287, %swap3A_288], %swap3A_291 {strides = array<i32>} : memref<512x64xf32, #tpu.memory_space<vmem>>, vector<1x16xf32>,
      %get3A_292 = arith.index_cast %squeeze3A_271 : i32 to index
      %get3A_293 = arith.constant 32 : index
      %get3A_294 = tpu.vector_load %arg6[%get3A_292, %get3A_293] {strides = array<i32>} : memref<20x64xf32, #tpu.memory_space<vmem>>, vector<1x16xf32>,
      %get3A_295 = vector.shape_cast %get3A_294 : vector<1x16xf32> to vector<16xf32>
      %swap3A_296 = arith.index_cast %add3A_273 : i32 to index
      %swap3A_297 = arith.constant 32 : index
      %swap3A_298 = tpu.vector_load %arg7[%swap3A_296, %swap3A_297] {strides = array<i32>} : memref<512x64xf32, #tpu.memory_space<vmem>>, vector<1x16xf32>,
      %swap3A_299 = vector.shape_cast %swap3A_298 : vector<1x16xf32> to vector<16xf32>
      %swap3A_300 = vector.shape_cast %get3A_295 : vector<16xf32> to vector<1x16xf32>
      tpu.vector_store %arg7[%swap3A_296, %swap3A_297], %swap3A_300 {strides = array<i32>} : memref<512x64xf32, #tpu.memory_space<vmem>>, vector<1x16xf32>,
      %get3A_301 = arith.index_cast %squeeze3A_271 : i32 to index
      %get3A_302 = arith.constant 48 : index
      %get3A_303 = tpu.vector_load %arg6[%get3A_301, %get3A_302] {strides = array<i32>} : memref<20x64xf32, #tpu.memory_space<vmem>>, vector<1x16xf32>,
      %get3A_304 = vector.shape_cast %get3A_303 : vector<1x16xf32> to vector<16xf32>
      %swap3A_305 = arith.index_cast %add3A_273 : i32 to index
      %swap3A_306 = arith.constant 48 : index
      %swap3A_307 = tpu.vector_load %arg7[%swap3A_305, %swap3A_306] {strides = array<i32>} : memref<512x64xf32, #tpu.memory_space<vmem>>, vector<1x16xf32>,
      %swap3A_308 = vector.shape_cast %swap3A_307 : vector<1x16xf32> to vector<16xf32>
      %swap3A_309 = vector.shape_cast %get3A_304 : vector<16xf32> to vector<1x16xf32>
      tpu.vector_store %arg7[%swap3A_305, %swap3A_306], %swap3A_309 {strides = array<i32>} : memref<512x64xf32, #tpu.memory_space<vmem>>, vector<1x16xf32>,
      %slice3A_310 = vector.extract_strided_slice %get3A_192 {offsets = [3], sizes = [1], strides = [1]} : vector<16xi32> to vector<1xi32>
      %squeeze3A_311 = vector.extract %slice3A_310[0] : i32 from vector<1xi32>
      %add3A_312 = arith.constant 3 : i32
      %add3A_313 = arith.addi %mul3A_190, %add3A_312 : i32
      %get3A_314 = arith.index_cast %squeeze3A_311 : i32 to index
      %get3A_315 = arith.constant 0 : index
      %get3A_316 = tpu.vector_load %arg6[%get3A_314, %get3A_315] {strides = array<i32>} : memref<20x64xf32, #tpu.memory_space<vmem>>, vector<1x16xf32>,
      %get3A_317 = vector.shape_cast %get3A_316 : vector<1x16xf32> to vector<16xf32>
      %swap3A_318 = arith.index_cast %add3A_313 : i32 to index
      %swap3A_319 = arith.constant 0 : index
      %swap3A_320 = tpu.vector_load %arg7[%swap3A_318, %swap3A_319] {strides = array<i32>} : memref<512x64xf32, #tpu.memory_space<vmem>>, vector<1x16xf32>,
      %swap3A_321 = vector.shape_cast %swap3A_320 : vector<1x16xf32> to vector<16xf32>
      %swap3A_322 = vector.shape_cast %get3A_317 : vector<16xf32> to vector<1x16xf32>
      tpu.vector_store %arg7[%swap3A_318, %swap3A_319], %swap3A_322 {strides = array<i32>} : memref<512x64xf32, #tpu.memory_space<vmem>>, vector<1x16xf32>,
      %get3A_323 = arith.index_cast %squeeze3A_311 : i32 to index
      %get3A_324 = arith.constant 16 : index
      %get3A_325 = tpu.vector_load %arg6[%get3A_323, %get3A_324] {strides = array<i32>} : memref<20x64xf32, #tpu.memory_space<vmem>>, vector<1x16xf32>,
      %get3A_326 = vector.shape_cast %get3A_325 : vector<1x16xf32> to vector<16xf32>
      %swap3A_327 = arith.index_cast %add3A_313 : i32 to index
      %swap3A_328 = arith.constant 16 : index
      %swap3A_329 = tpu.vector_load %arg7[%swap3A_327, %swap3A_328] {strides = array<i32>} : memref<512x64xf32, #tpu.memory_space<vmem>>, vector<1x16xf32>,
      %swap3A_330 = vector.shape_cast %swap3A_329 : vector<1x16xf32> to vector<16xf32>
      %swap3A_331 = vector.shape_cast %get3A_326 : vector<16xf32> to vector<1x16xf32>
      tpu.vector_store %arg7[%swap3A_327, %swap3A_328], %swap3A_331 {strides = array<i32>} : memref<512x64xf32, #tpu.memory_space<vmem>>, vector<1x16xf32>,
      %get3A_332 = arith.index_cast %squeeze3A_311 : i32 to index
      %get3A_333 = arith.constant 32 : index
      %get3A_334 = tpu.vector_load %arg6[%get3A_332, %get3A_333] {strides = array<i32>} : memref<20x64xf32, #tpu.memory_space<vmem>>, vector<1x16xf32>,
      %get3A_335 = vector.shape_cast %get3A_334 : vector<1x16xf32> to vector<16xf32>
      %swap3A_336 = arith.index_cast %add3A_313 : i32 to index
      %swap3A_337 = arith.constant 32 : index
      %swap3A_338 = tpu.vector_load %arg7[%swap3A_336, %swap3A_337] {strides = array<i32>} : memref<512x64xf32, #tpu.memory_space<vmem>>, vector<1x16xf32>,
      %swap3A_339 = vector.shape_cast %swap3A_338 : vector<1x16xf32> to vector<16xf32>
      %swap3A_340 = vector.shape_cast %get3A_335 : vector<16xf32> to vector<1x16xf32>
      tpu.vector_store %arg7[%swap3A_336, %swap3A_337], %swap3A_340 {strides = array<i32>} : memref<512x64xf32, #tpu.memory_space<vmem>>, vector<1x16xf32>,
      %get3A_341 = arith.index_cast %squeeze3A_311 : i32 to index
      %get3A_342 = arith.constant 48 : index
      %get3A_343 = tpu.vector_load %arg6[%get3A_341, %get3A_342] {strides = array<i32>} : memref<20x64xf32, #tpu.memory_space<vmem>>, vector<1x16xf32>,
      %get3A_344 = vector.shape_cast %get3A_343 : vector<1x16xf32> to vector<16xf32>
      %swap3A_345 = arith.index_cast %add3A_313 : i32 to index
      %swap3A_346 = arith.constant 48 : index
      %swap3A_347 = tpu.vector_load %arg7[%swap3A_345, %swap3A_346] {strides = array<i32>} : memref<512x64xf32, #tpu.memory_space<vmem>>, vector<1x16xf32>,
      %swap3A_348 = vector.shape_cast %swap3A_347 : vector<1x16xf32> to vector<16xf32>
      %swap3A_349 = vector.shape_cast %get3A_344 : vector<16xf32> to vector<1x16xf32>
      tpu.vector_store %arg7[%swap3A_345, %swap3A_346], %swap3A_349 {strides = array<i32>} : memref<512x64xf32, #tpu.memory_space<vmem>>, vector<1x16xf32>,
      %slice3A_350 = vector.extract_strided_slice %get3A_192 {offsets = [4], sizes = [1], strides = [1]} : vector<16xi32> to vector<1xi32>
      %squeeze3A_351 = vector.extract %slice3A_350[0] : i32 from vector<1xi32>
      %add3A_352 = arith.constant 4 : i32
      %add3A_353 = arith.addi %mul3A_190, %add3A_352 : i32
      %get3A_354 = arith.index_cast %squeeze3A_351 : i32 to index
      %get3A_355 = arith.constant 0 : index
      %get3A_356 = tpu.vector_load %arg6[%get3A_354, %get3A_355] {strides = array<i32>} : memref<20x64xf32, #tpu.memory_space<vmem>>, vector<1x16xf32>,
      %get3A_357 = vector.shape_cast %get3A_356 : vector<1x16xf32> to vector<16xf32>
      %swap3A_358 = arith.index_cast %add3A_353 : i32 to index
      %swap3A_359 = arith.constant 0 : index
      %swap3A_360 = tpu.vector_load %arg7[%swap3A_358, %swap3A_359] {strides = array<i32>} : memref<512x64xf32, #tpu.memory_space<vmem>>, vector<1x16xf32>,
      %swap3A_361 = vector.shape_cast %swap3A_360 : vector<1x16xf32> to vector<16xf32>
      %swap3A_362 = vector.shape_cast %get3A_357 : vector<16xf32> to vector<1x16xf32>
      tpu.vector_store %arg7[%swap3A_358, %swap3A_359], %swap3A_362 {strides = array<i32>} : memref<512x64xf32, #tpu.memory_space<vmem>>, vector<1x16xf32>,
      %get3A_363 = arith.index_cast %squeeze3A_351 : i32 to index
      %get3A_364 = arith.constant 16 : index
      %get3A_365 = tpu.vector_load %arg6[%get3A_363, %get3A_364] {strides = array<i32>} : memref<20x64xf32, #tpu.memory_space<vmem>>, vector<1x16xf32>,
      %get3A_366 = vector.shape_cast %get3A_365 : vector<1x16xf32> to vector<16xf32>
      %swap3A_367 = arith.index_cast %add3A_353 : i32 to index
      %swap3A_368 = arith.constant 16 : index
      %swap3A_369 = tpu.vector_load %arg7[%swap3A_367, %swap3A_368] {strides = array<i32>} : memref<512x64xf32, #tpu.memory_space<vmem>>, vector<1x16xf32>,
      %swap3A_370 = vector.shape_cast %swap3A_369 : vector<1x16xf32> to vector<16xf32>
      %swap3A_371 = vector.shape_cast %get3A_366 : vector<16xf32> to vector<1x16xf32>
      tpu.vector_store %arg7[%swap3A_367, %swap3A_368], %swap3A_371 {strides = array<i32>} : memref<512x64xf32, #tpu.memory_space<vmem>>, vector<1x16xf32>,
      %get3A_372 = arith.index_cast %squeeze3A_351 : i32 to index
      %get3A_373 = arith.constant 32 : index
      %get3A_374 = tpu.vector_load %arg6[%get3A_372, %get3A_373] {strides = array<i32>} : memref<20x64xf32, #tpu.memory_space<vmem>>, vector<1x16xf32>,
      %get3A_375 = vector.shape_cast %get3A_374 : vector<1x16xf32> to vector<16xf32>
      %swap3A_376 = arith.index_cast %add3A_353 : i32 to index
      %swap3A_377 = arith.constant 32 : index
      %swap3A_378 = tpu.vector_load %arg7[%swap3A_376, %swap3A_377] {strides = array<i32>} : memref<512x64xf32, #tpu.memory_space<vmem>>, vector<1x16xf32>,
      %swap3A_379 = vector.shape_cast %swap3A_378 : vector<1x16xf32> to vector<16xf32>
      %swap3A_380 = vector.shape_cast %get3A_375 : vector<16xf32> to vector<1x16xf32>
      tpu.vector_store %arg7[%swap3A_376, %swap3A_377], %swap3A_380 {strides = array<i32>} : memref<512x64xf32, #tpu.memory_space<vmem>>, vector<1x16xf32>,
      %get3A_381 = arith.index_cast %squeeze3A_351 : i32 to index
      %get3A_382 = arith.constant 48 : index
      %get3A_383 = tpu.vector_load %arg6[%get3A_381, %get3A_382] {strides = array<i32>} : memref<20x64xf32, #tpu.memory_space<vmem>>, vector<1x16xf32>,
      %get3A_384 = vector.shape_cast %get3A_383 : vector<1x16xf32> to vector<16xf32>
      %swap3A_385 = arith.index_cast %add3A_353 : i32 to index
      %swap3A_386 = arith.constant 48 : index
      %swap3A_387 = tpu.vector_load %arg7[%swap3A_385, %swap3A_386] {strides = array<i32>} : memref<512x64xf32, #tpu.memory_space<vmem>>, vector<1x16xf32>,
      %swap3A_388 = vector.shape_cast %swap3A_387 : vector<1x16xf32> to vector<16xf32>
      %swap3A_389 = vector.shape_cast %get3A_384 : vector<16xf32> to vector<1x16xf32>
      tpu.vector_store %arg7[%swap3A_385, %swap3A_386], %swap3A_389 {strides = array<i32>} : memref<512x64xf32, #tpu.memory_space<vmem>>, vector<1x16xf32>,
      %slice3A_390 = vector.extract_strided_slice %get3A_192 {offsets = [5], sizes = [1], strides = [1]} : vector<16xi32> to vector<1xi32>
      %squeeze3A_391 = vector.extract %slice3A_390[0] : i32 from vector<1xi32>
      %add3A_392 = arith.constant 5 : i32
      %add3A_393 = arith.addi %mul3A_190, %add3A_392 : i32
      %get3A_394 = arith.index_cast %squeeze3A_391 : i32 to index
      %get3A_395 = arith.constant 0 : index
      %get3A_396 = tpu.vector_load %arg6[%get3A_394, %get3A_395] {strides = array<i32>} : memref<20x64xf32, #tpu.memory_space<vmem>>, vector<1x16xf32>,
      %get3A_397 = vector.shape_cast %get3A_396 : vector<1x16xf32> to vector<16xf32>
      %swap3A_398 = arith.index_cast %add3A_393 : i32 to index
      %swap3A_399 = arith.constant 0 : index
      %swap3A_400 = tpu.vector_load %arg7[%swap3A_398, %swap3A_399] {strides = array<i32>} : memref<512x64xf32, #tpu.memory_space<vmem>>, vector<1x16xf32>,
      %swap3A_401 = vector.shape_cast %swap3A_400 : vector<1x16xf32> to vector<16xf32>
      %swap3A_402 = vector.shape_cast %get3A_397 : vector<16xf32> to vector<1x16xf32>
      tpu.vector_store %arg7[%swap3A_398, %swap3A_399], %swap3A_402 {strides = array<i32>} : memref<512x64xf32, #tpu.memory_space<vmem>>, vector<1x16xf32>,
      %get3A_403 = arith.index_cast %squeeze3A_391 : i32 to index
      %get3A_404 = arith.constant 16 : index
      %get3A_405 = tpu.vector_load %arg6[%get3A_403, %get3A_404] {strides = array<i32>} : memref<20x64xf32, #tpu.memory_space<vmem>>, vector<1x16xf32>,
      %get3A_406 = vector.shape_cast %get3A_405 : vector<1x16xf32> to vector<16xf32>
      %swap3A_407 = arith.index_cast %add3A_393 : i32 to index
      %swap3A_408 = arith.constant 16 : index
      %swap3A_409 = tpu.vector_load %arg7[%swap3A_407, %swap3A_408] {strides = array<i32>} : memref<512x64xf32, #tpu.memory_space<vmem>>, vector<1x16xf32>,
      %swap3A_410 = vector.shape_cast %swap3A_409 : vector<1x16xf32> to vector<16xf32>
      %swap3A_411 = vector.shape_cast %get3A_406 : vector<16xf32> to vector<1x16xf32>
      tpu.vector_store %arg7[%swap3A_407, %swap3A_408], %swap3A_411 {strides = array<i32>} : memref<512x64xf32, #tpu.memory_space<vmem>>, vector<1x16xf32>,
      %get3A_412 = arith.index_cast %squeeze3A_391 : i32 to index
      %get3A_413 = arith.constant 32 : index
      %get3A_414 = tpu.vector_load %arg6[%get3A_412, %get3A_413] {strides = array<i32>} : memref<20x64xf32, #tpu.memory_space<vmem>>, vector<1x16xf32>,
      %get3A_415 = vector.shape_cast %get3A_414 : vector<1x16xf32> to vector<16xf32>
      %swap3A_416 = arith.index_cast %add3A_393 : i32 to index
      %swap3A_417 = arith.constant 32 : index
      %swap3A_418 = tpu.vector_load %arg7[%swap3A_416, %swap3A_417] {strides = array<i32>} : memref<512x64xf32, #tpu.memory_space<vmem>>, vector<1x16xf32>,
      %swap3A_419 = vector.shape_cast %swap3A_418 : vector<1x16xf32> to vector<16xf32>
      %swap3A_420 = vector.shape_cast %get3A_415 : vector<16xf32> to vector<1x16xf32>
      tpu.vector_store %arg7[%swap3A_416, %swap3A_417], %swap3A_420 {strides = array<i32>} : memref<512x64xf32, #tpu.memory_space<vmem>>, vector<1x16xf32>,
      %get3A_421 = arith.index_cast %squeeze3A_391 : i32 to index
      %get3A_422 = arith.constant 48 : index
      %get3A_423 = tpu.vector_load %arg6[%get3A_421, %get3A_422] {strides = array<i32>} : memref<20x64xf32, #tpu.memory_space<vmem>>, vector<1x16xf32>,
      %get3A_424 = vector.shape_cast %get3A_423 : vector<1x16xf32> to vector<16xf32>
      %swap3A_425 = arith.index_cast %add3A_393 : i32 to index
      %swap3A_426 = arith.constant 48 : index
      %swap3A_427 = tpu.vector_load %arg7[%swap3A_425, %swap3A_426] {strides = array<i32>} : memref<512x64xf32, #tpu.memory_space<vmem>>, vector<1x16xf32>,
      %swap3A_428 = vector.shape_cast %swap3A_427 : vector<1x16xf32> to vector<16xf32>
      %swap3A_429 = vector.shape_cast %get3A_424 : vector<16xf32> to vector<1x16xf32>
      tpu.vector_store %arg7[%swap3A_425, %swap3A_426], %swap3A_429 {strides = array<i32>} : memref<512x64xf32, #tpu.memory_space<vmem>>, vector<1x16xf32>,
      %slice3A_430 = vector.extract_strided_slice %get3A_192 {offsets = [6], sizes = [1], strides = [1]} : vector<16xi32> to vector<1xi32>
      %squeeze3A_431 = vector.extract %slice3A_430[0] : i32 from vector<1xi32>
      %add3A_432 = arith.constant 6 : i32
      %add3A_433 = arith.addi %mul3A_190, %add3A_432 : i32
      %get3A_434 = arith.index_cast %squeeze3A_431 : i32 to index
      %get3A_435 = arith.constant 0 : index
      %get3A_436 = tpu.vector_load %arg6[%get3A_434, %get3A_435] {strides = array<i32>} : memref<20x64xf32, #tpu.memory_space<vmem>>, vector<1x16xf32>,
      %get3A_437 = vector.shape_cast %get3A_436 : vector<1x16xf32> to vector<16xf32>
      %swap3A_438 = arith.index_cast %add3A_433 : i32 to index
      %swap3A_439 = arith.constant 0 : index
      %swap3A_440 = tpu.vector_load %arg7[%swap3A_438, %swap3A_439] {strides = array<i32>} : memref<512x64xf32, #tpu.memory_space<vmem>>, vector<1x16xf32>,
      %swap3A_441 = vector.shape_cast %swap3A_440 : vector<1x16xf32> to vector<16xf32>
      %swap3A_442 = vector.shape_cast %get3A_437 : vector<16xf32> to vector<1x16xf32>
      tpu.vector_store %arg7[%swap3A_438, %swap3A_439], %swap3A_442 {strides = array<i32>} : memref<512x64xf32, #tpu.memory_space<vmem>>, vector<1x16xf32>,
      %get3A_443 = arith.index_cast %squeeze3A_431 : i32 to index
      %get3A_444 = arith.constant 16 : index
      %get3A_445 = tpu.vector_load %arg6[%get3A_443, %get3A_444] {strides = array<i32>} : memref<20x64xf32, #tpu.memory_space<vmem>>, vector<1x16xf32>,
      %get3A_446 = vector.shape_cast %get3A_445 : vector<1x16xf32> to vector<16xf32>
      %swap3A_447 = arith.index_cast %add3A_433 : i32 to index
      %swap3A_448 = arith.constant 16 : index
      %swap3A_449 = tpu.vector_load %arg7[%swap3A_447, %swap3A_448] {strides = array<i32>} : memref<512x64xf32, #tpu.memory_space<vmem>>, vector<1x16xf32>,
      %swap3A_450 = vector.shape_cast %swap3A_449 : vector<1x16xf32> to vector<16xf32>
      %swap3A_451 = vector.shape_cast %get3A_446 : vector<16xf32> to vector<1x16xf32>
      tpu.vector_store %arg7[%swap3A_447, %swap3A_448], %swap3A_451 {strides = array<i32>} : memref<512x64xf32, #tpu.memory_space<vmem>>, vector<1x16xf32>,
      %get3A_452 = arith.index_cast %squeeze3A_431 : i32 to index
      %get3A_453 = arith.constant 32 : index
      %get3A_454 = tpu.vector_load %arg6[%get3A_452, %get3A_453] {strides = array<i32>} : memref<20x64xf32, #tpu.memory_space<vmem>>, vector<1x16xf32>,
      %get3A_455 = vector.shape_cast %get3A_454 : vector<1x16xf32> to vector<16xf32>
      %swap3A_456 = arith.index_cast %add3A_433 : i32 to index
      %swap3A_457 = arith.constant 32 : index
      %swap3A_458 = tpu.vector_load %arg7[%swap3A_456, %swap3A_457] {strides = array<i32>} : memref<512x64xf32, #tpu.memory_space<vmem>>, vector<1x16xf32>,
      %swap3A_459 = vector.shape_cast %swap3A_458 : vector<1x16xf32> to vector<16xf32>
      %swap3A_460 = vector.shape_cast %get3A_455 : vector<16xf32> to vector<1x16xf32>
      tpu.vector_store %arg7[%swap3A_456, %swap3A_457], %swap3A_460 {strides = array<i32>} : memref<512x64xf32, #tpu.memory_space<vmem>>, vector<1x16xf32>,
      %get3A_461 = arith.index_cast %squeeze3A_431 : i32 to index
      %get3A_462 = arith.constant 48 : index
      %get3A_463 = tpu.vector_load %arg6[%get3A_461, %get3A_462] {strides = array<i32>} : memref<20x64xf32, #tpu.memory_space<vmem>>, vector<1x16xf32>,
      %get3A_464 = vector.shape_cast %get3A_463 : vector<1x16xf32> to vector<16xf32>
      %swap3A_465 = arith.index_cast %add3A_433 : i32 to index
      %swap3A_466 = arith.constant 48 : index
      %swap3A_467 = tpu.vector_load %arg7[%swap3A_465, %swap3A_466] {strides = array<i32>} : memref<512x64xf32, #tpu.memory_space<vmem>>, vector<1x16xf32>,
      %swap3A_468 = vector.shape_cast %swap3A_467 : vector<1x16xf32> to vector<16xf32>
      %swap3A_469 = vector.shape_cast %get3A_464 : vector<16xf32> to vector<1x16xf32>
      tpu.vector_store %arg7[%swap3A_465, %swap3A_466], %swap3A_469 {strides = array<i32>} : memref<512x64xf32, #tpu.memory_space<vmem>>, vector<1x16xf32>,
      %slice3A_470 = vector.extract_strided_slice %get3A_192 {offsets = [7], sizes = [1], strides = [1]} : vector<16xi32> to vector<1xi32>
      %squeeze3A_471 = vector.extract %slice3A_470[0] : i32 from vector<1xi32>
      %add3A_472 = arith.constant 7 : i32
      %add3A_473 = arith.addi %mul3A_190, %add3A_472 : i32
      %get3A_474 = arith.index_cast %squeeze3A_471 : i32 to index
      %get3A_475 = arith.constant 0 : index
      %get3A_476 = tpu.vector_load %arg6[%get3A_474, %get3A_475] {strides = array<i32>} : memref<20x64xf32, #tpu.memory_space<vmem>>, vector<1x16xf32>,
      %get3A_477 = vector.shape_cast %get3A_476 : vector<1x16xf32> to vector<16xf32>
      %swap3A_478 = arith.index_cast %add3A_473 : i32 to index
      %swap3A_479 = arith.constant 0 : index
      %swap3A_480 = tpu.vector_load %arg7[%swap3A_478, %swap3A_479] {strides = array<i32>} : memref<512x64xf32, #tpu.memory_space<vmem>>, vector<1x16xf32>,
      %swap3A_481 = vector.shape_cast %swap3A_480 : vector<1x16xf32> to vector<16xf32>
      %swap3A_482 = vector.shape_cast %get3A_477 : vector<16xf32> to vector<1x16xf32>
      tpu.vector_store %arg7[%swap3A_478, %swap3A_479], %swap3A_482 {strides = array<i32>} : memref<512x64xf32, #tpu.memory_space<vmem>>, vector<1x16xf32>,
      %get3A_483 = arith.index_cast %squeeze3A_471 : i32 to index
      %get3A_484 = arith.constant 16 : index
      %get3A_485 = tpu.vector_load %arg6[%get3A_483, %get3A_484] {strides = array<i32>} : memref<20x64xf32, #tpu.memory_space<vmem>>, vector<1x16xf32>,
      %get3A_486 = vector.shape_cast %get3A_485 : vector<1x16xf32> to vector<16xf32>
      %swap3A_487 = arith.index_cast %add3A_473 : i32 to index
      %swap3A_488 = arith.constant 16 : index
      %swap3A_489 = tpu.vector_load %arg7[%swap3A_487, %swap3A_488] {strides = array<i32>} : memref<512x64xf32, #tpu.memory_space<vmem>>, vector<1x16xf32>,
      %swap3A_490 = vector.shape_cast %swap3A_489 : vector<1x16xf32> to vector<16xf32>
      %swap3A_491 = vector.shape_cast %get3A_486 : vector<16xf32> to vector<1x16xf32>
      tpu.vector_store %arg7[%swap3A_487, %swap3A_488], %swap3A_491 {strides = array<i32>} : memref<512x64xf32, #tpu.memory_space<vmem>>, vector<1x16xf32>,
      %get3A_492 = arith.index_cast %squeeze3A_471 : i32 to index
      %get3A_493 = arith.constant 32 : index
      %get3A_494 = tpu.vector_load %arg6[%get3A_492, %get3A_493] {strides = array<i32>} : memref<20x64xf32, #tpu.memory_space<vmem>>, vector<1x16xf32>,
      %get3A_495 = vector.shape_cast %get3A_494 : vector<1x16xf32> to vector<16xf32>
      %swap3A_496 = arith.index_cast %add3A_473 : i32 to index
      %swap3A_497 = arith.constant 32 : index
      %swap3A_498 = tpu.vector_load %arg7[%swap3A_496, %swap3A_497] {strides = array<i32>} : memref<512x64xf32, #tpu.memory_space<vmem>>, vector<1x16xf32>,
      %swap3A_499 = vector.shape_cast %swap3A_498 : vector<1x16xf32> to vector<16xf32>
      %swap3A_500 = vector.shape_cast %get3A_495 : vector<16xf32> to vector<1x16xf32>
      tpu.vector_store %arg7[%swap3A_496, %swap3A_497], %swap3A_500 {strides = array<i32>} : memref<512x64xf32, #tpu.memory_space<vmem>>, vector<1x16xf32>,
      %get3A_501 = arith.index_cast %squeeze3A_471 : i32 to index
      %get3A_502 = arith.constant 48 : index
      %get3A_503 = tpu.vector_load %arg6[%get3A_501, %get3A_502] {strides = array<i32>} : memref<20x64xf32, #tpu.memory_space<vmem>>, vector<1x16xf32>,
      %get3A_504 = vector.shape_cast %get3A_503 : vector<1x16xf32> to vector<16xf32>
      %swap3A_505 = arith.index_cast %add3A_473 : i32 to index
      %swap3A_506 = arith.constant 48 : index
      %swap3A_507 = tpu.vector_load %arg7[%swap3A_505, %swap3A_506] {strides = array<i32>} : memref<512x64xf32, #tpu.memory_space<vmem>>, vector<1x16xf32>,
      %swap3A_508 = vector.shape_cast %swap3A_507 : vector<1x16xf32> to vector<16xf32>
      %swap3A_509 = vector.shape_cast %get3A_504 : vector<16xf32> to vector<1x16xf32>
      tpu.vector_store %arg7[%swap3A_505, %swap3A_506], %swap3A_509 {strides = array<i32>} : memref<512x64xf32, #tpu.memory_space<vmem>>, vector<1x16xf32>,
      %slice3A_510 = vector.extract_strided_slice %get3A_192 {offsets = [8], sizes = [1], strides = [1]} : vector<16xi32> to vector<1xi32>
      %squeeze3A_511 = vector.extract %slice3A_510[0] : i32 from vector<1xi32>
      %add3A_512 = arith.constant 8 : i32
      %add3A_513 = arith.addi %mul3A_190, %add3A_512 : i32
      %get3A_514 = arith.index_cast %squeeze3A_511 : i32 to index
      %get3A_515 = arith.constant 0 : index
      %get3A_516 = tpu.vector_load %arg6[%get3A_514, %get3A_515] {strides = array<i32>} : memref<20x64xf32, #tpu.memory_space<vmem>>, vector<1x16xf32>,
      %get3A_517 = vector.shape_cast %get3A_516 : vector<1x16xf32> to vector<16xf32>
      %swap3A_518 = arith.index_cast %add3A_513 : i32 to index
      %swap3A_519 = arith.constant 0 : index
      %swap3A_520 = tpu.vector_load %arg7[%swap3A_518, %swap3A_519] {strides = array<i32>} : memref<512x64xf32, #tpu.memory_space<vmem>>, vector<1x16xf32>,
      %swap3A_521 = vector.shape_cast %swap3A_520 : vector<1x16xf32> to vector<16xf32>
      %swap3A_522 = vector.shape_cast %get3A_517 : vector<16xf32> to vector<1x16xf32>
      tpu.vector_store %arg7[%swap3A_518, %swap3A_519], %swap3A_522 {strides = array<i32>} : memref<512x64xf32, #tpu.memory_space<vmem>>, vector<1x16xf32>,
      %get3A_523 = arith.index_cast %squeeze3A_511 : i32 to index
      %get3A_524 = arith.constant 16 : index
      %get3A_525 = tpu.vector_load %arg6[%get3A_523, %get3A_524] {strides = array<i32>} : memref<20x64xf32, #tpu.memory_space<vmem>>, vector<1x16xf32>,
      %get3A_526 = vector.shape_cast %get3A_525 : vector<1x16xf32> to vector<16xf32>
      %swap3A_527 = arith.index_cast %add3A_513 : i32 to index
      %swap3A_528 = arith.constant 16 : index
      %swap3A_529 = tpu.vector_load %arg7[%swap3A_527, %swap3A_528] {strides = array<i32>} : memref<512x64xf32, #tpu.memory_space<vmem>>, vector<1x16xf32>,
      %swap3A_530 = vector.shape_cast %swap3A_529 : vector<1x16xf32> to vector<16xf32>
      %swap3A_531 = vector.shape_cast %get3A_526 : vector<16xf32> to vector<1x16xf32>
      tpu.vector_store %arg7[%swap3A_527, %swap3A_528], %swap3A_531 {strides = array<i32>} : memref<512x64xf32, #tpu.memory_space<vmem>>, vector<1x16xf32>,
      %get3A_532 = arith.index_cast %squeeze3A_511 : i32 to index
      %get3A_533 = arith.constant 32 : index
      %get3A_534 = tpu.vector_load %arg6[%get3A_532, %get3A_533] {strides = array<i32>} : memref<20x64xf32, #tpu.memory_space<vmem>>, vector<1x16xf32>,
      %get3A_535 = vector.shape_cast %get3A_534 : vector<1x16xf32> to vector<16xf32>
      %swap3A_536 = arith.index_cast %add3A_513 : i32 to index
      %swap3A_537 = arith.constant 32 : index
      %swap3A_538 = tpu.vector_load %arg7[%swap3A_536, %swap3A_537] {strides = array<i32>} : memref<512x64xf32, #tpu.memory_space<vmem>>, vector<1x16xf32>,
      %swap3A_539 = vector.shape_cast %swap3A_538 : vector<1x16xf32> to vector<16xf32>
      %swap3A_540 = vector.shape_cast %get3A_535 : vector<16xf32> to vector<1x16xf32>
      tpu.vector_store %arg7[%swap3A_536, %swap3A_537], %swap3A_540 {strides = array<i32>} : memref<512x64xf32, #tpu.memory_space<vmem>>, vector<1x16xf32>,
      %get3A_541 = arith.index_cast %squeeze3A_511 : i32 to index
      %get3A_542 = arith.constant 48 : index
      %get3A_543 = tpu.vector_load %arg6[%get3A_541, %get3A_542] {strides = array<i32>} : memref<20x64xf32, #tpu.memory_space<vmem>>, vector<1x16xf32>,
      %get3A_544 = vector.shape_cast %get3A_543 : vector<1x16xf32> to vector<16xf32>
      %swap3A_545 = arith.index_cast %add3A_513 : i32 to index
      %swap3A_546 = arith.constant 48 : index
      %swap3A_547 = tpu.vector_load %arg7[%swap3A_545, %swap3A_546] {strides = array<i32>} : memref<512x64xf32, #tpu.memory_space<vmem>>, vector<1x16xf32>,
      %swap3A_548 = vector.shape_cast %swap3A_547 : vector<1x16xf32> to vector<16xf32>
      %swap3A_549 = vector.shape_cast %get3A_544 : vector<16xf32> to vector<1x16xf32>
      tpu.vector_store %arg7[%swap3A_545, %swap3A_546], %swap3A_549 {strides = array<i32>} : memref<512x64xf32, #tpu.memory_space<vmem>>, vector<1x16xf32>,
      %slice3A_550 = vector.extract_strided_slice %get3A_192 {offsets = [9], sizes = [1], strides = [1]} : vector<16xi32> to vector<1xi32>
      %squeeze3A_551 = vector.extract %slice3A_550[0] : i32 from vector<1xi32>
      %add3A_552 = arith.constant 9 : i32
      %add3A_553 = arith.addi %mul3A_190, %add3A_552 : i32
      %get3A_554 = arith.index_cast %squeeze3A_551 : i32 to index
      %get3A_555 = arith.constant 0 : index
      %get3A_556 = tpu.vector_load %arg6[%get3A_554, %get3A_555] {strides = array<i32>} : memref<20x64xf32, #tpu.memory_space<vmem>>, vector<1x16xf32>,
      %get3A_557 = vector.shape_cast %get3A_556 : vector<1x16xf32> to vector<16xf32>
      %swap3A_558 = arith.index_cast %add3A_553 : i32 to index
      %swap3A_559 = arith.constant 0 : index
      %swap3A_560 = tpu.vector_load %arg7[%swap3A_558, %swap3A_559] {strides = array<i32>} : memref<512x64xf32, #tpu.memory_space<vmem>>, vector<1x16xf32>,
      %swap3A_561 = vector.shape_cast %swap3A_560 : vector<1x16xf32> to vector<16xf32>
      %swap3A_562 = vector.shape_cast %get3A_557 : vector<16xf32> to vector<1x16xf32>
      tpu.vector_store %arg7[%swap3A_558, %swap3A_559], %swap3A_562 {strides = array<i32>} : memref<512x64xf32, #tpu.memory_space<vmem>>, vector<1x16xf32>,
      %get3A_563 = arith.index_cast %squeeze3A_551 : i32 to index
      %get3A_564 = arith.constant 16 : index
      %get3A_565 = tpu.vector_load %arg6[%get3A_563, %get3A_564] {strides = array<i32>} : memref<20x64xf32, #tpu.memory_space<vmem>>, vector<1x16xf32>,
      %get3A_566 = vector.shape_cast %get3A_565 : vector<1x16xf32> to vector<16xf32>
      %swap3A_567 = arith.index_cast %add3A_553 : i32 to index
      %swap3A_568 = arith.constant 16 : index
      %swap3A_569 = tpu.vector_load %arg7[%swap3A_567, %swap3A_568] {strides = array<i32>} : memref<512x64xf32, #tpu.memory_space<vmem>>, vector<1x16xf32>,
      %swap3A_570 = vector.shape_cast %swap3A_569 : vector<1x16xf32> to vector<16xf32>
      %swap3A_571 = vector.shape_cast %get3A_566 : vector<16xf32> to vector<1x16xf32>
      tpu.vector_store %arg7[%swap3A_567, %swap3A_568], %swap3A_571 {strides = array<i32>} : memref<512x64xf32, #tpu.memory_space<vmem>>, vector<1x16xf32>,
      %get3A_572 = arith.index_cast %squeeze3A_551 : i32 to index
      %get3A_573 = arith.constant 32 : index
      %get3A_574 = tpu.vector_load %arg6[%get3A_572, %get3A_573] {strides = array<i32>} : memref<20x64xf32, #tpu.memory_space<vmem>>, vector<1x16xf32>,
      %get3A_575 = vector.shape_cast %get3A_574 : vector<1x16xf32> to vector<16xf32>
      %swap3A_576 = arith.index_cast %add3A_553 : i32 to index
      %swap3A_577 = arith.constant 32 : index
      %swap3A_578 = tpu.vector_load %arg7[%swap3A_576, %swap3A_577] {strides = array<i32>} : memref<512x64xf32, #tpu.memory_space<vmem>>, vector<1x16xf32>,
      %swap3A_579 = vector.shape_cast %swap3A_578 : vector<1x16xf32> to vector<16xf32>
      %swap3A_580 = vector.shape_cast %get3A_575 : vector<16xf32> to vector<1x16xf32>
      tpu.vector_store %arg7[%swap3A_576, %swap3A_577], %swap3A_580 {strides = array<i32>} : memref<512x64xf32, #tpu.memory_space<vmem>>, vector<1x16xf32>,
      %get3A_581 = arith.index_cast %squeeze3A_551 : i32 to index
      %get3A_582 = arith.constant 48 : index
      %get3A_583 = tpu.vector_load %arg6[%get3A_581, %get3A_582] {strides = array<i32>} : memref<20x64xf32, #tpu.memory_space<vmem>>, vector<1x16xf32>,
      %get3A_584 = vector.shape_cast %get3A_583 : vector<1x16xf32> to vector<16xf32>
      %swap3A_585 = arith.index_cast %add3A_553 : i32 to index
      %swap3A_586 = arith.constant 48 : index
      %swap3A_587 = tpu.vector_load %arg7[%swap3A_585, %swap3A_586] {strides = array<i32>} : memref<512x64xf32, #tpu.memory_space<vmem>>, vector<1x16xf32>,
      %swap3A_588 = vector.shape_cast %swap3A_587 : vector<1x16xf32> to vector<16xf32>
      %swap3A_589 = vector.shape_cast %get3A_584 : vector<16xf32> to vector<1x16xf32>
      tpu.vector_store %arg7[%swap3A_585, %swap3A_586], %swap3A_589 {strides = array<i32>} : memref<512x64xf32, #tpu.memory_space<vmem>>, vector<1x16xf32>,
      %slice3A_590 = vector.extract_strided_slice %get3A_192 {offsets = [10], sizes = [1], strides = [1]} : vector<16xi32> to vector<1xi32>
      %squeeze3A_591 = vector.extract %slice3A_590[0] : i32 from vector<1xi32>
      %add3A_592 = arith.constant 10 : i32
      %add3A_593 = arith.addi %mul3A_190, %add3A_592 : i32
      %get3A_594 = arith.index_cast %squeeze3A_591 : i32 to index
      %get3A_595 = arith.constant 0 : index
      %get3A_596 = tpu.vector_load %arg6[%get3A_594, %get3A_595] {strides = array<i32>} : memref<20x64xf32, #tpu.memory_space<vmem>>, vector<1x16xf32>,
      %get3A_597 = vector.shape_cast %get3A_596 : vector<1x16xf32> to vector<16xf32>
      %swap3A_598 = arith.index_cast %add3A_593 : i32 to index
      %swap3A_599 = arith.constant 0 : index
      %swap3A_600 = tpu.vector_load %arg7[%swap3A_598, %swap3A_599] {strides = array<i32>} : memref<512x64xf32, #tpu.memory_space<vmem>>, vector<1x16xf32>,
      %swap3A_601 = vector.shape_cast %swap3A_600 : vector<1x16xf32> to vector<16xf32>
      %swap3A_602 = vector.shape_cast %get3A_597 : vector<16xf32> to vector<1x16xf32>
      tpu.vector_store %arg7[%swap3A_598, %swap3A_599], %swap3A_602 {strides = array<i32>} : memref<512x64xf32, #tpu.memory_space<vmem>>, vector<1x16xf32>,
      %get3A_603 = arith.index_cast %squeeze3A_591 : i32 to index
      %get3A_604 = arith.constant 16 : index
      %get3A_605 = tpu.vector_load %arg6[%get3A_603, %get3A_604] {strides = array<i32>} : memref<20x64xf32, #tpu.memory_space<vmem>>, vector<1x16xf32>,
      %get3A_606 = vector.shape_cast %get3A_605 : vector<1x16xf32> to vector<16xf32>
      %swap3A_607 = arith.index_cast %add3A_593 : i32 to index
      %swap3A_608 = arith.constant 16 : index
      %swap3A_609 = tpu.vector_load %arg7[%swap3A_607, %swap3A_608] {strides = array<i32>} : memref<512x64xf32, #tpu.memory_space<vmem>>, vector<1x16xf32>,
      %swap3A_610 = vector.shape_cast %swap3A_609 : vector<1x16xf32> to vector<16xf32>
      %swap3A_611 = vector.shape_cast %get3A_606 : vector<16xf32> to vector<1x16xf32>
      tpu.vector_store %arg7[%swap3A_607, %swap3A_608], %swap3A_611 {strides = array<i32>} : memref<512x64xf32, #tpu.memory_space<vmem>>, vector<1x16xf32>,
      %get3A_612 = arith.index_cast %squeeze3A_591 : i32 to index
      %get3A_613 = arith.constant 32 : index
      %get3A_614 = tpu.vector_load %arg6[%get3A_612, %get3A_613] {strides = array<i32>} : memref<20x64xf32, #tpu.memory_space<vmem>>, vector<1x16xf32>,
      %get3A_615 = vector.shape_cast %get3A_614 : vector<1x16xf32> to vector<16xf32>
      %swap3A_616 = arith.index_cast %add3A_593 : i32 to index
      %swap3A_617 = arith.constant 32 : index
      %swap3A_618 = tpu.vector_load %arg7[%swap3A_616, %swap3A_617] {strides = array<i32>} : memref<512x64xf32, #tpu.memory_space<vmem>>, vector<1x16xf32>,
      %swap3A_619 = vector.shape_cast %swap3A_618 : vector<1x16xf32> to vector<16xf32>
      %swap3A_620 = vector.shape_cast %get3A_615 : vector<16xf32> to vector<1x16xf32>
      tpu.vector_store %arg7[%swap3A_616, %swap3A_617], %swap3A_620 {strides = array<i32>} : memref<512x64xf32, #tpu.memory_space<vmem>>, vector<1x16xf32>,
      %get3A_621 = arith.index_cast %squeeze3A_591 : i32 to index
      %get3A_622 = arith.constant 48 : index
      %get3A_623 = tpu.vector_load %arg6[%get3A_621, %get3A_622] {strides = array<i32>} : memref<20x64xf32, #tpu.memory_space<vmem>>, vector<1x16xf32>,
      %get3A_624 = vector.shape_cast %get3A_623 : vector<1x16xf32> to vector<16xf32>
      %swap3A_625 = arith.index_cast %add3A_593 : i32 to index
      %swap3A_626 = arith.constant 48 : index
      %swap3A_627 = tpu.vector_load %arg7[%swap3A_625, %swap3A_626] {strides = array<i32>} : memref<512x64xf32, #tpu.memory_space<vmem>>, vector<1x16xf32>,
      %swap3A_628 = vector.shape_cast %swap3A_627 : vector<1x16xf32> to vector<16xf32>
      %swap3A_629 = vector.shape_cast %get3A_624 : vector<16xf32> to vector<1x16xf32>
      tpu.vector_store %arg7[%swap3A_625, %swap3A_626], %swap3A_629 {strides = array<i32>} : memref<512x64xf32, #tpu.memory_space<vmem>>, vector<1x16xf32>,
      %slice3A_630 = vector.extract_strided_slice %get3A_192 {offsets = [11], sizes = [1], strides = [1]} : vector<16xi32> to vector<1xi32>
      %squeeze3A_631 = vector.extract %slice3A_630[0] : i32 from vector<1xi32>
      %add3A_632 = arith.constant 11 : i32
      %add3A_633 = arith.addi %mul3A_190, %add3A_632 : i32
      %get3A_634 = arith.index_cast %squeeze3A_631 : i32 to index
      %get3A_635 = arith.constant 0 : index
      %get3A_636 = tpu.vector_load %arg6[%get3A_634, %get3A_635] {strides = array<i32>} : memref<20x64xf32, #tpu.memory_space<vmem>>, vector<1x16xf32>,
      %get3A_637 = vector.shape_cast %get3A_636 : vector<1x16xf32> to vector<16xf32>
      %swap3A_638 = arith.index_cast %add3A_633 : i32 to index
      %swap3A_639 = arith.constant 0 : index
      %swap3A_640 = tpu.vector_load %arg7[%swap3A_638, %swap3A_639] {strides = array<i32>} : memref<512x64xf32, #tpu.memory_space<vmem>>, vector<1x16xf32>,
      %swap3A_641 = vector.shape_cast %swap3A_640 : vector<1x16xf32> to vector<16xf32>
      %swap3A_642 = vector.shape_cast %get3A_637 : vector<16xf32> to vector<1x16xf32>
      tpu.vector_store %arg7[%swap3A_638, %swap3A_639], %swap3A_642 {strides = array<i32>} : memref<512x64xf32, #tpu.memory_space<vmem>>, vector<1x16xf32>,
      %get3A_643 = arith.index_cast %squeeze3A_631 : i32 to index
      %get3A_644 = arith.constant 16 : index
      %get3A_645 = tpu.vector_load %arg6[%get3A_643, %get3A_644] {strides = array<i32>} : memref<20x64xf32, #tpu.memory_space<vmem>>, vector<1x16xf32>,
      %get3A_646 = vector.shape_cast %get3A_645 : vector<1x16xf32> to vector<16xf32>
      %swap3A_647 = arith.index_cast %add3A_633 : i32 to index
      %swap3A_648 = arith.constant 16 : index
      %swap3A_649 = tpu.vector_load %arg7[%swap3A_647, %swap3A_648] {strides = array<i32>} : memref<512x64xf32, #tpu.memory_space<vmem>>, vector<1x16xf32>,
      %swap3A_650 = vector.shape_cast %swap3A_649 : vector<1x16xf32> to vector<16xf32>
      %swap3A_651 = vector.shape_cast %get3A_646 : vector<16xf32> to vector<1x16xf32>
      tpu.vector_store %arg7[%swap3A_647, %swap3A_648], %swap3A_651 {strides = array<i32>} : memref<512x64xf32, #tpu.memory_space<vmem>>, vector<1x16xf32>,
      %get3A_652 = arith.index_cast %squeeze3A_631 : i32 to index
      %get3A_653 = arith.constant 32 : index
      %get3A_654 = tpu.vector_load %arg6[%get3A_652, %get3A_653] {strides = array<i32>} : memref<20x64xf32, #tpu.memory_space<vmem>>, vector<1x16xf32>,
      %get3A_655 = vector.shape_cast %get3A_654 : vector<1x16xf32> to vector<16xf32>
      %swap3A_656 = arith.index_cast %add3A_633 : i32 to index
      %swap3A_657 = arith.constant 32 : index
      %swap3A_658 = tpu.vector_load %arg7[%swap3A_656, %swap3A_657] {strides = array<i32>} : memref<512x64xf32, #tpu.memory_space<vmem>>, vector<1x16xf32>,
      %swap3A_659 = vector.shape_cast %swap3A_658 : vector<1x16xf32> to vector<16xf32>
      %swap3A_660 = vector.shape_cast %get3A_655 : vector<16xf32> to vector<1x16xf32>
      tpu.vector_store %arg7[%swap3A_656, %swap3A_657], %swap3A_660 {strides = array<i32>} : memref<512x64xf32, #tpu.memory_space<vmem>>, vector<1x16xf32>,
      %get3A_661 = arith.index_cast %squeeze3A_631 : i32 to index
      %get3A_662 = arith.constant 48 : index
      %get3A_663 = tpu.vector_load %arg6[%get3A_661, %get3A_662] {strides = array<i32>} : memref<20x64xf32, #tpu.memory_space<vmem>>, vector<1x16xf32>,
      %get3A_664 = vector.shape_cast %get3A_663 : vector<1x16xf32> to vector<16xf32>
      %swap3A_665 = arith.index_cast %add3A_633 : i32 to index
      %swap3A_666 = arith.constant 48 : index
      %swap3A_667 = tpu.vector_load %arg7[%swap3A_665, %swap3A_666] {strides = array<i32>} : memref<512x64xf32, #tpu.memory_space<vmem>>, vector<1x16xf32>,
      %swap3A_668 = vector.shape_cast %swap3A_667 : vector<1x16xf32> to vector<16xf32>
      %swap3A_669 = vector.shape_cast %get3A_664 : vector<16xf32> to vector<1x16xf32>
      tpu.vector_store %arg7[%swap3A_665, %swap3A_666], %swap3A_669 {strides = array<i32>} : memref<512x64xf32, #tpu.memory_space<vmem>>, vector<1x16xf32>,
      %slice3A_670 = vector.extract_strided_slice %get3A_192 {offsets = [12], sizes = [1], strides = [1]} : vector<16xi32> to vector<1xi32>
      %squeeze3A_671 = vector.extract %slice3A_670[0] : i32 from vector<1xi32>
      %add3A_672 = arith.constant 12 : i32
      %add3A_673 = arith.addi %mul3A_190, %add3A_672 : i32
      %get3A_674 = arith.index_cast %squeeze3A_671 : i32 to index
      %get3A_675 = arith.constant 0 : index
      %get3A_676 = tpu.vector_load %arg6[%get3A_674, %get3A_675] {strides = array<i32>} : memref<20x64xf32, #tpu.memory_space<vmem>>, vector<1x16xf32>,
      %get3A_677 = vector.shape_cast %get3A_676 : vector<1x16xf32> to vector<16xf32>
      %swap3A_678 = arith.index_cast %add3A_673 : i32 to index
      %swap3A_679 = arith.constant 0 : index
      %swap3A_680 = tpu.vector_load %arg7[%swap3A_678, %swap3A_679] {strides = array<i32>} : memref<512x64xf32, #tpu.memory_space<vmem>>, vector<1x16xf32>,
      %swap3A_681 = vector.shape_cast %swap3A_680 : vector<1x16xf32> to vector<16xf32>
      %swap3A_682 = vector.shape_cast %get3A_677 : vector<16xf32> to vector<1x16xf32>
      tpu.vector_store %arg7[%swap3A_678, %swap3A_679], %swap3A_682 {strides = array<i32>} : memref<512x64xf32, #tpu.memory_space<vmem>>, vector<1x16xf32>,
      %get3A_683 = arith.index_cast %squeeze3A_671 : i32 to index
      %get3A_684 = arith.constant 16 : index
      %get3A_685 = tpu.vector_load %arg6[%get3A_683, %get3A_684] {strides = array<i32>} : memref<20x64xf32, #tpu.memory_space<vmem>>, vector<1x16xf32>,
      %get3A_686 = vector.shape_cast %get3A_685 : vector<1x16xf32> to vector<16xf32>
      %swap3A_687 = arith.index_cast %add3A_673 : i32 to index
      %swap3A_688 = arith.constant 16 : index
      %swap3A_689 = tpu.vector_load %arg7[%swap3A_687, %swap3A_688] {strides = array<i32>} : memref<512x64xf32, #tpu.memory_space<vmem>>, vector<1x16xf32>,
      %swap3A_690 = vector.shape_cast %swap3A_689 : vector<1x16xf32> to vector<16xf32>
      %swap3A_691 = vector.shape_cast %get3A_686 : vector<16xf32> to vector<1x16xf32>
      tpu.vector_store %arg7[%swap3A_687, %swap3A_688], %swap3A_691 {strides = array<i32>} : memref<512x64xf32, #tpu.memory_space<vmem>>, vector<1x16xf32>,
      %get3A_692 = arith.index_cast %squeeze3A_671 : i32 to index
      %get3A_693 = arith.constant 32 : index
      %get3A_694 = tpu.vector_load %arg6[%get3A_692, %get3A_693] {strides = array<i32>} : memref<20x64xf32, #tpu.memory_space<vmem>>, vector<1x16xf32>,
      %get3A_695 = vector.shape_cast %get3A_694 : vector<1x16xf32> to vector<16xf32>
      %swap3A_696 = arith.index_cast %add3A_673 : i32 to index
      %swap3A_697 = arith.constant 32 : index
      %swap3A_698 = tpu.vector_load %arg7[%swap3A_696, %swap3A_697] {strides = array<i32>} : memref<512x64xf32, #tpu.memory_space<vmem>>, vector<1x16xf32>,
      %swap3A_699 = vector.shape_cast %swap3A_698 : vector<1x16xf32> to vector<16xf32>
      %swap3A_700 = vector.shape_cast %get3A_695 : vector<16xf32> to vector<1x16xf32>
      tpu.vector_store %arg7[%swap3A_696, %swap3A_697], %swap3A_700 {strides = array<i32>} : memref<512x64xf32, #tpu.memory_space<vmem>>, vector<1x16xf32>,
      %get3A_701 = arith.index_cast %squeeze3A_671 : i32 to index
      %get3A_702 = arith.constant 48 : index
      %get3A_703 = tpu.vector_load %arg6[%get3A_701, %get3A_702] {strides = array<i32>} : memref<20x64xf32, #tpu.memory_space<vmem>>, vector<1x16xf32>,
      %get3A_704 = vector.shape_cast %get3A_703 : vector<1x16xf32> to vector<16xf32>
      %swap3A_705 = arith.index_cast %add3A_673 : i32 to index
      %swap3A_706 = arith.constant 48 : index
      %swap3A_707 = tpu.vector_load %arg7[%swap3A_705, %swap3A_706] {strides = array<i32>} : memref<512x64xf32, #tpu.memory_space<vmem>>, vector<1x16xf32>,
      %swap3A_708 = vector.shape_cast %swap3A_707 : vector<1x16xf32> to vector<16xf32>
      %swap3A_709 = vector.shape_cast %get3A_704 : vector<16xf32> to vector<1x16xf32>
      tpu.vector_store %arg7[%swap3A_705, %swap3A_706], %swap3A_709 {strides = array<i32>} : memref<512x64xf32, #tpu.memory_space<vmem>>, vector<1x16xf32>,
      %slice3A_710 = vector.extract_strided_slice %get3A_192 {offsets = [13], sizes = [1], strides = [1]} : vector<16xi32> to vector<1xi32>
      %squeeze3A_711 = vector.extract %slice3A_710[0] : i32 from vector<1xi32>
      %add3A_712 = arith.constant 13 : i32
      %add3A_713 = arith.addi %mul3A_190, %add3A_712 : i32
      %get3A_714 = arith.index_cast %squeeze3A_711 : i32 to index
      %get3A_715 = arith.constant 0 : index
      %get3A_716 = tpu.vector_load %arg6[%get3A_714, %get3A_715] {strides = array<i32>} : memref<20x64xf32, #tpu.memory_space<vmem>>, vector<1x16xf32>,
      %get3A_717 = vector.shape_cast %get3A_716 : vector<1x16xf32> to vector<16xf32>
      %swap3A_718 = arith.index_cast %add3A_713 : i32 to index
      %swap3A_719 = arith.constant 0 : index
      %swap3A_720 = tpu.vector_load %arg7[%swap3A_718, %swap3A_719] {strides = array<i32>} : memref<512x64xf32, #tpu.memory_space<vmem>>, vector<1x16xf32>,
      %swap3A_721 = vector.shape_cast %swap3A_720 : vector<1x16xf32> to vector<16xf32>
      %swap3A_722 = vector.shape_cast %get3A_717 : vector<16xf32> to vector<1x16xf32>
      tpu.vector_store %arg7[%swap3A_718, %swap3A_719], %swap3A_722 {strides = array<i32>} : memref<512x64xf32, #tpu.memory_space<vmem>>, vector<1x16xf32>,
      %get3A_723 = arith.index_cast %squeeze3A_711 : i32 to index
      %get3A_724 = arith.constant 16 : index
      %get3A_725 = tpu.vector_load %arg6[%get3A_723, %get3A_724] {strides = array<i32>} : memref<20x64xf32, #tpu.memory_space<vmem>>, vector<1x16xf32>,
      %get3A_726 = vector.shape_cast %get3A_725 : vector<1x16xf32> to vector<16xf32>
      %swap3A_727 = arith.index_cast %add3A_713 : i32 to index
      %swap3A_728 = arith.constant 16 : index
      %swap3A_729 = tpu.vector_load %arg7[%swap3A_727, %swap3A_728] {strides = array<i32>} : memref<512x64xf32, #tpu.memory_space<vmem>>, vector<1x16xf32>,
      %swap3A_730 = vector.shape_cast %swap3A_729 : vector<1x16xf32> to vector<16xf32>
      %swap3A_731 = vector.shape_cast %get3A_726 : vector<16xf32> to vector<1x16xf32>
      tpu.vector_store %arg7[%swap3A_727, %swap3A_728], %swap3A_731 {strides = array<i32>} : memref<512x64xf32, #tpu.memory_space<vmem>>, vector<1x16xf32>,
      %get3A_732 = arith.index_cast %squeeze3A_711 : i32 to index
      %get3A_733 = arith.constant 32 : index
      %get3A_734 = tpu.vector_load %arg6[%get3A_732, %get3A_733] {strides = array<i32>} : memref<20x64xf32, #tpu.memory_space<vmem>>, vector<1x16xf32>,
      %get3A_735 = vector.shape_cast %get3A_734 : vector<1x16xf32> to vector<16xf32>
      %swap3A_736 = arith.index_cast %add3A_713 : i32 to index
      %swap3A_737 = arith.constant 32 : index
      %swap3A_738 = tpu.vector_load %arg7[%swap3A_736, %swap3A_737] {strides = array<i32>} : memref<512x64xf32, #tpu.memory_space<vmem>>, vector<1x16xf32>,
      %swap3A_739 = vector.shape_cast %swap3A_738 : vector<1x16xf32> to vector<16xf32>
      %swap3A_740 = vector.shape_cast %get3A_735 : vector<16xf32> to vector<1x16xf32>
      tpu.vector_store %arg7[%swap3A_736, %swap3A_737], %swap3A_740 {strides = array<i32>} : memref<512x64xf32, #tpu.memory_space<vmem>>, vector<1x16xf32>,
      %get3A_741 = arith.index_cast %squeeze3A_711 : i32 to index
      %get3A_742 = arith.constant 48 : index
      %get3A_743 = tpu.vector_load %arg6[%get3A_741, %get3A_742] {strides = array<i32>} : memref<20x64xf32, #tpu.memory_space<vmem>>, vector<1x16xf32>,
      %get3A_744 = vector.shape_cast %get3A_743 : vector<1x16xf32> to vector<16xf32>
      %swap3A_745 = arith.index_cast %add3A_713 : i32 to index
      %swap3A_746 = arith.constant 48 : index
      %swap3A_747 = tpu.vector_load %arg7[%swap3A_745, %swap3A_746] {strides = array<i32>} : memref<512x64xf32, #tpu.memory_space<vmem>>, vector<1x16xf32>,
      %swap3A_748 = vector.shape_cast %swap3A_747 : vector<1x16xf32> to vector<16xf32>
      %swap3A_749 = vector.shape_cast %get3A_744 : vector<16xf32> to vector<1x16xf32>
      tpu.vector_store %arg7[%swap3A_745, %swap3A_746], %swap3A_749 {strides = array<i32>} : memref<512x64xf32, #tpu.memory_space<vmem>>, vector<1x16xf32>,
      %slice3A_750 = vector.extract_strided_slice %get3A_192 {offsets = [14], sizes = [1], strides = [1]} : vector<16xi32> to vector<1xi32>
      %squeeze3A_751 = vector.extract %slice3A_750[0] : i32 from vector<1xi32>
      %add3A_752 = arith.constant 14 : i32
      %add3A_753 = arith.addi %mul3A_190, %add3A_752 : i32
      %get3A_754 = arith.index_cast %squeeze3A_751 : i32 to index
      %get3A_755 = arith.constant 0 : index
      %get3A_756 = tpu.vector_load %arg6[%get3A_754, %get3A_755] {strides = array<i32>} : memref<20x64xf32, #tpu.memory_space<vmem>>, vector<1x16xf32>,
      %get3A_757 = vector.shape_cast %get3A_756 : vector<1x16xf32> to vector<16xf32>
      %swap3A_758 = arith.index_cast %add3A_753 : i32 to index
      %swap3A_759 = arith.constant 0 : index
      %swap3A_760 = tpu.vector_load %arg7[%swap3A_758, %swap3A_759] {strides = array<i32>} : memref<512x64xf32, #tpu.memory_space<vmem>>, vector<1x16xf32>,
      %swap3A_761 = vector.shape_cast %swap3A_760 : vector<1x16xf32> to vector<16xf32>
      %swap3A_762 = vector.shape_cast %get3A_757 : vector<16xf32> to vector<1x16xf32>
      tpu.vector_store %arg7[%swap3A_758, %swap3A_759], %swap3A_762 {strides = array<i32>} : memref<512x64xf32, #tpu.memory_space<vmem>>, vector<1x16xf32>,
      %get3A_763 = arith.index_cast %squeeze3A_751 : i32 to index
      %get3A_764 = arith.constant 16 : index
      %get3A_765 = tpu.vector_load %arg6[%get3A_763, %get3A_764] {strides = array<i32>} : memref<20x64xf32, #tpu.memory_space<vmem>>, vector<1x16xf32>,
      %get3A_766 = vector.shape_cast %get3A_765 : vector<1x16xf32> to vector<16xf32>
      %swap3A_767 = arith.index_cast %add3A_753 : i32 to index
      %swap3A_768 = arith.constant 16 : index
      %swap3A_769 = tpu.vector_load %arg7[%swap3A_767, %swap3A_768] {strides = array<i32>} : memref<512x64xf32, #tpu.memory_space<vmem>>, vector<1x16xf32>,
      %swap3A_770 = vector.shape_cast %swap3A_769 : vector<1x16xf32> to vector<16xf32>
      %swap3A_771 = vector.shape_cast %get3A_766 : vector<16xf32> to vector<1x16xf32>
      tpu.vector_store %arg7[%swap3A_767, %swap3A_768], %swap3A_771 {strides = array<i32>} : memref<512x64xf32, #tpu.memory_space<vmem>>, vector<1x16xf32>,
      %get3A_772 = arith.index_cast %squeeze3A_751 : i32 to index
      %get3A_773 = arith.constant 32 : index
      %get3A_774 = tpu.vector_load %arg6[%get3A_772, %get3A_773] {strides = array<i32>} : memref<20x64xf32, #tpu.memory_space<vmem>>, vector<1x16xf32>,
      %get3A_775 = vector.shape_cast %get3A_774 : vector<1x16xf32> to vector<16xf32>
      %swap3A_776 = arith.index_cast %add3A_753 : i32 to index
      %swap3A_777 = arith.constant 32 : index
      %swap3A_778 = tpu.vector_load %arg7[%swap3A_776, %swap3A_777] {strides = array<i32>} : memref<512x64xf32, #tpu.memory_space<vmem>>, vector<1x16xf32>,
      %swap3A_779 = vector.shape_cast %swap3A_778 : vector<1x16xf32> to vector<16xf32>
      %swap3A_780 = vector.shape_cast %get3A_775 : vector<16xf32> to vector<1x16xf32>
      tpu.vector_store %arg7[%swap3A_776, %swap3A_777], %swap3A_780 {strides = array<i32>} : memref<512x64xf32, #tpu.memory_space<vmem>>, vector<1x16xf32>,
      %get3A_781 = arith.index_cast %squeeze3A_751 : i32 to index
      %get3A_782 = arith.constant 48 : index
      %get3A_783 = tpu.vector_load %arg6[%get3A_781, %get3A_782] {strides = array<i32>} : memref<20x64xf32, #tpu.memory_space<vmem>>, vector<1x16xf32>,
      %get3A_784 = vector.shape_cast %get3A_783 : vector<1x16xf32> to vector<16xf32>
      %swap3A_785 = arith.index_cast %add3A_753 : i32 to index
      %swap3A_786 = arith.constant 48 : index
      %swap3A_787 = tpu.vector_load %arg7[%swap3A_785, %swap3A_786] {strides = array<i32>} : memref<512x64xf32, #tpu.memory_space<vmem>>, vector<1x16xf32>,
      %swap3A_788 = vector.shape_cast %swap3A_787 : vector<1x16xf32> to vector<16xf32>
      %swap3A_789 = vector.shape_cast %get3A_784 : vector<16xf32> to vector<1x16xf32>
      tpu.vector_store %arg7[%swap3A_785, %swap3A_786], %swap3A_789 {strides = array<i32>} : memref<512x64xf32, #tpu.memory_space<vmem>>, vector<1x16xf32>,
      %slice3A_790 = vector.extract_strided_slice %get3A_192 {offsets = [15], sizes = [1], strides = [1]} : vector<16xi32> to vector<1xi32>
      %squeeze3A_791 = vector.extract %slice3A_790[0] : i32 from vector<1xi32>
      %add3A_792 = arith.constant 15 : i32
      %add3A_793 = arith.addi %mul3A_190, %add3A_792 : i32
      %get3A_794 = arith.index_cast %squeeze3A_791 : i32 to index
      %get3A_795 = arith.constant 0 : index
      %get3A_796 = tpu.vector_load %arg6[%get3A_794, %get3A_795] {strides = array<i32>} : memref<20x64xf32, #tpu.memory_space<vmem>>, vector<1x16xf32>,
      %get3A_797 = vector.shape_cast %get3A_796 : vector<1x16xf32> to vector<16xf32>
      %swap3A_798 = arith.index_cast %add3A_793 : i32 to index
      %swap3A_799 = arith.constant 0 : index
      %swap3A_800 = tpu.vector_load %arg7[%swap3A_798, %swap3A_799] {strides = array<i32>} : memref<512x64xf32, #tpu.memory_space<vmem>>, vector<1x16xf32>,
      %swap3A_801 = vector.shape_cast %swap3A_800 : vector<1x16xf32> to vector<16xf32>
      %swap3A_802 = vector.shape_cast %get3A_797 : vector<16xf32> to vector<1x16xf32>
      tpu.vector_store %arg7[%swap3A_798, %swap3A_799], %swap3A_802 {strides = array<i32>} : memref<512x64xf32, #tpu.memory_space<vmem>>, vector<1x16xf32>,
      %get3A_803 = arith.index_cast %squeeze3A_791 : i32 to index
      %get3A_804 = arith.constant 16 : index
      %get3A_805 = tpu.vector_load %arg6[%get3A_803, %get3A_804] {strides = array<i32>} : memref<20x64xf32, #tpu.memory_space<vmem>>, vector<1x16xf32>,
      %get3A_806 = vector.shape_cast %get3A_805 : vector<1x16xf32> to vector<16xf32>
      %swap3A_807 = arith.index_cast %add3A_793 : i32 to index
      %swap3A_808 = arith.constant 16 : index
      %swap3A_809 = tpu.vector_load %arg7[%swap3A_807, %swap3A_808] {strides = array<i32>} : memref<512x64xf32, #tpu.memory_space<vmem>>, vector<1x16xf32>,
      %swap3A_810 = vector.shape_cast %swap3A_809 : vector<1x16xf32> to vector<16xf32>
      %swap3A_811 = vector.shape_cast %get3A_806 : vector<16xf32> to vector<1x16xf32>
      tpu.vector_store %arg7[%swap3A_807, %swap3A_808], %swap3A_811 {strides = array<i32>} : memref<512x64xf32, #tpu.memory_space<vmem>>, vector<1x16xf32>,
      %get3A_812 = arith.index_cast %squeeze3A_791 : i32 to index
      %get3A_813 = arith.constant 32 : index
      %get3A_814 = tpu.vector_load %arg6[%get3A_812, %get3A_813] {strides = array<i32>} : memref<20x64xf32, #tpu.memory_space<vmem>>, vector<1x16xf32>,
      %get3A_815 = vector.shape_cast %get3A_814 : vector<1x16xf32> to vector<16xf32>
      %swap3A_816 = arith.index_cast %add3A_793 : i32 to index
      %swap3A_817 = arith.constant 32 : index
      %swap3A_818 = tpu.vector_load %arg7[%swap3A_816, %swap3A_817] {strides = array<i32>} : memref<512x64xf32, #tpu.memory_space<vmem>>, vector<1x16xf32>,
      %swap3A_819 = vector.shape_cast %swap3A_818 : vector<1x16xf32> to vector<16xf32>
      %swap3A_820 = vector.shape_cast %get3A_815 : vector<16xf32> to vector<1x16xf32>
      tpu.vector_store %arg7[%swap3A_816, %swap3A_817], %swap3A_820 {strides = array<i32>} : memref<512x64xf32, #tpu.memory_space<vmem>>, vector<1x16xf32>,
      %get3A_821 = arith.index_cast %squeeze3A_791 : i32 to index
      %get3A_822 = arith.constant 48 : index
      %get3A_823 = tpu.vector_load %arg6[%get3A_821, %get3A_822] {strides = array<i32>} : memref<20x64xf32, #tpu.memory_space<vmem>>, vector<1x16xf32>,
      %get3A_824 = vector.shape_cast %get3A_823 : vector<1x16xf32> to vector<16xf32>
      %swap3A_825 = arith.index_cast %add3A_793 : i32 to index
      %swap3A_826 = arith.constant 48 : index
      %swap3A_827 = tpu.vector_load %arg7[%swap3A_825, %swap3A_826] {strides = array<i32>} : memref<512x64xf32, #tpu.memory_space<vmem>>, vector<1x16xf32>,
      %swap3A_828 = vector.shape_cast %swap3A_827 : vector<1x16xf32> to vector<16xf32>
      %swap3A_829 = vector.shape_cast %get3A_824 : vector<16xf32> to vector<1x16xf32>
      tpu.vector_store %arg7[%swap3A_825, %swap3A_826], %swap3A_829 {strides = array<i32>} : memref<512x64xf32, #tpu.memory_space<vmem>>, vector<1x16xf32>,
    }
    %scan3A_9 = arith.constant 8 : i32
    %dma_start3A_10 = arith.constant 0 : i32
    %dma_start3A_11 = arith.constant 0 : i32
    %dma_start3A_12 = tpu.memref_slice %arg7[%dma_start3A_10, %dma_start3A_11] : memref<512x64xf32, #tpu.memory_space<vmem>> -> memref<128x64xf32, #tpu.memory_space<vmem>>
    %dma_start3A_13 = arith.constant 0 : i32
    %dma_start3A_14 = arith.constant 0 : i32
    %dma_start3A_15 = tpu.memref_slice %arg4[%add3A, %dma_start3A_13, %dma_start3A_14] : memref<32x512x64xf32, #tpu.memory_space<hbm>> -> memref<1x512x64xf32, #tpu.memory_space<hbm>>
    %dma_start3A_16 = tpu.memref_squeeze %dma_start3A_15 : memref<1x512x64xf32, #tpu.memory_space<hbm>> -> memref<512x64xf32, #tpu.memory_space<hbm>>
    %dma_start3A_17 = arith.constant 0 : i32
    %dma_start3A_18 = arith.constant 0 : i32
    %dma_start3A_19 = tpu.memref_slice %dma_start3A_16[%dma_start3A_17, %dma_start3A_18] : memref<512x64xf32, #tpu.memory_space<hbm>> -> memref<128x64xf32, #tpu.memory_space<hbm>>
    %dma_start3A_20 = arith.constant 0 : i32
    %dma_start3A_21 = arith.constant 0 : i32
    %dma_start3A_22 = tpu.memref_slice %arg4[%add3A, %dma_start3A_20, %dma_start3A_21] : memref<32x512x64xf32, #tpu.memory_space<hbm>> -> memref<1x512x64xf32, #tpu.memory_space<hbm>>
    %dma_start3A_23 = tpu.memref_squeeze %dma_start3A_22 : memref<1x512x64xf32, #tpu.memory_space<hbm>> -> memref<512x64xf32, #tpu.memory_space<hbm>>
    %dma_start3A_24 = arith.constant 0 : i32
    %dma_start3A_25 = arith.constant 0 : i32
    %dma_start3A_26 = tpu.memref_slice %dma_start3A_23[%dma_start3A_24, %dma_start3A_25] : memref<512x64xf32, #tpu.memory_space<hbm>> -> memref<128x64xf32, #tpu.memory_space<hbm>>
    %dma_start3A_27 = arith.constant 0 : i32
    %dma_start3A_28 = arith.constant 0 : i32
    %dma_start3A_29 = tpu.memref_slice %arg7[%dma_start3A_27, %dma_start3A_28] : memref<512x64xf32, #tpu.memory_space<vmem>> -> memref<128x64xf32, #tpu.memory_space<vmem>>
    tpu.enqueue_dma source(%dma_start3A_29 : memref<128x64xf32, #tpu.memory_space<vmem>>) target(%dma_start3A_26 : memref<128x64xf32, #tpu.memory_space<hbm>>) target_semaphore(%arg9 : memref<!tpu.dma_semaphore, #tpu.memory_space<semaphore_mem>>)
    %scan3A_30 = arith.constant 0 : i32
    %scan3A_31 = arith.constant 8 : i32
    %scan3A_32 = arith.constant 8 : i32
    %scan3A_33 = arith.addi %scan3A_31, %scan3A_32 : i32
    %scan3A_34 = arith.constant 1 : i32
    scf.for %scan3A_188 = %scan3A_31 to %scan3A_33 step %scan3A_34  : i32 {
      %mul3A_189 = arith.constant 16 : i32
      %mul3A_190 = arith.muli %scan3A_188, %mul3A_189 : i32
      %get3A = arith.index_cast %mul3A_190 : i32 to index
      %get3A_191 = tpu.vector_load %arg5[%get3A] {strides = array<i32>} : memref<512xi32, #tpu.memory_space<vmem>>, vector<16xi32>,
      %get3A_192 = vector.shape_cast %get3A_191 : vector<16xi32> to vector<16xi32>
      %slice3A = vector.extract_strided_slice %get3A_192 {offsets = [0], sizes = [1], strides = [1]} : vector<16xi32> to vector<1xi32>
      %squeeze3A = vector.extract %slice3A[0] : i32 from vector<1xi32>
      %add3A_193 = arith.constant 0 : i32
      %add3A_194 = arith.addi %mul3A_190, %add3A_193 : i32
      %get3A_195 = arith.index_cast %squeeze3A : i32 to index
      %get3A_196 = arith.constant 0 : index
      %get3A_197 = tpu.vector_load %arg6[%get3A_195, %get3A_196] {strides = array<i32>} : memref<20x64xf32, #tpu.memory_space<vmem>>, vector<1x16xf32>,
      %get3A_198 = vector.shape_cast %get3A_197 : vector<1x16xf32> to vector<16xf32>
      %swap3A = arith.index_cast %add3A_194 : i32 to index
      %swap3A_199 = arith.constant 0 : index
      %swap3A_200 = tpu.vector_load %arg7[%swap3A, %swap3A_199] {strides = array<i32>} : memref<512x64xf32, #tpu.memory_space<vmem>>, vector<1x16xf32>,
      %swap3A_201 = vector.shape_cast %swap3A_200 : vector<1x16xf32> to vector<16xf32>
      %swap3A_202 = vector.shape_cast %get3A_198 : vector<16xf32> to vector<1x16xf32>
      tpu.vector_store %arg7[%swap3A, %swap3A_199], %swap3A_202 {strides = array<i32>} : memref<512x64xf32, #tpu.memory_space<vmem>>, vector<1x16xf32>,
      %get3A_203 = arith.index_cast %squeeze3A : i32 to index
      %get3A_204 = arith.constant 16 : index
      %get3A_205 = tpu.vector_load %arg6[%get3A_203, %get3A_204] {strides = array<i32>} : memref<20x64xf32, #tpu.memory_space<vmem>>, vector<1x16xf32>,
      %get3A_206 = vector.shape_cast %get3A_205 : vector<1x16xf32> to vector<16xf32>
      %swap3A_207 = arith.index_cast %add3A_194 : i32 to index
      %swap3A_208 = arith.constant 16 : index
      %swap3A_209 = tpu.vector_load %arg7[%swap3A_207, %swap3A_208] {strides = array<i32>} : memref<512x64xf32, #tpu.memory_space<vmem>>, vector<1x16xf32>,
      %swap3A_210 = vector.shape_cast %swap3A_209 : vector<1x16xf32> to vector<16xf32>
      %swap3A_211 = vector.shape_cast %get3A_206 : vector<16xf32> to vector<1x16xf32>
      tpu.vector_store %arg7[%swap3A_207, %swap3A_208], %swap3A_211 {strides = array<i32>} : memref<512x64xf32, #tpu.memory_space<vmem>>, vector<1x16xf32>,
      %get3A_212 = arith.index_cast %squeeze3A : i32 to index
      %get3A_213 = arith.constant 32 : index
      %get3A_214 = tpu.vector_load %arg6[%get3A_212, %get3A_213] {strides = array<i32>} : memref<20x64xf32, #tpu.memory_space<vmem>>, vector<1x16xf32>,
      %get3A_215 = vector.shape_cast %get3A_214 : vector<1x16xf32> to vector<16xf32>
      %swap3A_216 = arith.index_cast %add3A_194 : i32 to index
      %swap3A_217 = arith.constant 32 : index
      %swap3A_218 = tpu.vector_load %arg7[%swap3A_216, %swap3A_217] {strides = array<i32>} : memref<512x64xf32, #tpu.memory_space<vmem>>, vector<1x16xf32>,
      %swap3A_219 = vector.shape_cast %swap3A_218 : vector<1x16xf32> to vector<16xf32>
      %swap3A_220 = vector.shape_cast %get3A_215 : vector<16xf32> to vector<1x16xf32>
      tpu.vector_store %arg7[%swap3A_216, %swap3A_217], %swap3A_220 {strides = array<i32>} : memref<512x64xf32, #tpu.memory_space<vmem>>, vector<1x16xf32>,
      %get3A_221 = arith.index_cast %squeeze3A : i32 to index
      %get3A_222 = arith.constant 48 : index
      %get3A_223 = tpu.vector_load %arg6[%get3A_221, %get3A_222] {strides = array<i32>} : memref<20x64xf32, #tpu.memory_space<vmem>>, vector<1x16xf32>,
      %get3A_224 = vector.shape_cast %get3A_223 : vector<1x16xf32> to vector<16xf32>
      %swap3A_225 = arith.index_cast %add3A_194 : i32 to index
      %swap3A_226 = arith.constant 48 : index
      %swap3A_227 = tpu.vector_load %arg7[%swap3A_225, %swap3A_226] {strides = array<i32>} : memref<512x64xf32, #tpu.memory_space<vmem>>, vector<1x16xf32>,
      %swap3A_228 = vector.shape_cast %swap3A_227 : vector<1x16xf32> to vector<16xf32>
      %swap3A_229 = vector.shape_cast %get3A_224 : vector<16xf32> to vector<1x16xf32>
      tpu.vector_store %arg7[%swap3A_225, %swap3A_226], %swap3A_229 {strides = array<i32>} : memref<512x64xf32, #tpu.memory_space<vmem>>, vector<1x16xf32>,
      %slice3A_230 = vector.extract_strided_slice %get3A_192 {offsets = [1], sizes = [1], strides = [1]} : vector<16xi32> to vector<1xi32>
      %squeeze3A_231 = vector.extract %slice3A_230[0] : i32 from vector<1xi32>
      %add3A_232 = arith.constant 1 : i32
      %add3A_233 = arith.addi %mul3A_190, %add3A_232 : i32
      %get3A_234 = arith.index_cast %squeeze3A_231 : i32 to index
      %get3A_235 = arith.constant 0 : index
      %get3A_236 = tpu.vector_load %arg6[%get3A_234, %get3A_235] {strides = array<i32>} : memref<20x64xf32, #tpu.memory_space<vmem>>, vector<1x16xf32>,
      %get3A_237 = vector.shape_cast %get3A_236 : vector<1x16xf32> to vector<16xf32>
      %swap3A_238 = arith.index_cast %add3A_233 : i32 to index
      %swap3A_239 = arith.constant 0 : index
      %swap3A_240 = tpu.vector_load %arg7[%swap3A_238, %swap3A_239] {strides = array<i32>} : memref<512x64xf32, #tpu.memory_space<vmem>>, vector<1x16xf32>,
      %swap3A_241 = vector.shape_cast %swap3A_240 : vector<1x16xf32> to vector<16xf32>
      %swap3A_242 = vector.shape_cast %get3A_237 : vector<16xf32> to vector<1x16xf32>
      tpu.vector_store %arg7[%swap3A_238, %swap3A_239], %swap3A_242 {strides = array<i32>} : memref<512x64xf32, #tpu.memory_space<vmem>>, vector<1x16xf32>,
      %get3A_243 = arith.index_cast %squeeze3A_231 : i32 to index
      %get3A_244 = arith.constant 16 : index
      %get3A_245 = tpu.vector_load %arg6[%get3A_243, %get3A_244] {strides = array<i32>} : memref<20x64xf32, #tpu.memory_space<vmem>>, vector<1x16xf32>,
      %get3A_246 = vector.shape_cast %get3A_245 : vector<1x16xf32> to vector<16xf32>
      %swap3A_247 = arith.index_cast %add3A_233 : i32 to index
      %swap3A_248 = arith.constant 16 : index
      %swap3A_249 = tpu.vector_load %arg7[%swap3A_247, %swap3A_248] {strides = array<i32>} : memref<512x64xf32, #tpu.memory_space<vmem>>, vector<1x16xf32>,
      %swap3A_250 = vector.shape_cast %swap3A_249 : vector<1x16xf32> to vector<16xf32>
      %swap3A_251 = vector.shape_cast %get3A_246 : vector<16xf32> to vector<1x16xf32>
      tpu.vector_store %arg7[%swap3A_247, %swap3A_248], %swap3A_251 {strides = array<i32>} : memref<512x64xf32, #tpu.memory_space<vmem>>, vector<1x16xf32>,
      %get3A_252 = arith.index_cast %squeeze3A_231 : i32 to index
      %get3A_253 = arith.constant 32 : index
      %get3A_254 = tpu.vector_load %arg6[%get3A_252, %get3A_253] {strides = array<i32>} : memref<20x64xf32, #tpu.memory_space<vmem>>, vector<1x16xf32>,
      %get3A_255 = vector.shape_cast %get3A_254 : vector<1x16xf32> to vector<16xf32>
      %swap3A_256 = arith.index_cast %add3A_233 : i32 to index
      %swap3A_257 = arith.constant 32 : index
      %swap3A_258 = tpu.vector_load %arg7[%swap3A_256, %swap3A_257] {strides = array<i32>} : memref<512x64xf32, #tpu.memory_space<vmem>>, vector<1x16xf32>,
      %swap3A_259 = vector.shape_cast %swap3A_258 : vector<1x16xf32> to vector<16xf32>
      %swap3A_260 = vector.shape_cast %get3A_255 : vector<16xf32> to vector<1x16xf32>
      tpu.vector_store %arg7[%swap3A_256, %swap3A_257], %swap3A_260 {strides = array<i32>} : memref<512x64xf32, #tpu.memory_space<vmem>>, vector<1x16xf32>,
      %get3A_261 = arith.index_cast %squeeze3A_231 : i32 to index
      %get3A_262 = arith.constant 48 : index
      %get3A_263 = tpu.vector_load %arg6[%get3A_261, %get3A_262] {strides = array<i32>} : memref<20x64xf32, #tpu.memory_space<vmem>>, vector<1x16xf32>,
      %get3A_264 = vector.shape_cast %get3A_263 : vector<1x16xf32> to vector<16xf32>
      %swap3A_265 = arith.index_cast %add3A_233 : i32 to index
      %swap3A_266 = arith.constant 48 : index
      %swap3A_267 = tpu.vector_load %arg7[%swap3A_265, %swap3A_266] {strides = array<i32>} : memref<512x64xf32, #tpu.memory_space<vmem>>, vector<1x16xf32>,
      %swap3A_268 = vector.shape_cast %swap3A_267 : vector<1x16xf32> to vector<16xf32>
      %swap3A_269 = vector.shape_cast %get3A_264 : vector<16xf32> to vector<1x16xf32>
      tpu.vector_store %arg7[%swap3A_265, %swap3A_266], %swap3A_269 {strides = array<i32>} : memref<512x64xf32, #tpu.memory_space<vmem>>, vector<1x16xf32>,
      %slice3A_270 = vector.extract_strided_slice %get3A_192 {offsets = [2], sizes = [1], strides = [1]} : vector<16xi32> to vector<1xi32>
      %squeeze3A_271 = vector.extract %slice3A_270[0] : i32 from vector<1xi32>
      %add3A_272 = arith.constant 2 : i32
      %add3A_273 = arith.addi %mul3A_190, %add3A_272 : i32
      %get3A_274 = arith.index_cast %squeeze3A_271 : i32 to index
      %get3A_275 = arith.constant 0 : index
      %get3A_276 = tpu.vector_load %arg6[%get3A_274, %get3A_275] {strides = array<i32>} : memref<20x64xf32, #tpu.memory_space<vmem>>, vector<1x16xf32>,
      %get3A_277 = vector.shape_cast %get3A_276 : vector<1x16xf32> to vector<16xf32>
      %swap3A_278 = arith.index_cast %add3A_273 : i32 to index
      %swap3A_279 = arith.constant 0 : index
      %swap3A_280 = tpu.vector_load %arg7[%swap3A_278, %swap3A_279] {strides = array<i32>} : memref<512x64xf32, #tpu.memory_space<vmem>>, vector<1x16xf32>,
      %swap3A_281 = vector.shape_cast %swap3A_280 : vector<1x16xf32> to vector<16xf32>
      %swap3A_282 = vector.shape_cast %get3A_277 : vector<16xf32> to vector<1x16xf32>
      tpu.vector_store %arg7[%swap3A_278, %swap3A_279], %swap3A_282 {strides = array<i32>} : memref<512x64xf32, #tpu.memory_space<vmem>>, vector<1x16xf32>,
      %get3A_283 = arith.index_cast %squeeze3A_271 : i32 to index
      %get3A_284 = arith.constant 16 : index
      %get3A_285 = tpu.vector_load %arg6[%get3A_283, %get3A_284] {strides = array<i32>} : memref<20x64xf32, #tpu.memory_space<vmem>>, vector<1x16xf32>,
      %get3A_286 = vector.shape_cast %get3A_285 : vector<1x16xf32> to vector<16xf32>
      %swap3A_287 = arith.index_cast %add3A_273 : i32 to index
      %swap3A_288 = arith.constant 16 : index
      %swap3A_289 = tpu.vector_load %arg7[%swap3A_287, %swap3A_288] {strides = array<i32>} : memref<512x64xf32, #tpu.memory_space<vmem>>, vector<1x16xf32>,
      %swap3A_290 = vector.shape_cast %swap3A_289 : vector<1x16xf32> to vector<16xf32>
      %swap3A_291 = vector.shape_cast %get3A_286 : vector<16xf32> to vector<1x16xf32>
      tpu.vector_store %arg7[%swap3A_287, %swap3A_288], %swap3A_291 {strides = array<i32>} : memref<512x64xf32, #tpu.memory_space<vmem>>, vector<1x16xf32>,
      %get3A_292 = arith.index_cast %squeeze3A_271 : i32 to index
      %get3A_293 = arith.constant 32 : index
      %get3A_294 = tpu.vector_load %arg6[%get3A_292, %get3A_293] {strides = array<i32>} : memref<20x64xf32, #tpu.memory_space<vmem>>, vector<1x16xf32>,
      %get3A_295 = vector.shape_cast %get3A_294 : vector<1x16xf32> to vector<16xf32>
      %swap3A_296 = arith.index_cast %add3A_273 : i32 to index
      %swap3A_297 = arith.constant 32 : index
      %swap3A_298 = tpu.vector_load %arg7[%swap3A_296, %swap3A_297] {strides = array<i32>} : memref<512x64xf32, #tpu.memory_space<vmem>>, vector<1x16xf32>,
      %swap3A_299 = vector.shape_cast %swap3A_298 : vector<1x16xf32> to vector<16xf32>
      %swap3A_300 = vector.shape_cast %get3A_295 : vector<16xf32> to vector<1x16xf32>
      tpu.vector_store %arg7[%swap3A_296, %swap3A_297], %swap3A_300 {strides = array<i32>} : memref<512x64xf32, #tpu.memory_space<vmem>>, vector<1x16xf32>,
      %get3A_301 = arith.index_cast %squeeze3A_271 : i32 to index
      %get3A_302 = arith.constant 48 : index
      %get3A_303 = tpu.vector_load %arg6[%get3A_301, %get3A_302] {strides = array<i32>} : memref<20x64xf32, #tpu.memory_space<vmem>>, vector<1x16xf32>,
      %get3A_304 = vector.shape_cast %get3A_303 : vector<1x16xf32> to vector<16xf32>
      %swap3A_305 = arith.index_cast %add3A_273 : i32 to index
      %swap3A_306 = arith.constant 48 : index
      %swap3A_307 = tpu.vector_load %arg7[%swap3A_305, %swap3A_306] {strides = array<i32>} : memref<512x64xf32, #tpu.memory_space<vmem>>, vector<1x16xf32>,
      %swap3A_308 = vector.shape_cast %swap3A_307 : vector<1x16xf32> to vector<16xf32>
      %swap3A_309 = vector.shape_cast %get3A_304 : vector<16xf32> to vector<1x16xf32>
      tpu.vector_store %arg7[%swap3A_305, %swap3A_306], %swap3A_309 {strides = array<i32>} : memref<512x64xf32, #tpu.memory_space<vmem>>, vector<1x16xf32>,
      %slice3A_310 = vector.extract_strided_slice %get3A_192 {offsets = [3], sizes = [1], strides = [1]} : vector<16xi32> to vector<1xi32>
      %squeeze3A_311 = vector.extract %slice3A_310[0] : i32 from vector<1xi32>
      %add3A_312 = arith.constant 3 : i32
      %add3A_313 = arith.addi %mul3A_190, %add3A_312 : i32
      %get3A_314 = arith.index_cast %squeeze3A_311 : i32 to index
      %get3A_315 = arith.constant 0 : index
      %get3A_316 = tpu.vector_load %arg6[%get3A_314, %get3A_315] {strides = array<i32>} : memref<20x64xf32, #tpu.memory_space<vmem>>, vector<1x16xf32>,
      %get3A_317 = vector.shape_cast %get3A_316 : vector<1x16xf32> to vector<16xf32>
      %swap3A_318 = arith.index_cast %add3A_313 : i32 to index
      %swap3A_319 = arith.constant 0 : index
      %swap3A_320 = tpu.vector_load %arg7[%swap3A_318, %swap3A_319] {strides = array<i32>} : memref<512x64xf32, #tpu.memory_space<vmem>>, vector<1x16xf32>,
      %swap3A_321 = vector.shape_cast %swap3A_320 : vector<1x16xf32> to vector<16xf32>
      %swap3A_322 = vector.shape_cast %get3A_317 : vector<16xf32> to vector<1x16xf32>
      tpu.vector_store %arg7[%swap3A_318, %swap3A_319], %swap3A_322 {strides = array<i32>} : memref<512x64xf32, #tpu.memory_space<vmem>>, vector<1x16xf32>,
      %get3A_323 = arith.index_cast %squeeze3A_311 : i32 to index
      %get3A_324 = arith.constant 16 : index
      %get3A_325 = tpu.vector_load %arg6[%get3A_323, %get3A_324] {strides = array<i32>} : memref<20x64xf32, #tpu.memory_space<vmem>>, vector<1x16xf32>,
      %get3A_326 = vector.shape_cast %get3A_325 : vector<1x16xf32> to vector<16xf32>
      %swap3A_327 = arith.index_cast %add3A_313 : i32 to index
      %swap3A_328 = arith.constant 16 : index
      %swap3A_329 = tpu.vector_load %arg7[%swap3A_327, %swap3A_328] {strides = array<i32>} : memref<512x64xf32, #tpu.memory_space<vmem>>, vector<1x16xf32>,
      %swap3A_330 = vector.shape_cast %swap3A_329 : vector<1x16xf32> to vector<16xf32>
      %swap3A_331 = vector.shape_cast %get3A_326 : vector<16xf32> to vector<1x16xf32>
      tpu.vector_store %arg7[%swap3A_327, %swap3A_328], %swap3A_331 {strides = array<i32>} : memref<512x64xf32, #tpu.memory_space<vmem>>, vector<1x16xf32>,
      %get3A_332 = arith.index_cast %squeeze3A_311 : i32 to index
      %get3A_333 = arith.constant 32 : index
      %get3A_334 = tpu.vector_load %arg6[%get3A_332, %get3A_333] {strides = array<i32>} : memref<20x64xf32, #tpu.memory_space<vmem>>, vector<1x16xf32>,
      %get3A_335 = vector.shape_cast %get3A_334 : vector<1x16xf32> to vector<16xf32>
      %swap3A_336 = arith.index_cast %add3A_313 : i32 to index
      %swap3A_337 = arith.constant 32 : index
      %swap3A_338 = tpu.vector_load %arg7[%swap3A_336, %swap3A_337] {strides = array<i32>} : memref<512x64xf32, #tpu.memory_space<vmem>>, vector<1x16xf32>,
      %swap3A_339 = vector.shape_cast %swap3A_338 : vector<1x16xf32> to vector<16xf32>
      %swap3A_340 = vector.shape_cast %get3A_335 : vector<16xf32> to vector<1x16xf32>
      tpu.vector_store %arg7[%swap3A_336, %swap3A_337], %swap3A_340 {strides = array<i32>} : memref<512x64xf32, #tpu.memory_space<vmem>>, vector<1x16xf32>,
      %get3A_341 = arith.index_cast %squeeze3A_311 : i32 to index
      %get3A_342 = arith.constant 48 : index
      %get3A_343 = tpu.vector_load %arg6[%get3A_341, %get3A_342] {strides = array<i32>} : memref<20x64xf32, #tpu.memory_space<vmem>>, vector<1x16xf32>,
      %get3A_344 = vector.shape_cast %get3A_343 : vector<1x16xf32> to vector<16xf32>
      %swap3A_345 = arith.index_cast %add3A_313 : i32 to index
      %swap3A_346 = arith.constant 48 : index
      %swap3A_347 = tpu.vector_load %arg7[%swap3A_345, %swap3A_346] {strides = array<i32>} : memref<512x64xf32, #tpu.memory_space<vmem>>, vector<1x16xf32>,
      %swap3A_348 = vector.shape_cast %swap3A_347 : vector<1x16xf32> to vector<16xf32>
      %swap3A_349 = vector.shape_cast %get3A_344 : vector<16xf32> to vector<1x16xf32>
      tpu.vector_store %arg7[%swap3A_345, %swap3A_346], %swap3A_349 {strides = array<i32>} : memref<512x64xf32, #tpu.memory_space<vmem>>, vector<1x16xf32>,
      %slice3A_350 = vector.extract_strided_slice %get3A_192 {offsets = [4], sizes = [1], strides = [1]} : vector<16xi32> to vector<1xi32>
      %squeeze3A_351 = vector.extract %slice3A_350[0] : i32 from vector<1xi32>
      %add3A_352 = arith.constant 4 : i32
      %add3A_353 = arith.addi %mul3A_190, %add3A_352 : i32
      %get3A_354 = arith.index_cast %squeeze3A_351 : i32 to index
      %get3A_355 = arith.constant 0 : index
      %get3A_356 = tpu.vector_load %arg6[%get3A_354, %get3A_355] {strides = array<i32>} : memref<20x64xf32, #tpu.memory_space<vmem>>, vector<1x16xf32>,
      %get3A_357 = vector.shape_cast %get3A_356 : vector<1x16xf32> to vector<16xf32>
      %swap3A_358 = arith.index_cast %add3A_353 : i32 to index
      %swap3A_359 = arith.constant 0 : index
      %swap3A_360 = tpu.vector_load %arg7[%swap3A_358, %swap3A_359] {strides = array<i32>} : memref<512x64xf32, #tpu.memory_space<vmem>>, vector<1x16xf32>,
      %swap3A_361 = vector.shape_cast %swap3A_360 : vector<1x16xf32> to vector<16xf32>
      %swap3A_362 = vector.shape_cast %get3A_357 : vector<16xf32> to vector<1x16xf32>
      tpu.vector_store %arg7[%swap3A_358, %swap3A_359], %swap3A_362 {strides = array<i32>} : memref<512x64xf32, #tpu.memory_space<vmem>>, vector<1x16xf32>,
      %get3A_363 = arith.index_cast %squeeze3A_351 : i32 to index
      %get3A_364 = arith.constant 16 : index
      %get3A_365 = tpu.vector_load %arg6[%get3A_363, %get3A_364] {strides = array<i32>} : memref<20x64xf32, #tpu.memory_space<vmem>>, vector<1x16xf32>,
      %get3A_366 = vector.shape_cast %get3A_365 : vector<1x16xf32> to vector<16xf32>
      %swap3A_367 = arith.index_cast %add3A_353 : i32 to index
      %swap3A_368 = arith.constant 16 : index
      %swap3A_369 = tpu.vector_load %arg7[%swap3A_367, %swap3A_368] {strides = array<i32>} : memref<512x64xf32, #tpu.memory_space<vmem>>, vector<1x16xf32>,
      %swap3A_370 = vector.shape_cast %swap3A_369 : vector<1x16xf32> to vector<16xf32>
      %swap3A_371 = vector.shape_cast %get3A_366 : vector<16xf32> to vector<1x16xf32>
      tpu.vector_store %arg7[%swap3A_367, %swap3A_368], %swap3A_371 {strides = array<i32>} : memref<512x64xf32, #tpu.memory_space<vmem>>, vector<1x16xf32>,
      %get3A_372 = arith.index_cast %squeeze3A_351 : i32 to index
      %get3A_373 = arith.constant 32 : index
      %get3A_374 = tpu.vector_load %arg6[%get3A_372, %get3A_373] {strides = array<i32>} : memref<20x64xf32, #tpu.memory_space<vmem>>, vector<1x16xf32>,
      %get3A_375 = vector.shape_cast %get3A_374 : vector<1x16xf32> to vector<16xf32>
      %swap3A_376 = arith.index_cast %add3A_353 : i32 to index
      %swap3A_377 = arith.constant 32 : index
      %swap3A_378 = tpu.vector_load %arg7[%swap3A_376, %swap3A_377] {strides = array<i32>} : memref<512x64xf32, #tpu.memory_space<vmem>>, vector<1x16xf32>,
      %swap3A_379 = vector.shape_cast %swap3A_378 : vector<1x16xf32> to vector<16xf32>
      %swap3A_380 = vector.shape_cast %get3A_375 : vector<16xf32> to vector<1x16xf32>
      tpu.vector_store %arg7[%swap3A_376, %swap3A_377], %swap3A_380 {strides = array<i32>} : memref<512x64xf32, #tpu.memory_space<vmem>>, vector<1x16xf32>,
      %get3A_381 = arith.index_cast %squeeze3A_351 : i32 to index
      %get3A_382 = arith.constant 48 : index
      %get3A_383 = tpu.vector_load %arg6[%get3A_381, %get3A_382] {strides = array<i32>} : memref<20x64xf32, #tpu.memory_space<vmem>>, vector<1x16xf32>,
      %get3A_384 = vector.shape_cast %get3A_383 : vector<1x16xf32> to vector<16xf32>
      %swap3A_385 = arith.index_cast %add3A_353 : i32 to index
      %swap3A_386 = arith.constant 48 : index
      %swap3A_387 = tpu.vector_load %arg7[%swap3A_385, %swap3A_386] {strides = array<i32>} : memref<512x64xf32, #tpu.memory_space<vmem>>, vector<1x16xf32>,
      %swap3A_388 = vector.shape_cast %swap3A_387 : vector<1x16xf32> to vector<16xf32>
      %swap3A_389 = vector.shape_cast %get3A_384 : vector<16xf32> to vector<1x16xf32>
      tpu.vector_store %arg7[%swap3A_385, %swap3A_386], %swap3A_389 {strides = array<i32>} : memref<512x64xf32, #tpu.memory_space<vmem>>, vector<1x16xf32>,
      %slice3A_390 = vector.extract_strided_slice %get3A_192 {offsets = [5], sizes = [1], strides = [1]} : vector<16xi32> to vector<1xi32>
      %squeeze3A_391 = vector.extract %slice3A_390[0] : i32 from vector<1xi32>
      %add3A_392 = arith.constant 5 : i32
      %add3A_393 = arith.addi %mul3A_190, %add3A_392 : i32
      %get3A_394 = arith.index_cast %squeeze3A_391 : i32 to index
      %get3A_395 = arith.constant 0 : index
      %get3A_396 = tpu.vector_load %arg6[%get3A_394, %get3A_395] {strides = array<i32>} : memref<20x64xf32, #tpu.memory_space<vmem>>, vector<1x16xf32>,
      %get3A_397 = vector.shape_cast %get3A_396 : vector<1x16xf32> to vector<16xf32>
      %swap3A_398 = arith.index_cast %add3A_393 : i32 to index
      %swap3A_399 = arith.constant 0 : index
      %swap3A_400 = tpu.vector_load %arg7[%swap3A_398, %swap3A_399] {strides = array<i32>} : memref<512x64xf32, #tpu.memory_space<vmem>>, vector<1x16xf32>,
      %swap3A_401 = vector.shape_cast %swap3A_400 : vector<1x16xf32> to vector<16xf32>
      %swap3A_402 = vector.shape_cast %get3A_397 : vector<16xf32> to vector<1x16xf32>
      tpu.vector_store %arg7[%swap3A_398, %swap3A_399], %swap3A_402 {strides = array<i32>} : memref<512x64xf32, #tpu.memory_space<vmem>>, vector<1x16xf32>,
      %get3A_403 = arith.index_cast %squeeze3A_391 : i32 to index
      %get3A_404 = arith.constant 16 : index
      %get3A_405 = tpu.vector_load %arg6[%get3A_403, %get3A_404] {strides = array<i32>} : memref<20x64xf32, #tpu.memory_space<vmem>>, vector<1x16xf32>,
      %get3A_406 = vector.shape_cast %get3A_405 : vector<1x16xf32> to vector<16xf32>
      %swap3A_407 = arith.index_cast %add3A_393 : i32 to index
      %swap3A_408 = arith.constant 16 : index
      %swap3A_409 = tpu.vector_load %arg7[%swap3A_407, %swap3A_408] {strides = array<i32>} : memref<512x64xf32, #tpu.memory_space<vmem>>, vector<1x16xf32>,
      %swap3A_410 = vector.shape_cast %swap3A_409 : vector<1x16xf32> to vector<16xf32>
      %swap3A_411 = vector.shape_cast %get3A_406 : vector<16xf32> to vector<1x16xf32>
      tpu.vector_store %arg7[%swap3A_407, %swap3A_408], %swap3A_411 {strides = array<i32>} : memref<512x64xf32, #tpu.memory_space<vmem>>, vector<1x16xf32>,
      %get3A_412 = arith.index_cast %squeeze3A_391 : i32 to index
      %get3A_413 = arith.constant 32 : index
      %get3A_414 = tpu.vector_load %arg6[%get3A_412, %get3A_413] {strides = array<i32>} : memref<20x64xf32, #tpu.memory_space<vmem>>, vector<1x16xf32>,
      %get3A_415 = vector.shape_cast %get3A_414 : vector<1x16xf32> to vector<16xf32>
      %swap3A_416 = arith.index_cast %add3A_393 : i32 to index
      %swap3A_417 = arith.constant 32 : index
      %swap3A_418 = tpu.vector_load %arg7[%swap3A_416, %swap3A_417] {strides = array<i32>} : memref<512x64xf32, #tpu.memory_space<vmem>>, vector<1x16xf32>,
      %swap3A_419 = vector.shape_cast %swap3A_418 : vector<1x16xf32> to vector<16xf32>
      %swap3A_420 = vector.shape_cast %get3A_415 : vector<16xf32> to vector<1x16xf32>
      tpu.vector_store %arg7[%swap3A_416, %swap3A_417], %swap3A_420 {strides = array<i32>} : memref<512x64xf32, #tpu.memory_space<vmem>>, vector<1x16xf32>,
      %get3A_421 = arith.index_cast %squeeze3A_391 : i32 to index
      %get3A_422 = arith.constant 48 : index
      %get3A_423 = tpu.vector_load %arg6[%get3A_421, %get3A_422] {strides = array<i32>} : memref<20x64xf32, #tpu.memory_space<vmem>>, vector<1x16xf32>,
      %get3A_424 = vector.shape_cast %get3A_423 : vector<1x16xf32> to vector<16xf32>
      %swap3A_425 = arith.index_cast %add3A_393 : i32 to index
      %swap3A_426 = arith.constant 48 : index
      %swap3A_427 = tpu.vector_load %arg7[%swap3A_425, %swap3A_426] {strides = array<i32>} : memref<512x64xf32, #tpu.memory_space<vmem>>, vector<1x16xf32>,
      %swap3A_428 = vector.shape_cast %swap3A_427 : vector<1x16xf32> to vector<16xf32>
      %swap3A_429 = vector.shape_cast %get3A_424 : vector<16xf32> to vector<1x16xf32>
      tpu.vector_store %arg7[%swap3A_425, %swap3A_426], %swap3A_429 {strides = array<i32>} : memref<512x64xf32, #tpu.memory_space<vmem>>, vector<1x16xf32>,
      %slice3A_430 = vector.extract_strided_slice %get3A_192 {offsets = [6], sizes = [1], strides = [1]} : vector<16xi32> to vector<1xi32>
      %squeeze3A_431 = vector.extract %slice3A_430[0] : i32 from vector<1xi32>
      %add3A_432 = arith.constant 6 : i32
      %add3A_433 = arith.addi %mul3A_190, %add3A_432 : i32
      %get3A_434 = arith.index_cast %squeeze3A_431 : i32 to index
      %get3A_435 = arith.constant 0 : index
      %get3A_436 = tpu.vector_load %arg6[%get3A_434, %get3A_435] {strides = array<i32>} : memref<20x64xf32, #tpu.memory_space<vmem>>, vector<1x16xf32>,
      %get3A_437 = vector.shape_cast %get3A_436 : vector<1x16xf32> to vector<16xf32>
      %swap3A_438 = arith.index_cast %add3A_433 : i32 to index
      %swap3A_439 = arith.constant 0 : index
      %swap3A_440 = tpu.vector_load %arg7[%swap3A_438, %swap3A_439] {strides = array<i32>} : memref<512x64xf32, #tpu.memory_space<vmem>>, vector<1x16xf32>,
      %swap3A_441 = vector.shape_cast %swap3A_440 : vector<1x16xf32> to vector<16xf32>
      %swap3A_442 = vector.shape_cast %get3A_437 : vector<16xf32> to vector<1x16xf32>
      tpu.vector_store %arg7[%swap3A_438, %swap3A_439], %swap3A_442 {strides = array<i32>} : memref<512x64xf32, #tpu.memory_space<vmem>>, vector<1x16xf32>,
      %get3A_443 = arith.index_cast %squeeze3A_431 : i32 to index
      %get3A_444 = arith.constant 16 : index
      %get3A_445 = tpu.vector_load %arg6[%get3A_443, %get3A_444] {strides = array<i32>} : memref<20x64xf32, #tpu.memory_space<vmem>>, vector<1x16xf32>,
      %get3A_446 = vector.shape_cast %get3A_445 : vector<1x16xf32> to vector<16xf32>
      %swap3A_447 = arith.index_cast %add3A_433 : i32 to index
      %swap3A_448 = arith.constant 16 : index
      %swap3A_449 = tpu.vector_load %arg7[%swap3A_447, %swap3A_448] {strides = array<i32>} : memref<512x64xf32, #tpu.memory_space<vmem>>, vector<1x16xf32>,
      %swap3A_450 = vector.shape_cast %swap3A_449 : vector<1x16xf32> to vector<16xf32>
      %swap3A_451 = vector.shape_cast %get3A_446 : vector<16xf32> to vector<1x16xf32>
      tpu.vector_store %arg7[%swap3A_447, %swap3A_448], %swap3A_451 {strides = array<i32>} : memref<512x64xf32, #tpu.memory_space<vmem>>, vector<1x16xf32>,
      %get3A_452 = arith.index_cast %squeeze3A_431 : i32 to index
      %get3A_453 = arith.constant 32 : index
      %get3A_454 = tpu.vector_load %arg6[%get3A_452, %get3A_453] {strides = array<i32>} : memref<20x64xf32, #tpu.memory_space<vmem>>, vector<1x16xf32>,
      %get3A_455 = vector.shape_cast %get3A_454 : vector<1x16xf32> to vector<16xf32>
      %swap3A_456 = arith.index_cast %add3A_433 : i32 to index
      %swap3A_457 = arith.constant 32 : index
      %swap3A_458 = tpu.vector_load %arg7[%swap3A_456, %swap3A_457] {strides = array<i32>} : memref<512x64xf32, #tpu.memory_space<vmem>>, vector<1x16xf32>,
      %swap3A_459 = vector.shape_cast %swap3A_458 : vector<1x16xf32> to vector<16xf32>
      %swap3A_460 = vector.shape_cast %get3A_455 : vector<16xf32> to vector<1x16xf32>
      tpu.vector_store %arg7[%swap3A_456, %swap3A_457], %swap3A_460 {strides = array<i32>} : memref<512x64xf32, #tpu.memory_space<vmem>>, vector<1x16xf32>,
      %get3A_461 = arith.index_cast %squeeze3A_431 : i32 to index
      %get3A_462 = arith.constant 48 : index
      %get3A_463 = tpu.vector_load %arg6[%get3A_461, %get3A_462] {strides = array<i32>} : memref<20x64xf32, #tpu.memory_space<vmem>>, vector<1x16xf32>,
      %get3A_464 = vector.shape_cast %get3A_463 : vector<1x16xf32> to vector<16xf32>
      %swap3A_465 = arith.index_cast %add3A_433 : i32 to index
      %swap3A_466 = arith.constant 48 : index
      %swap3A_467 = tpu.vector_load %arg7[%swap3A_465, %swap3A_466] {strides = array<i32>} : memref<512x64xf32, #tpu.memory_space<vmem>>, vector<1x16xf32>,
      %swap3A_468 = vector.shape_cast %swap3A_467 : vector<1x16xf32> to vector<16xf32>
      %swap3A_469 = vector.shape_cast %get3A_464 : vector<16xf32> to vector<1x16xf32>
      tpu.vector_store %arg7[%swap3A_465, %swap3A_466], %swap3A_469 {strides = array<i32>} : memref<512x64xf32, #tpu.memory_space<vmem>>, vector<1x16xf32>,
      %slice3A_470 = vector.extract_strided_slice %get3A_192 {offsets = [7], sizes = [1], strides = [1]} : vector<16xi32> to vector<1xi32>
      %squeeze3A_471 = vector.extract %slice3A_470[0] : i32 from vector<1xi32>
      %add3A_472 = arith.constant 7 : i32
      %add3A_473 = arith.addi %mul3A_190, %add3A_472 : i32
      %get3A_474 = arith.index_cast %squeeze3A_471 : i32 to index
      %get3A_475 = arith.constant 0 : index
      %get3A_476 = tpu.vector_load %arg6[%get3A_474, %get3A_475] {strides = array<i32>} : memref<20x64xf32, #tpu.memory_space<vmem>>, vector<1x16xf32>,
      %get3A_477 = vector.shape_cast %get3A_476 : vector<1x16xf32> to vector<16xf32>
      %swap3A_478 = arith.index_cast %add3A_473 : i32 to index
      %swap3A_479 = arith.constant 0 : index
      %swap3A_480 = tpu.vector_load %arg7[%swap3A_478, %swap3A_479] {strides = array<i32>} : memref<512x64xf32, #tpu.memory_space<vmem>>, vector<1x16xf32>,
      %swap3A_481 = vector.shape_cast %swap3A_480 : vector<1x16xf32> to vector<16xf32>
      %swap3A_482 = vector.shape_cast %get3A_477 : vector<16xf32> to vector<1x16xf32>
      tpu.vector_store %arg7[%swap3A_478, %swap3A_479], %swap3A_482 {strides = array<i32>} : memref<512x64xf32, #tpu.memory_space<vmem>>, vector<1x16xf32>,
      %get3A_483 = arith.index_cast %squeeze3A_471 : i32 to index
      %get3A_484 = arith.constant 16 : index
      %get3A_485 = tpu.vector_load %arg6[%get3A_483, %get3A_484] {strides = array<i32>} : memref<20x64xf32, #tpu.memory_space<vmem>>, vector<1x16xf32>,
      %get3A_486 = vector.shape_cast %get3A_485 : vector<1x16xf32> to vector<16xf32>
      %swap3A_487 = arith.index_cast %add3A_473 : i32 to index
      %swap3A_488 = arith.constant 16 : index
      %swap3A_489 = tpu.vector_load %arg7[%swap3A_487, %swap3A_488] {strides = array<i32>} : memref<512x64xf32, #tpu.memory_space<vmem>>, vector<1x16xf32>,
      %swap3A_490 = vector.shape_cast %swap3A_489 : vector<1x16xf32> to vector<16xf32>
      %swap3A_491 = vector.shape_cast %get3A_486 : vector<16xf32> to vector<1x16xf32>
      tpu.vector_store %arg7[%swap3A_487, %swap3A_488], %swap3A_491 {strides = array<i32>} : memref<512x64xf32, #tpu.memory_space<vmem>>, vector<1x16xf32>,
      %get3A_492 = arith.index_cast %squeeze3A_471 : i32 to index
      %get3A_493 = arith.constant 32 : index
      %get3A_494 = tpu.vector_load %arg6[%get3A_492, %get3A_493] {strides = array<i32>} : memref<20x64xf32, #tpu.memory_space<vmem>>, vector<1x16xf32>,
      %get3A_495 = vector.shape_cast %get3A_494 : vector<1x16xf32> to vector<16xf32>
      %swap3A_496 = arith.index_cast %add3A_473 : i32 to index
      %swap3A_497 = arith.constant 32 : index
      %swap3A_498 = tpu.vector_load %arg7[%swap3A_496, %swap3A_497] {strides = array<i32>} : memref<512x64xf32, #tpu.memory_space<vmem>>, vector<1x16xf32>,
      %swap3A_499 = vector.shape_cast %swap3A_498 : vector<1x16xf32> to vector<16xf32>
      %swap3A_500 = vector.shape_cast %get3A_495 : vector<16xf32> to vector<1x16xf32>
      tpu.vector_store %arg7[%swap3A_496, %swap3A_497], %swap3A_500 {strides = array<i32>} : memref<512x64xf32, #tpu.memory_space<vmem>>, vector<1x16xf32>,
      %get3A_501 = arith.index_cast %squeeze3A_471 : i32 to index
      %get3A_502 = arith.constant 48 : index
      %get3A_503 = tpu.vector_load %arg6[%get3A_501, %get3A_502] {strides = array<i32>} : memref<20x64xf32, #tpu.memory_space<vmem>>, vector<1x16xf32>,
      %get3A_504 = vector.shape_cast %get3A_503 : vector<1x16xf32> to vector<16xf32>
      %swap3A_505 = arith.index_cast %add3A_473 : i32 to index
      %swap3A_506 = arith.constant 48 : index
      %swap3A_507 = tpu.vector_load %arg7[%swap3A_505, %swap3A_506] {strides = array<i32>} : memref<512x64xf32, #tpu.memory_space<vmem>>, vector<1x16xf32>,
      %swap3A_508 = vector.shape_cast %swap3A_507 : vector<1x16xf32> to vector<16xf32>
      %swap3A_509 = vector.shape_cast %get3A_504 : vector<16xf32> to vector<1x16xf32>
      tpu.vector_store %arg7[%swap3A_505, %swap3A_506], %swap3A_509 {strides = array<i32>} : memref<512x64xf32, #tpu.memory_space<vmem>>, vector<1x16xf32>,
      %slice3A_510 = vector.extract_strided_slice %get3A_192 {offsets = [8], sizes = [1], strides = [1]} : vector<16xi32> to vector<1xi32>
      %squeeze3A_511 = vector.extract %slice3A_510[0] : i32 from vector<1xi32>
      %add3A_512 = arith.constant 8 : i32
      %add3A_513 = arith.addi %mul3A_190, %add3A_512 : i32
      %get3A_514 = arith.index_cast %squeeze3A_511 : i32 to index
      %get3A_515 = arith.constant 0 : index
      %get3A_516 = tpu.vector_load %arg6[%get3A_514, %get3A_515] {strides = array<i32>} : memref<20x64xf32, #tpu.memory_space<vmem>>, vector<1x16xf32>,
      %get3A_517 = vector.shape_cast %get3A_516 : vector<1x16xf32> to vector<16xf32>
      %swap3A_518 = arith.index_cast %add3A_513 : i32 to index
      %swap3A_519 = arith.constant 0 : index
      %swap3A_520 = tpu.vector_load %arg7[%swap3A_518, %swap3A_519] {strides = array<i32>} : memref<512x64xf32, #tpu.memory_space<vmem>>, vector<1x16xf32>,
      %swap3A_521 = vector.shape_cast %swap3A_520 : vector<1x16xf32> to vector<16xf32>
      %swap3A_522 = vector.shape_cast %get3A_517 : vector<16xf32> to vector<1x16xf32>
      tpu.vector_store %arg7[%swap3A_518, %swap3A_519], %swap3A_522 {strides = array<i32>} : memref<512x64xf32, #tpu.memory_space<vmem>>, vector<1x16xf32>,
      %get3A_523 = arith.index_cast %squeeze3A_511 : i32 to index
      %get3A_524 = arith.constant 16 : index
      %get3A_525 = tpu.vector_load %arg6[%get3A_523, %get3A_524] {strides = array<i32>} : memref<20x64xf32, #tpu.memory_space<vmem>>, vector<1x16xf32>,
      %get3A_526 = vector.shape_cast %get3A_525 : vector<1x16xf32> to vector<16xf32>
      %swap3A_527 = arith.index_cast %add3A_513 : i32 to index
      %swap3A_528 = arith.constant 16 : index
      %swap3A_529 = tpu.vector_load %arg7[%swap3A_527, %swap3A_528] {strides = array<i32>} : memref<512x64xf32, #tpu.memory_space<vmem>>, vector<1x16xf32>,
      %swap3A_530 = vector.shape_cast %swap3A_529 : vector<1x16xf32> to vector<16xf32>
      %swap3A_531 = vector.shape_cast %get3A_526 : vector<16xf32> to vector<1x16xf32>
      tpu.vector_store %arg7[%swap3A_527, %swap3A_528], %swap3A_531 {strides = array<i32>} : memref<512x64xf32, #tpu.memory_space<vmem>>, vector<1x16xf32>,
      %get3A_532 = arith.index_cast %squeeze3A_511 : i32 to index
      %get3A_533 = arith.constant 32 : index
      %get3A_534 = tpu.vector_load %arg6[%get3A_532, %get3A_533] {strides = array<i32>} : memref<20x64xf32, #tpu.memory_space<vmem>>, vector<1x16xf32>,
      %get3A_535 = vector.shape_cast %get3A_534 : vector<1x16xf32> to vector<16xf32>
      %swap3A_536 = arith.index_cast %add3A_513 : i32 to index
      %swap3A_537 = arith.constant 32 : index
      %swap3A_538 = tpu.vector_load %arg7[%swap3A_536, %swap3A_537] {strides = array<i32>} : memref<512x64xf32, #tpu.memory_space<vmem>>, vector<1x16xf32>,
      %swap3A_539 = vector.shape_cast %swap3A_538 : vector<1x16xf32> to vector<16xf32>
      %swap3A_540 = vector.shape_cast %get3A_535 : vector<16xf32> to vector<1x16xf32>
      tpu.vector_store %arg7[%swap3A_536, %swap3A_537], %swap3A_540 {strides = array<i32>} : memref<512x64xf32, #tpu.memory_space<vmem>>, vector<1x16xf32>,
      %get3A_541 = arith.index_cast %squeeze3A_511 : i32 to index
      %get3A_542 = arith.constant 48 : index
      %get3A_543 = tpu.vector_load %arg6[%get3A_541, %get3A_542] {strides = array<i32>} : memref<20x64xf32, #tpu.memory_space<vmem>>, vector<1x16xf32>,
      %get3A_544 = vector.shape_cast %get3A_543 : vector<1x16xf32> to vector<16xf32>
      %swap3A_545 = arith.index_cast %add3A_513 : i32 to index
      %swap3A_546 = arith.constant 48 : index
      %swap3A_547 = tpu.vector_load %arg7[%swap3A_545, %swap3A_546] {strides = array<i32>} : memref<512x64xf32, #tpu.memory_space<vmem>>, vector<1x16xf32>,
      %swap3A_548 = vector.shape_cast %swap3A_547 : vector<1x16xf32> to vector<16xf32>
      %swap3A_549 = vector.shape_cast %get3A_544 : vector<16xf32> to vector<1x16xf32>
      tpu.vector_store %arg7[%swap3A_545, %swap3A_546], %swap3A_549 {strides = array<i32>} : memref<512x64xf32, #tpu.memory_space<vmem>>, vector<1x16xf32>,
      %slice3A_550 = vector.extract_strided_slice %get3A_192 {offsets = [9], sizes = [1], strides = [1]} : vector<16xi32> to vector<1xi32>
      %squeeze3A_551 = vector.extract %slice3A_550[0] : i32 from vector<1xi32>
      %add3A_552 = arith.constant 9 : i32
      %add3A_553 = arith.addi %mul3A_190, %add3A_552 : i32
      %get3A_554 = arith.index_cast %squeeze3A_551 : i32 to index
      %get3A_555 = arith.constant 0 : index
      %get3A_556 = tpu.vector_load %arg6[%get3A_554, %get3A_555] {strides = array<i32>} : memref<20x64xf32, #tpu.memory_space<vmem>>, vector<1x16xf32>,
      %get3A_557 = vector.shape_cast %get3A_556 : vector<1x16xf32> to vector<16xf32>
      %swap3A_558 = arith.index_cast %add3A_553 : i32 to index
      %swap3A_559 = arith.constant 0 : index
      %swap3A_560 = tpu.vector_load %arg7[%swap3A_558, %swap3A_559] {strides = array<i32>} : memref<512x64xf32, #tpu.memory_space<vmem>>, vector<1x16xf32>,
      %swap3A_561 = vector.shape_cast %swap3A_560 : vector<1x16xf32> to vector<16xf32>
      %swap3A_562 = vector.shape_cast %get3A_557 : vector<16xf32> to vector<1x16xf32>
      tpu.vector_store %arg7[%swap3A_558, %swap3A_559], %swap3A_562 {strides = array<i32>} : memref<512x64xf32, #tpu.memory_space<vmem>>, vector<1x16xf32>,
      %get3A_563 = arith.index_cast %squeeze3A_551 : i32 to index
      %get3A_564 = arith.constant 16 : index
      %get3A_565 = tpu.vector_load %arg6[%get3A_563, %get3A_564] {strides = array<i32>} : memref<20x64xf32, #tpu.memory_space<vmem>>, vector<1x16xf32>,
      %get3A_566 = vector.shape_cast %get3A_565 : vector<1x16xf32> to vector<16xf32>
      %swap3A_567 = arith.index_cast %add3A_553 : i32 to index
      %swap3A_568 = arith.constant 16 : index
      %swap3A_569 = tpu.vector_load %arg7[%swap3A_567, %swap3A_568] {strides = array<i32>} : memref<512x64xf32, #tpu.memory_space<vmem>>, vector<1x16xf32>,
      %swap3A_570 = vector.shape_cast %swap3A_569 : vector<1x16xf32> to vector<16xf32>
      %swap3A_571 = vector.shape_cast %get3A_566 : vector<16xf32> to vector<1x16xf32>
      tpu.vector_store %arg7[%swap3A_567, %swap3A_568], %swap3A_571 {strides = array<i32>} : memref<512x64xf32, #tpu.memory_space<vmem>>, vector<1x16xf32>,
      %get3A_572 = arith.index_cast %squeeze3A_551 : i32 to index
      %get3A_573 = arith.constant 32 : index
      %get3A_574 = tpu.vector_load %arg6[%get3A_572, %get3A_573] {strides = array<i32>} : memref<20x64xf32, #tpu.memory_space<vmem>>, vector<1x16xf32>,
      %get3A_575 = vector.shape_cast %get3A_574 : vector<1x16xf32> to vector<16xf32>
      %swap3A_576 = arith.index_cast %add3A_553 : i32 to index
      %swap3A_577 = arith.constant 32 : index
      %swap3A_578 = tpu.vector_load %arg7[%swap3A_576, %swap3A_577] {strides = array<i32>} : memref<512x64xf32, #tpu.memory_space<vmem>>, vector<1x16xf32>,
      %swap3A_579 = vector.shape_cast %swap3A_578 : vector<1x16xf32> to vector<16xf32>
      %swap3A_580 = vector.shape_cast %get3A_575 : vector<16xf32> to vector<1x16xf32>
      tpu.vector_store %arg7[%swap3A_576, %swap3A_577], %swap3A_580 {strides = array<i32>} : memref<512x64xf32, #tpu.memory_space<vmem>>, vector<1x16xf32>,
      %get3A_581 = arith.index_cast %squeeze3A_551 : i32 to index
      %get3A_582 = arith.constant 48 : index
      %get3A_583 = tpu.vector_load %arg6[%get3A_581, %get3A_582] {strides = array<i32>} : memref<20x64xf32, #tpu.memory_space<vmem>>, vector<1x16xf32>,
      %get3A_584 = vector.shape_cast %get3A_583 : vector<1x16xf32> to vector<16xf32>
      %swap3A_585 = arith.index_cast %add3A_553 : i32 to index
      %swap3A_586 = arith.constant 48 : index
      %swap3A_587 = tpu.vector_load %arg7[%swap3A_585, %swap3A_586] {strides = array<i32>} : memref<512x64xf32, #tpu.memory_space<vmem>>, vector<1x16xf32>,
      %swap3A_588 = vector.shape_cast %swap3A_587 : vector<1x16xf32> to vector<16xf32>
      %swap3A_589 = vector.shape_cast %get3A_584 : vector<16xf32> to vector<1x16xf32>
      tpu.vector_store %arg7[%swap3A_585, %swap3A_586], %swap3A_589 {strides = array<i32>} : memref<512x64xf32, #tpu.memory_space<vmem>>, vector<1x16xf32>,
      %slice3A_590 = vector.extract_strided_slice %get3A_192 {offsets = [10], sizes = [1], strides = [1]} : vector<16xi32> to vector<1xi32>
      %squeeze3A_591 = vector.extract %slice3A_590[0] : i32 from vector<1xi32>
      %add3A_592 = arith.constant 10 : i32
      %add3A_593 = arith.addi %mul3A_190, %add3A_592 : i32
      %get3A_594 = arith.index_cast %squeeze3A_591 : i32 to index
      %get3A_595 = arith.constant 0 : index
      %get3A_596 = tpu.vector_load %arg6[%get3A_594, %get3A_595] {strides = array<i32>} : memref<20x64xf32, #tpu.memory_space<vmem>>, vector<1x16xf32>,
      %get3A_597 = vector.shape_cast %get3A_596 : vector<1x16xf32> to vector<16xf32>
      %swap3A_598 = arith.index_cast %add3A_593 : i32 to index
      %swap3A_599 = arith.constant 0 : index
      %swap3A_600 = tpu.vector_load %arg7[%swap3A_598, %swap3A_599] {strides = array<i32>} : memref<512x64xf32, #tpu.memory_space<vmem>>, vector<1x16xf32>,
      %swap3A_601 = vector.shape_cast %swap3A_600 : vector<1x16xf32> to vector<16xf32>
      %swap3A_602 = vector.shape_cast %get3A_597 : vector<16xf32> to vector<1x16xf32>
      tpu.vector_store %arg7[%swap3A_598, %swap3A_599], %swap3A_602 {strides = array<i32>} : memref<512x64xf32, #tpu.memory_space<vmem>>, vector<1x16xf32>,
      %get3A_603 = arith.index_cast %squeeze3A_591 : i32 to index
      %get3A_604 = arith.constant 16 : index
      %get3A_605 = tpu.vector_load %arg6[%get3A_603, %get3A_604] {strides = array<i32>} : memref<20x64xf32, #tpu.memory_space<vmem>>, vector<1x16xf32>,
      %get3A_606 = vector.shape_cast %get3A_605 : vector<1x16xf32> to vector<16xf32>
      %swap3A_607 = arith.index_cast %add3A_593 : i32 to index
      %swap3A_608 = arith.constant 16 : index
      %swap3A_609 = tpu.vector_load %arg7[%swap3A_607, %swap3A_608] {strides = array<i32>} : memref<512x64xf32, #tpu.memory_space<vmem>>, vector<1x16xf32>,
      %swap3A_610 = vector.shape_cast %swap3A_609 : vector<1x16xf32> to vector<16xf32>
      %swap3A_611 = vector.shape_cast %get3A_606 : vector<16xf32> to vector<1x16xf32>
      tpu.vector_store %arg7[%swap3A_607, %swap3A_608], %swap3A_611 {strides = array<i32>} : memref<512x64xf32, #tpu.memory_space<vmem>>, vector<1x16xf32>,
      %get3A_612 = arith.index_cast %squeeze3A_591 : i32 to index
      %get3A_613 = arith.constant 32 : index
      %get3A_614 = tpu.vector_load %arg6[%get3A_612, %get3A_613] {strides = array<i32>} : memref<20x64xf32, #tpu.memory_space<vmem>>, vector<1x16xf32>,
      %get3A_615 = vector.shape_cast %get3A_614 : vector<1x16xf32> to vector<16xf32>
      %swap3A_616 = arith.index_cast %add3A_593 : i32 to index
      %swap3A_617 = arith.constant 32 : index
      %swap3A_618 = tpu.vector_load %arg7[%swap3A_616, %swap3A_617] {strides = array<i32>} : memref<512x64xf32, #tpu.memory_space<vmem>>, vector<1x16xf32>,
      %swap3A_619 = vector.shape_cast %swap3A_618 : vector<1x16xf32> to vector<16xf32>
      %swap3A_620 = vector.shape_cast %get3A_615 : vector<16xf32> to vector<1x16xf32>
      tpu.vector_store %arg7[%swap3A_616, %swap3A_617], %swap3A_620 {strides = array<i32>} : memref<512x64xf32, #tpu.memory_space<vmem>>, vector<1x16xf32>,
      %get3A_621 = arith.index_cast %squeeze3A_591 : i32 to index
      %get3A_622 = arith.constant 48 : index
      %get3A_623 = tpu.vector_load %arg6[%get3A_621, %get3A_622] {strides = array<i32>} : memref<20x64xf32, #tpu.memory_space<vmem>>, vector<1x16xf32>,
      %get3A_624 = vector.shape_cast %get3A_623 : vector<1x16xf32> to vector<16xf32>
      %swap3A_625 = arith.index_cast %add3A_593 : i32 to index
      %swap3A_626 = arith.constant 48 : index
      %swap3A_627 = tpu.vector_load %arg7[%swap3A_625, %swap3A_626] {strides = array<i32>} : memref<512x64xf32, #tpu.memory_space<vmem>>, vector<1x16xf32>,
      %swap3A_628 = vector.shape_cast %swap3A_627 : vector<1x16xf32> to vector<16xf32>
      %swap3A_629 = vector.shape_cast %get3A_624 : vector<16xf32> to vector<1x16xf32>
      tpu.vector_store %arg7[%swap3A_625, %swap3A_626], %swap3A_629 {strides = array<i32>} : memref<512x64xf32, #tpu.memory_space<vmem>>, vector<1x16xf32>,
      %slice3A_630 = vector.extract_strided_slice %get3A_192 {offsets = [11], sizes = [1], strides = [1]} : vector<16xi32> to vector<1xi32>
      %squeeze3A_631 = vector.extract %slice3A_630[0] : i32 from vector<1xi32>
      %add3A_632 = arith.constant 11 : i32
      %add3A_633 = arith.addi %mul3A_190, %add3A_632 : i32
      %get3A_634 = arith.index_cast %squeeze3A_631 : i32 to index
      %get3A_635 = arith.constant 0 : index
      %get3A_636 = tpu.vector_load %arg6[%get3A_634, %get3A_635] {strides = array<i32>} : memref<20x64xf32, #tpu.memory_space<vmem>>, vector<1x16xf32>,
      %get3A_637 = vector.shape_cast %get3A_636 : vector<1x16xf32> to vector<16xf32>
      %swap3A_638 = arith.index_cast %add3A_633 : i32 to index
      %swap3A_639 = arith.constant 0 : index
      %swap3A_640 = tpu.vector_load %arg7[%swap3A_638, %swap3A_639] {strides = array<i32>} : memref<512x64xf32, #tpu.memory_space<vmem>>, vector<1x16xf32>,
      %swap3A_641 = vector.shape_cast %swap3A_640 : vector<1x16xf32> to vector<16xf32>
      %swap3A_642 = vector.shape_cast %get3A_637 : vector<16xf32> to vector<1x16xf32>
      tpu.vector_store %arg7[%swap3A_638, %swap3A_639], %swap3A_642 {strides = array<i32>} : memref<512x64xf32, #tpu.memory_space<vmem>>, vector<1x16xf32>,
      %get3A_643 = arith.index_cast %squeeze3A_631 : i32 to index
      %get3A_644 = arith.constant 16 : index
      %get3A_645 = tpu.vector_load %arg6[%get3A_643, %get3A_644] {strides = array<i32>} : memref<20x64xf32, #tpu.memory_space<vmem>>, vector<1x16xf32>,
      %get3A_646 = vector.shape_cast %get3A_645 : vector<1x16xf32> to vector<16xf32>
      %swap3A_647 = arith.index_cast %add3A_633 : i32 to index
      %swap3A_648 = arith.constant 16 : index
      %swap3A_649 = tpu.vector_load %arg7[%swap3A_647, %swap3A_648] {strides = array<i32>} : memref<512x64xf32, #tpu.memory_space<vmem>>, vector<1x16xf32>,
      %swap3A_650 = vector.shape_cast %swap3A_649 : vector<1x16xf32> to vector<16xf32>
      %swap3A_651 = vector.shape_cast %get3A_646 : vector<16xf32> to vector<1x16xf32>
      tpu.vector_store %arg7[%swap3A_647, %swap3A_648], %swap3A_651 {strides = array<i32>} : memref<512x64xf32, #tpu.memory_space<vmem>>, vector<1x16xf32>,
      %get3A_652 = arith.index_cast %squeeze3A_631 : i32 to index
      %get3A_653 = arith.constant 32 : index
      %get3A_654 = tpu.vector_load %arg6[%get3A_652, %get3A_653] {strides = array<i32>} : memref<20x64xf32, #tpu.memory_space<vmem>>, vector<1x16xf32>,
      %get3A_655 = vector.shape_cast %get3A_654 : vector<1x16xf32> to vector<16xf32>
      %swap3A_656 = arith.index_cast %add3A_633 : i32 to index
      %swap3A_657 = arith.constant 32 : index
      %swap3A_658 = tpu.vector_load %arg7[%swap3A_656, %swap3A_657] {strides = array<i32>} : memref<512x64xf32, #tpu.memory_space<vmem>>, vector<1x16xf32>,
      %swap3A_659 = vector.shape_cast %swap3A_658 : vector<1x16xf32> to vector<16xf32>
      %swap3A_660 = vector.shape_cast %get3A_655 : vector<16xf32> to vector<1x16xf32>
      tpu.vector_store %arg7[%swap3A_656, %swap3A_657], %swap3A_660 {strides = array<i32>} : memref<512x64xf32, #tpu.memory_space<vmem>>, vector<1x16xf32>,
      %get3A_661 = arith.index_cast %squeeze3A_631 : i32 to index
      %get3A_662 = arith.constant 48 : index
      %get3A_663 = tpu.vector_load %arg6[%get3A_661, %get3A_662] {strides = array<i32>} : memref<20x64xf32, #tpu.memory_space<vmem>>, vector<1x16xf32>,
      %get3A_664 = vector.shape_cast %get3A_663 : vector<1x16xf32> to vector<16xf32>
      %swap3A_665 = arith.index_cast %add3A_633 : i32 to index
      %swap3A_666 = arith.constant 48 : index
      %swap3A_667 = tpu.vector_load %arg7[%swap3A_665, %swap3A_666] {strides = array<i32>} : memref<512x64xf32, #tpu.memory_space<vmem>>, vector<1x16xf32>,
      %swap3A_668 = vector.shape_cast %swap3A_667 : vector<1x16xf32> to vector<16xf32>
      %swap3A_669 = vector.shape_cast %get3A_664 : vector<16xf32> to vector<1x16xf32>
      tpu.vector_store %arg7[%swap3A_665, %swap3A_666], %swap3A_669 {strides = array<i32>} : memref<512x64xf32, #tpu.memory_space<vmem>>, vector<1x16xf32>,
      %slice3A_670 = vector.extract_strided_slice %get3A_192 {offsets = [12], sizes = [1], strides = [1]} : vector<16xi32> to vector<1xi32>
      %squeeze3A_671 = vector.extract %slice3A_670[0] : i32 from vector<1xi32>
      %add3A_672 = arith.constant 12 : i32
      %add3A_673 = arith.addi %mul3A_190, %add3A_672 : i32
      %get3A_674 = arith.index_cast %squeeze3A_671 : i32 to index
      %get3A_675 = arith.constant 0 : index
      %get3A_676 = tpu.vector_load %arg6[%get3A_674, %get3A_675] {strides = array<i32>} : memref<20x64xf32, #tpu.memory_space<vmem>>, vector<1x16xf32>,
      %get3A_677 = vector.shape_cast %get3A_676 : vector<1x16xf32> to vector<16xf32>
      %swap3A_678 = arith.index_cast %add3A_673 : i32 to index
      %swap3A_679 = arith.constant 0 : index
      %swap3A_680 = tpu.vector_load %arg7[%swap3A_678, %swap3A_679] {strides = array<i32>} : memref<512x64xf32, #tpu.memory_space<vmem>>, vector<1x16xf32>,
      %swap3A_681 = vector.shape_cast %swap3A_680 : vector<1x16xf32> to vector<16xf32>
      %swap3A_682 = vector.shape_cast %get3A_677 : vector<16xf32> to vector<1x16xf32>
      tpu.vector_store %arg7[%swap3A_678, %swap3A_679], %swap3A_682 {strides = array<i32>} : memref<512x64xf32, #tpu.memory_space<vmem>>, vector<1x16xf32>,
      %get3A_683 = arith.index_cast %squeeze3A_671 : i32 to index
      %get3A_684 = arith.constant 16 : index
      %get3A_685 = tpu.vector_load %arg6[%get3A_683, %get3A_684] {strides = array<i32>} : memref<20x64xf32, #tpu.memory_space<vmem>>, vector<1x16xf32>,
      %get3A_686 = vector.shape_cast %get3A_685 : vector<1x16xf32> to vector<16xf32>
      %swap3A_687 = arith.index_cast %add3A_673 : i32 to index
      %swap3A_688 = arith.constant 16 : index
      %swap3A_689 = tpu.vector_load %arg7[%swap3A_687, %swap3A_688] {strides = array<i32>} : memref<512x64xf32, #tpu.memory_space<vmem>>, vector<1x16xf32>,
      %swap3A_690 = vector.shape_cast %swap3A_689 : vector<1x16xf32> to vector<16xf32>
      %swap3A_691 = vector.shape_cast %get3A_686 : vector<16xf32> to vector<1x16xf32>
      tpu.vector_store %arg7[%swap3A_687, %swap3A_688], %swap3A_691 {strides = array<i32>} : memref<512x64xf32, #tpu.memory_space<vmem>>, vector<1x16xf32>,
      %get3A_692 = arith.index_cast %squeeze3A_671 : i32 to index
      %get3A_693 = arith.constant 32 : index
      %get3A_694 = tpu.vector_load %arg6[%get3A_692, %get3A_693] {strides = array<i32>} : memref<20x64xf32, #tpu.memory_space<vmem>>, vector<1x16xf32>,
      %get3A_695 = vector.shape_cast %get3A_694 : vector<1x16xf32> to vector<16xf32>
      %swap3A_696 = arith.index_cast %add3A_673 : i32 to index
      %swap3A_697 = arith.constant 32 : index
      %swap3A_698 = tpu.vector_load %arg7[%swap3A_696, %swap3A_697] {strides = array<i32>} : memref<512x64xf32, #tpu.memory_space<vmem>>, vector<1x16xf32>,
      %swap3A_699 = vector.shape_cast %swap3A_698 : vector<1x16xf32> to vector<16xf32>
      %swap3A_700 = vector.shape_cast %get3A_695 : vector<16xf32> to vector<1x16xf32>
      tpu.vector_store %arg7[%swap3A_696, %swap3A_697], %swap3A_700 {strides = array<i32>} : memref<512x64xf32, #tpu.memory_space<vmem>>, vector<1x16xf32>,
      %get3A_701 = arith.index_cast %squeeze3A_671 : i32 to index
      %get3A_702 = arith.constant 48 : index
      %get3A_703 = tpu.vector_load %arg6[%get3A_701, %get3A_702] {strides = array<i32>} : memref<20x64xf32, #tpu.memory_space<vmem>>, vector<1x16xf32>,
      %get3A_704 = vector.shape_cast %get3A_703 : vector<1x16xf32> to vector<16xf32>
      %swap3A_705 = arith.index_cast %add3A_673 : i32 to index
      %swap3A_706 = arith.constant 48 : index
      %swap3A_707 = tpu.vector_load %arg7[%swap3A_705, %swap3A_706] {strides = array<i32>} : memref<512x64xf32, #tpu.memory_space<vmem>>, vector<1x16xf32>,
      %swap3A_708 = vector.shape_cast %swap3A_707 : vector<1x16xf32> to vector<16xf32>
      %swap3A_709 = vector.shape_cast %get3A_704 : vector<16xf32> to vector<1x16xf32>
      tpu.vector_store %arg7[%swap3A_705, %swap3A_706], %swap3A_709 {strides = array<i32>} : memref<512x64xf32, #tpu.memory_space<vmem>>, vector<1x16xf32>,
      %slice3A_710 = vector.extract_strided_slice %get3A_192 {offsets = [13], sizes = [1], strides = [1]} : vector<16xi32> to vector<1xi32>
      %squeeze3A_711 = vector.extract %slice3A_710[0] : i32 from vector<1xi32>
      %add3A_712 = arith.constant 13 : i32
      %add3A_713 = arith.addi %mul3A_190, %add3A_712 : i32
      %get3A_714 = arith.index_cast %squeeze3A_711 : i32 to index
      %get3A_715 = arith.constant 0 : index
      %get3A_716 = tpu.vector_load %arg6[%get3A_714, %get3A_715] {strides = array<i32>} : memref<20x64xf32, #tpu.memory_space<vmem>>, vector<1x16xf32>,
      %get3A_717 = vector.shape_cast %get3A_716 : vector<1x16xf32> to vector<16xf32>
      %swap3A_718 = arith.index_cast %add3A_713 : i32 to index
      %swap3A_719 = arith.constant 0 : index
      %swap3A_720 = tpu.vector_load %arg7[%swap3A_718, %swap3A_719] {strides = array<i32>} : memref<512x64xf32, #tpu.memory_space<vmem>>, vector<1x16xf32>,
      %swap3A_721 = vector.shape_cast %swap3A_720 : vector<1x16xf32> to vector<16xf32>
      %swap3A_722 = vector.shape_cast %get3A_717 : vector<16xf32> to vector<1x16xf32>
      tpu.vector_store %arg7[%swap3A_718, %swap3A_719], %swap3A_722 {strides = array<i32>} : memref<512x64xf32, #tpu.memory_space<vmem>>, vector<1x16xf32>,
      %get3A_723 = arith.index_cast %squeeze3A_711 : i32 to index
      %get3A_724 = arith.constant 16 : index
      %get3A_725 = tpu.vector_load %arg6[%get3A_723, %get3A_724] {strides = array<i32>} : memref<20x64xf32, #tpu.memory_space<vmem>>, vector<1x16xf32>,
      %get3A_726 = vector.shape_cast %get3A_725 : vector<1x16xf32> to vector<16xf32>
      %swap3A_727 = arith.index_cast %add3A_713 : i32 to index
      %swap3A_728 = arith.constant 16 : index
      %swap3A_729 = tpu.vector_load %arg7[%swap3A_727, %swap3A_728] {strides = array<i32>} : memref<512x64xf32, #tpu.memory_space<vmem>>, vector<1x16xf32>,
      %swap3A_730 = vector.shape_cast %swap3A_729 : vector<1x16xf32> to vector<16xf32>
      %swap3A_731 = vector.shape_cast %get3A_726 : vector<16xf32> to vector<1x16xf32>
      tpu.vector_store %arg7[%swap3A_727, %swap3A_728], %swap3A_731 {strides = array<i32>} : memref<512x64xf32, #tpu.memory_space<vmem>>, vector<1x16xf32>,
      %get3A_732 = arith.index_cast %squeeze3A_711 : i32 to index
      %get3A_733 = arith.constant 32 : index
      %get3A_734 = tpu.vector_load %arg6[%get3A_732, %get3A_733] {strides = array<i32>} : memref<20x64xf32, #tpu.memory_space<vmem>>, vector<1x16xf32>,
      %get3A_735 = vector.shape_cast %get3A_734 : vector<1x16xf32> to vector<16xf32>
      %swap3A_736 = arith.index_cast %add3A_713 : i32 to index
      %swap3A_737 = arith.constant 32 : index
      %swap3A_738 = tpu.vector_load %arg7[%swap3A_736, %swap3A_737] {strides = array<i32>} : memref<512x64xf32, #tpu.memory_space<vmem>>, vector<1x16xf32>,
      %swap3A_739 = vector.shape_cast %swap3A_738 : vector<1x16xf32> to vector<16xf32>
      %swap3A_740 = vector.shape_cast %get3A_735 : vector<16xf32> to vector<1x16xf32>
      tpu.vector_store %arg7[%swap3A_736, %swap3A_737], %swap3A_740 {strides = array<i32>} : memref<512x64xf32, #tpu.memory_space<vmem>>, vector<1x16xf32>,
      %get3A_741 = arith.index_cast %squeeze3A_711 : i32 to index
      %get3A_742 = arith.constant 48 : index
      %get3A_743 = tpu.vector_load %arg6[%get3A_741, %get3A_742] {strides = array<i32>} : memref<20x64xf32, #tpu.memory_space<vmem>>, vector<1x16xf32>,
      %get3A_744 = vector.shape_cast %get3A_743 : vector<1x16xf32> to vector<16xf32>
      %swap3A_745 = arith.index_cast %add3A_713 : i32 to index
      %swap3A_746 = arith.constant 48 : index
      %swap3A_747 = tpu.vector_load %arg7[%swap3A_745, %swap3A_746] {strides = array<i32>} : memref<512x64xf32, #tpu.memory_space<vmem>>, vector<1x16xf32>,
      %swap3A_748 = vector.shape_cast %swap3A_747 : vector<1x16xf32> to vector<16xf32>
      %swap3A_749 = vector.shape_cast %get3A_744 : vector<16xf32> to vector<1x16xf32>
      tpu.vector_store %arg7[%swap3A_745, %swap3A_746], %swap3A_749 {strides = array<i32>} : memref<512x64xf32, #tpu.memory_space<vmem>>, vector<1x16xf32>,
      %slice3A_750 = vector.extract_strided_slice %get3A_192 {offsets = [14], sizes = [1], strides = [1]} : vector<16xi32> to vector<1xi32>
      %squeeze3A_751 = vector.extract %slice3A_750[0] : i32 from vector<1xi32>
      %add3A_752 = arith.constant 14 : i32
      %add3A_753 = arith.addi %mul3A_190, %add3A_752 : i32
      %get3A_754 = arith.index_cast %squeeze3A_751 : i32 to index
      %get3A_755 = arith.constant 0 : index
      %get3A_756 = tpu.vector_load %arg6[%get3A_754, %get3A_755] {strides = array<i32>} : memref<20x64xf32, #tpu.memory_space<vmem>>, vector<1x16xf32>,
      %get3A_757 = vector.shape_cast %get3A_756 : vector<1x16xf32> to vector<16xf32>
      %swap3A_758 = arith.index_cast %add3A_753 : i32 to index
      %swap3A_759 = arith.constant 0 : index
      %swap3A_760 = tpu.vector_load %arg7[%swap3A_758, %swap3A_759] {strides = array<i32>} : memref<512x64xf32, #tpu.memory_space<vmem>>, vector<1x16xf32>,
      %swap3A_761 = vector.shape_cast %swap3A_760 : vector<1x16xf32> to vector<16xf32>
      %swap3A_762 = vector.shape_cast %get3A_757 : vector<16xf32> to vector<1x16xf32>
      tpu.vector_store %arg7[%swap3A_758, %swap3A_759], %swap3A_762 {strides = array<i32>} : memref<512x64xf32, #tpu.memory_space<vmem>>, vector<1x16xf32>,
      %get3A_763 = arith.index_cast %squeeze3A_751 : i32 to index
      %get3A_764 = arith.constant 16 : index
      %get3A_765 = tpu.vector_load %arg6[%get3A_763, %get3A_764] {strides = array<i32>} : memref<20x64xf32, #tpu.memory_space<vmem>>, vector<1x16xf32>,
      %get3A_766 = vector.shape_cast %get3A_765 : vector<1x16xf32> to vector<16xf32>
      %swap3A_767 = arith.index_cast %add3A_753 : i32 to index
      %swap3A_768 = arith.constant 16 : index
      %swap3A_769 = tpu.vector_load %arg7[%swap3A_767, %swap3A_768] {strides = array<i32>} : memref<512x64xf32, #tpu.memory_space<vmem>>, vector<1x16xf32>,
      %swap3A_770 = vector.shape_cast %swap3A_769 : vector<1x16xf32> to vector<16xf32>
      %swap3A_771 = vector.shape_cast %get3A_766 : vector<16xf32> to vector<1x16xf32>
      tpu.vector_store %arg7[%swap3A_767, %swap3A_768], %swap3A_771 {strides = array<i32>} : memref<512x64xf32, #tpu.memory_space<vmem>>, vector<1x16xf32>,
      %get3A_772 = arith.index_cast %squeeze3A_751 : i32 to index
      %get3A_773 = arith.constant 32 : index
      %get3A_774 = tpu.vector_load %arg6[%get3A_772, %get3A_773] {strides = array<i32>} : memref<20x64xf32, #tpu.memory_space<vmem>>, vector<1x16xf32>,
      %get3A_775 = vector.shape_cast %get3A_774 : vector<1x16xf32> to vector<16xf32>
      %swap3A_776 = arith.index_cast %add3A_753 : i32 to index
      %swap3A_777 = arith.constant 32 : index
      %swap3A_778 = tpu.vector_load %arg7[%swap3A_776, %swap3A_777] {strides = array<i32>} : memref<512x64xf32, #tpu.memory_space<vmem>>, vector<1x16xf32>,
      %swap3A_779 = vector.shape_cast %swap3A_778 : vector<1x16xf32> to vector<16xf32>
      %swap3A_780 = vector.shape_cast %get3A_775 : vector<16xf32> to vector<1x16xf32>
      tpu.vector_store %arg7[%swap3A_776, %swap3A_777], %swap3A_780 {strides = array<i32>} : memref<512x64xf32, #tpu.memory_space<vmem>>, vector<1x16xf32>,
      %get3A_781 = arith.index_cast %squeeze3A_751 : i32 to index
      %get3A_782 = arith.constant 48 : index
      %get3A_783 = tpu.vector_load %arg6[%get3A_781, %get3A_782] {strides = array<i32>} : memref<20x64xf32, #tpu.memory_space<vmem>>, vector<1x16xf32>,
      %get3A_784 = vector.shape_cast %get3A_783 : vector<1x16xf32> to vector<16xf32>
      %swap3A_785 = arith.index_cast %add3A_753 : i32 to index
      %swap3A_786 = arith.constant 48 : index
      %swap3A_787 = tpu.vector_load %arg7[%swap3A_785, %swap3A_786] {strides = array<i32>} : memref<512x64xf32, #tpu.memory_space<vmem>>, vector<1x16xf32>,
      %swap3A_788 = vector.shape_cast %swap3A_787 : vector<1x16xf32> to vector<16xf32>
      %swap3A_789 = vector.shape_cast %get3A_784 : vector<16xf32> to vector<1x16xf32>
      tpu.vector_store %arg7[%swap3A_785, %swap3A_786], %swap3A_789 {strides = array<i32>} : memref<512x64xf32, #tpu.memory_space<vmem>>, vector<1x16xf32>,
      %slice3A_790 = vector.extract_strided_slice %get3A_192 {offsets = [15], sizes = [1], strides = [1]} : vector<16xi32> to vector<1xi32>
      %squeeze3A_791 = vector.extract %slice3A_790[0] : i32 from vector<1xi32>
      %add3A_792 = arith.constant 15 : i32
      %add3A_793 = arith.addi %mul3A_190, %add3A_792 : i32
      %get3A_794 = arith.index_cast %squeeze3A_791 : i32 to index
      %get3A_795 = arith.constant 0 : index
      %get3A_796 = tpu.vector_load %arg6[%get3A_794, %get3A_795] {strides = array<i32>} : memref<20x64xf32, #tpu.memory_space<vmem>>, vector<1x16xf32>,
      %get3A_797 = vector.shape_cast %get3A_796 : vector<1x16xf32> to vector<16xf32>
      %swap3A_798 = arith.index_cast %add3A_793 : i32 to index
      %swap3A_799 = arith.constant 0 : index
      %swap3A_800 = tpu.vector_load %arg7[%swap3A_798, %swap3A_799] {strides = array<i32>} : memref<512x64xf32, #tpu.memory_space<vmem>>, vector<1x16xf32>,
      %swap3A_801 = vector.shape_cast %swap3A_800 : vector<1x16xf32> to vector<16xf32>
      %swap3A_802 = vector.shape_cast %get3A_797 : vector<16xf32> to vector<1x16xf32>
      tpu.vector_store %arg7[%swap3A_798, %swap3A_799], %swap3A_802 {strides = array<i32>} : memref<512x64xf32, #tpu.memory_space<vmem>>, vector<1x16xf32>,
      %get3A_803 = arith.index_cast %squeeze3A_791 : i32 to index
      %get3A_804 = arith.constant 16 : index
      %get3A_805 = tpu.vector_load %arg6[%get3A_803, %get3A_804] {strides = array<i32>} : memref<20x64xf32, #tpu.memory_space<vmem>>, vector<1x16xf32>,
      %get3A_806 = vector.shape_cast %get3A_805 : vector<1x16xf32> to vector<16xf32>
      %swap3A_807 = arith.index_cast %add3A_793 : i32 to index
      %swap3A_808 = arith.constant 16 : index
      %swap3A_809 = tpu.vector_load %arg7[%swap3A_807, %swap3A_808] {strides = array<i32>} : memref<512x64xf32, #tpu.memory_space<vmem>>, vector<1x16xf32>,
      %swap3A_810 = vector.shape_cast %swap3A_809 : vector<1x16xf32> to vector<16xf32>
      %swap3A_811 = vector.shape_cast %get3A_806 : vector<16xf32> to vector<1x16xf32>
      tpu.vector_store %arg7[%swap3A_807, %swap3A_808], %swap3A_811 {strides = array<i32>} : memref<512x64xf32, #tpu.memory_space<vmem>>, vector<1x16xf32>,
      %get3A_812 = arith.index_cast %squeeze3A_791 : i32 to index
      %get3A_813 = arith.constant 32 : index
      %get3A_814 = tpu.vector_load %arg6[%get3A_812, %get3A_813] {strides = array<i32>} : memref<20x64xf32, #tpu.memory_space<vmem>>, vector<1x16xf32>,
      %get3A_815 = vector.shape_cast %get3A_814 : vector<1x16xf32> to vector<16xf32>
      %swap3A_816 = arith.index_cast %add3A_793 : i32 to index
      %swap3A_817 = arith.constant 32 : index
      %swap3A_818 = tpu.vector_load %arg7[%swap3A_816, %swap3A_817] {strides = array<i32>} : memref<512x64xf32, #tpu.memory_space<vmem>>, vector<1x16xf32>,
      %swap3A_819 = vector.shape_cast %swap3A_818 : vector<1x16xf32> to vector<16xf32>
      %swap3A_820 = vector.shape_cast %get3A_815 : vector<16xf32> to vector<1x16xf32>
      tpu.vector_store %arg7[%swap3A_816, %swap3A_817], %swap3A_820 {strides = array<i32>} : memref<512x64xf32, #tpu.memory_space<vmem>>, vector<1x16xf32>,
      %get3A_821 = arith.index_cast %squeeze3A_791 : i32 to index
      %get3A_822 = arith.constant 48 : index
      %get3A_823 = tpu.vector_load %arg6[%get3A_821, %get3A_822] {strides = array<i32>} : memref<20x64xf32, #tpu.memory_space<vmem>>, vector<1x16xf32>,
      %get3A_824 = vector.shape_cast %get3A_823 : vector<1x16xf32> to vector<16xf32>
      %swap3A_825 = arith.index_cast %add3A_793 : i32 to index
      %swap3A_826 = arith.constant 48 : index
      %swap3A_827 = tpu.vector_load %arg7[%swap3A_825, %swap3A_826] {strides = array<i32>} : memref<512x64xf32, #tpu.memory_space<vmem>>, vector<1x16xf32>,
      %swap3A_828 = vector.shape_cast %swap3A_827 : vector<1x16xf32> to vector<16xf32>
      %swap3A_829 = vector.shape_cast %get3A_824 : vector<16xf32> to vector<1x16xf32>
      tpu.vector_store %arg7[%swap3A_825, %swap3A_826], %swap3A_829 {strides = array<i32>} : memref<512x64xf32, #tpu.memory_space<vmem>>, vector<1x16xf32>,
    }
    %scan3A_35 = arith.constant 8 : i32
    %dma_start3A_36 = arith.constant 128 : i32
    %dma_start3A_37 = arith.constant 0 : i32
    %dma_start3A_38 = tpu.memref_slice %arg7[%dma_start3A_36, %dma_start3A_37] : memref<512x64xf32, #tpu.memory_space<vmem>> -> memref<128x64xf32, #tpu.memory_space<vmem>>
    %dma_start3A_39 = arith.constant 0 : i32
    %dma_start3A_40 = arith.constant 0 : i32
    %dma_start3A_41 = tpu.memref_slice %arg4[%add3A, %dma_start3A_39, %dma_start3A_40] : memref<32x512x64xf32, #tpu.memory_space<hbm>> -> memref<1x512x64xf32, #tpu.memory_space<hbm>>
    %dma_start3A_42 = tpu.memref_squeeze %dma_start3A_41 : memref<1x512x64xf32, #tpu.memory_space<hbm>> -> memref<512x64xf32, #tpu.memory_space<hbm>>
    %dma_start3A_43 = arith.constant 128 : i32
    %dma_start3A_44 = arith.constant 0 : i32
    %dma_start3A_45 = tpu.memref_slice %dma_start3A_42[%dma_start3A_43, %dma_start3A_44] : memref<512x64xf32, #tpu.memory_space<hbm>> -> memref<128x64xf32, #tpu.memory_space<hbm>>
    %dma_start3A_46 = arith.constant 0 : i32
    %dma_start3A_47 = arith.constant 0 : i32
    %dma_start3A_48 = tpu.memref_slice %arg4[%add3A, %dma_start3A_46, %dma_start3A_47] : memref<32x512x64xf32, #tpu.memory_space<hbm>> -> memref<1x512x64xf32, #tpu.memory_space<hbm>>
    %dma_start3A_49 = tpu.memref_squeeze %dma_start3A_48 : memref<1x512x64xf32, #tpu.memory_space<hbm>> -> memref<512x64xf32, #tpu.memory_space<hbm>>
    %dma_start3A_50 = arith.constant 128 : i32
    %dma_start3A_51 = arith.constant 0 : i32
    %dma_start3A_52 = tpu.memref_slice %dma_start3A_49[%dma_start3A_50, %dma_start3A_51] : memref<512x64xf32, #tpu.memory_space<hbm>> -> memref<128x64xf32, #tpu.memory_space<hbm>>
    %dma_start3A_53 = arith.constant 128 : i32
    %dma_start3A_54 = arith.constant 0 : i32
    %dma_start3A_55 = tpu.memref_slice %arg7[%dma_start3A_53, %dma_start3A_54] : memref<512x64xf32, #tpu.memory_space<vmem>> -> memref<128x64xf32, #tpu.memory_space<vmem>>
    tpu.enqueue_dma source(%dma_start3A_55 : memref<128x64xf32, #tpu.memory_space<vmem>>) target(%dma_start3A_52 : memref<128x64xf32, #tpu.memory_space<hbm>>) target_semaphore(%arg9 : memref<!tpu.dma_semaphore, #tpu.memory_space<semaphore_mem>>)
    %scan3A_56 = arith.constant 0 : i32
    %scan3A_57 = arith.constant 16 : i32
    %scan3A_58 = arith.constant 8 : i32
    %scan3A_59 = arith.addi %scan3A_57, %scan3A_58 : i32
    %scan3A_60 = arith.constant 1 : i32
    scf.for %scan3A_188 = %scan3A_57 to %scan3A_59 step %scan3A_60  : i32 {
      %mul3A_189 = arith.constant 16 : i32
      %mul3A_190 = arith.muli %scan3A_188, %mul3A_189 : i32
      %get3A = arith.index_cast %mul3A_190 : i32 to index
      %get3A_191 = tpu.vector_load %arg5[%get3A] {strides = array<i32>} : memref<512xi32, #tpu.memory_space<vmem>>, vector<16xi32>,
      %get3A_192 = vector.shape_cast %get3A_191 : vector<16xi32> to vector<16xi32>
      %slice3A = vector.extract_strided_slice %get3A_192 {offsets = [0], sizes = [1], strides = [1]} : vector<16xi32> to vector<1xi32>
      %squeeze3A = vector.extract %slice3A[0] : i32 from vector<1xi32>
      %add3A_193 = arith.constant 0 : i32
      %add3A_194 = arith.addi %mul3A_190, %add3A_193 : i32
      %get3A_195 = arith.index_cast %squeeze3A : i32 to index
      %get3A_196 = arith.constant 0 : index
      %get3A_197 = tpu.vector_load %arg6[%get3A_195, %get3A_196] {strides = array<i32>} : memref<20x64xf32, #tpu.memory_space<vmem>>, vector<1x16xf32>,
      %get3A_198 = vector.shape_cast %get3A_197 : vector<1x16xf32> to vector<16xf32>
      %swap3A = arith.index_cast %add3A_194 : i32 to index
      %swap3A_199 = arith.constant 0 : index
      %swap3A_200 = tpu.vector_load %arg7[%swap3A, %swap3A_199] {strides = array<i32>} : memref<512x64xf32, #tpu.memory_space<vmem>>, vector<1x16xf32>,
      %swap3A_201 = vector.shape_cast %swap3A_200 : vector<1x16xf32> to vector<16xf32>
      %swap3A_202 = vector.shape_cast %get3A_198 : vector<16xf32> to vector<1x16xf32>
      tpu.vector_store %arg7[%swap3A, %swap3A_199], %swap3A_202 {strides = array<i32>} : memref<512x64xf32, #tpu.memory_space<vmem>>, vector<1x16xf32>,
      %get3A_203 = arith.index_cast %squeeze3A : i32 to index
      %get3A_204 = arith.constant 16 : index
      %get3A_205 = tpu.vector_load %arg6[%get3A_203, %get3A_204] {strides = array<i32>} : memref<20x64xf32, #tpu.memory_space<vmem>>, vector<1x16xf32>,
      %get3A_206 = vector.shape_cast %get3A_205 : vector<1x16xf32> to vector<16xf32>
      %swap3A_207 = arith.index_cast %add3A_194 : i32 to index
      %swap3A_208 = arith.constant 16 : index
      %swap3A_209 = tpu.vector_load %arg7[%swap3A_207, %swap3A_208] {strides = array<i32>} : memref<512x64xf32, #tpu.memory_space<vmem>>, vector<1x16xf32>,
      %swap3A_210 = vector.shape_cast %swap3A_209 : vector<1x16xf32> to vector<16xf32>
      %swap3A_211 = vector.shape_cast %get3A_206 : vector<16xf32> to vector<1x16xf32>
      tpu.vector_store %arg7[%swap3A_207, %swap3A_208], %swap3A_211 {strides = array<i32>} : memref<512x64xf32, #tpu.memory_space<vmem>>, vector<1x16xf32>,
      %get3A_212 = arith.index_cast %squeeze3A : i32 to index
      %get3A_213 = arith.constant 32 : index
      %get3A_214 = tpu.vector_load %arg6[%get3A_212, %get3A_213] {strides = array<i32>} : memref<20x64xf32, #tpu.memory_space<vmem>>, vector<1x16xf32>,
      %get3A_215 = vector.shape_cast %get3A_214 : vector<1x16xf32> to vector<16xf32>
      %swap3A_216 = arith.index_cast %add3A_194 : i32 to index
      %swap3A_217 = arith.constant 32 : index
      %swap3A_218 = tpu.vector_load %arg7[%swap3A_216, %swap3A_217] {strides = array<i32>} : memref<512x64xf32, #tpu.memory_space<vmem>>, vector<1x16xf32>,
      %swap3A_219 = vector.shape_cast %swap3A_218 : vector<1x16xf32> to vector<16xf32>
      %swap3A_220 = vector.shape_cast %get3A_215 : vector<16xf32> to vector<1x16xf32>
      tpu.vector_store %arg7[%swap3A_216, %swap3A_217], %swap3A_220 {strides = array<i32>} : memref<512x64xf32, #tpu.memory_space<vmem>>, vector<1x16xf32>,
      %get3A_221 = arith.index_cast %squeeze3A : i32 to index
      %get3A_222 = arith.constant 48 : index
      %get3A_223 = tpu.vector_load %arg6[%get3A_221, %get3A_222] {strides = array<i32>} : memref<20x64xf32, #tpu.memory_space<vmem>>, vector<1x16xf32>,
      %get3A_224 = vector.shape_cast %get3A_223 : vector<1x16xf32> to vector<16xf32>
      %swap3A_225 = arith.index_cast %add3A_194 : i32 to index
      %swap3A_226 = arith.constant 48 : index
      %swap3A_227 = tpu.vector_load %arg7[%swap3A_225, %swap3A_226] {strides = array<i32>} : memref<512x64xf32, #tpu.memory_space<vmem>>, vector<1x16xf32>,
      %swap3A_228 = vector.shape_cast %swap3A_227 : vector<1x16xf32> to vector<16xf32>
      %swap3A_229 = vector.shape_cast %get3A_224 : vector<16xf32> to vector<1x16xf32>
      tpu.vector_store %arg7[%swap3A_225, %swap3A_226], %swap3A_229 {strides = array<i32>} : memref<512x64xf32, #tpu.memory_space<vmem>>, vector<1x16xf32>,
      %slice3A_230 = vector.extract_strided_slice %get3A_192 {offsets = [1], sizes = [1], strides = [1]} : vector<16xi32> to vector<1xi32>
      %squeeze3A_231 = vector.extract %slice3A_230[0] : i32 from vector<1xi32>
      %add3A_232 = arith.constant 1 : i32
      %add3A_233 = arith.addi %mul3A_190, %add3A_232 : i32
      %get3A_234 = arith.index_cast %squeeze3A_231 : i32 to index
      %get3A_235 = arith.constant 0 : index
      %get3A_236 = tpu.vector_load %arg6[%get3A_234, %get3A_235] {strides = array<i32>} : memref<20x64xf32, #tpu.memory_space<vmem>>, vector<1x16xf32>,
      %get3A_237 = vector.shape_cast %get3A_236 : vector<1x16xf32> to vector<16xf32>
      %swap3A_238 = arith.index_cast %add3A_233 : i32 to index
      %swap3A_239 = arith.constant 0 : index
      %swap3A_240 = tpu.vector_load %arg7[%swap3A_238, %swap3A_239] {strides = array<i32>} : memref<512x64xf32, #tpu.memory_space<vmem>>, vector<1x16xf32>,
      %swap3A_241 = vector.shape_cast %swap3A_240 : vector<1x16xf32> to vector<16xf32>
      %swap3A_242 = vector.shape_cast %get3A_237 : vector<16xf32> to vector<1x16xf32>
      tpu.vector_store %arg7[%swap3A_238, %swap3A_239], %swap3A_242 {strides = array<i32>} : memref<512x64xf32, #tpu.memory_space<vmem>>, vector<1x16xf32>,
      %get3A_243 = arith.index_cast %squeeze3A_231 : i32 to index
      %get3A_244 = arith.constant 16 : index
      %get3A_245 = tpu.vector_load %arg6[%get3A_243, %get3A_244] {strides = array<i32>} : memref<20x64xf32, #tpu.memory_space<vmem>>, vector<1x16xf32>,
      %get3A_246 = vector.shape_cast %get3A_245 : vector<1x16xf32> to vector<16xf32>
      %swap3A_247 = arith.index_cast %add3A_233 : i32 to index
      %swap3A_248 = arith.constant 16 : index
      %swap3A_249 = tpu.vector_load %arg7[%swap3A_247, %swap3A_248] {strides = array<i32>} : memref<512x64xf32, #tpu.memory_space<vmem>>, vector<1x16xf32>,
      %swap3A_250 = vector.shape_cast %swap3A_249 : vector<1x16xf32> to vector<16xf32>
      %swap3A_251 = vector.shape_cast %get3A_246 : vector<16xf32> to vector<1x16xf32>
      tpu.vector_store %arg7[%swap3A_247, %swap3A_248], %swap3A_251 {strides = array<i32>} : memref<512x64xf32, #tpu.memory_space<vmem>>, vector<1x16xf32>,
      %get3A_252 = arith.index_cast %squeeze3A_231 : i32 to index
      %get3A_253 = arith.constant 32 : index
      %get3A_254 = tpu.vector_load %arg6[%get3A_252, %get3A_253] {strides = array<i32>} : memref<20x64xf32, #tpu.memory_space<vmem>>, vector<1x16xf32>,
      %get3A_255 = vector.shape_cast %get3A_254 : vector<1x16xf32> to vector<16xf32>
      %swap3A_256 = arith.index_cast %add3A_233 : i32 to index
      %swap3A_257 = arith.constant 32 : index
      %swap3A_258 = tpu.vector_load %arg7[%swap3A_256, %swap3A_257] {strides = array<i32>} : memref<512x64xf32, #tpu.memory_space<vmem>>, vector<1x16xf32>,
      %swap3A_259 = vector.shape_cast %swap3A_258 : vector<1x16xf32> to vector<16xf32>
      %swap3A_260 = vector.shape_cast %get3A_255 : vector<16xf32> to vector<1x16xf32>
      tpu.vector_store %arg7[%swap3A_256, %swap3A_257], %swap3A_260 {strides = array<i32>} : memref<512x64xf32, #tpu.memory_space<vmem>>, vector<1x16xf32>,
      %get3A_261 = arith.index_cast %squeeze3A_231 : i32 to index
      %get3A_262 = arith.constant 48 : index
      %get3A_263 = tpu.vector_load %arg6[%get3A_261, %get3A_262] {strides = array<i32>} : memref<20x64xf32, #tpu.memory_space<vmem>>, vector<1x16xf32>,
      %get3A_264 = vector.shape_cast %get3A_263 : vector<1x16xf32> to vector<16xf32>
      %swap3A_265 = arith.index_cast %add3A_233 : i32 to index
      %swap3A_266 = arith.constant 48 : index
      %swap3A_267 = tpu.vector_load %arg7[%swap3A_265, %swap3A_266] {strides = array<i32>} : memref<512x64xf32, #tpu.memory_space<vmem>>, vector<1x16xf32>,
      %swap3A_268 = vector.shape_cast %swap3A_267 : vector<1x16xf32> to vector<16xf32>
      %swap3A_269 = vector.shape_cast %get3A_264 : vector<16xf32> to vector<1x16xf32>
      tpu.vector_store %arg7[%swap3A_265, %swap3A_266], %swap3A_269 {strides = array<i32>} : memref<512x64xf32, #tpu.memory_space<vmem>>, vector<1x16xf32>,
      %slice3A_270 = vector.extract_strided_slice %get3A_192 {offsets = [2], sizes = [1], strides = [1]} : vector<16xi32> to vector<1xi32>
      %squeeze3A_271 = vector.extract %slice3A_270[0] : i32 from vector<1xi32>
      %add3A_272 = arith.constant 2 : i32
      %add3A_273 = arith.addi %mul3A_190, %add3A_272 : i32
      %get3A_274 = arith.index_cast %squeeze3A_271 : i32 to index
      %get3A_275 = arith.constant 0 : index
      %get3A_276 = tpu.vector_load %arg6[%get3A_274, %get3A_275] {strides = array<i32>} : memref<20x64xf32, #tpu.memory_space<vmem>>, vector<1x16xf32>,
      %get3A_277 = vector.shape_cast %get3A_276 : vector<1x16xf32> to vector<16xf32>
      %swap3A_278 = arith.index_cast %add3A_273 : i32 to index
      %swap3A_279 = arith.constant 0 : index
      %swap3A_280 = tpu.vector_load %arg7[%swap3A_278, %swap3A_279] {strides = array<i32>} : memref<512x64xf32, #tpu.memory_space<vmem>>, vector<1x16xf32>,
      %swap3A_281 = vector.shape_cast %swap3A_280 : vector<1x16xf32> to vector<16xf32>
      %swap3A_282 = vector.shape_cast %get3A_277 : vector<16xf32> to vector<1x16xf32>
      tpu.vector_store %arg7[%swap3A_278, %swap3A_279], %swap3A_282 {strides = array<i32>} : memref<512x64xf32, #tpu.memory_space<vmem>>, vector<1x16xf32>,
      %get3A_283 = arith.index_cast %squeeze3A_271 : i32 to index
      %get3A_284 = arith.constant 16 : index
      %get3A_285 = tpu.vector_load %arg6[%get3A_283, %get3A_284] {strides = array<i32>} : memref<20x64xf32, #tpu.memory_space<vmem>>, vector<1x16xf32>,
      %get3A_286 = vector.shape_cast %get3A_285 : vector<1x16xf32> to vector<16xf32>
      %swap3A_287 = arith.index_cast %add3A_273 : i32 to index
      %swap3A_288 = arith.constant 16 : index
      %swap3A_289 = tpu.vector_load %arg7[%swap3A_287, %swap3A_288] {strides = array<i32>} : memref<512x64xf32, #tpu.memory_space<vmem>>, vector<1x16xf32>,
      %swap3A_290 = vector.shape_cast %swap3A_289 : vector<1x16xf32> to vector<16xf32>
      %swap3A_291 = vector.shape_cast %get3A_286 : vector<16xf32> to vector<1x16xf32>
      tpu.vector_store %arg7[%swap3A_287, %swap3A_288], %swap3A_291 {strides = array<i32>} : memref<512x64xf32, #tpu.memory_space<vmem>>, vector<1x16xf32>,
      %get3A_292 = arith.index_cast %squeeze3A_271 : i32 to index
      %get3A_293 = arith.constant 32 : index
      %get3A_294 = tpu.vector_load %arg6[%get3A_292, %get3A_293] {strides = array<i32>} : memref<20x64xf32, #tpu.memory_space<vmem>>, vector<1x16xf32>,
      %get3A_295 = vector.shape_cast %get3A_294 : vector<1x16xf32> to vector<16xf32>
      %swap3A_296 = arith.index_cast %add3A_273 : i32 to index
      %swap3A_297 = arith.constant 32 : index
      %swap3A_298 = tpu.vector_load %arg7[%swap3A_296, %swap3A_297] {strides = array<i32>} : memref<512x64xf32, #tpu.memory_space<vmem>>, vector<1x16xf32>,
      %swap3A_299 = vector.shape_cast %swap3A_298 : vector<1x16xf32> to vector<16xf32>
      %swap3A_300 = vector.shape_cast %get3A_295 : vector<16xf32> to vector<1x16xf32>
      tpu.vector_store %arg7[%swap3A_296, %swap3A_297], %swap3A_300 {strides = array<i32>} : memref<512x64xf32, #tpu.memory_space<vmem>>, vector<1x16xf32>,
      %get3A_301 = arith.index_cast %squeeze3A_271 : i32 to index
      %get3A_302 = arith.constant 48 : index
      %get3A_303 = tpu.vector_load %arg6[%get3A_301, %get3A_302] {strides = array<i32>} : memref<20x64xf32, #tpu.memory_space<vmem>>, vector<1x16xf32>,
      %get3A_304 = vector.shape_cast %get3A_303 : vector<1x16xf32> to vector<16xf32>
      %swap3A_305 = arith.index_cast %add3A_273 : i32 to index
      %swap3A_306 = arith.constant 48 : index
      %swap3A_307 = tpu.vector_load %arg7[%swap3A_305, %swap3A_306] {strides = array<i32>} : memref<512x64xf32, #tpu.memory_space<vmem>>, vector<1x16xf32>,
      %swap3A_308 = vector.shape_cast %swap3A_307 : vector<1x16xf32> to vector<16xf32>
      %swap3A_309 = vector.shape_cast %get3A_304 : vector<16xf32> to vector<1x16xf32>
      tpu.vector_store %arg7[%swap3A_305, %swap3A_306], %swap3A_309 {strides = array<i32>} : memref<512x64xf32, #tpu.memory_space<vmem>>, vector<1x16xf32>,
      %slice3A_310 = vector.extract_strided_slice %get3A_192 {offsets = [3], sizes = [1], strides = [1]} : vector<16xi32> to vector<1xi32>
      %squeeze3A_311 = vector.extract %slice3A_310[0] : i32 from vector<1xi32>
      %add3A_312 = arith.constant 3 : i32
      %add3A_313 = arith.addi %mul3A_190, %add3A_312 : i32
      %get3A_314 = arith.index_cast %squeeze3A_311 : i32 to index
      %get3A_315 = arith.constant 0 : index
      %get3A_316 = tpu.vector_load %arg6[%get3A_314, %get3A_315] {strides = array<i32>} : memref<20x64xf32, #tpu.memory_space<vmem>>, vector<1x16xf32>,
      %get3A_317 = vector.shape_cast %get3A_316 : vector<1x16xf32> to vector<16xf32>
      %swap3A_318 = arith.index_cast %add3A_313 : i32 to index
      %swap3A_319 = arith.constant 0 : index
      %swap3A_320 = tpu.vector_load %arg7[%swap3A_318, %swap3A_319] {strides = array<i32>} : memref<512x64xf32, #tpu.memory_space<vmem>>, vector<1x16xf32>,
      %swap3A_321 = vector.shape_cast %swap3A_320 : vector<1x16xf32> to vector<16xf32>
      %swap3A_322 = vector.shape_cast %get3A_317 : vector<16xf32> to vector<1x16xf32>
      tpu.vector_store %arg7[%swap3A_318, %swap3A_319], %swap3A_322 {strides = array<i32>} : memref<512x64xf32, #tpu.memory_space<vmem>>, vector<1x16xf32>,
      %get3A_323 = arith.index_cast %squeeze3A_311 : i32 to index
      %get3A_324 = arith.constant 16 : index
      %get3A_325 = tpu.vector_load %arg6[%get3A_323, %get3A_324] {strides = array<i32>} : memref<20x64xf32, #tpu.memory_space<vmem>>, vector<1x16xf32>,
      %get3A_326 = vector.shape_cast %get3A_325 : vector<1x16xf32> to vector<16xf32>
      %swap3A_327 = arith.index_cast %add3A_313 : i32 to index
      %swap3A_328 = arith.constant 16 : index
      %swap3A_329 = tpu.vector_load %arg7[%swap3A_327, %swap3A_328] {strides = array<i32>} : memref<512x64xf32, #tpu.memory_space<vmem>>, vector<1x16xf32>,
      %swap3A_330 = vector.shape_cast %swap3A_329 : vector<1x16xf32> to vector<16xf32>
      %swap3A_331 = vector.shape_cast %get3A_326 : vector<16xf32> to vector<1x16xf32>
      tpu.vector_store %arg7[%swap3A_327, %swap3A_328], %swap3A_331 {strides = array<i32>} : memref<512x64xf32, #tpu.memory_space<vmem>>, vector<1x16xf32>,
      %get3A_332 = arith.index_cast %squeeze3A_311 : i32 to index
      %get3A_333 = arith.constant 32 : index
      %get3A_334 = tpu.vector_load %arg6[%get3A_332, %get3A_333] {strides = array<i32>} : memref<20x64xf32, #tpu.memory_space<vmem>>, vector<1x16xf32>,
      %get3A_335 = vector.shape_cast %get3A_334 : vector<1x16xf32> to vector<16xf32>
      %swap3A_336 = arith.index_cast %add3A_313 : i32 to index
      %swap3A_337 = arith.constant 32 : index
      %swap3A_338 = tpu.vector_load %arg7[%swap3A_336, %swap3A_337] {strides = array<i32>} : memref<512x64xf32, #tpu.memory_space<vmem>>, vector<1x16xf32>,
      %swap3A_339 = vector.shape_cast %swap3A_338 : vector<1x16xf32> to vector<16xf32>
      %swap3A_340 = vector.shape_cast %get3A_335 : vector<16xf32> to vector<1x16xf32>
      tpu.vector_store %arg7[%swap3A_336, %swap3A_337], %swap3A_340 {strides = array<i32>} : memref<512x64xf32, #tpu.memory_space<vmem>>, vector<1x16xf32>,
      %get3A_341 = arith.index_cast %squeeze3A_311 : i32 to index
      %get3A_342 = arith.constant 48 : index
      %get3A_343 = tpu.vector_load %arg6[%get3A_341, %get3A_342] {strides = array<i32>} : memref<20x64xf32, #tpu.memory_space<vmem>>, vector<1x16xf32>,
      %get3A_344 = vector.shape_cast %get3A_343 : vector<1x16xf32> to vector<16xf32>
      %swap3A_345 = arith.index_cast %add3A_313 : i32 to index
      %swap3A_346 = arith.constant 48 : index
      %swap3A_347 = tpu.vector_load %arg7[%swap3A_345, %swap3A_346] {strides = array<i32>} : memref<512x64xf32, #tpu.memory_space<vmem>>, vector<1x16xf32>,
      %swap3A_348 = vector.shape_cast %swap3A_347 : vector<1x16xf32> to vector<16xf32>
      %swap3A_349 = vector.shape_cast %get3A_344 : vector<16xf32> to vector<1x16xf32>
      tpu.vector_store %arg7[%swap3A_345, %swap3A_346], %swap3A_349 {strides = array<i32>} : memref<512x64xf32, #tpu.memory_space<vmem>>, vector<1x16xf32>,
      %slice3A_350 = vector.extract_strided_slice %get3A_192 {offsets = [4], sizes = [1], strides = [1]} : vector<16xi32> to vector<1xi32>
      %squeeze3A_351 = vector.extract %slice3A_350[0] : i32 from vector<1xi32>
      %add3A_352 = arith.constant 4 : i32
      %add3A_353 = arith.addi %mul3A_190, %add3A_352 : i32
      %get3A_354 = arith.index_cast %squeeze3A_351 : i32 to index
      %get3A_355 = arith.constant 0 : index
      %get3A_356 = tpu.vector_load %arg6[%get3A_354, %get3A_355] {strides = array<i32>} : memref<20x64xf32, #tpu.memory_space<vmem>>, vector<1x16xf32>,
      %get3A_357 = vector.shape_cast %get3A_356 : vector<1x16xf32> to vector<16xf32>
      %swap3A_358 = arith.index_cast %add3A_353 : i32 to index
      %swap3A_359 = arith.constant 0 : index
      %swap3A_360 = tpu.vector_load %arg7[%swap3A_358, %swap3A_359] {strides = array<i32>} : memref<512x64xf32, #tpu.memory_space<vmem>>, vector<1x16xf32>,
      %swap3A_361 = vector.shape_cast %swap3A_360 : vector<1x16xf32> to vector<16xf32>
      %swap3A_362 = vector.shape_cast %get3A_357 : vector<16xf32> to vector<1x16xf32>
      tpu.vector_store %arg7[%swap3A_358, %swap3A_359], %swap3A_362 {strides = array<i32>} : memref<512x64xf32, #tpu.memory_space<vmem>>, vector<1x16xf32>,
      %get3A_363 = arith.index_cast %squeeze3A_351 : i32 to index
      %get3A_364 = arith.constant 16 : index
      %get3A_365 = tpu.vector_load %arg6[%get3A_363, %get3A_364] {strides = array<i32>} : memref<20x64xf32, #tpu.memory_space<vmem>>, vector<1x16xf32>,
      %get3A_366 = vector.shape_cast %get3A_365 : vector<1x16xf32> to vector<16xf32>
      %swap3A_367 = arith.index_cast %add3A_353 : i32 to index
      %swap3A_368 = arith.constant 16 : index
      %swap3A_369 = tpu.vector_load %arg7[%swap3A_367, %swap3A_368] {strides = array<i32>} : memref<512x64xf32, #tpu.memory_space<vmem>>, vector<1x16xf32>,
      %swap3A_370 = vector.shape_cast %swap3A_369 : vector<1x16xf32> to vector<16xf32>
      %swap3A_371 = vector.shape_cast %get3A_366 : vector<16xf32> to vector<1x16xf32>
      tpu.vector_store %arg7[%swap3A_367, %swap3A_368], %swap3A_371 {strides = array<i32>} : memref<512x64xf32, #tpu.memory_space<vmem>>, vector<1x16xf32>,
      %get3A_372 = arith.index_cast %squeeze3A_351 : i32 to index
      %get3A_373 = arith.constant 32 : index
      %get3A_374 = tpu.vector_load %arg6[%get3A_372, %get3A_373] {strides = array<i32>} : memref<20x64xf32, #tpu.memory_space<vmem>>, vector<1x16xf32>,
      %get3A_375 = vector.shape_cast %get3A_374 : vector<1x16xf32> to vector<16xf32>
      %swap3A_376 = arith.index_cast %add3A_353 : i32 to index
      %swap3A_377 = arith.constant 32 : index
      %swap3A_378 = tpu.vector_load %arg7[%swap3A_376, %swap3A_377] {strides = array<i32>} : memref<512x64xf32, #tpu.memory_space<vmem>>, vector<1x16xf32>,
      %swap3A_379 = vector.shape_cast %swap3A_378 : vector<1x16xf32> to vector<16xf32>
      %swap3A_380 = vector.shape_cast %get3A_375 : vector<16xf32> to vector<1x16xf32>
      tpu.vector_store %arg7[%swap3A_376, %swap3A_377], %swap3A_380 {strides = array<i32>} : memref<512x64xf32, #tpu.memory_space<vmem>>, vector<1x16xf32>,
      %get3A_381 = arith.index_cast %squeeze3A_351 : i32 to index
      %get3A_382 = arith.constant 48 : index
      %get3A_383 = tpu.vector_load %arg6[%get3A_381, %get3A_382] {strides = array<i32>} : memref<20x64xf32, #tpu.memory_space<vmem>>, vector<1x16xf32>,
      %get3A_384 = vector.shape_cast %get3A_383 : vector<1x16xf32> to vector<16xf32>
      %swap3A_385 = arith.index_cast %add3A_353 : i32 to index
      %swap3A_386 = arith.constant 48 : index
      %swap3A_387 = tpu.vector_load %arg7[%swap3A_385, %swap3A_386] {strides = array<i32>} : memref<512x64xf32, #tpu.memory_space<vmem>>, vector<1x16xf32>,
      %swap3A_388 = vector.shape_cast %swap3A_387 : vector<1x16xf32> to vector<16xf32>
      %swap3A_389 = vector.shape_cast %get3A_384 : vector<16xf32> to vector<1x16xf32>
      tpu.vector_store %arg7[%swap3A_385, %swap3A_386], %swap3A_389 {strides = array<i32>} : memref<512x64xf32, #tpu.memory_space<vmem>>, vector<1x16xf32>,
      %slice3A_390 = vector.extract_strided_slice %get3A_192 {offsets = [5], sizes = [1], strides = [1]} : vector<16xi32> to vector<1xi32>
      %squeeze3A_391 = vector.extract %slice3A_390[0] : i32 from vector<1xi32>
      %add3A_392 = arith.constant 5 : i32
      %add3A_393 = arith.addi %mul3A_190, %add3A_392 : i32
      %get3A_394 = arith.index_cast %squeeze3A_391 : i32 to index
      %get3A_395 = arith.constant 0 : index
      %get3A_396 = tpu.vector_load %arg6[%get3A_394, %get3A_395] {strides = array<i32>} : memref<20x64xf32, #tpu.memory_space<vmem>>, vector<1x16xf32>,
      %get3A_397 = vector.shape_cast %get3A_396 : vector<1x16xf32> to vector<16xf32>
      %swap3A_398 = arith.index_cast %add3A_393 : i32 to index
      %swap3A_399 = arith.constant 0 : index
      %swap3A_400 = tpu.vector_load %arg7[%swap3A_398, %swap3A_399] {strides = array<i32>} : memref<512x64xf32, #tpu.memory_space<vmem>>, vector<1x16xf32>,
      %swap3A_401 = vector.shape_cast %swap3A_400 : vector<1x16xf32> to vector<16xf32>
      %swap3A_402 = vector.shape_cast %get3A_397 : vector<16xf32> to vector<1x16xf32>
      tpu.vector_store %arg7[%swap3A_398, %swap3A_399], %swap3A_402 {strides = array<i32>} : memref<512x64xf32, #tpu.memory_space<vmem>>, vector<1x16xf32>,
      %get3A_403 = arith.index_cast %squeeze3A_391 : i32 to index
      %get3A_404 = arith.constant 16 : index
      %get3A_405 = tpu.vector_load %arg6[%get3A_403, %get3A_404] {strides = array<i32>} : memref<20x64xf32, #tpu.memory_space<vmem>>, vector<1x16xf32>,
      %get3A_406 = vector.shape_cast %get3A_405 : vector<1x16xf32> to vector<16xf32>
      %swap3A_407 = arith.index_cast %add3A_393 : i32 to index
      %swap3A_408 = arith.constant 16 : index
      %swap3A_409 = tpu.vector_load %arg7[%swap3A_407, %swap3A_408] {strides = array<i32>} : memref<512x64xf32, #tpu.memory_space<vmem>>, vector<1x16xf32>,
      %swap3A_410 = vector.shape_cast %swap3A_409 : vector<1x16xf32> to vector<16xf32>
      %swap3A_411 = vector.shape_cast %get3A_406 : vector<16xf32> to vector<1x16xf32>
      tpu.vector_store %arg7[%swap3A_407, %swap3A_408], %swap3A_411 {strides = array<i32>} : memref<512x64xf32, #tpu.memory_space<vmem>>, vector<1x16xf32>,
      %get3A_412 = arith.index_cast %squeeze3A_391 : i32 to index
      %get3A_413 = arith.constant 32 : index
      %get3A_414 = tpu.vector_load %arg6[%get3A_412, %get3A_413] {strides = array<i32>} : memref<20x64xf32, #tpu.memory_space<vmem>>, vector<1x16xf32>,
      %get3A_415 = vector.shape_cast %get3A_414 : vector<1x16xf32> to vector<16xf32>
      %swap3A_416 = arith.index_cast %add3A_393 : i32 to index
      %swap3A_417 = arith.constant 32 : index
      %swap3A_418 = tpu.vector_load %arg7[%swap3A_416, %swap3A_417] {strides = array<i32>} : memref<512x64xf32, #tpu.memory_space<vmem>>, vector<1x16xf32>,
      %swap3A_419 = vector.shape_cast %swap3A_418 : vector<1x16xf32> to vector<16xf32>
      %swap3A_420 = vector.shape_cast %get3A_415 : vector<16xf32> to vector<1x16xf32>
      tpu.vector_store %arg7[%swap3A_416, %swap3A_417], %swap3A_420 {strides = array<i32>} : memref<512x64xf32, #tpu.memory_space<vmem>>, vector<1x16xf32>,
      %get3A_421 = arith.index_cast %squeeze3A_391 : i32 to index
      %get3A_422 = arith.constant 48 : index
      %get3A_423 = tpu.vector_load %arg6[%get3A_421, %get3A_422] {strides = array<i32>} : memref<20x64xf32, #tpu.memory_space<vmem>>, vector<1x16xf32>,
      %get3A_424 = vector.shape_cast %get3A_423 : vector<1x16xf32> to vector<16xf32>
      %swap3A_425 = arith.index_cast %add3A_393 : i32 to index
      %swap3A_426 = arith.constant 48 : index
      %swap3A_427 = tpu.vector_load %arg7[%swap3A_425, %swap3A_426] {strides = array<i32>} : memref<512x64xf32, #tpu.memory_space<vmem>>, vector<1x16xf32>,
      %swap3A_428 = vector.shape_cast %swap3A_427 : vector<1x16xf32> to vector<16xf32>
      %swap3A_429 = vector.shape_cast %get3A_424 : vector<16xf32> to vector<1x16xf32>
      tpu.vector_store %arg7[%swap3A_425, %swap3A_426], %swap3A_429 {strides = array<i32>} : memref<512x64xf32, #tpu.memory_space<vmem>>, vector<1x16xf32>,
      %slice3A_430 = vector.extract_strided_slice %get3A_192 {offsets = [6], sizes = [1], strides = [1]} : vector<16xi32> to vector<1xi32>
      %squeeze3A_431 = vector.extract %slice3A_430[0] : i32 from vector<1xi32>
      %add3A_432 = arith.constant 6 : i32
      %add3A_433 = arith.addi %mul3A_190, %add3A_432 : i32
      %get3A_434 = arith.index_cast %squeeze3A_431 : i32 to index
      %get3A_435 = arith.constant 0 : index
      %get3A_436 = tpu.vector_load %arg6[%get3A_434, %get3A_435] {strides = array<i32>} : memref<20x64xf32, #tpu.memory_space<vmem>>, vector<1x16xf32>,
      %get3A_437 = vector.shape_cast %get3A_436 : vector<1x16xf32> to vector<16xf32>
      %swap3A_438 = arith.index_cast %add3A_433 : i32 to index
      %swap3A_439 = arith.constant 0 : index
      %swap3A_440 = tpu.vector_load %arg7[%swap3A_438, %swap3A_439] {strides = array<i32>} : memref<512x64xf32, #tpu.memory_space<vmem>>, vector<1x16xf32>,
      %swap3A_441 = vector.shape_cast %swap3A_440 : vector<1x16xf32> to vector<16xf32>
      %swap3A_442 = vector.shape_cast %get3A_437 : vector<16xf32> to vector<1x16xf32>
      tpu.vector_store %arg7[%swap3A_438, %swap3A_439], %swap3A_442 {strides = array<i32>} : memref<512x64xf32, #tpu.memory_space<vmem>>, vector<1x16xf32>,
      %get3A_443 = arith.index_cast %squeeze3A_431 : i32 to index
      %get3A_444 = arith.constant 16 : index
      %get3A_445 = tpu.vector_load %arg6[%get3A_443, %get3A_444] {strides = array<i32>} : memref<20x64xf32, #tpu.memory_space<vmem>>, vector<1x16xf32>,
      %get3A_446 = vector.shape_cast %get3A_445 : vector<1x16xf32> to vector<16xf32>
      %swap3A_447 = arith.index_cast %add3A_433 : i32 to index
      %swap3A_448 = arith.constant 16 : index
      %swap3A_449 = tpu.vector_load %arg7[%swap3A_447, %swap3A_448] {strides = array<i32>} : memref<512x64xf32, #tpu.memory_space<vmem>>, vector<1x16xf32>,
      %swap3A_450 = vector.shape_cast %swap3A_449 : vector<1x16xf32> to vector<16xf32>
      %swap3A_451 = vector.shape_cast %get3A_446 : vector<16xf32> to vector<1x16xf32>
      tpu.vector_store %arg7[%swap3A_447, %swap3A_448], %swap3A_451 {strides = array<i32>} : memref<512x64xf32, #tpu.memory_space<vmem>>, vector<1x16xf32>,
      %get3A_452 = arith.index_cast %squeeze3A_431 : i32 to index
      %get3A_453 = arith.constant 32 : index
      %get3A_454 = tpu.vector_load %arg6[%get3A_452, %get3A_453] {strides = array<i32>} : memref<20x64xf32, #tpu.memory_space<vmem>>, vector<1x16xf32>,
      %get3A_455 = vector.shape_cast %get3A_454 : vector<1x16xf32> to vector<16xf32>
      %swap3A_456 = arith.index_cast %add3A_433 : i32 to index
      %swap3A_457 = arith.constant 32 : index
      %swap3A_458 = tpu.vector_load %arg7[%swap3A_456, %swap3A_457] {strides = array<i32>} : memref<512x64xf32, #tpu.memory_space<vmem>>, vector<1x16xf32>,
      %swap3A_459 = vector.shape_cast %swap3A_458 : vector<1x16xf32> to vector<16xf32>
      %swap3A_460 = vector.shape_cast %get3A_455 : vector<16xf32> to vector<1x16xf32>
      tpu.vector_store %arg7[%swap3A_456, %swap3A_457], %swap3A_460 {strides = array<i32>} : memref<512x64xf32, #tpu.memory_space<vmem>>, vector<1x16xf32>,
      %get3A_461 = arith.index_cast %squeeze3A_431 : i32 to index
      %get3A_462 = arith.constant 48 : index
      %get3A_463 = tpu.vector_load %arg6[%get3A_461, %get3A_462] {strides = array<i32>} : memref<20x64xf32, #tpu.memory_space<vmem>>, vector<1x16xf32>,
      %get3A_464 = vector.shape_cast %get3A_463 : vector<1x16xf32> to vector<16xf32>
      %swap3A_465 = arith.index_cast %add3A_433 : i32 to index
      %swap3A_466 = arith.constant 48 : index
      %swap3A_467 = tpu.vector_load %arg7[%swap3A_465, %swap3A_466] {strides = array<i32>} : memref<512x64xf32, #tpu.memory_space<vmem>>, vector<1x16xf32>,
      %swap3A_468 = vector.shape_cast %swap3A_467 : vector<1x16xf32> to vector<16xf32>
      %swap3A_469 = vector.shape_cast %get3A_464 : vector<16xf32> to vector<1x16xf32>
      tpu.vector_store %arg7[%swap3A_465, %swap3A_466], %swap3A_469 {strides = array<i32>} : memref<512x64xf32, #tpu.memory_space<vmem>>, vector<1x16xf32>,
      %slice3A_470 = vector.extract_strided_slice %get3A_192 {offsets = [7], sizes = [1], strides = [1]} : vector<16xi32> to vector<1xi32>
      %squeeze3A_471 = vector.extract %slice3A_470[0] : i32 from vector<1xi32>
      %add3A_472 = arith.constant 7 : i32
      %add3A_473 = arith.addi %mul3A_190, %add3A_472 : i32
      %get3A_474 = arith.index_cast %squeeze3A_471 : i32 to index
      %get3A_475 = arith.constant 0 : index
      %get3A_476 = tpu.vector_load %arg6[%get3A_474, %get3A_475] {strides = array<i32>} : memref<20x64xf32, #tpu.memory_space<vmem>>, vector<1x16xf32>,
      %get3A_477 = vector.shape_cast %get3A_476 : vector<1x16xf32> to vector<16xf32>
      %swap3A_478 = arith.index_cast %add3A_473 : i32 to index
      %swap3A_479 = arith.constant 0 : index
      %swap3A_480 = tpu.vector_load %arg7[%swap3A_478, %swap3A_479] {strides = array<i32>} : memref<512x64xf32, #tpu.memory_space<vmem>>, vector<1x16xf32>,
      %swap3A_481 = vector.shape_cast %swap3A_480 : vector<1x16xf32> to vector<16xf32>
      %swap3A_482 = vector.shape_cast %get3A_477 : vector<16xf32> to vector<1x16xf32>
      tpu.vector_store %arg7[%swap3A_478, %swap3A_479], %swap3A_482 {strides = array<i32>} : memref<512x64xf32, #tpu.memory_space<vmem>>, vector<1x16xf32>,
      %get3A_483 = arith.index_cast %squeeze3A_471 : i32 to index
      %get3A_484 = arith.constant 16 : index
      %get3A_485 = tpu.vector_load %arg6[%get3A_483, %get3A_484] {strides = array<i32>} : memref<20x64xf32, #tpu.memory_space<vmem>>, vector<1x16xf32>,
      %get3A_486 = vector.shape_cast %get3A_485 : vector<1x16xf32> to vector<16xf32>
      %swap3A_487 = arith.index_cast %add3A_473 : i32 to index
      %swap3A_488 = arith.constant 16 : index
      %swap3A_489 = tpu.vector_load %arg7[%swap3A_487, %swap3A_488] {strides = array<i32>} : memref<512x64xf32, #tpu.memory_space<vmem>>, vector<1x16xf32>,
      %swap3A_490 = vector.shape_cast %swap3A_489 : vector<1x16xf32> to vector<16xf32>
      %swap3A_491 = vector.shape_cast %get3A_486 : vector<16xf32> to vector<1x16xf32>
      tpu.vector_store %arg7[%swap3A_487, %swap3A_488], %swap3A_491 {strides = array<i32>} : memref<512x64xf32, #tpu.memory_space<vmem>>, vector<1x16xf32>,
      %get3A_492 = arith.index_cast %squeeze3A_471 : i32 to index
      %get3A_493 = arith.constant 32 : index
      %get3A_494 = tpu.vector_load %arg6[%get3A_492, %get3A_493] {strides = array<i32>} : memref<20x64xf32, #tpu.memory_space<vmem>>, vector<1x16xf32>,
      %get3A_495 = vector.shape_cast %get3A_494 : vector<1x16xf32> to vector<16xf32>
      %swap3A_496 = arith.index_cast %add3A_473 : i32 to index
      %swap3A_497 = arith.constant 32 : index
      %swap3A_498 = tpu.vector_load %arg7[%swap3A_496, %swap3A_497] {strides = array<i32>} : memref<512x64xf32, #tpu.memory_space<vmem>>, vector<1x16xf32>,
      %swap3A_499 = vector.shape_cast %swap3A_498 : vector<1x16xf32> to vector<16xf32>
      %swap3A_500 = vector.shape_cast %get3A_495 : vector<16xf32> to vector<1x16xf32>
      tpu.vector_store %arg7[%swap3A_496, %swap3A_497], %swap3A_500 {strides = array<i32>} : memref<512x64xf32, #tpu.memory_space<vmem>>, vector<1x16xf32>,
      %get3A_501 = arith.index_cast %squeeze3A_471 : i32 to index
      %get3A_502 = arith.constant 48 : index
      %get3A_503 = tpu.vector_load %arg6[%get3A_501, %get3A_502] {strides = array<i32>} : memref<20x64xf32, #tpu.memory_space<vmem>>, vector<1x16xf32>,
      %get3A_504 = vector.shape_cast %get3A_503 : vector<1x16xf32> to vector<16xf32>
      %swap3A_505 = arith.index_cast %add3A_473 : i32 to index
      %swap3A_506 = arith.constant 48 : index
      %swap3A_507 = tpu.vector_load %arg7[%swap3A_505, %swap3A_506] {strides = array<i32>} : memref<512x64xf32, #tpu.memory_space<vmem>>, vector<1x16xf32>,
      %swap3A_508 = vector.shape_cast %swap3A_507 : vector<1x16xf32> to vector<16xf32>
      %swap3A_509 = vector.shape_cast %get3A_504 : vector<16xf32> to vector<1x16xf32>
      tpu.vector_store %arg7[%swap3A_505, %swap3A_506], %swap3A_509 {strides = array<i32>} : memref<512x64xf32, #tpu.memory_space<vmem>>, vector<1x16xf32>,
      %slice3A_510 = vector.extract_strided_slice %get3A_192 {offsets = [8], sizes = [1], strides = [1]} : vector<16xi32> to vector<1xi32>
      %squeeze3A_511 = vector.extract %slice3A_510[0] : i32 from vector<1xi32>
      %add3A_512 = arith.constant 8 : i32
      %add3A_513 = arith.addi %mul3A_190, %add3A_512 : i32
      %get3A_514 = arith.index_cast %squeeze3A_511 : i32 to index
      %get3A_515 = arith.constant 0 : index
      %get3A_516 = tpu.vector_load %arg6[%get3A_514, %get3A_515] {strides = array<i32>} : memref<20x64xf32, #tpu.memory_space<vmem>>, vector<1x16xf32>,
      %get3A_517 = vector.shape_cast %get3A_516 : vector<1x16xf32> to vector<16xf32>
      %swap3A_518 = arith.index_cast %add3A_513 : i32 to index
      %swap3A_519 = arith.constant 0 : index
      %swap3A_520 = tpu.vector_load %arg7[%swap3A_518, %swap3A_519] {strides = array<i32>} : memref<512x64xf32, #tpu.memory_space<vmem>>, vector<1x16xf32>,
      %swap3A_521 = vector.shape_cast %swap3A_520 : vector<1x16xf32> to vector<16xf32>
      %swap3A_522 = vector.shape_cast %get3A_517 : vector<16xf32> to vector<1x16xf32>
      tpu.vector_store %arg7[%swap3A_518, %swap3A_519], %swap3A_522 {strides = array<i32>} : memref<512x64xf32, #tpu.memory_space<vmem>>, vector<1x16xf32>,
      %get3A_523 = arith.index_cast %squeeze3A_511 : i32 to index
      %get3A_524 = arith.constant 16 : index
      %get3A_525 = tpu.vector_load %arg6[%get3A_523, %get3A_524] {strides = array<i32>} : memref<20x64xf32, #tpu.memory_space<vmem>>, vector<1x16xf32>,
      %get3A_526 = vector.shape_cast %get3A_525 : vector<1x16xf32> to vector<16xf32>
      %swap3A_527 = arith.index_cast %add3A_513 : i32 to index
      %swap3A_528 = arith.constant 16 : index
      %swap3A_529 = tpu.vector_load %arg7[%swap3A_527, %swap3A_528] {strides = array<i32>} : memref<512x64xf32, #tpu.memory_space<vmem>>, vector<1x16xf32>,
      %swap3A_530 = vector.shape_cast %swap3A_529 : vector<1x16xf32> to vector<16xf32>
      %swap3A_531 = vector.shape_cast %get3A_526 : vector<16xf32> to vector<1x16xf32>
      tpu.vector_store %arg7[%swap3A_527, %swap3A_528], %swap3A_531 {strides = array<i32>} : memref<512x64xf32, #tpu.memory_space<vmem>>, vector<1x16xf32>,
      %get3A_532 = arith.index_cast %squeeze3A_511 : i32 to index
      %get3A_533 = arith.constant 32 : index
      %get3A_534 = tpu.vector_load %arg6[%get3A_532, %get3A_533] {strides = array<i32>} : memref<20x64xf32, #tpu.memory_space<vmem>>, vector<1x16xf32>,
      %get3A_535 = vector.shape_cast %get3A_534 : vector<1x16xf32> to vector<16xf32>
      %swap3A_536 = arith.index_cast %add3A_513 : i32 to index
      %swap3A_537 = arith.constant 32 : index
      %swap3A_538 = tpu.vector_load %arg7[%swap3A_536, %swap3A_537] {strides = array<i32>} : memref<512x64xf32, #tpu.memory_space<vmem>>, vector<1x16xf32>,
      %swap3A_539 = vector.shape_cast %swap3A_538 : vector<1x16xf32> to vector<16xf32>
      %swap3A_540 = vector.shape_cast %get3A_535 : vector<16xf32> to vector<1x16xf32>
      tpu.vector_store %arg7[%swap3A_536, %swap3A_537], %swap3A_540 {strides = array<i32>} : memref<512x64xf32, #tpu.memory_space<vmem>>, vector<1x16xf32>,
      %get3A_541 = arith.index_cast %squeeze3A_511 : i32 to index
      %get3A_542 = arith.constant 48 : index
      %get3A_543 = tpu.vector_load %arg6[%get3A_541, %get3A_542] {strides = array<i32>} : memref<20x64xf32, #tpu.memory_space<vmem>>, vector<1x16xf32>,
      %get3A_544 = vector.shape_cast %get3A_543 : vector<1x16xf32> to vector<16xf32>
      %swap3A_545 = arith.index_cast %add3A_513 : i32 to index
      %swap3A_546 = arith.constant 48 : index
      %swap3A_547 = tpu.vector_load %arg7[%swap3A_545, %swap3A_546] {strides = array<i32>} : memref<512x64xf32, #tpu.memory_space<vmem>>, vector<1x16xf32>,
      %swap3A_548 = vector.shape_cast %swap3A_547 : vector<1x16xf32> to vector<16xf32>
      %swap3A_549 = vector.shape_cast %get3A_544 : vector<16xf32> to vector<1x16xf32>
      tpu.vector_store %arg7[%swap3A_545, %swap3A_546], %swap3A_549 {strides = array<i32>} : memref<512x64xf32, #tpu.memory_space<vmem>>, vector<1x16xf32>,
      %slice3A_550 = vector.extract_strided_slice %get3A_192 {offsets = [9], sizes = [1], strides = [1]} : vector<16xi32> to vector<1xi32>
      %squeeze3A_551 = vector.extract %slice3A_550[0] : i32 from vector<1xi32>
      %add3A_552 = arith.constant 9 : i32
      %add3A_553 = arith.addi %mul3A_190, %add3A_552 : i32
      %get3A_554 = arith.index_cast %squeeze3A_551 : i32 to index
      %get3A_555 = arith.constant 0 : index
      %get3A_556 = tpu.vector_load %arg6[%get3A_554, %get3A_555] {strides = array<i32>} : memref<20x64xf32, #tpu.memory_space<vmem>>, vector<1x16xf32>,
      %get3A_557 = vector.shape_cast %get3A_556 : vector<1x16xf32> to vector<16xf32>
      %swap3A_558 = arith.index_cast %add3A_553 : i32 to index
      %swap3A_559 = arith.constant 0 : index
      %swap3A_560 = tpu.vector_load %arg7[%swap3A_558, %swap3A_559] {strides = array<i32>} : memref<512x64xf32, #tpu.memory_space<vmem>>, vector<1x16xf32>,
      %swap3A_561 = vector.shape_cast %swap3A_560 : vector<1x16xf32> to vector<16xf32>
      %swap3A_562 = vector.shape_cast %get3A_557 : vector<16xf32> to vector<1x16xf32>
      tpu.vector_store %arg7[%swap3A_558, %swap3A_559], %swap3A_562 {strides = array<i32>} : memref<512x64xf32, #tpu.memory_space<vmem>>, vector<1x16xf32>,
      %get3A_563 = arith.index_cast %squeeze3A_551 : i32 to index
      %get3A_564 = arith.constant 16 : index
      %get3A_565 = tpu.vector_load %arg6[%get3A_563, %get3A_564] {strides = array<i32>} : memref<20x64xf32, #tpu.memory_space<vmem>>, vector<1x16xf32>,
      %get3A_566 = vector.shape_cast %get3A_565 : vector<1x16xf32> to vector<16xf32>
      %swap3A_567 = arith.index_cast %add3A_553 : i32 to index
      %swap3A_568 = arith.constant 16 : index
      %swap3A_569 = tpu.vector_load %arg7[%swap3A_567, %swap3A_568] {strides = array<i32>} : memref<512x64xf32, #tpu.memory_space<vmem>>, vector<1x16xf32>,
      %swap3A_570 = vector.shape_cast %swap3A_569 : vector<1x16xf32> to vector<16xf32>
      %swap3A_571 = vector.shape_cast %get3A_566 : vector<16xf32> to vector<1x16xf32>
      tpu.vector_store %arg7[%swap3A_567, %swap3A_568], %swap3A_571 {strides = array<i32>} : memref<512x64xf32, #tpu.memory_space<vmem>>, vector<1x16xf32>,
      %get3A_572 = arith.index_cast %squeeze3A_551 : i32 to index
      %get3A_573 = arith.constant 32 : index
      %get3A_574 = tpu.vector_load %arg6[%get3A_572, %get3A_573] {strides = array<i32>} : memref<20x64xf32, #tpu.memory_space<vmem>>, vector<1x16xf32>,
      %get3A_575 = vector.shape_cast %get3A_574 : vector<1x16xf32> to vector<16xf32>
      %swap3A_576 = arith.index_cast %add3A_553 : i32 to index
      %swap3A_577 = arith.constant 32 : index
      %swap3A_578 = tpu.vector_load %arg7[%swap3A_576, %swap3A_577] {strides = array<i32>} : memref<512x64xf32, #tpu.memory_space<vmem>>, vector<1x16xf32>,
      %swap3A_579 = vector.shape_cast %swap3A_578 : vector<1x16xf32> to vector<16xf32>
      %swap3A_580 = vector.shape_cast %get3A_575 : vector<16xf32> to vector<1x16xf32>
      tpu.vector_store %arg7[%swap3A_576, %swap3A_577], %swap3A_580 {strides = array<i32>} : memref<512x64xf32, #tpu.memory_space<vmem>>, vector<1x16xf32>,
      %get3A_581 = arith.index_cast %squeeze3A_551 : i32 to index
      %get3A_582 = arith.constant 48 : index
      %get3A_583 = tpu.vector_load %arg6[%get3A_581, %get3A_582] {strides = array<i32>} : memref<20x64xf32, #tpu.memory_space<vmem>>, vector<1x16xf32>,
      %get3A_584 = vector.shape_cast %get3A_583 : vector<1x16xf32> to vector<16xf32>
      %swap3A_585 = arith.index_cast %add3A_553 : i32 to index
      %swap3A_586 = arith.constant 48 : index
      %swap3A_587 = tpu.vector_load %arg7[%swap3A_585, %swap3A_586] {strides = array<i32>} : memref<512x64xf32, #tpu.memory_space<vmem>>, vector<1x16xf32>,
      %swap3A_588 = vector.shape_cast %swap3A_587 : vector<1x16xf32> to vector<16xf32>
      %swap3A_589 = vector.shape_cast %get3A_584 : vector<16xf32> to vector<1x16xf32>
      tpu.vector_store %arg7[%swap3A_585, %swap3A_586], %swap3A_589 {strides = array<i32>} : memref<512x64xf32, #tpu.memory_space<vmem>>, vector<1x16xf32>,
      %slice3A_590 = vector.extract_strided_slice %get3A_192 {offsets = [10], sizes = [1], strides = [1]} : vector<16xi32> to vector<1xi32>
      %squeeze3A_591 = vector.extract %slice3A_590[0] : i32 from vector<1xi32>
      %add3A_592 = arith.constant 10 : i32
      %add3A_593 = arith.addi %mul3A_190, %add3A_592 : i32
      %get3A_594 = arith.index_cast %squeeze3A_591 : i32 to index
      %get3A_595 = arith.constant 0 : index
      %get3A_596 = tpu.vector_load %arg6[%get3A_594, %get3A_595] {strides = array<i32>} : memref<20x64xf32, #tpu.memory_space<vmem>>, vector<1x16xf32>,
      %get3A_597 = vector.shape_cast %get3A_596 : vector<1x16xf32> to vector<16xf32>
      %swap3A_598 = arith.index_cast %add3A_593 : i32 to index
      %swap3A_599 = arith.constant 0 : index
      %swap3A_600 = tpu.vector_load %arg7[%swap3A_598, %swap3A_599] {strides = array<i32>} : memref<512x64xf32, #tpu.memory_space<vmem>>, vector<1x16xf32>,
      %swap3A_601 = vector.shape_cast %swap3A_600 : vector<1x16xf32> to vector<16xf32>
      %swap3A_602 = vector.shape_cast %get3A_597 : vector<16xf32> to vector<1x16xf32>
      tpu.vector_store %arg7[%swap3A_598, %swap3A_599], %swap3A_602 {strides = array<i32>} : memref<512x64xf32, #tpu.memory_space<vmem>>, vector<1x16xf32>,
      %get3A_603 = arith.index_cast %squeeze3A_591 : i32 to index
      %get3A_604 = arith.constant 16 : index
      %get3A_605 = tpu.vector_load %arg6[%get3A_603, %get3A_604] {strides = array<i32>} : memref<20x64xf32, #tpu.memory_space<vmem>>, vector<1x16xf32>,
      %get3A_606 = vector.shape_cast %get3A_605 : vector<1x16xf32> to vector<16xf32>
      %swap3A_607 = arith.index_cast %add3A_593 : i32 to index
      %swap3A_608 = arith.constant 16 : index
      %swap3A_609 = tpu.vector_load %arg7[%swap3A_607, %swap3A_608] {strides = array<i32>} : memref<512x64xf32, #tpu.memory_space<vmem>>, vector<1x16xf32>,
      %swap3A_610 = vector.shape_cast %swap3A_609 : vector<1x16xf32> to vector<16xf32>
      %swap3A_611 = vector.shape_cast %get3A_606 : vector<16xf32> to vector<1x16xf32>
      tpu.vector_store %arg7[%swap3A_607, %swap3A_608], %swap3A_611 {strides = array<i32>} : memref<512x64xf32, #tpu.memory_space<vmem>>, vector<1x16xf32>,
      %get3A_612 = arith.index_cast %squeeze3A_591 : i32 to index
      %get3A_613 = arith.constant 32 : index
      %get3A_614 = tpu.vector_load %arg6[%get3A_612, %get3A_613] {strides = array<i32>} : memref<20x64xf32, #tpu.memory_space<vmem>>, vector<1x16xf32>,
      %get3A_615 = vector.shape_cast %get3A_614 : vector<1x16xf32> to vector<16xf32>
      %swap3A_616 = arith.index_cast %add3A_593 : i32 to index
      %swap3A_617 = arith.constant 32 : index
      %swap3A_618 = tpu.vector_load %arg7[%swap3A_616, %swap3A_617] {strides = array<i32>} : memref<512x64xf32, #tpu.memory_space<vmem>>, vector<1x16xf32>,
      %swap3A_619 = vector.shape_cast %swap3A_618 : vector<1x16xf32> to vector<16xf32>
      %swap3A_620 = vector.shape_cast %get3A_615 : vector<16xf32> to vector<1x16xf32>
      tpu.vector_store %arg7[%swap3A_616, %swap3A_617], %swap3A_620 {strides = array<i32>} : memref<512x64xf32, #tpu.memory_space<vmem>>, vector<1x16xf32>,
      %get3A_621 = arith.index_cast %squeeze3A_591 : i32 to index
      %get3A_622 = arith.constant 48 : index
      %get3A_623 = tpu.vector_load %arg6[%get3A_621, %get3A_622] {strides = array<i32>} : memref<20x64xf32, #tpu.memory_space<vmem>>, vector<1x16xf32>,
      %get3A_624 = vector.shape_cast %get3A_623 : vector<1x16xf32> to vector<16xf32>
      %swap3A_625 = arith.index_cast %add3A_593 : i32 to index
      %swap3A_626 = arith.constant 48 : index
      %swap3A_627 = tpu.vector_load %arg7[%swap3A_625, %swap3A_626] {strides = array<i32>} : memref<512x64xf32, #tpu.memory_space<vmem>>, vector<1x16xf32>,
      %swap3A_628 = vector.shape_cast %swap3A_627 : vector<1x16xf32> to vector<16xf32>
      %swap3A_629 = vector.shape_cast %get3A_624 : vector<16xf32> to vector<1x16xf32>
      tpu.vector_store %arg7[%swap3A_625, %swap3A_626], %swap3A_629 {strides = array<i32>} : memref<512x64xf32, #tpu.memory_space<vmem>>, vector<1x16xf32>,
      %slice3A_630 = vector.extract_strided_slice %get3A_192 {offsets = [11], sizes = [1], strides = [1]} : vector<16xi32> to vector<1xi32>
      %squeeze3A_631 = vector.extract %slice3A_630[0] : i32 from vector<1xi32>
      %add3A_632 = arith.constant 11 : i32
      %add3A_633 = arith.addi %mul3A_190, %add3A_632 : i32
      %get3A_634 = arith.index_cast %squeeze3A_631 : i32 to index
      %get3A_635 = arith.constant 0 : index
      %get3A_636 = tpu.vector_load %arg6[%get3A_634, %get3A_635] {strides = array<i32>} : memref<20x64xf32, #tpu.memory_space<vmem>>, vector<1x16xf32>,
      %get3A_637 = vector.shape_cast %get3A_636 : vector<1x16xf32> to vector<16xf32>
      %swap3A_638 = arith.index_cast %add3A_633 : i32 to index
      %swap3A_639 = arith.constant 0 : index
      %swap3A_640 = tpu.vector_load %arg7[%swap3A_638, %swap3A_639] {strides = array<i32>} : memref<512x64xf32, #tpu.memory_space<vmem>>, vector<1x16xf32>,
      %swap3A_641 = vector.shape_cast %swap3A_640 : vector<1x16xf32> to vector<16xf32>
      %swap3A_642 = vector.shape_cast %get3A_637 : vector<16xf32> to vector<1x16xf32>
      tpu.vector_store %arg7[%swap3A_638, %swap3A_639], %swap3A_642 {strides = array<i32>} : memref<512x64xf32, #tpu.memory_space<vmem>>, vector<1x16xf32>,
      %get3A_643 = arith.index_cast %squeeze3A_631 : i32 to index
      %get3A_644 = arith.constant 16 : index
      %get3A_645 = tpu.vector_load %arg6[%get3A_643, %get3A_644] {strides = array<i32>} : memref<20x64xf32, #tpu.memory_space<vmem>>, vector<1x16xf32>,
      %get3A_646 = vector.shape_cast %get3A_645 : vector<1x16xf32> to vector<16xf32>
      %swap3A_647 = arith.index_cast %add3A_633 : i32 to index
      %swap3A_648 = arith.constant 16 : index
      %swap3A_649 = tpu.vector_load %arg7[%swap3A_647, %swap3A_648] {strides = array<i32>} : memref<512x64xf32, #tpu.memory_space<vmem>>, vector<1x16xf32>,
      %swap3A_650 = vector.shape_cast %swap3A_649 : vector<1x16xf32> to vector<16xf32>
      %swap3A_651 = vector.shape_cast %get3A_646 : vector<16xf32> to vector<1x16xf32>
      tpu.vector_store %arg7[%swap3A_647, %swap3A_648], %swap3A_651 {strides = array<i32>} : memref<512x64xf32, #tpu.memory_space<vmem>>, vector<1x16xf32>,
      %get3A_652 = arith.index_cast %squeeze3A_631 : i32 to index
      %get3A_653 = arith.constant 32 : index
      %get3A_654 = tpu.vector_load %arg6[%get3A_652, %get3A_653] {strides = array<i32>} : memref<20x64xf32, #tpu.memory_space<vmem>>, vector<1x16xf32>,
      %get3A_655 = vector.shape_cast %get3A_654 : vector<1x16xf32> to vector<16xf32>
      %swap3A_656 = arith.index_cast %add3A_633 : i32 to index
      %swap3A_657 = arith.constant 32 : index
      %swap3A_658 = tpu.vector_load %arg7[%swap3A_656, %swap3A_657] {strides = array<i32>} : memref<512x64xf32, #tpu.memory_space<vmem>>, vector<1x16xf32>,
      %swap3A_659 = vector.shape_cast %swap3A_658 : vector<1x16xf32> to vector<16xf32>
      %swap3A_660 = vector.shape_cast %get3A_655 : vector<16xf32> to vector<1x16xf32>
      tpu.vector_store %arg7[%swap3A_656, %swap3A_657], %swap3A_660 {strides = array<i32>} : memref<512x64xf32, #tpu.memory_space<vmem>>, vector<1x16xf32>,
      %get3A_661 = arith.index_cast %squeeze3A_631 : i32 to index
      %get3A_662 = arith.constant 48 : index
      %get3A_663 = tpu.vector_load %arg6[%get3A_661, %get3A_662] {strides = array<i32>} : memref<20x64xf32, #tpu.memory_space<vmem>>, vector<1x16xf32>,
      %get3A_664 = vector.shape_cast %get3A_663 : vector<1x16xf32> to vector<16xf32>
      %swap3A_665 = arith.index_cast %add3A_633 : i32 to index
      %swap3A_666 = arith.constant 48 : index
      %swap3A_667 = tpu.vector_load %arg7[%swap3A_665, %swap3A_666] {strides = array<i32>} : memref<512x64xf32, #tpu.memory_space<vmem>>, vector<1x16xf32>,
      %swap3A_668 = vector.shape_cast %swap3A_667 : vector<1x16xf32> to vector<16xf32>
      %swap3A_669 = vector.shape_cast %get3A_664 : vector<16xf32> to vector<1x16xf32>
      tpu.vector_store %arg7[%swap3A_665, %swap3A_666], %swap3A_669 {strides = array<i32>} : memref<512x64xf32, #tpu.memory_space<vmem>>, vector<1x16xf32>,
      %slice3A_670 = vector.extract_strided_slice %get3A_192 {offsets = [12], sizes = [1], strides = [1]} : vector<16xi32> to vector<1xi32>
      %squeeze3A_671 = vector.extract %slice3A_670[0] : i32 from vector<1xi32>
      %add3A_672 = arith.constant 12 : i32
      %add3A_673 = arith.addi %mul3A_190, %add3A_672 : i32
      %get3A_674 = arith.index_cast %squeeze3A_671 : i32 to index
      %get3A_675 = arith.constant 0 : index
      %get3A_676 = tpu.vector_load %arg6[%get3A_674, %get3A_675] {strides = array<i32>} : memref<20x64xf32, #tpu.memory_space<vmem>>, vector<1x16xf32>,
      %get3A_677 = vector.shape_cast %get3A_676 : vector<1x16xf32> to vector<16xf32>
      %swap3A_678 = arith.index_cast %add3A_673 : i32 to index
      %swap3A_679 = arith.constant 0 : index
      %swap3A_680 = tpu.vector_load %arg7[%swap3A_678, %swap3A_679] {strides = array<i32>} : memref<512x64xf32, #tpu.memory_space<vmem>>, vector<1x16xf32>,
      %swap3A_681 = vector.shape_cast %swap3A_680 : vector<1x16xf32> to vector<16xf32>
      %swap3A_682 = vector.shape_cast %get3A_677 : vector<16xf32> to vector<1x16xf32>
      tpu.vector_store %arg7[%swap3A_678, %swap3A_679], %swap3A_682 {strides = array<i32>} : memref<512x64xf32, #tpu.memory_space<vmem>>, vector<1x16xf32>,
      %get3A_683 = arith.index_cast %squeeze3A_671 : i32 to index
      %get3A_684 = arith.constant 16 : index
      %get3A_685 = tpu.vector_load %arg6[%get3A_683, %get3A_684] {strides = array<i32>} : memref<20x64xf32, #tpu.memory_space<vmem>>, vector<1x16xf32>,
      %get3A_686 = vector.shape_cast %get3A_685 : vector<1x16xf32> to vector<16xf32>
      %swap3A_687 = arith.index_cast %add3A_673 : i32 to index
      %swap3A_688 = arith.constant 16 : index
      %swap3A_689 = tpu.vector_load %arg7[%swap3A_687, %swap3A_688] {strides = array<i32>} : memref<512x64xf32, #tpu.memory_space<vmem>>, vector<1x16xf32>,
      %swap3A_690 = vector.shape_cast %swap3A_689 : vector<1x16xf32> to vector<16xf32>
      %swap3A_691 = vector.shape_cast %get3A_686 : vector<16xf32> to vector<1x16xf32>
      tpu.vector_store %arg7[%swap3A_687, %swap3A_688], %swap3A_691 {strides = array<i32>} : memref<512x64xf32, #tpu.memory_space<vmem>>, vector<1x16xf32>,
      %get3A_692 = arith.index_cast %squeeze3A_671 : i32 to index
      %get3A_693 = arith.constant 32 : index
      %get3A_694 = tpu.vector_load %arg6[%get3A_692, %get3A_693] {strides = array<i32>} : memref<20x64xf32, #tpu.memory_space<vmem>>, vector<1x16xf32>,
      %get3A_695 = vector.shape_cast %get3A_694 : vector<1x16xf32> to vector<16xf32>
      %swap3A_696 = arith.index_cast %add3A_673 : i32 to index
      %swap3A_697 = arith.constant 32 : index
      %swap3A_698 = tpu.vector_load %arg7[%swap3A_696, %swap3A_697] {strides = array<i32>} : memref<512x64xf32, #tpu.memory_space<vmem>>, vector<1x16xf32>,
      %swap3A_699 = vector.shape_cast %swap3A_698 : vector<1x16xf32> to vector<16xf32>
      %swap3A_700 = vector.shape_cast %get3A_695 : vector<16xf32> to vector<1x16xf32>
      tpu.vector_store %arg7[%swap3A_696, %swap3A_697], %swap3A_700 {strides = array<i32>} : memref<512x64xf32, #tpu.memory_space<vmem>>, vector<1x16xf32>,
      %get3A_701 = arith.index_cast %squeeze3A_671 : i32 to index
      %get3A_702 = arith.constant 48 : index
      %get3A_703 = tpu.vector_load %arg6[%get3A_701, %get3A_702] {strides = array<i32>} : memref<20x64xf32, #tpu.memory_space<vmem>>, vector<1x16xf32>,
      %get3A_704 = vector.shape_cast %get3A_703 : vector<1x16xf32> to vector<16xf32>
      %swap3A_705 = arith.index_cast %add3A_673 : i32 to index
      %swap3A_706 = arith.constant 48 : index
      %swap3A_707 = tpu.vector_load %arg7[%swap3A_705, %swap3A_706] {strides = array<i32>} : memref<512x64xf32, #tpu.memory_space<vmem>>, vector<1x16xf32>,
      %swap3A_708 = vector.shape_cast %swap3A_707 : vector<1x16xf32> to vector<16xf32>
      %swap3A_709 = vector.shape_cast %get3A_704 : vector<16xf32> to vector<1x16xf32>
      tpu.vector_store %arg7[%swap3A_705, %swap3A_706], %swap3A_709 {strides = array<i32>} : memref<512x64xf32, #tpu.memory_space<vmem>>, vector<1x16xf32>,
      %slice3A_710 = vector.extract_strided_slice %get3A_192 {offsets = [13], sizes = [1], strides = [1]} : vector<16xi32> to vector<1xi32>
      %squeeze3A_711 = vector.extract %slice3A_710[0] : i32 from vector<1xi32>
      %add3A_712 = arith.constant 13 : i32
      %add3A_713 = arith.addi %mul3A_190, %add3A_712 : i32
      %get3A_714 = arith.index_cast %squeeze3A_711 : i32 to index
      %get3A_715 = arith.constant 0 : index
      %get3A_716 = tpu.vector_load %arg6[%get3A_714, %get3A_715] {strides = array<i32>} : memref<20x64xf32, #tpu.memory_space<vmem>>, vector<1x16xf32>,
      %get3A_717 = vector.shape_cast %get3A_716 : vector<1x16xf32> to vector<16xf32>
      %swap3A_718 = arith.index_cast %add3A_713 : i32 to index
      %swap3A_719 = arith.constant 0 : index
      %swap3A_720 = tpu.vector_load %arg7[%swap3A_718, %swap3A_719] {strides = array<i32>} : memref<512x64xf32, #tpu.memory_space<vmem>>, vector<1x16xf32>,
      %swap3A_721 = vector.shape_cast %swap3A_720 : vector<1x16xf32> to vector<16xf32>
      %swap3A_722 = vector.shape_cast %get3A_717 : vector<16xf32> to vector<1x16xf32>
      tpu.vector_store %arg7[%swap3A_718, %swap3A_719], %swap3A_722 {strides = array<i32>} : memref<512x64xf32, #tpu.memory_space<vmem>>, vector<1x16xf32>,
      %get3A_723 = arith.index_cast %squeeze3A_711 : i32 to index
      %get3A_724 = arith.constant 16 : index
      %get3A_725 = tpu.vector_load %arg6[%get3A_723, %get3A_724] {strides = array<i32>} : memref<20x64xf32, #tpu.memory_space<vmem>>, vector<1x16xf32>,
      %get3A_726 = vector.shape_cast %get3A_725 : vector<1x16xf32> to vector<16xf32>
      %swap3A_727 = arith.index_cast %add3A_713 : i32 to index
      %swap3A_728 = arith.constant 16 : index
      %swap3A_729 = tpu.vector_load %arg7[%swap3A_727, %swap3A_728] {strides = array<i32>} : memref<512x64xf32, #tpu.memory_space<vmem>>, vector<1x16xf32>,
      %swap3A_730 = vector.shape_cast %swap3A_729 : vector<1x16xf32> to vector<16xf32>
      %swap3A_731 = vector.shape_cast %get3A_726 : vector<16xf32> to vector<1x16xf32>
      tpu.vector_store %arg7[%swap3A_727, %swap3A_728], %swap3A_731 {strides = array<i32>} : memref<512x64xf32, #tpu.memory_space<vmem>>, vector<1x16xf32>,
      %get3A_732 = arith.index_cast %squeeze3A_711 : i32 to index
      %get3A_733 = arith.constant 32 : index
      %get3A_734 = tpu.vector_load %arg6[%get3A_732, %get3A_733] {strides = array<i32>} : memref<20x64xf32, #tpu.memory_space<vmem>>, vector<1x16xf32>,
      %get3A_735 = vector.shape_cast %get3A_734 : vector<1x16xf32> to vector<16xf32>
      %swap3A_736 = arith.index_cast %add3A_713 : i32 to index
      %swap3A_737 = arith.constant 32 : index
      %swap3A_738 = tpu.vector_load %arg7[%swap3A_736, %swap3A_737] {strides = array<i32>} : memref<512x64xf32, #tpu.memory_space<vmem>>, vector<1x16xf32>,
      %swap3A_739 = vector.shape_cast %swap3A_738 : vector<1x16xf32> to vector<16xf32>
      %swap3A_740 = vector.shape_cast %get3A_735 : vector<16xf32> to vector<1x16xf32>
      tpu.vector_store %arg7[%swap3A_736, %swap3A_737], %swap3A_740 {strides = array<i32>} : memref<512x64xf32, #tpu.memory_space<vmem>>, vector<1x16xf32>,
      %get3A_741 = arith.index_cast %squeeze3A_711 : i32 to index
      %get3A_742 = arith.constant 48 : index
      %get3A_743 = tpu.vector_load %arg6[%get3A_741, %get3A_742] {strides = array<i32>} : memref<20x64xf32, #tpu.memory_space<vmem>>, vector<1x16xf32>,
      %get3A_744 = vector.shape_cast %get3A_743 : vector<1x16xf32> to vector<16xf32>
      %swap3A_745 = arith.index_cast %add3A_713 : i32 to index
      %swap3A_746 = arith.constant 48 : index
      %swap3A_747 = tpu.vector_load %arg7[%swap3A_745, %swap3A_746] {strides = array<i32>} : memref<512x64xf32, #tpu.memory_space<vmem>>, vector<1x16xf32>,
      %swap3A_748 = vector.shape_cast %swap3A_747 : vector<1x16xf32> to vector<16xf32>
      %swap3A_749 = vector.shape_cast %get3A_744 : vector<16xf32> to vector<1x16xf32>
      tpu.vector_store %arg7[%swap3A_745, %swap3A_746], %swap3A_749 {strides = array<i32>} : memref<512x64xf32, #tpu.memory_space<vmem>>, vector<1x16xf32>,
      %slice3A_750 = vector.extract_strided_slice %get3A_192 {offsets = [14], sizes = [1], strides = [1]} : vector<16xi32> to vector<1xi32>
      %squeeze3A_751 = vector.extract %slice3A_750[0] : i32 from vector<1xi32>
      %add3A_752 = arith.constant 14 : i32
      %add3A_753 = arith.addi %mul3A_190, %add3A_752 : i32
      %get3A_754 = arith.index_cast %squeeze3A_751 : i32 to index
      %get3A_755 = arith.constant 0 : index
      %get3A_756 = tpu.vector_load %arg6[%get3A_754, %get3A_755] {strides = array<i32>} : memref<20x64xf32, #tpu.memory_space<vmem>>, vector<1x16xf32>,
      %get3A_757 = vector.shape_cast %get3A_756 : vector<1x16xf32> to vector<16xf32>
      %swap3A_758 = arith.index_cast %add3A_753 : i32 to index
      %swap3A_759 = arith.constant 0 : index
      %swap3A_760 = tpu.vector_load %arg7[%swap3A_758, %swap3A_759] {strides = array<i32>} : memref<512x64xf32, #tpu.memory_space<vmem>>, vector<1x16xf32>,
      %swap3A_761 = vector.shape_cast %swap3A_760 : vector<1x16xf32> to vector<16xf32>
      %swap3A_762 = vector.shape_cast %get3A_757 : vector<16xf32> to vector<1x16xf32>
      tpu.vector_store %arg7[%swap3A_758, %swap3A_759], %swap3A_762 {strides = array<i32>} : memref<512x64xf32, #tpu.memory_space<vmem>>, vector<1x16xf32>,
      %get3A_763 = arith.index_cast %squeeze3A_751 : i32 to index
      %get3A_764 = arith.constant 16 : index
      %get3A_765 = tpu.vector_load %arg6[%get3A_763, %get3A_764] {strides = array<i32>} : memref<20x64xf32, #tpu.memory_space<vmem>>, vector<1x16xf32>,
      %get3A_766 = vector.shape_cast %get3A_765 : vector<1x16xf32> to vector<16xf32>
      %swap3A_767 = arith.index_cast %add3A_753 : i32 to index
      %swap3A_768 = arith.constant 16 : index
      %swap3A_769 = tpu.vector_load %arg7[%swap3A_767, %swap3A_768] {strides = array<i32>} : memref<512x64xf32, #tpu.memory_space<vmem>>, vector<1x16xf32>,
      %swap3A_770 = vector.shape_cast %swap3A_769 : vector<1x16xf32> to vector<16xf32>
      %swap3A_771 = vector.shape_cast %get3A_766 : vector<16xf32> to vector<1x16xf32>
      tpu.vector_store %arg7[%swap3A_767, %swap3A_768], %swap3A_771 {strides = array<i32>} : memref<512x64xf32, #tpu.memory_space<vmem>>, vector<1x16xf32>,
      %get3A_772 = arith.index_cast %squeeze3A_751 : i32 to index
      %get3A_773 = arith.constant 32 : index
      %get3A_774 = tpu.vector_load %arg6[%get3A_772, %get3A_773] {strides = array<i32>} : memref<20x64xf32, #tpu.memory_space<vmem>>, vector<1x16xf32>,
      %get3A_775 = vector.shape_cast %get3A_774 : vector<1x16xf32> to vector<16xf32>
      %swap3A_776 = arith.index_cast %add3A_753 : i32 to index
      %swap3A_777 = arith.constant 32 : index
      %swap3A_778 = tpu.vector_load %arg7[%swap3A_776, %swap3A_777] {strides = array<i32>} : memref<512x64xf32, #tpu.memory_space<vmem>>, vector<1x16xf32>,
      %swap3A_779 = vector.shape_cast %swap3A_778 : vector<1x16xf32> to vector<16xf32>
      %swap3A_780 = vector.shape_cast %get3A_775 : vector<16xf32> to vector<1x16xf32>
      tpu.vector_store %arg7[%swap3A_776, %swap3A_777], %swap3A_780 {strides = array<i32>} : memref<512x64xf32, #tpu.memory_space<vmem>>, vector<1x16xf32>,
      %get3A_781 = arith.index_cast %squeeze3A_751 : i32 to index
      %get3A_782 = arith.constant 48 : index
      %get3A_783 = tpu.vector_load %arg6[%get3A_781, %get3A_782] {strides = array<i32>} : memref<20x64xf32, #tpu.memory_space<vmem>>, vector<1x16xf32>,
      %get3A_784 = vector.shape_cast %get3A_783 : vector<1x16xf32> to vector<16xf32>
      %swap3A_785 = arith.index_cast %add3A_753 : i32 to index
      %swap3A_786 = arith.constant 48 : index
      %swap3A_787 = tpu.vector_load %arg7[%swap3A_785, %swap3A_786] {strides = array<i32>} : memref<512x64xf32, #tpu.memory_space<vmem>>, vector<1x16xf32>,
      %swap3A_788 = vector.shape_cast %swap3A_787 : vector<1x16xf32> to vector<16xf32>
      %swap3A_789 = vector.shape_cast %get3A_784 : vector<16xf32> to vector<1x16xf32>
      tpu.vector_store %arg7[%swap3A_785, %swap3A_786], %swap3A_789 {strides = array<i32>} : memref<512x64xf32, #tpu.memory_space<vmem>>, vector<1x16xf32>,
      %slice3A_790 = vector.extract_strided_slice %get3A_192 {offsets = [15], sizes = [1], strides = [1]} : vector<16xi32> to vector<1xi32>
      %squeeze3A_791 = vector.extract %slice3A_790[0] : i32 from vector<1xi32>
      %add3A_792 = arith.constant 15 : i32
      %add3A_793 = arith.addi %mul3A_190, %add3A_792 : i32
      %get3A_794 = arith.index_cast %squeeze3A_791 : i32 to index
      %get3A_795 = arith.constant 0 : index
      %get3A_796 = tpu.vector_load %arg6[%get3A_794, %get3A_795] {strides = array<i32>} : memref<20x64xf32, #tpu.memory_space<vmem>>, vector<1x16xf32>,
      %get3A_797 = vector.shape_cast %get3A_796 : vector<1x16xf32> to vector<16xf32>
      %swap3A_798 = arith.index_cast %add3A_793 : i32 to index
      %swap3A_799 = arith.constant 0 : index
      %swap3A_800 = tpu.vector_load %arg7[%swap3A_798, %swap3A_799] {strides = array<i32>} : memref<512x64xf32, #tpu.memory_space<vmem>>, vector<1x16xf32>,
      %swap3A_801 = vector.shape_cast %swap3A_800 : vector<1x16xf32> to vector<16xf32>
      %swap3A_802 = vector.shape_cast %get3A_797 : vector<16xf32> to vector<1x16xf32>
      tpu.vector_store %arg7[%swap3A_798, %swap3A_799], %swap3A_802 {strides = array<i32>} : memref<512x64xf32, #tpu.memory_space<vmem>>, vector<1x16xf32>,
      %get3A_803 = arith.index_cast %squeeze3A_791 : i32 to index
      %get3A_804 = arith.constant 16 : index
      %get3A_805 = tpu.vector_load %arg6[%get3A_803, %get3A_804] {strides = array<i32>} : memref<20x64xf32, #tpu.memory_space<vmem>>, vector<1x16xf32>,
      %get3A_806 = vector.shape_cast %get3A_805 : vector<1x16xf32> to vector<16xf32>
      %swap3A_807 = arith.index_cast %add3A_793 : i32 to index
      %swap3A_808 = arith.constant 16 : index
      %swap3A_809 = tpu.vector_load %arg7[%swap3A_807, %swap3A_808] {strides = array<i32>} : memref<512x64xf32, #tpu.memory_space<vmem>>, vector<1x16xf32>,
      %swap3A_810 = vector.shape_cast %swap3A_809 : vector<1x16xf32> to vector<16xf32>
      %swap3A_811 = vector.shape_cast %get3A_806 : vector<16xf32> to vector<1x16xf32>
      tpu.vector_store %arg7[%swap3A_807, %swap3A_808], %swap3A_811 {strides = array<i32>} : memref<512x64xf32, #tpu.memory_space<vmem>>, vector<1x16xf32>,
      %get3A_812 = arith.index_cast %squeeze3A_791 : i32 to index
      %get3A_813 = arith.constant 32 : index
      %get3A_814 = tpu.vector_load %arg6[%get3A_812, %get3A_813] {strides = array<i32>} : memref<20x64xf32, #tpu.memory_space<vmem>>, vector<1x16xf32>,
      %get3A_815 = vector.shape_cast %get3A_814 : vector<1x16xf32> to vector<16xf32>
      %swap3A_816 = arith.index_cast %add3A_793 : i32 to index
      %swap3A_817 = arith.constant 32 : index
      %swap3A_818 = tpu.vector_load %arg7[%swap3A_816, %swap3A_817] {strides = array<i32>} : memref<512x64xf32, #tpu.memory_space<vmem>>, vector<1x16xf32>,
      %swap3A_819 = vector.shape_cast %swap3A_818 : vector<1x16xf32> to vector<16xf32>
      %swap3A_820 = vector.shape_cast %get3A_815 : vector<16xf32> to vector<1x16xf32>
      tpu.vector_store %arg7[%swap3A_816, %swap3A_817], %swap3A_820 {strides = array<i32>} : memref<512x64xf32, #tpu.memory_space<vmem>>, vector<1x16xf32>,
      %get3A_821 = arith.index_cast %squeeze3A_791 : i32 to index
      %get3A_822 = arith.constant 48 : index
      %get3A_823 = tpu.vector_load %arg6[%get3A_821, %get3A_822] {strides = array<i32>} : memref<20x64xf32, #tpu.memory_space<vmem>>, vector<1x16xf32>,
      %get3A_824 = vector.shape_cast %get3A_823 : vector<1x16xf32> to vector<16xf32>
      %swap3A_825 = arith.index_cast %add3A_793 : i32 to index
      %swap3A_826 = arith.constant 48 : index
      %swap3A_827 = tpu.vector_load %arg7[%swap3A_825, %swap3A_826] {strides = array<i32>} : memref<512x64xf32, #tpu.memory_space<vmem>>, vector<1x16xf32>,
      %swap3A_828 = vector.shape_cast %swap3A_827 : vector<1x16xf32> to vector<16xf32>
      %swap3A_829 = vector.shape_cast %get3A_824 : vector<16xf32> to vector<1x16xf32>
      tpu.vector_store %arg7[%swap3A_825, %swap3A_826], %swap3A_829 {strides = array<i32>} : memref<512x64xf32, #tpu.memory_space<vmem>>, vector<1x16xf32>,
    }
    %scan3A_61 = arith.constant 8 : i32
    %dma_start3A_62 = arith.constant 256 : i32
    %dma_start3A_63 = arith.constant 0 : i32
    %dma_start3A_64 = tpu.memref_slice %arg7[%dma_start3A_62, %dma_start3A_63] : memref<512x64xf32, #tpu.memory_space<vmem>> -> memref<128x64xf32, #tpu.memory_space<vmem>>
    %dma_start3A_65 = arith.constant 0 : i32
    %dma_start3A_66 = arith.constant 0 : i32
    %dma_start3A_67 = tpu.memref_slice %arg4[%add3A, %dma_start3A_65, %dma_start3A_66] : memref<32x512x64xf32, #tpu.memory_space<hbm>> -> memref<1x512x64xf32, #tpu.memory_space<hbm>>
    %dma_start3A_68 = tpu.memref_squeeze %dma_start3A_67 : memref<1x512x64xf32, #tpu.memory_space<hbm>> -> memref<512x64xf32, #tpu.memory_space<hbm>>
    %dma_start3A_69 = arith.constant 256 : i32
    %dma_start3A_70 = arith.constant 0 : i32
    %dma_start3A_71 = tpu.memref_slice %dma_start3A_68[%dma_start3A_69, %dma_start3A_70] : memref<512x64xf32, #tpu.memory_space<hbm>> -> memref<128x64xf32, #tpu.memory_space<hbm>>
    %dma_start3A_72 = arith.constant 0 : i32
    %dma_start3A_73 = arith.constant 0 : i32
    %dma_start3A_74 = tpu.memref_slice %arg4[%add3A, %dma_start3A_72, %dma_start3A_73] : memref<32x512x64xf32, #tpu.memory_space<hbm>> -> memref<1x512x64xf32, #tpu.memory_space<hbm>>
    %dma_start3A_75 = tpu.memref_squeeze %dma_start3A_74 : memref<1x512x64xf32, #tpu.memory_space<hbm>> -> memref<512x64xf32, #tpu.memory_space<hbm>>
    %dma_start3A_76 = arith.constant 256 : i32
    %dma_start3A_77 = arith.constant 0 : i32
    %dma_start3A_78 = tpu.memref_slice %dma_start3A_75[%dma_start3A_76, %dma_start3A_77] : memref<512x64xf32, #tpu.memory_space<hbm>> -> memref<128x64xf32, #tpu.memory_space<hbm>>
    %dma_start3A_79 = arith.constant 256 : i32
    %dma_start3A_80 = arith.constant 0 : i32
    %dma_start3A_81 = tpu.memref_slice %arg7[%dma_start3A_79, %dma_start3A_80] : memref<512x64xf32, #tpu.memory_space<vmem>> -> memref<128x64xf32, #tpu.memory_space<vmem>>
    tpu.enqueue_dma source(%dma_start3A_81 : memref<128x64xf32, #tpu.memory_space<vmem>>) target(%dma_start3A_78 : memref<128x64xf32, #tpu.memory_space<hbm>>) target_semaphore(%arg9 : memref<!tpu.dma_semaphore, #tpu.memory_space<semaphore_mem>>)
    %scan3A_82 = arith.constant 0 : i32
    %scan3A_83 = arith.constant 24 : i32
    %scan3A_84 = arith.constant 8 : i32
    %scan3A_85 = arith.addi %scan3A_83, %scan3A_84 : i32
    %scan3A_86 = arith.constant 1 : i32
    scf.for %scan3A_188 = %scan3A_83 to %scan3A_85 step %scan3A_86  : i32 {
      %mul3A_189 = arith.constant 16 : i32
      %mul3A_190 = arith.muli %scan3A_188, %mul3A_189 : i32
      %get3A = arith.index_cast %mul3A_190 : i32 to index
      %get3A_191 = tpu.vector_load %arg5[%get3A] {strides = array<i32>} : memref<512xi32, #tpu.memory_space<vmem>>, vector<16xi32>,
      %get3A_192 = vector.shape_cast %get3A_191 : vector<16xi32> to vector<16xi32>
      %slice3A = vector.extract_strided_slice %get3A_192 {offsets = [0], sizes = [1], strides = [1]} : vector<16xi32> to vector<1xi32>
      %squeeze3A = vector.extract %slice3A[0] : i32 from vector<1xi32>
      %add3A_193 = arith.constant 0 : i32
      %add3A_194 = arith.addi %mul3A_190, %add3A_193 : i32
      %get3A_195 = arith.index_cast %squeeze3A : i32 to index
      %get3A_196 = arith.constant 0 : index
      %get3A_197 = tpu.vector_load %arg6[%get3A_195, %get3A_196] {strides = array<i32>} : memref<20x64xf32, #tpu.memory_space<vmem>>, vector<1x16xf32>,
      %get3A_198 = vector.shape_cast %get3A_197 : vector<1x16xf32> to vector<16xf32>
      %swap3A = arith.index_cast %add3A_194 : i32 to index
      %swap3A_199 = arith.constant 0 : index
      %swap3A_200 = tpu.vector_load %arg7[%swap3A, %swap3A_199] {strides = array<i32>} : memref<512x64xf32, #tpu.memory_space<vmem>>, vector<1x16xf32>,
      %swap3A_201 = vector.shape_cast %swap3A_200 : vector<1x16xf32> to vector<16xf32>
      %swap3A_202 = vector.shape_cast %get3A_198 : vector<16xf32> to vector<1x16xf32>
      tpu.vector_store %arg7[%swap3A, %swap3A_199], %swap3A_202 {strides = array<i32>} : memref<512x64xf32, #tpu.memory_space<vmem>>, vector<1x16xf32>,
      %get3A_203 = arith.index_cast %squeeze3A : i32 to index
      %get3A_204 = arith.constant 16 : index
      %get3A_205 = tpu.vector_load %arg6[%get3A_203, %get3A_204] {strides = array<i32>} : memref<20x64xf32, #tpu.memory_space<vmem>>, vector<1x16xf32>,
      %get3A_206 = vector.shape_cast %get3A_205 : vector<1x16xf32> to vector<16xf32>
      %swap3A_207 = arith.index_cast %add3A_194 : i32 to index
      %swap3A_208 = arith.constant 16 : index
      %swap3A_209 = tpu.vector_load %arg7[%swap3A_207, %swap3A_208] {strides = array<i32>} : memref<512x64xf32, #tpu.memory_space<vmem>>, vector<1x16xf32>,
      %swap3A_210 = vector.shape_cast %swap3A_209 : vector<1x16xf32> to vector<16xf32>
      %swap3A_211 = vector.shape_cast %get3A_206 : vector<16xf32> to vector<1x16xf32>
      tpu.vector_store %arg7[%swap3A_207, %swap3A_208], %swap3A_211 {strides = array<i32>} : memref<512x64xf32, #tpu.memory_space<vmem>>, vector<1x16xf32>,
      %get3A_212 = arith.index_cast %squeeze3A : i32 to index
      %get3A_213 = arith.constant 32 : index
      %get3A_214 = tpu.vector_load %arg6[%get3A_212, %get3A_213] {strides = array<i32>} : memref<20x64xf32, #tpu.memory_space<vmem>>, vector<1x16xf32>,
      %get3A_215 = vector.shape_cast %get3A_214 : vector<1x16xf32> to vector<16xf32>
      %swap3A_216 = arith.index_cast %add3A_194 : i32 to index
      %swap3A_217 = arith.constant 32 : index
      %swap3A_218 = tpu.vector_load %arg7[%swap3A_216, %swap3A_217] {strides = array<i32>} : memref<512x64xf32, #tpu.memory_space<vmem>>, vector<1x16xf32>,
      %swap3A_219 = vector.shape_cast %swap3A_218 : vector<1x16xf32> to vector<16xf32>
      %swap3A_220 = vector.shape_cast %get3A_215 : vector<16xf32> to vector<1x16xf32>
      tpu.vector_store %arg7[%swap3A_216, %swap3A_217], %swap3A_220 {strides = array<i32>} : memref<512x64xf32, #tpu.memory_space<vmem>>, vector<1x16xf32>,
      %get3A_221 = arith.index_cast %squeeze3A : i32 to index
      %get3A_222 = arith.constant 48 : index
      %get3A_223 = tpu.vector_load %arg6[%get3A_221, %get3A_222] {strides = array<i32>} : memref<20x64xf32, #tpu.memory_space<vmem>>, vector<1x16xf32>,
      %get3A_224 = vector.shape_cast %get3A_223 : vector<1x16xf32> to vector<16xf32>
      %swap3A_225 = arith.index_cast %add3A_194 : i32 to index
      %swap3A_226 = arith.constant 48 : index
      %swap3A_227 = tpu.vector_load %arg7[%swap3A_225, %swap3A_226] {strides = array<i32>} : memref<512x64xf32, #tpu.memory_space<vmem>>, vector<1x16xf32>,
      %swap3A_228 = vector.shape_cast %swap3A_227 : vector<1x16xf32> to vector<16xf32>
      %swap3A_229 = vector.shape_cast %get3A_224 : vector<16xf32> to vector<1x16xf32>
      tpu.vector_store %arg7[%swap3A_225, %swap3A_226], %swap3A_229 {strides = array<i32>} : memref<512x64xf32, #tpu.memory_space<vmem>>, vector<1x16xf32>,
      %slice3A_230 = vector.extract_strided_slice %get3A_192 {offsets = [1], sizes = [1], strides = [1]} : vector<16xi32> to vector<1xi32>
      %squeeze3A_231 = vector.extract %slice3A_230[0] : i32 from vector<1xi32>
      %add3A_232 = arith.constant 1 : i32
      %add3A_233 = arith.addi %mul3A_190, %add3A_232 : i32
      %get3A_234 = arith.index_cast %squeeze3A_231 : i32 to index
      %get3A_235 = arith.constant 0 : index
      %get3A_236 = tpu.vector_load %arg6[%get3A_234, %get3A_235] {strides = array<i32>} : memref<20x64xf32, #tpu.memory_space<vmem>>, vector<1x16xf32>,
      %get3A_237 = vector.shape_cast %get3A_236 : vector<1x16xf32> to vector<16xf32>
      %swap3A_238 = arith.index_cast %add3A_233 : i32 to index
      %swap3A_239 = arith.constant 0 : index
      %swap3A_240 = tpu.vector_load %arg7[%swap3A_238, %swap3A_239] {strides = array<i32>} : memref<512x64xf32, #tpu.memory_space<vmem>>, vector<1x16xf32>,
      %swap3A_241 = vector.shape_cast %swap3A_240 : vector<1x16xf32> to vector<16xf32>
      %swap3A_242 = vector.shape_cast %get3A_237 : vector<16xf32> to vector<1x16xf32>
      tpu.vector_store %arg7[%swap3A_238, %swap3A_239], %swap3A_242 {strides = array<i32>} : memref<512x64xf32, #tpu.memory_space<vmem>>, vector<1x16xf32>,
      %get3A_243 = arith.index_cast %squeeze3A_231 : i32 to index
      %get3A_244 = arith.constant 16 : index
      %get3A_245 = tpu.vector_load %arg6[%get3A_243, %get3A_244] {strides = array<i32>} : memref<20x64xf32, #tpu.memory_space<vmem>>, vector<1x16xf32>,
      %get3A_246 = vector.shape_cast %get3A_245 : vector<1x16xf32> to vector<16xf32>
      %swap3A_247 = arith.index_cast %add3A_233 : i32 to index
      %swap3A_248 = arith.constant 16 : index
      %swap3A_249 = tpu.vector_load %arg7[%swap3A_247, %swap3A_248] {strides = array<i32>} : memref<512x64xf32, #tpu.memory_space<vmem>>, vector<1x16xf32>,
      %swap3A_250 = vector.shape_cast %swap3A_249 : vector<1x16xf32> to vector<16xf32>
      %swap3A_251 = vector.shape_cast %get3A_246 : vector<16xf32> to vector<1x16xf32>
      tpu.vector_store %arg7[%swap3A_247, %swap3A_248], %swap3A_251 {strides = array<i32>} : memref<512x64xf32, #tpu.memory_space<vmem>>, vector<1x16xf32>,
      %get3A_252 = arith.index_cast %squeeze3A_231 : i32 to index
      %get3A_253 = arith.constant 32 : index
      %get3A_254 = tpu.vector_load %arg6[%get3A_252, %get3A_253] {strides = array<i32>} : memref<20x64xf32, #tpu.memory_space<vmem>>, vector<1x16xf32>,
      %get3A_255 = vector.shape_cast %get3A_254 : vector<1x16xf32> to vector<16xf32>
      %swap3A_256 = arith.index_cast %add3A_233 : i32 to index
      %swap3A_257 = arith.constant 32 : index
      %swap3A_258 = tpu.vector_load %arg7[%swap3A_256, %swap3A_257] {strides = array<i32>} : memref<512x64xf32, #tpu.memory_space<vmem>>, vector<1x16xf32>,
      %swap3A_259 = vector.shape_cast %swap3A_258 : vector<1x16xf32> to vector<16xf32>
      %swap3A_260 = vector.shape_cast %get3A_255 : vector<16xf32> to vector<1x16xf32>
      tpu.vector_store %arg7[%swap3A_256, %swap3A_257], %swap3A_260 {strides = array<i32>} : memref<512x64xf32, #tpu.memory_space<vmem>>, vector<1x16xf32>,
      %get3A_261 = arith.index_cast %squeeze3A_231 : i32 to index
      %get3A_262 = arith.constant 48 : index
      %get3A_263 = tpu.vector_load %arg6[%get3A_261, %get3A_262] {strides = array<i32>} : memref<20x64xf32, #tpu.memory_space<vmem>>, vector<1x16xf32>,
      %get3A_264 = vector.shape_cast %get3A_263 : vector<1x16xf32> to vector<16xf32>
      %swap3A_265 = arith.index_cast %add3A_233 : i32 to index
      %swap3A_266 = arith.constant 48 : index
      %swap3A_267 = tpu.vector_load %arg7[%swap3A_265, %swap3A_266] {strides = array<i32>} : memref<512x64xf32, #tpu.memory_space<vmem>>, vector<1x16xf32>,
      %swap3A_268 = vector.shape_cast %swap3A_267 : vector<1x16xf32> to vector<16xf32>
      %swap3A_269 = vector.shape_cast %get3A_264 : vector<16xf32> to vector<1x16xf32>
      tpu.vector_store %arg7[%swap3A_265, %swap3A_266], %swap3A_269 {strides = array<i32>} : memref<512x64xf32, #tpu.memory_space<vmem>>, vector<1x16xf32>,
      %slice3A_270 = vector.extract_strided_slice %get3A_192 {offsets = [2], sizes = [1], strides = [1]} : vector<16xi32> to vector<1xi32>
      %squeeze3A_271 = vector.extract %slice3A_270[0] : i32 from vector<1xi32>
      %add3A_272 = arith.constant 2 : i32
      %add3A_273 = arith.addi %mul3A_190, %add3A_272 : i32
      %get3A_274 = arith.index_cast %squeeze3A_271 : i32 to index
      %get3A_275 = arith.constant 0 : index
      %get3A_276 = tpu.vector_load %arg6[%get3A_274, %get3A_275] {strides = array<i32>} : memref<20x64xf32, #tpu.memory_space<vmem>>, vector<1x16xf32>,
      %get3A_277 = vector.shape_cast %get3A_276 : vector<1x16xf32> to vector<16xf32>
      %swap3A_278 = arith.index_cast %add3A_273 : i32 to index
      %swap3A_279 = arith.constant 0 : index
      %swap3A_280 = tpu.vector_load %arg7[%swap3A_278, %swap3A_279] {strides = array<i32>} : memref<512x64xf32, #tpu.memory_space<vmem>>, vector<1x16xf32>,
      %swap3A_281 = vector.shape_cast %swap3A_280 : vector<1x16xf32> to vector<16xf32>
      %swap3A_282 = vector.shape_cast %get3A_277 : vector<16xf32> to vector<1x16xf32>
      tpu.vector_store %arg7[%swap3A_278, %swap3A_279], %swap3A_282 {strides = array<i32>} : memref<512x64xf32, #tpu.memory_space<vmem>>, vector<1x16xf32>,
      %get3A_283 = arith.index_cast %squeeze3A_271 : i32 to index
      %get3A_284 = arith.constant 16 : index
      %get3A_285 = tpu.vector_load %arg6[%get3A_283, %get3A_284] {strides = array<i32>} : memref<20x64xf32, #tpu.memory_space<vmem>>, vector<1x16xf32>,
      %get3A_286 = vector.shape_cast %get3A_285 : vector<1x16xf32> to vector<16xf32>
      %swap3A_287 = arith.index_cast %add3A_273 : i32 to index
      %swap3A_288 = arith.constant 16 : index
      %swap3A_289 = tpu.vector_load %arg7[%swap3A_287, %swap3A_288] {strides = array<i32>} : memref<512x64xf32, #tpu.memory_space<vmem>>, vector<1x16xf32>,
      %swap3A_290 = vector.shape_cast %swap3A_289 : vector<1x16xf32> to vector<16xf32>
      %swap3A_291 = vector.shape_cast %get3A_286 : vector<16xf32> to vector<1x16xf32>
      tpu.vector_store %arg7[%swap3A_287, %swap3A_288], %swap3A_291 {strides = array<i32>} : memref<512x64xf32, #tpu.memory_space<vmem>>, vector<1x16xf32>,
      %get3A_292 = arith.index_cast %squeeze3A_271 : i32 to index
      %get3A_293 = arith.constant 32 : index
      %get3A_294 = tpu.vector_load %arg6[%get3A_292, %get3A_293] {strides = array<i32>} : memref<20x64xf32, #tpu.memory_space<vmem>>, vector<1x16xf32>,
      %get3A_295 = vector.shape_cast %get3A_294 : vector<1x16xf32> to vector<16xf32>
      %swap3A_296 = arith.index_cast %add3A_273 : i32 to index
      %swap3A_297 = arith.constant 32 : index
      %swap3A_298 = tpu.vector_load %arg7[%swap3A_296, %swap3A_297] {strides = array<i32>} : memref<512x64xf32, #tpu.memory_space<vmem>>, vector<1x16xf32>,
      %swap3A_299 = vector.shape_cast %swap3A_298 : vector<1x16xf32> to vector<16xf32>
      %swap3A_300 = vector.shape_cast %get3A_295 : vector<16xf32> to vector<1x16xf32>
      tpu.vector_store %arg7[%swap3A_296, %swap3A_297], %swap3A_300 {strides = array<i32>} : memref<512x64xf32, #tpu.memory_space<vmem>>, vector<1x16xf32>,
      %get3A_301 = arith.index_cast %squeeze3A_271 : i32 to index
      %get3A_302 = arith.constant 48 : index
      %get3A_303 = tpu.vector_load %arg6[%get3A_301, %get3A_302] {strides = array<i32>} : memref<20x64xf32, #tpu.memory_space<vmem>>, vector<1x16xf32>,
      %get3A_304 = vector.shape_cast %get3A_303 : vector<1x16xf32> to vector<16xf32>
      %swap3A_305 = arith.index_cast %add3A_273 : i32 to index
      %swap3A_306 = arith.constant 48 : index
      %swap3A_307 = tpu.vector_load %arg7[%swap3A_305, %swap3A_306] {strides = array<i32>} : memref<512x64xf32, #tpu.memory_space<vmem>>, vector<1x16xf32>,
      %swap3A_308 = vector.shape_cast %swap3A_307 : vector<1x16xf32> to vector<16xf32>
      %swap3A_309 = vector.shape_cast %get3A_304 : vector<16xf32> to vector<1x16xf32>
      tpu.vector_store %arg7[%swap3A_305, %swap3A_306], %swap3A_309 {strides = array<i32>} : memref<512x64xf32, #tpu.memory_space<vmem>>, vector<1x16xf32>,
      %slice3A_310 = vector.extract_strided_slice %get3A_192 {offsets = [3], sizes = [1], strides = [1]} : vector<16xi32> to vector<1xi32>
      %squeeze3A_311 = vector.extract %slice3A_310[0] : i32 from vector<1xi32>
      %add3A_312 = arith.constant 3 : i32
      %add3A_313 = arith.addi %mul3A_190, %add3A_312 : i32
      %get3A_314 = arith.index_cast %squeeze3A_311 : i32 to index
      %get3A_315 = arith.constant 0 : index
      %get3A_316 = tpu.vector_load %arg6[%get3A_314, %get3A_315] {strides = array<i32>} : memref<20x64xf32, #tpu.memory_space<vmem>>, vector<1x16xf32>,
      %get3A_317 = vector.shape_cast %get3A_316 : vector<1x16xf32> to vector<16xf32>
      %swap3A_318 = arith.index_cast %add3A_313 : i32 to index
      %swap3A_319 = arith.constant 0 : index
      %swap3A_320 = tpu.vector_load %arg7[%swap3A_318, %swap3A_319] {strides = array<i32>} : memref<512x64xf32, #tpu.memory_space<vmem>>, vector<1x16xf32>,
      %swap3A_321 = vector.shape_cast %swap3A_320 : vector<1x16xf32> to vector<16xf32>
      %swap3A_322 = vector.shape_cast %get3A_317 : vector<16xf32> to vector<1x16xf32>
      tpu.vector_store %arg7[%swap3A_318, %swap3A_319], %swap3A_322 {strides = array<i32>} : memref<512x64xf32, #tpu.memory_space<vmem>>, vector<1x16xf32>,
      %get3A_323 = arith.index_cast %squeeze3A_311 : i32 to index
      %get3A_324 = arith.constant 16 : index
      %get3A_325 = tpu.vector_load %arg6[%get3A_323, %get3A_324] {strides = array<i32>} : memref<20x64xf32, #tpu.memory_space<vmem>>, vector<1x16xf32>,
      %get3A_326 = vector.shape_cast %get3A_325 : vector<1x16xf32> to vector<16xf32>
      %swap3A_327 = arith.index_cast %add3A_313 : i32 to index
      %swap3A_328 = arith.constant 16 : index
      %swap3A_329 = tpu.vector_load %arg7[%swap3A_327, %swap3A_328] {strides = array<i32>} : memref<512x64xf32, #tpu.memory_space<vmem>>, vector<1x16xf32>,
      %swap3A_330 = vector.shape_cast %swap3A_329 : vector<1x16xf32> to vector<16xf32>
      %swap3A_331 = vector.shape_cast %get3A_326 : vector<16xf32> to vector<1x16xf32>
      tpu.vector_store %arg7[%swap3A_327, %swap3A_328], %swap3A_331 {strides = array<i32>} : memref<512x64xf32, #tpu.memory_space<vmem>>, vector<1x16xf32>,
      %get3A_332 = arith.index_cast %squeeze3A_311 : i32 to index
      %get3A_333 = arith.constant 32 : index
      %get3A_334 = tpu.vector_load %arg6[%get3A_332, %get3A_333] {strides = array<i32>} : memref<20x64xf32, #tpu.memory_space<vmem>>, vector<1x16xf32>,
      %get3A_335 = vector.shape_cast %get3A_334 : vector<1x16xf32> to vector<16xf32>
      %swap3A_336 = arith.index_cast %add3A_313 : i32 to index
      %swap3A_337 = arith.constant 32 : index
      %swap3A_338 = tpu.vector_load %arg7[%swap3A_336, %swap3A_337] {strides = array<i32>} : memref<512x64xf32, #tpu.memory_space<vmem>>, vector<1x16xf32>,
      %swap3A_339 = vector.shape_cast %swap3A_338 : vector<1x16xf32> to vector<16xf32>
      %swap3A_340 = vector.shape_cast %get3A_335 : vector<16xf32> to vector<1x16xf32>
      tpu.vector_store %arg7[%swap3A_336, %swap3A_337], %swap3A_340 {strides = array<i32>} : memref<512x64xf32, #tpu.memory_space<vmem>>, vector<1x16xf32>,
      %get3A_341 = arith.index_cast %squeeze3A_311 : i32 to index
      %get3A_342 = arith.constant 48 : index
      %get3A_343 = tpu.vector_load %arg6[%get3A_341, %get3A_342] {strides = array<i32>} : memref<20x64xf32, #tpu.memory_space<vmem>>, vector<1x16xf32>,
      %get3A_344 = vector.shape_cast %get3A_343 : vector<1x16xf32> to vector<16xf32>
      %swap3A_345 = arith.index_cast %add3A_313 : i32 to index
      %swap3A_346 = arith.constant 48 : index
      %swap3A_347 = tpu.vector_load %arg7[%swap3A_345, %swap3A_346] {strides = array<i32>} : memref<512x64xf32, #tpu.memory_space<vmem>>, vector<1x16xf32>,
      %swap3A_348 = vector.shape_cast %swap3A_347 : vector<1x16xf32> to vector<16xf32>
      %swap3A_349 = vector.shape_cast %get3A_344 : vector<16xf32> to vector<1x16xf32>
      tpu.vector_store %arg7[%swap3A_345, %swap3A_346], %swap3A_349 {strides = array<i32>} : memref<512x64xf32, #tpu.memory_space<vmem>>, vector<1x16xf32>,
      %slice3A_350 = vector.extract_strided_slice %get3A_192 {offsets = [4], sizes = [1], strides = [1]} : vector<16xi32> to vector<1xi32>
      %squeeze3A_351 = vector.extract %slice3A_350[0] : i32 from vector<1xi32>
      %add3A_352 = arith.constant 4 : i32
      %add3A_353 = arith.addi %mul3A_190, %add3A_352 : i32
      %get3A_354 = arith.index_cast %squeeze3A_351 : i32 to index
      %get3A_355 = arith.constant 0 : index
      %get3A_356 = tpu.vector_load %arg6[%get3A_354, %get3A_355] {strides = array<i32>} : memref<20x64xf32, #tpu.memory_space<vmem>>, vector<1x16xf32>,
      %get3A_357 = vector.shape_cast %get3A_356 : vector<1x16xf32> to vector<16xf32>
      %swap3A_358 = arith.index_cast %add3A_353 : i32 to index
      %swap3A_359 = arith.constant 0 : index
      %swap3A_360 = tpu.vector_load %arg7[%swap3A_358, %swap3A_359] {strides = array<i32>} : memref<512x64xf32, #tpu.memory_space<vmem>>, vector<1x16xf32>,
      %swap3A_361 = vector.shape_cast %swap3A_360 : vector<1x16xf32> to vector<16xf32>
      %swap3A_362 = vector.shape_cast %get3A_357 : vector<16xf32> to vector<1x16xf32>
      tpu.vector_store %arg7[%swap3A_358, %swap3A_359], %swap3A_362 {strides = array<i32>} : memref<512x64xf32, #tpu.memory_space<vmem>>, vector<1x16xf32>,
      %get3A_363 = arith.index_cast %squeeze3A_351 : i32 to index
      %get3A_364 = arith.constant 16 : index
      %get3A_365 = tpu.vector_load %arg6[%get3A_363, %get3A_364] {strides = array<i32>} : memref<20x64xf32, #tpu.memory_space<vmem>>, vector<1x16xf32>,
      %get3A_366 = vector.shape_cast %get3A_365 : vector<1x16xf32> to vector<16xf32>
      %swap3A_367 = arith.index_cast %add3A_353 : i32 to index
      %swap3A_368 = arith.constant 16 : index
      %swap3A_369 = tpu.vector_load %arg7[%swap3A_367, %swap3A_368] {strides = array<i32>} : memref<512x64xf32, #tpu.memory_space<vmem>>, vector<1x16xf32>,
      %swap3A_370 = vector.shape_cast %swap3A_369 : vector<1x16xf32> to vector<16xf32>
      %swap3A_371 = vector.shape_cast %get3A_366 : vector<16xf32> to vector<1x16xf32>
      tpu.vector_store %arg7[%swap3A_367, %swap3A_368], %swap3A_371 {strides = array<i32>} : memref<512x64xf32, #tpu.memory_space<vmem>>, vector<1x16xf32>,
      %get3A_372 = arith.index_cast %squeeze3A_351 : i32 to index
      %get3A_373 = arith.constant 32 : index
      %get3A_374 = tpu.vector_load %arg6[%get3A_372, %get3A_373] {strides = array<i32>} : memref<20x64xf32, #tpu.memory_space<vmem>>, vector<1x16xf32>,
      %get3A_375 = vector.shape_cast %get3A_374 : vector<1x16xf32> to vector<16xf32>
      %swap3A_376 = arith.index_cast %add3A_353 : i32 to index
      %swap3A_377 = arith.constant 32 : index
      %swap3A_378 = tpu.vector_load %arg7[%swap3A_376, %swap3A_377] {strides = array<i32>} : memref<512x64xf32, #tpu.memory_space<vmem>>, vector<1x16xf32>,
      %swap3A_379 = vector.shape_cast %swap3A_378 : vector<1x16xf32> to vector<16xf32>
      %swap3A_380 = vector.shape_cast %get3A_375 : vector<16xf32> to vector<1x16xf32>
      tpu.vector_store %arg7[%swap3A_376, %swap3A_377], %swap3A_380 {strides = array<i32>} : memref<512x64xf32, #tpu.memory_space<vmem>>, vector<1x16xf32>,
      %get3A_381 = arith.index_cast %squeeze3A_351 : i32 to index
      %get3A_382 = arith.constant 48 : index
      %get3A_383 = tpu.vector_load %arg6[%get3A_381, %get3A_382] {strides = array<i32>} : memref<20x64xf32, #tpu.memory_space<vmem>>, vector<1x16xf32>,
      %get3A_384 = vector.shape_cast %get3A_383 : vector<1x16xf32> to vector<16xf32>
      %swap3A_385 = arith.index_cast %add3A_353 : i32 to index
      %swap3A_386 = arith.constant 48 : index
      %swap3A_387 = tpu.vector_load %arg7[%swap3A_385, %swap3A_386] {strides = array<i32>} : memref<512x64xf32, #tpu.memory_space<vmem>>, vector<1x16xf32>,
      %swap3A_388 = vector.shape_cast %swap3A_387 : vector<1x16xf32> to vector<16xf32>
      %swap3A_389 = vector.shape_cast %get3A_384 : vector<16xf32> to vector<1x16xf32>
      tpu.vector_store %arg7[%swap3A_385, %swap3A_386], %swap3A_389 {strides = array<i32>} : memref<512x64xf32, #tpu.memory_space<vmem>>, vector<1x16xf32>,
      %slice3A_390 = vector.extract_strided_slice %get3A_192 {offsets = [5], sizes = [1], strides = [1]} : vector<16xi32> to vector<1xi32>
      %squeeze3A_391 = vector.extract %slice3A_390[0] : i32 from vector<1xi32>
      %add3A_392 = arith.constant 5 : i32
      %add3A_393 = arith.addi %mul3A_190, %add3A_392 : i32
      %get3A_394 = arith.index_cast %squeeze3A_391 : i32 to index
      %get3A_395 = arith.constant 0 : index
      %get3A_396 = tpu.vector_load %arg6[%get3A_394, %get3A_395] {strides = array<i32>} : memref<20x64xf32, #tpu.memory_space<vmem>>, vector<1x16xf32>,
      %get3A_397 = vector.shape_cast %get3A_396 : vector<1x16xf32> to vector<16xf32>
      %swap3A_398 = arith.index_cast %add3A_393 : i32 to index
      %swap3A_399 = arith.constant 0 : index
      %swap3A_400 = tpu.vector_load %arg7[%swap3A_398, %swap3A_399] {strides = array<i32>} : memref<512x64xf32, #tpu.memory_space<vmem>>, vector<1x16xf32>,
      %swap3A_401 = vector.shape_cast %swap3A_400 : vector<1x16xf32> to vector<16xf32>
      %swap3A_402 = vector.shape_cast %get3A_397 : vector<16xf32> to vector<1x16xf32>
      tpu.vector_store %arg7[%swap3A_398, %swap3A_399], %swap3A_402 {strides = array<i32>} : memref<512x64xf32, #tpu.memory_space<vmem>>, vector<1x16xf32>,
      %get3A_403 = arith.index_cast %squeeze3A_391 : i32 to index
      %get3A_404 = arith.constant 16 : index
      %get3A_405 = tpu.vector_load %arg6[%get3A_403, %get3A_404] {strides = array<i32>} : memref<20x64xf32, #tpu.memory_space<vmem>>, vector<1x16xf32>,
      %get3A_406 = vector.shape_cast %get3A_405 : vector<1x16xf32> to vector<16xf32>
      %swap3A_407 = arith.index_cast %add3A_393 : i32 to index
      %swap3A_408 = arith.constant 16 : index
      %swap3A_409 = tpu.vector_load %arg7[%swap3A_407, %swap3A_408] {strides = array<i32>} : memref<512x64xf32, #tpu.memory_space<vmem>>, vector<1x16xf32>,
      %swap3A_410 = vector.shape_cast %swap3A_409 : vector<1x16xf32> to vector<16xf32>
      %swap3A_411 = vector.shape_cast %get3A_406 : vector<16xf32> to vector<1x16xf32>
      tpu.vector_store %arg7[%swap3A_407, %swap3A_408], %swap3A_411 {strides = array<i32>} : memref<512x64xf32, #tpu.memory_space<vmem>>, vector<1x16xf32>,
      %get3A_412 = arith.index_cast %squeeze3A_391 : i32 to index
      %get3A_413 = arith.constant 32 : index
      %get3A_414 = tpu.vector_load %arg6[%get3A_412, %get3A_413] {strides = array<i32>} : memref<20x64xf32, #tpu.memory_space<vmem>>, vector<1x16xf32>,
      %get3A_415 = vector.shape_cast %get3A_414 : vector<1x16xf32> to vector<16xf32>
      %swap3A_416 = arith.index_cast %add3A_393 : i32 to index
      %swap3A_417 = arith.constant 32 : index
      %swap3A_418 = tpu.vector_load %arg7[%swap3A_416, %swap3A_417] {strides = array<i32>} : memref<512x64xf32, #tpu.memory_space<vmem>>, vector<1x16xf32>,
      %swap3A_419 = vector.shape_cast %swap3A_418 : vector<1x16xf32> to vector<16xf32>
      %swap3A_420 = vector.shape_cast %get3A_415 : vector<16xf32> to vector<1x16xf32>
      tpu.vector_store %arg7[%swap3A_416, %swap3A_417], %swap3A_420 {strides = array<i32>} : memref<512x64xf32, #tpu.memory_space<vmem>>, vector<1x16xf32>,
      %get3A_421 = arith.index_cast %squeeze3A_391 : i32 to index
      %get3A_422 = arith.constant 48 : index
      %get3A_423 = tpu.vector_load %arg6[%get3A_421, %get3A_422] {strides = array<i32>} : memref<20x64xf32, #tpu.memory_space<vmem>>, vector<1x16xf32>,
      %get3A_424 = vector.shape_cast %get3A_423 : vector<1x16xf32> to vector<16xf32>
      %swap3A_425 = arith.index_cast %add3A_393 : i32 to index
      %swap3A_426 = arith.constant 48 : index
      %swap3A_427 = tpu.vector_load %arg7[%swap3A_425, %swap3A_426] {strides = array<i32>} : memref<512x64xf32, #tpu.memory_space<vmem>>, vector<1x16xf32>,
      %swap3A_428 = vector.shape_cast %swap3A_427 : vector<1x16xf32> to vector<16xf32>
      %swap3A_429 = vector.shape_cast %get3A_424 : vector<16xf32> to vector<1x16xf32>
      tpu.vector_store %arg7[%swap3A_425, %swap3A_426], %swap3A_429 {strides = array<i32>} : memref<512x64xf32, #tpu.memory_space<vmem>>, vector<1x16xf32>,
      %slice3A_430 = vector.extract_strided_slice %get3A_192 {offsets = [6], sizes = [1], strides = [1]} : vector<16xi32> to vector<1xi32>
      %squeeze3A_431 = vector.extract %slice3A_430[0] : i32 from vector<1xi32>
      %add3A_432 = arith.constant 6 : i32
      %add3A_433 = arith.addi %mul3A_190, %add3A_432 : i32
      %get3A_434 = arith.index_cast %squeeze3A_431 : i32 to index
      %get3A_435 = arith.constant 0 : index
      %get3A_436 = tpu.vector_load %arg6[%get3A_434, %get3A_435] {strides = array<i32>} : memref<20x64xf32, #tpu.memory_space<vmem>>, vector<1x16xf32>,
      %get3A_437 = vector.shape_cast %get3A_436 : vector<1x16xf32> to vector<16xf32>
      %swap3A_438 = arith.index_cast %add3A_433 : i32 to index
      %swap3A_439 = arith.constant 0 : index
      %swap3A_440 = tpu.vector_load %arg7[%swap3A_438, %swap3A_439] {strides = array<i32>} : memref<512x64xf32, #tpu.memory_space<vmem>>, vector<1x16xf32>,
      %swap3A_441 = vector.shape_cast %swap3A_440 : vector<1x16xf32> to vector<16xf32>
      %swap3A_442 = vector.shape_cast %get3A_437 : vector<16xf32> to vector<1x16xf32>
      tpu.vector_store %arg7[%swap3A_438, %swap3A_439], %swap3A_442 {strides = array<i32>} : memref<512x64xf32, #tpu.memory_space<vmem>>, vector<1x16xf32>,
      %get3A_443 = arith.index_cast %squeeze3A_431 : i32 to index
      %get3A_444 = arith.constant 16 : index
      %get3A_445 = tpu.vector_load %arg6[%get3A_443, %get3A_444] {strides = array<i32>} : memref<20x64xf32, #tpu.memory_space<vmem>>, vector<1x16xf32>,
      %get3A_446 = vector.shape_cast %get3A_445 : vector<1x16xf32> to vector<16xf32>
      %swap3A_447 = arith.index_cast %add3A_433 : i32 to index
      %swap3A_448 = arith.constant 16 : index
      %swap3A_449 = tpu.vector_load %arg7[%swap3A_447, %swap3A_448] {strides = array<i32>} : memref<512x64xf32, #tpu.memory_space<vmem>>, vector<1x16xf32>,
      %swap3A_450 = vector.shape_cast %swap3A_449 : vector<1x16xf32> to vector<16xf32>
      %swap3A_451 = vector.shape_cast %get3A_446 : vector<16xf32> to vector<1x16xf32>
      tpu.vector_store %arg7[%swap3A_447, %swap3A_448], %swap3A_451 {strides = array<i32>} : memref<512x64xf32, #tpu.memory_space<vmem>>, vector<1x16xf32>,
      %get3A_452 = arith.index_cast %squeeze3A_431 : i32 to index
      %get3A_453 = arith.constant 32 : index
      %get3A_454 = tpu.vector_load %arg6[%get3A_452, %get3A_453] {strides = array<i32>} : memref<20x64xf32, #tpu.memory_space<vmem>>, vector<1x16xf32>,
      %get3A_455 = vector.shape_cast %get3A_454 : vector<1x16xf32> to vector<16xf32>
      %swap3A_456 = arith.index_cast %add3A_433 : i32 to index
      %swap3A_457 = arith.constant 32 : index
      %swap3A_458 = tpu.vector_load %arg7[%swap3A_456, %swap3A_457] {strides = array<i32>} : memref<512x64xf32, #tpu.memory_space<vmem>>, vector<1x16xf32>,
      %swap3A_459 = vector.shape_cast %swap3A_458 : vector<1x16xf32> to vector<16xf32>
      %swap3A_460 = vector.shape_cast %get3A_455 : vector<16xf32> to vector<1x16xf32>
      tpu.vector_store %arg7[%swap3A_456, %swap3A_457], %swap3A_460 {strides = array<i32>} : memref<512x64xf32, #tpu.memory_space<vmem>>, vector<1x16xf32>,
      %get3A_461 = arith.index_cast %squeeze3A_431 : i32 to index
      %get3A_462 = arith.constant 48 : index
      %get3A_463 = tpu.vector_load %arg6[%get3A_461, %get3A_462] {strides = array<i32>} : memref<20x64xf32, #tpu.memory_space<vmem>>, vector<1x16xf32>,
      %get3A_464 = vector.shape_cast %get3A_463 : vector<1x16xf32> to vector<16xf32>
      %swap3A_465 = arith.index_cast %add3A_433 : i32 to index
      %swap3A_466 = arith.constant 48 : index
      %swap3A_467 = tpu.vector_load %arg7[%swap3A_465, %swap3A_466] {strides = array<i32>} : memref<512x64xf32, #tpu.memory_space<vmem>>, vector<1x16xf32>,
      %swap3A_468 = vector.shape_cast %swap3A_467 : vector<1x16xf32> to vector<16xf32>
      %swap3A_469 = vector.shape_cast %get3A_464 : vector<16xf32> to vector<1x16xf32>
      tpu.vector_store %arg7[%swap3A_465, %swap3A_466], %swap3A_469 {strides = array<i32>} : memref<512x64xf32, #tpu.memory_space<vmem>>, vector<1x16xf32>,
      %slice3A_470 = vector.extract_strided_slice %get3A_192 {offsets = [7], sizes = [1], strides = [1]} : vector<16xi32> to vector<1xi32>
      %squeeze3A_471 = vector.extract %slice3A_470[0] : i32 from vector<1xi32>
      %add3A_472 = arith.constant 7 : i32
      %add3A_473 = arith.addi %mul3A_190, %add3A_472 : i32
      %get3A_474 = arith.index_cast %squeeze3A_471 : i32 to index
      %get3A_475 = arith.constant 0 : index
      %get3A_476 = tpu.vector_load %arg6[%get3A_474, %get3A_475] {strides = array<i32>} : memref<20x64xf32, #tpu.memory_space<vmem>>, vector<1x16xf32>,
      %get3A_477 = vector.shape_cast %get3A_476 : vector<1x16xf32> to vector<16xf32>
      %swap3A_478 = arith.index_cast %add3A_473 : i32 to index
      %swap3A_479 = arith.constant 0 : index
      %swap3A_480 = tpu.vector_load %arg7[%swap3A_478, %swap3A_479] {strides = array<i32>} : memref<512x64xf32, #tpu.memory_space<vmem>>, vector<1x16xf32>,
      %swap3A_481 = vector.shape_cast %swap3A_480 : vector<1x16xf32> to vector<16xf32>
      %swap3A_482 = vector.shape_cast %get3A_477 : vector<16xf32> to vector<1x16xf32>
      tpu.vector_store %arg7[%swap3A_478, %swap3A_479], %swap3A_482 {strides = array<i32>} : memref<512x64xf32, #tpu.memory_space<vmem>>, vector<1x16xf32>,
      %get3A_483 = arith.index_cast %squeeze3A_471 : i32 to index
      %get3A_484 = arith.constant 16 : index
      %get3A_485 = tpu.vector_load %arg6[%get3A_483, %get3A_484] {strides = array<i32>} : memref<20x64xf32, #tpu.memory_space<vmem>>, vector<1x16xf32>,
      %get3A_486 = vector.shape_cast %get3A_485 : vector<1x16xf32> to vector<16xf32>
      %swap3A_487 = arith.index_cast %add3A_473 : i32 to index
      %swap3A_488 = arith.constant 16 : index
      %swap3A_489 = tpu.vector_load %arg7[%swap3A_487, %swap3A_488] {strides = array<i32>} : memref<512x64xf32, #tpu.memory_space<vmem>>, vector<1x16xf32>,
      %swap3A_490 = vector.shape_cast %swap3A_489 : vector<1x16xf32> to vector<16xf32>
      %swap3A_491 = vector.shape_cast %get3A_486 : vector<16xf32> to vector<1x16xf32>
      tpu.vector_store %arg7[%swap3A_487, %swap3A_488], %swap3A_491 {strides = array<i32>} : memref<512x64xf32, #tpu.memory_space<vmem>>, vector<1x16xf32>,
      %get3A_492 = arith.index_cast %squeeze3A_471 : i32 to index
      %get3A_493 = arith.constant 32 : index
      %get3A_494 = tpu.vector_load %arg6[%get3A_492, %get3A_493] {strides = array<i32>} : memref<20x64xf32, #tpu.memory_space<vmem>>, vector<1x16xf32>,
      %get3A_495 = vector.shape_cast %get3A_494 : vector<1x16xf32> to vector<16xf32>
      %swap3A_496 = arith.index_cast %add3A_473 : i32 to index
      %swap3A_497 = arith.constant 32 : index
      %swap3A_498 = tpu.vector_load %arg7[%swap3A_496, %swap3A_497] {strides = array<i32>} : memref<512x64xf32, #tpu.memory_space<vmem>>, vector<1x16xf32>,
      %swap3A_499 = vector.shape_cast %swap3A_498 : vector<1x16xf32> to vector<16xf32>
      %swap3A_500 = vector.shape_cast %get3A_495 : vector<16xf32> to vector<1x16xf32>
      tpu.vector_store %arg7[%swap3A_496, %swap3A_497], %swap3A_500 {strides = array<i32>} : memref<512x64xf32, #tpu.memory_space<vmem>>, vector<1x16xf32>,
      %get3A_501 = arith.index_cast %squeeze3A_471 : i32 to index
      %get3A_502 = arith.constant 48 : index
      %get3A_503 = tpu.vector_load %arg6[%get3A_501, %get3A_502] {strides = array<i32>} : memref<20x64xf32, #tpu.memory_space<vmem>>, vector<1x16xf32>,
      %get3A_504 = vector.shape_cast %get3A_503 : vector<1x16xf32> to vector<16xf32>
      %swap3A_505 = arith.index_cast %add3A_473 : i32 to index
      %swap3A_506 = arith.constant 48 : index
      %swap3A_507 = tpu.vector_load %arg7[%swap3A_505, %swap3A_506] {strides = array<i32>} : memref<512x64xf32, #tpu.memory_space<vmem>>, vector<1x16xf32>,
      %swap3A_508 = vector.shape_cast %swap3A_507 : vector<1x16xf32> to vector<16xf32>
      %swap3A_509 = vector.shape_cast %get3A_504 : vector<16xf32> to vector<1x16xf32>
      tpu.vector_store %arg7[%swap3A_505, %swap3A_506], %swap3A_509 {strides = array<i32>} : memref<512x64xf32, #tpu.memory_space<vmem>>, vector<1x16xf32>,
      %slice3A_510 = vector.extract_strided_slice %get3A_192 {offsets = [8], sizes = [1], strides = [1]} : vector<16xi32> to vector<1xi32>
      %squeeze3A_511 = vector.extract %slice3A_510[0] : i32 from vector<1xi32>
      %add3A_512 = arith.constant 8 : i32
      %add3A_513 = arith.addi %mul3A_190, %add3A_512 : i32
      %get3A_514 = arith.index_cast %squeeze3A_511 : i32 to index
      %get3A_515 = arith.constant 0 : index
      %get3A_516 = tpu.vector_load %arg6[%get3A_514, %get3A_515] {strides = array<i32>} : memref<20x64xf32, #tpu.memory_space<vmem>>, vector<1x16xf32>,
      %get3A_517 = vector.shape_cast %get3A_516 : vector<1x16xf32> to vector<16xf32>
      %swap3A_518 = arith.index_cast %add3A_513 : i32 to index
      %swap3A_519 = arith.constant 0 : index
      %swap3A_520 = tpu.vector_load %arg7[%swap3A_518, %swap3A_519] {strides = array<i32>} : memref<512x64xf32, #tpu.memory_space<vmem>>, vector<1x16xf32>,
      %swap3A_521 = vector.shape_cast %swap3A_520 : vector<1x16xf32> to vector<16xf32>
      %swap3A_522 = vector.shape_cast %get3A_517 : vector<16xf32> to vector<1x16xf32>
      tpu.vector_store %arg7[%swap3A_518, %swap3A_519], %swap3A_522 {strides = array<i32>} : memref<512x64xf32, #tpu.memory_space<vmem>>, vector<1x16xf32>,
      %get3A_523 = arith.index_cast %squeeze3A_511 : i32 to index
      %get3A_524 = arith.constant 16 : index
      %get3A_525 = tpu.vector_load %arg6[%get3A_523, %get3A_524] {strides = array<i32>} : memref<20x64xf32, #tpu.memory_space<vmem>>, vector<1x16xf32>,
      %get3A_526 = vector.shape_cast %get3A_525 : vector<1x16xf32> to vector<16xf32>
      %swap3A_527 = arith.index_cast %add3A_513 : i32 to index
      %swap3A_528 = arith.constant 16 : index
      %swap3A_529 = tpu.vector_load %arg7[%swap3A_527, %swap3A_528] {strides = array<i32>} : memref<512x64xf32, #tpu.memory_space<vmem>>, vector<1x16xf32>,
      %swap3A_530 = vector.shape_cast %swap3A_529 : vector<1x16xf32> to vector<16xf32>
      %swap3A_531 = vector.shape_cast %get3A_526 : vector<16xf32> to vector<1x16xf32>
      tpu.vector_store %arg7[%swap3A_527, %swap3A_528], %swap3A_531 {strides = array<i32>} : memref<512x64xf32, #tpu.memory_space<vmem>>, vector<1x16xf32>,
      %get3A_532 = arith.index_cast %squeeze3A_511 : i32 to index
      %get3A_533 = arith.constant 32 : index
      %get3A_534 = tpu.vector_load %arg6[%get3A_532, %get3A_533] {strides = array<i32>} : memref<20x64xf32, #tpu.memory_space<vmem>>, vector<1x16xf32>,
      %get3A_535 = vector.shape_cast %get3A_534 : vector<1x16xf32> to vector<16xf32>
      %swap3A_536 = arith.index_cast %add3A_513 : i32 to index
      %swap3A_537 = arith.constant 32 : index
      %swap3A_538 = tpu.vector_load %arg7[%swap3A_536, %swap3A_537] {strides = array<i32>} : memref<512x64xf32, #tpu.memory_space<vmem>>, vector<1x16xf32>,
      %swap3A_539 = vector.shape_cast %swap3A_538 : vector<1x16xf32> to vector<16xf32>
      %swap3A_540 = vector.shape_cast %get3A_535 : vector<16xf32> to vector<1x16xf32>
      tpu.vector_store %arg7[%swap3A_536, %swap3A_537], %swap3A_540 {strides = array<i32>} : memref<512x64xf32, #tpu.memory_space<vmem>>, vector<1x16xf32>,
      %get3A_541 = arith.index_cast %squeeze3A_511 : i32 to index
      %get3A_542 = arith.constant 48 : index
      %get3A_543 = tpu.vector_load %arg6[%get3A_541, %get3A_542] {strides = array<i32>} : memref<20x64xf32, #tpu.memory_space<vmem>>, vector<1x16xf32>,
      %get3A_544 = vector.shape_cast %get3A_543 : vector<1x16xf32> to vector<16xf32>
      %swap3A_545 = arith.index_cast %add3A_513 : i32 to index
      %swap3A_546 = arith.constant 48 : index
      %swap3A_547 = tpu.vector_load %arg7[%swap3A_545, %swap3A_546] {strides = array<i32>} : memref<512x64xf32, #tpu.memory_space<vmem>>, vector<1x16xf32>,
      %swap3A_548 = vector.shape_cast %swap3A_547 : vector<1x16xf32> to vector<16xf32>
      %swap3A_549 = vector.shape_cast %get3A_544 : vector<16xf32> to vector<1x16xf32>
      tpu.vector_store %arg7[%swap3A_545, %swap3A_546], %swap3A_549 {strides = array<i32>} : memref<512x64xf32, #tpu.memory_space<vmem>>, vector<1x16xf32>,
      %slice3A_550 = vector.extract_strided_slice %get3A_192 {offsets = [9], sizes = [1], strides = [1]} : vector<16xi32> to vector<1xi32>
      %squeeze3A_551 = vector.extract %slice3A_550[0] : i32 from vector<1xi32>
      %add3A_552 = arith.constant 9 : i32
      %add3A_553 = arith.addi %mul3A_190, %add3A_552 : i32
      %get3A_554 = arith.index_cast %squeeze3A_551 : i32 to index
      %get3A_555 = arith.constant 0 : index
      %get3A_556 = tpu.vector_load %arg6[%get3A_554, %get3A_555] {strides = array<i32>} : memref<20x64xf32, #tpu.memory_space<vmem>>, vector<1x16xf32>,
      %get3A_557 = vector.shape_cast %get3A_556 : vector<1x16xf32> to vector<16xf32>
      %swap3A_558 = arith.index_cast %add3A_553 : i32 to index
      %swap3A_559 = arith.constant 0 : index
      %swap3A_560 = tpu.vector_load %arg7[%swap3A_558, %swap3A_559] {strides = array<i32>} : memref<512x64xf32, #tpu.memory_space<vmem>>, vector<1x16xf32>,
      %swap3A_561 = vector.shape_cast %swap3A_560 : vector<1x16xf32> to vector<16xf32>
      %swap3A_562 = vector.shape_cast %get3A_557 : vector<16xf32> to vector<1x16xf32>
      tpu.vector_store %arg7[%swap3A_558, %swap3A_559], %swap3A_562 {strides = array<i32>} : memref<512x64xf32, #tpu.memory_space<vmem>>, vector<1x16xf32>,
      %get3A_563 = arith.index_cast %squeeze3A_551 : i32 to index
      %get3A_564 = arith.constant 16 : index
      %get3A_565 = tpu.vector_load %arg6[%get3A_563, %get3A_564] {strides = array<i32>} : memref<20x64xf32, #tpu.memory_space<vmem>>, vector<1x16xf32>,
      %get3A_566 = vector.shape_cast %get3A_565 : vector<1x16xf32> to vector<16xf32>
      %swap3A_567 = arith.index_cast %add3A_553 : i32 to index
      %swap3A_568 = arith.constant 16 : index
      %swap3A_569 = tpu.vector_load %arg7[%swap3A_567, %swap3A_568] {strides = array<i32>} : memref<512x64xf32, #tpu.memory_space<vmem>>, vector<1x16xf32>,
      %swap3A_570 = vector.shape_cast %swap3A_569 : vector<1x16xf32> to vector<16xf32>
      %swap3A_571 = vector.shape_cast %get3A_566 : vector<16xf32> to vector<1x16xf32>
      tpu.vector_store %arg7[%swap3A_567, %swap3A_568], %swap3A_571 {strides = array<i32>} : memref<512x64xf32, #tpu.memory_space<vmem>>, vector<1x16xf32>,
      %get3A_572 = arith.index_cast %squeeze3A_551 : i32 to index
      %get3A_573 = arith.constant 32 : index
      %get3A_574 = tpu.vector_load %arg6[%get3A_572, %get3A_573] {strides = array<i32>} : memref<20x64xf32, #tpu.memory_space<vmem>>, vector<1x16xf32>,
      %get3A_575 = vector.shape_cast %get3A_574 : vector<1x16xf32> to vector<16xf32>
      %swap3A_576 = arith.index_cast %add3A_553 : i32 to index
      %swap3A_577 = arith.constant 32 : index
      %swap3A_578 = tpu.vector_load %arg7[%swap3A_576, %swap3A_577] {strides = array<i32>} : memref<512x64xf32, #tpu.memory_space<vmem>>, vector<1x16xf32>,
      %swap3A_579 = vector.shape_cast %swap3A_578 : vector<1x16xf32> to vector<16xf32>
      %swap3A_580 = vector.shape_cast %get3A_575 : vector<16xf32> to vector<1x16xf32>
      tpu.vector_store %arg7[%swap3A_576, %swap3A_577], %swap3A_580 {strides = array<i32>} : memref<512x64xf32, #tpu.memory_space<vmem>>, vector<1x16xf32>,
      %get3A_581 = arith.index_cast %squeeze3A_551 : i32 to index
      %get3A_582 = arith.constant 48 : index
      %get3A_583 = tpu.vector_load %arg6[%get3A_581, %get3A_582] {strides = array<i32>} : memref<20x64xf32, #tpu.memory_space<vmem>>, vector<1x16xf32>,
      %get3A_584 = vector.shape_cast %get3A_583 : vector<1x16xf32> to vector<16xf32>
      %swap3A_585 = arith.index_cast %add3A_553 : i32 to index
      %swap3A_586 = arith.constant 48 : index
      %swap3A_587 = tpu.vector_load %arg7[%swap3A_585, %swap3A_586] {strides = array<i32>} : memref<512x64xf32, #tpu.memory_space<vmem>>, vector<1x16xf32>,
      %swap3A_588 = vector.shape_cast %swap3A_587 : vector<1x16xf32> to vector<16xf32>
      %swap3A_589 = vector.shape_cast %get3A_584 : vector<16xf32> to vector<1x16xf32>
      tpu.vector_store %arg7[%swap3A_585, %swap3A_586], %swap3A_589 {strides = array<i32>} : memref<512x64xf32, #tpu.memory_space<vmem>>, vector<1x16xf32>,
      %slice3A_590 = vector.extract_strided_slice %get3A_192 {offsets = [10], sizes = [1], strides = [1]} : vector<16xi32> to vector<1xi32>
      %squeeze3A_591 = vector.extract %slice3A_590[0] : i32 from vector<1xi32>
      %add3A_592 = arith.constant 10 : i32
      %add3A_593 = arith.addi %mul3A_190, %add3A_592 : i32
      %get3A_594 = arith.index_cast %squeeze3A_591 : i32 to index
      %get3A_595 = arith.constant 0 : index
      %get3A_596 = tpu.vector_load %arg6[%get3A_594, %get3A_595] {strides = array<i32>} : memref<20x64xf32, #tpu.memory_space<vmem>>, vector<1x16xf32>,
      %get3A_597 = vector.shape_cast %get3A_596 : vector<1x16xf32> to vector<16xf32>
      %swap3A_598 = arith.index_cast %add3A_593 : i32 to index
      %swap3A_599 = arith.constant 0 : index
      %swap3A_600 = tpu.vector_load %arg7[%swap3A_598, %swap3A_599] {strides = array<i32>} : memref<512x64xf32, #tpu.memory_space<vmem>>, vector<1x16xf32>,
      %swap3A_601 = vector.shape_cast %swap3A_600 : vector<1x16xf32> to vector<16xf32>
      %swap3A_602 = vector.shape_cast %get3A_597 : vector<16xf32> to vector<1x16xf32>
      tpu.vector_store %arg7[%swap3A_598, %swap3A_599], %swap3A_602 {strides = array<i32>} : memref<512x64xf32, #tpu.memory_space<vmem>>, vector<1x16xf32>,
      %get3A_603 = arith.index_cast %squeeze3A_591 : i32 to index
      %get3A_604 = arith.constant 16 : index
      %get3A_605 = tpu.vector_load %arg6[%get3A_603, %get3A_604] {strides = array<i32>} : memref<20x64xf32, #tpu.memory_space<vmem>>, vector<1x16xf32>,
      %get3A_606 = vector.shape_cast %get3A_605 : vector<1x16xf32> to vector<16xf32>
      %swap3A_607 = arith.index_cast %add3A_593 : i32 to index
      %swap3A_608 = arith.constant 16 : index
      %swap3A_609 = tpu.vector_load %arg7[%swap3A_607, %swap3A_608] {strides = array<i32>} : memref<512x64xf32, #tpu.memory_space<vmem>>, vector<1x16xf32>,
      %swap3A_610 = vector.shape_cast %swap3A_609 : vector<1x16xf32> to vector<16xf32>
      %swap3A_611 = vector.shape_cast %get3A_606 : vector<16xf32> to vector<1x16xf32>
      tpu.vector_store %arg7[%swap3A_607, %swap3A_608], %swap3A_611 {strides = array<i32>} : memref<512x64xf32, #tpu.memory_space<vmem>>, vector<1x16xf32>,
      %get3A_612 = arith.index_cast %squeeze3A_591 : i32 to index
      %get3A_613 = arith.constant 32 : index
      %get3A_614 = tpu.vector_load %arg6[%get3A_612, %get3A_613] {strides = array<i32>} : memref<20x64xf32, #tpu.memory_space<vmem>>, vector<1x16xf32>,
      %get3A_615 = vector.shape_cast %get3A_614 : vector<1x16xf32> to vector<16xf32>
      %swap3A_616 = arith.index_cast %add3A_593 : i32 to index
      %swap3A_617 = arith.constant 32 : index
      %swap3A_618 = tpu.vector_load %arg7[%swap3A_616, %swap3A_617] {strides = array<i32>} : memref<512x64xf32, #tpu.memory_space<vmem>>, vector<1x16xf32>,
      %swap3A_619 = vector.shape_cast %swap3A_618 : vector<1x16xf32> to vector<16xf32>
      %swap3A_620 = vector.shape_cast %get3A_615 : vector<16xf32> to vector<1x16xf32>
      tpu.vector_store %arg7[%swap3A_616, %swap3A_617], %swap3A_620 {strides = array<i32>} : memref<512x64xf32, #tpu.memory_space<vmem>>, vector<1x16xf32>,
      %get3A_621 = arith.index_cast %squeeze3A_591 : i32 to index
      %get3A_622 = arith.constant 48 : index
      %get3A_623 = tpu.vector_load %arg6[%get3A_621, %get3A_622] {strides = array<i32>} : memref<20x64xf32, #tpu.memory_space<vmem>>, vector<1x16xf32>,
      %get3A_624 = vector.shape_cast %get3A_623 : vector<1x16xf32> to vector<16xf32>
      %swap3A_625 = arith.index_cast %add3A_593 : i32 to index
      %swap3A_626 = arith.constant 48 : index
      %swap3A_627 = tpu.vector_load %arg7[%swap3A_625, %swap3A_626] {strides = array<i32>} : memref<512x64xf32, #tpu.memory_space<vmem>>, vector<1x16xf32>,
      %swap3A_628 = vector.shape_cast %swap3A_627 : vector<1x16xf32> to vector<16xf32>
      %swap3A_629 = vector.shape_cast %get3A_624 : vector<16xf32> to vector<1x16xf32>
      tpu.vector_store %arg7[%swap3A_625, %swap3A_626], %swap3A_629 {strides = array<i32>} : memref<512x64xf32, #tpu.memory_space<vmem>>, vector<1x16xf32>,
      %slice3A_630 = vector.extract_strided_slice %get3A_192 {offsets = [11], sizes = [1], strides = [1]} : vector<16xi32> to vector<1xi32>
      %squeeze3A_631 = vector.extract %slice3A_630[0] : i32 from vector<1xi32>
      %add3A_632 = arith.constant 11 : i32
      %add3A_633 = arith.addi %mul3A_190, %add3A_632 : i32
      %get3A_634 = arith.index_cast %squeeze3A_631 : i32 to index
      %get3A_635 = arith.constant 0 : index
      %get3A_636 = tpu.vector_load %arg6[%get3A_634, %get3A_635] {strides = array<i32>} : memref<20x64xf32, #tpu.memory_space<vmem>>, vector<1x16xf32>,
      %get3A_637 = vector.shape_cast %get3A_636 : vector<1x16xf32> to vector<16xf32>
      %swap3A_638 = arith.index_cast %add3A_633 : i32 to index
      %swap3A_639 = arith.constant 0 : index
      %swap3A_640 = tpu.vector_load %arg7[%swap3A_638, %swap3A_639] {strides = array<i32>} : memref<512x64xf32, #tpu.memory_space<vmem>>, vector<1x16xf32>,
      %swap3A_641 = vector.shape_cast %swap3A_640 : vector<1x16xf32> to vector<16xf32>
      %swap3A_642 = vector.shape_cast %get3A_637 : vector<16xf32> to vector<1x16xf32>
      tpu.vector_store %arg7[%swap3A_638, %swap3A_639], %swap3A_642 {strides = array<i32>} : memref<512x64xf32, #tpu.memory_space<vmem>>, vector<1x16xf32>,
      %get3A_643 = arith.index_cast %squeeze3A_631 : i32 to index
      %get3A_644 = arith.constant 16 : index
      %get3A_645 = tpu.vector_load %arg6[%get3A_643, %get3A_644] {strides = array<i32>} : memref<20x64xf32, #tpu.memory_space<vmem>>, vector<1x16xf32>,
      %get3A_646 = vector.shape_cast %get3A_645 : vector<1x16xf32> to vector<16xf32>
      %swap3A_647 = arith.index_cast %add3A_633 : i32 to index
      %swap3A_648 = arith.constant 16 : index
      %swap3A_649 = tpu.vector_load %arg7[%swap3A_647, %swap3A_648] {strides = array<i32>} : memref<512x64xf32, #tpu.memory_space<vmem>>, vector<1x16xf32>,
      %swap3A_650 = vector.shape_cast %swap3A_649 : vector<1x16xf32> to vector<16xf32>
      %swap3A_651 = vector.shape_cast %get3A_646 : vector<16xf32> to vector<1x16xf32>
      tpu.vector_store %arg7[%swap3A_647, %swap3A_648], %swap3A_651 {strides = array<i32>} : memref<512x64xf32, #tpu.memory_space<vmem>>, vector<1x16xf32>,
      %get3A_652 = arith.index_cast %squeeze3A_631 : i32 to index
      %get3A_653 = arith.constant 32 : index
      %get3A_654 = tpu.vector_load %arg6[%get3A_652, %get3A_653] {strides = array<i32>} : memref<20x64xf32, #tpu.memory_space<vmem>>, vector<1x16xf32>,
      %get3A_655 = vector.shape_cast %get3A_654 : vector<1x16xf32> to vector<16xf32>
      %swap3A_656 = arith.index_cast %add3A_633 : i32 to index
      %swap3A_657 = arith.constant 32 : index
      %swap3A_658 = tpu.vector_load %arg7[%swap3A_656, %swap3A_657] {strides = array<i32>} : memref<512x64xf32, #tpu.memory_space<vmem>>, vector<1x16xf32>,
      %swap3A_659 = vector.shape_cast %swap3A_658 : vector<1x16xf32> to vector<16xf32>
      %swap3A_660 = vector.shape_cast %get3A_655 : vector<16xf32> to vector<1x16xf32>
      tpu.vector_store %arg7[%swap3A_656, %swap3A_657], %swap3A_660 {strides = array<i32>} : memref<512x64xf32, #tpu.memory_space<vmem>>, vector<1x16xf32>,
      %get3A_661 = arith.index_cast %squeeze3A_631 : i32 to index
      %get3A_662 = arith.constant 48 : index
      %get3A_663 = tpu.vector_load %arg6[%get3A_661, %get3A_662] {strides = array<i32>} : memref<20x64xf32, #tpu.memory_space<vmem>>, vector<1x16xf32>,
      %get3A_664 = vector.shape_cast %get3A_663 : vector<1x16xf32> to vector<16xf32>
      %swap3A_665 = arith.index_cast %add3A_633 : i32 to index
      %swap3A_666 = arith.constant 48 : index
      %swap3A_667 = tpu.vector_load %arg7[%swap3A_665, %swap3A_666] {strides = array<i32>} : memref<512x64xf32, #tpu.memory_space<vmem>>, vector<1x16xf32>,
      %swap3A_668 = vector.shape_cast %swap3A_667 : vector<1x16xf32> to vector<16xf32>
      %swap3A_669 = vector.shape_cast %get3A_664 : vector<16xf32> to vector<1x16xf32>
      tpu.vector_store %arg7[%swap3A_665, %swap3A_666], %swap3A_669 {strides = array<i32>} : memref<512x64xf32, #tpu.memory_space<vmem>>, vector<1x16xf32>,
      %slice3A_670 = vector.extract_strided_slice %get3A_192 {offsets = [12], sizes = [1], strides = [1]} : vector<16xi32> to vector<1xi32>
      %squeeze3A_671 = vector.extract %slice3A_670[0] : i32 from vector<1xi32>
      %add3A_672 = arith.constant 12 : i32
      %add3A_673 = arith.addi %mul3A_190, %add3A_672 : i32
      %get3A_674 = arith.index_cast %squeeze3A_671 : i32 to index
      %get3A_675 = arith.constant 0 : index
      %get3A_676 = tpu.vector_load %arg6[%get3A_674, %get3A_675] {strides = array<i32>} : memref<20x64xf32, #tpu.memory_space<vmem>>, vector<1x16xf32>,
      %get3A_677 = vector.shape_cast %get3A_676 : vector<1x16xf32> to vector<16xf32>
      %swap3A_678 = arith.index_cast %add3A_673 : i32 to index
      %swap3A_679 = arith.constant 0 : index
      %swap3A_680 = tpu.vector_load %arg7[%swap3A_678, %swap3A_679] {strides = array<i32>} : memref<512x64xf32, #tpu.memory_space<vmem>>, vector<1x16xf32>,
      %swap3A_681 = vector.shape_cast %swap3A_680 : vector<1x16xf32> to vector<16xf32>
      %swap3A_682 = vector.shape_cast %get3A_677 : vector<16xf32> to vector<1x16xf32>
      tpu.vector_store %arg7[%swap3A_678, %swap3A_679], %swap3A_682 {strides = array<i32>} : memref<512x64xf32, #tpu.memory_space<vmem>>, vector<1x16xf32>,
      %get3A_683 = arith.index_cast %squeeze3A_671 : i32 to index
      %get3A_684 = arith.constant 16 : index
      %get3A_685 = tpu.vector_load %arg6[%get3A_683, %get3A_684] {strides = array<i32>} : memref<20x64xf32, #tpu.memory_space<vmem>>, vector<1x16xf32>,
      %get3A_686 = vector.shape_cast %get3A_685 : vector<1x16xf32> to vector<16xf32>
      %swap3A_687 = arith.index_cast %add3A_673 : i32 to index
      %swap3A_688 = arith.constant 16 : index
      %swap3A_689 = tpu.vector_load %arg7[%swap3A_687, %swap3A_688] {strides = array<i32>} : memref<512x64xf32, #tpu.memory_space<vmem>>, vector<1x16xf32>,
      %swap3A_690 = vector.shape_cast %swap3A_689 : vector<1x16xf32> to vector<16xf32>
      %swap3A_691 = vector.shape_cast %get3A_686 : vector<16xf32> to vector<1x16xf32>
      tpu.vector_store %arg7[%swap3A_687, %swap3A_688], %swap3A_691 {strides = array<i32>} : memref<512x64xf32, #tpu.memory_space<vmem>>, vector<1x16xf32>,
      %get3A_692 = arith.index_cast %squeeze3A_671 : i32 to index
      %get3A_693 = arith.constant 32 : index
      %get3A_694 = tpu.vector_load %arg6[%get3A_692, %get3A_693] {strides = array<i32>} : memref<20x64xf32, #tpu.memory_space<vmem>>, vector<1x16xf32>,
      %get3A_695 = vector.shape_cast %get3A_694 : vector<1x16xf32> to vector<16xf32>
      %swap3A_696 = arith.index_cast %add3A_673 : i32 to index
      %swap3A_697 = arith.constant 32 : index
      %swap3A_698 = tpu.vector_load %arg7[%swap3A_696, %swap3A_697] {strides = array<i32>} : memref<512x64xf32, #tpu.memory_space<vmem>>, vector<1x16xf32>,
      %swap3A_699 = vector.shape_cast %swap3A_698 : vector<1x16xf32> to vector<16xf32>
      %swap3A_700 = vector.shape_cast %get3A_695 : vector<16xf32> to vector<1x16xf32>
      tpu.vector_store %arg7[%swap3A_696, %swap3A_697], %swap3A_700 {strides = array<i32>} : memref<512x64xf32, #tpu.memory_space<vmem>>, vector<1x16xf32>,
      %get3A_701 = arith.index_cast %squeeze3A_671 : i32 to index
      %get3A_702 = arith.constant 48 : index
      %get3A_703 = tpu.vector_load %arg6[%get3A_701, %get3A_702] {strides = array<i32>} : memref<20x64xf32, #tpu.memory_space<vmem>>, vector<1x16xf32>,
      %get3A_704 = vector.shape_cast %get3A_703 : vector<1x16xf32> to vector<16xf32>
      %swap3A_705 = arith.index_cast %add3A_673 : i32 to index
      %swap3A_706 = arith.constant 48 : index
      %swap3A_707 = tpu.vector_load %arg7[%swap3A_705, %swap3A_706] {strides = array<i32>} : memref<512x64xf32, #tpu.memory_space<vmem>>, vector<1x16xf32>,
      %swap3A_708 = vector.shape_cast %swap3A_707 : vector<1x16xf32> to vector<16xf32>
      %swap3A_709 = vector.shape_cast %get3A_704 : vector<16xf32> to vector<1x16xf32>
      tpu.vector_store %arg7[%swap3A_705, %swap3A_706], %swap3A_709 {strides = array<i32>} : memref<512x64xf32, #tpu.memory_space<vmem>>, vector<1x16xf32>,
      %slice3A_710 = vector.extract_strided_slice %get3A_192 {offsets = [13], sizes = [1], strides = [1]} : vector<16xi32> to vector<1xi32>
      %squeeze3A_711 = vector.extract %slice3A_710[0] : i32 from vector<1xi32>
      %add3A_712 = arith.constant 13 : i32
      %add3A_713 = arith.addi %mul3A_190, %add3A_712 : i32
      %get3A_714 = arith.index_cast %squeeze3A_711 : i32 to index
      %get3A_715 = arith.constant 0 : index
      %get3A_716 = tpu.vector_load %arg6[%get3A_714, %get3A_715] {strides = array<i32>} : memref<20x64xf32, #tpu.memory_space<vmem>>, vector<1x16xf32>,
      %get3A_717 = vector.shape_cast %get3A_716 : vector<1x16xf32> to vector<16xf32>
      %swap3A_718 = arith.index_cast %add3A_713 : i32 to index
      %swap3A_719 = arith.constant 0 : index
      %swap3A_720 = tpu.vector_load %arg7[%swap3A_718, %swap3A_719] {strides = array<i32>} : memref<512x64xf32, #tpu.memory_space<vmem>>, vector<1x16xf32>,
      %swap3A_721 = vector.shape_cast %swap3A_720 : vector<1x16xf32> to vector<16xf32>
      %swap3A_722 = vector.shape_cast %get3A_717 : vector<16xf32> to vector<1x16xf32>
      tpu.vector_store %arg7[%swap3A_718, %swap3A_719], %swap3A_722 {strides = array<i32>} : memref<512x64xf32, #tpu.memory_space<vmem>>, vector<1x16xf32>,
      %get3A_723 = arith.index_cast %squeeze3A_711 : i32 to index
      %get3A_724 = arith.constant 16 : index
      %get3A_725 = tpu.vector_load %arg6[%get3A_723, %get3A_724] {strides = array<i32>} : memref<20x64xf32, #tpu.memory_space<vmem>>, vector<1x16xf32>,
      %get3A_726 = vector.shape_cast %get3A_725 : vector<1x16xf32> to vector<16xf32>
      %swap3A_727 = arith.index_cast %add3A_713 : i32 to index
      %swap3A_728 = arith.constant 16 : index
      %swap3A_729 = tpu.vector_load %arg7[%swap3A_727, %swap3A_728] {strides = array<i32>} : memref<512x64xf32, #tpu.memory_space<vmem>>, vector<1x16xf32>,
      %swap3A_730 = vector.shape_cast %swap3A_729 : vector<1x16xf32> to vector<16xf32>
      %swap3A_731 = vector.shape_cast %get3A_726 : vector<16xf32> to vector<1x16xf32>
      tpu.vector_store %arg7[%swap3A_727, %swap3A_728], %swap3A_731 {strides = array<i32>} : memref<512x64xf32, #tpu.memory_space<vmem>>, vector<1x16xf32>,
      %get3A_732 = arith.index_cast %squeeze3A_711 : i32 to index
      %get3A_733 = arith.constant 32 : index
      %get3A_734 = tpu.vector_load %arg6[%get3A_732, %get3A_733] {strides = array<i32>} : memref<20x64xf32, #tpu.memory_space<vmem>>, vector<1x16xf32>,
      %get3A_735 = vector.shape_cast %get3A_734 : vector<1x16xf32> to vector<16xf32>
      %swap3A_736 = arith.index_cast %add3A_713 : i32 to index
      %swap3A_737 = arith.constant 32 : index
      %swap3A_738 = tpu.vector_load %arg7[%swap3A_736, %swap3A_737] {strides = array<i32>} : memref<512x64xf32, #tpu.memory_space<vmem>>, vector<1x16xf32>,
      %swap3A_739 = vector.shape_cast %swap3A_738 : vector<1x16xf32> to vector<16xf32>
      %swap3A_740 = vector.shape_cast %get3A_735 : vector<16xf32> to vector<1x16xf32>
      tpu.vector_store %arg7[%swap3A_736, %swap3A_737], %swap3A_740 {strides = array<i32>} : memref<512x64xf32, #tpu.memory_space<vmem>>, vector<1x16xf32>,
      %get3A_741 = arith.index_cast %squeeze3A_711 : i32 to index
      %get3A_742 = arith.constant 48 : index
      %get3A_743 = tpu.vector_load %arg6[%get3A_741, %get3A_742] {strides = array<i32>} : memref<20x64xf32, #tpu.memory_space<vmem>>, vector<1x16xf32>,
      %get3A_744 = vector.shape_cast %get3A_743 : vector<1x16xf32> to vector<16xf32>
      %swap3A_745 = arith.index_cast %add3A_713 : i32 to index
      %swap3A_746 = arith.constant 48 : index
      %swap3A_747 = tpu.vector_load %arg7[%swap3A_745, %swap3A_746] {strides = array<i32>} : memref<512x64xf32, #tpu.memory_space<vmem>>, vector<1x16xf32>,
      %swap3A_748 = vector.shape_cast %swap3A_747 : vector<1x16xf32> to vector<16xf32>
      %swap3A_749 = vector.shape_cast %get3A_744 : vector<16xf32> to vector<1x16xf32>
      tpu.vector_store %arg7[%swap3A_745, %swap3A_746], %swap3A_749 {strides = array<i32>} : memref<512x64xf32, #tpu.memory_space<vmem>>, vector<1x16xf32>,
      %slice3A_750 = vector.extract_strided_slice %get3A_192 {offsets = [14], sizes = [1], strides = [1]} : vector<16xi32> to vector<1xi32>
      %squeeze3A_751 = vector.extract %slice3A_750[0] : i32 from vector<1xi32>
      %add3A_752 = arith.constant 14 : i32
      %add3A_753 = arith.addi %mul3A_190, %add3A_752 : i32
      %get3A_754 = arith.index_cast %squeeze3A_751 : i32 to index
      %get3A_755 = arith.constant 0 : index
      %get3A_756 = tpu.vector_load %arg6[%get3A_754, %get3A_755] {strides = array<i32>} : memref<20x64xf32, #tpu.memory_space<vmem>>, vector<1x16xf32>,
      %get3A_757 = vector.shape_cast %get3A_756 : vector<1x16xf32> to vector<16xf32>
      %swap3A_758 = arith.index_cast %add3A_753 : i32 to index
      %swap3A_759 = arith.constant 0 : index
      %swap3A_760 = tpu.vector_load %arg7[%swap3A_758, %swap3A_759] {strides = array<i32>} : memref<512x64xf32, #tpu.memory_space<vmem>>, vector<1x16xf32>,
      %swap3A_761 = vector.shape_cast %swap3A_760 : vector<1x16xf32> to vector<16xf32>
      %swap3A_762 = vector.shape_cast %get3A_757 : vector<16xf32> to vector<1x16xf32>
      tpu.vector_store %arg7[%swap3A_758, %swap3A_759], %swap3A_762 {strides = array<i32>} : memref<512x64xf32, #tpu.memory_space<vmem>>, vector<1x16xf32>,
      %get3A_763 = arith.index_cast %squeeze3A_751 : i32 to index
      %get3A_764 = arith.constant 16 : index
      %get3A_765 = tpu.vector_load %arg6[%get3A_763, %get3A_764] {strides = array<i32>} : memref<20x64xf32, #tpu.memory_space<vmem>>, vector<1x16xf32>,
      %get3A_766 = vector.shape_cast %get3A_765 : vector<1x16xf32> to vector<16xf32>
      %swap3A_767 = arith.index_cast %add3A_753 : i32 to index
      %swap3A_768 = arith.constant 16 : index
      %swap3A_769 = tpu.vector_load %arg7[%swap3A_767, %swap3A_768] {strides = array<i32>} : memref<512x64xf32, #tpu.memory_space<vmem>>, vector<1x16xf32>,
      %swap3A_770 = vector.shape_cast %swap3A_769 : vector<1x16xf32> to vector<16xf32>
      %swap3A_771 = vector.shape_cast %get3A_766 : vector<16xf32> to vector<1x16xf32>
      tpu.vector_store %arg7[%swap3A_767, %swap3A_768], %swap3A_771 {strides = array<i32>} : memref<512x64xf32, #tpu.memory_space<vmem>>, vector<1x16xf32>,
      %get3A_772 = arith.index_cast %squeeze3A_751 : i32 to index
      %get3A_773 = arith.constant 32 : index
      %get3A_774 = tpu.vector_load %arg6[%get3A_772, %get3A_773] {strides = array<i32>} : memref<20x64xf32, #tpu.memory_space<vmem>>, vector<1x16xf32>,
      %get3A_775 = vector.shape_cast %get3A_774 : vector<1x16xf32> to vector<16xf32>
      %swap3A_776 = arith.index_cast %add3A_753 : i32 to index
      %swap3A_777 = arith.constant 32 : index
      %swap3A_778 = tpu.vector_load %arg7[%swap3A_776, %swap3A_777] {strides = array<i32>} : memref<512x64xf32, #tpu.memory_space<vmem>>, vector<1x16xf32>,
      %swap3A_779 = vector.shape_cast %swap3A_778 : vector<1x16xf32> to vector<16xf32>
      %swap3A_780 = vector.shape_cast %get3A_775 : vector<16xf32> to vector<1x16xf32>
      tpu.vector_store %arg7[%swap3A_776, %swap3A_777], %swap3A_780 {strides = array<i32>} : memref<512x64xf32, #tpu.memory_space<vmem>>, vector<1x16xf32>,
      %get3A_781 = arith.index_cast %squeeze3A_751 : i32 to index
      %get3A_782 = arith.constant 48 : index
      %get3A_783 = tpu.vector_load %arg6[%get3A_781, %get3A_782] {strides = array<i32>} : memref<20x64xf32, #tpu.memory_space<vmem>>, vector<1x16xf32>,
      %get3A_784 = vector.shape_cast %get3A_783 : vector<1x16xf32> to vector<16xf32>
      %swap3A_785 = arith.index_cast %add3A_753 : i32 to index
      %swap3A_786 = arith.constant 48 : index
      %swap3A_787 = tpu.vector_load %arg7[%swap3A_785, %swap3A_786] {strides = array<i32>} : memref<512x64xf32, #tpu.memory_space<vmem>>, vector<1x16xf32>,
      %swap3A_788 = vector.shape_cast %swap3A_787 : vector<1x16xf32> to vector<16xf32>
      %swap3A_789 = vector.shape_cast %get3A_784 : vector<16xf32> to vector<1x16xf32>
      tpu.vector_store %arg7[%swap3A_785, %swap3A_786], %swap3A_789 {strides = array<i32>} : memref<512x64xf32, #tpu.memory_space<vmem>>, vector<1x16xf32>,
      %slice3A_790 = vector.extract_strided_slice %get3A_192 {offsets = [15], sizes = [1], strides = [1]} : vector<16xi32> to vector<1xi32>
      %squeeze3A_791 = vector.extract %slice3A_790[0] : i32 from vector<1xi32>
      %add3A_792 = arith.constant 15 : i32
      %add3A_793 = arith.addi %mul3A_190, %add3A_792 : i32
      %get3A_794 = arith.index_cast %squeeze3A_791 : i32 to index
      %get3A_795 = arith.constant 0 : index
      %get3A_796 = tpu.vector_load %arg6[%get3A_794, %get3A_795] {strides = array<i32>} : memref<20x64xf32, #tpu.memory_space<vmem>>, vector<1x16xf32>,
      %get3A_797 = vector.shape_cast %get3A_796 : vector<1x16xf32> to vector<16xf32>
      %swap3A_798 = arith.index_cast %add3A_793 : i32 to index
      %swap3A_799 = arith.constant 0 : index
      %swap3A_800 = tpu.vector_load %arg7[%swap3A_798, %swap3A_799] {strides = array<i32>} : memref<512x64xf32, #tpu.memory_space<vmem>>, vector<1x16xf32>,
      %swap3A_801 = vector.shape_cast %swap3A_800 : vector<1x16xf32> to vector<16xf32>
      %swap3A_802 = vector.shape_cast %get3A_797 : vector<16xf32> to vector<1x16xf32>
      tpu.vector_store %arg7[%swap3A_798, %swap3A_799], %swap3A_802 {strides = array<i32>} : memref<512x64xf32, #tpu.memory_space<vmem>>, vector<1x16xf32>,
      %get3A_803 = arith.index_cast %squeeze3A_791 : i32 to index
      %get3A_804 = arith.constant 16 : index
      %get3A_805 = tpu.vector_load %arg6[%get3A_803, %get3A_804] {strides = array<i32>} : memref<20x64xf32, #tpu.memory_space<vmem>>, vector<1x16xf32>,
      %get3A_806 = vector.shape_cast %get3A_805 : vector<1x16xf32> to vector<16xf32>
      %swap3A_807 = arith.index_cast %add3A_793 : i32 to index
      %swap3A_808 = arith.constant 16 : index
      %swap3A_809 = tpu.vector_load %arg7[%swap3A_807, %swap3A_808] {strides = array<i32>} : memref<512x64xf32, #tpu.memory_space<vmem>>, vector<1x16xf32>,
      %swap3A_810 = vector.shape_cast %swap3A_809 : vector<1x16xf32> to vector<16xf32>
      %swap3A_811 = vector.shape_cast %get3A_806 : vector<16xf32> to vector<1x16xf32>
      tpu.vector_store %arg7[%swap3A_807, %swap3A_808], %swap3A_811 {strides = array<i32>} : memref<512x64xf32, #tpu.memory_space<vmem>>, vector<1x16xf32>,
      %get3A_812 = arith.index_cast %squeeze3A_791 : i32 to index
      %get3A_813 = arith.constant 32 : index
      %get3A_814 = tpu.vector_load %arg6[%get3A_812, %get3A_813] {strides = array<i32>} : memref<20x64xf32, #tpu.memory_space<vmem>>, vector<1x16xf32>,
      %get3A_815 = vector.shape_cast %get3A_814 : vector<1x16xf32> to vector<16xf32>
      %swap3A_816 = arith.index_cast %add3A_793 : i32 to index
      %swap3A_817 = arith.constant 32 : index
      %swap3A_818 = tpu.vector_load %arg7[%swap3A_816, %swap3A_817] {strides = array<i32>} : memref<512x64xf32, #tpu.memory_space<vmem>>, vector<1x16xf32>,
      %swap3A_819 = vector.shape_cast %swap3A_818 : vector<1x16xf32> to vector<16xf32>
      %swap3A_820 = vector.shape_cast %get3A_815 : vector<16xf32> to vector<1x16xf32>
      tpu.vector_store %arg7[%swap3A_816, %swap3A_817], %swap3A_820 {strides = array<i32>} : memref<512x64xf32, #tpu.memory_space<vmem>>, vector<1x16xf32>,
      %get3A_821 = arith.index_cast %squeeze3A_791 : i32 to index
      %get3A_822 = arith.constant 48 : index
      %get3A_823 = tpu.vector_load %arg6[%get3A_821, %get3A_822] {strides = array<i32>} : memref<20x64xf32, #tpu.memory_space<vmem>>, vector<1x16xf32>,
      %get3A_824 = vector.shape_cast %get3A_823 : vector<1x16xf32> to vector<16xf32>
      %swap3A_825 = arith.index_cast %add3A_793 : i32 to index
      %swap3A_826 = arith.constant 48 : index
      %swap3A_827 = tpu.vector_load %arg7[%swap3A_825, %swap3A_826] {strides = array<i32>} : memref<512x64xf32, #tpu.memory_space<vmem>>, vector<1x16xf32>,
      %swap3A_828 = vector.shape_cast %swap3A_827 : vector<1x16xf32> to vector<16xf32>
      %swap3A_829 = vector.shape_cast %get3A_824 : vector<16xf32> to vector<1x16xf32>
      tpu.vector_store %arg7[%swap3A_825, %swap3A_826], %swap3A_829 {strides = array<i32>} : memref<512x64xf32, #tpu.memory_space<vmem>>, vector<1x16xf32>,
    }
    %scan3A_87 = arith.constant 8 : i32
    %dma_start3A_88 = arith.constant 384 : i32
    %dma_start3A_89 = arith.constant 0 : i32
    %dma_start3A_90 = tpu.memref_slice %arg7[%dma_start3A_88, %dma_start3A_89] : memref<512x64xf32, #tpu.memory_space<vmem>> -> memref<128x64xf32, #tpu.memory_space<vmem>>
    %dma_start3A_91 = arith.constant 0 : i32
    %dma_start3A_92 = arith.constant 0 : i32
    %dma_start3A_93 = tpu.memref_slice %arg4[%add3A, %dma_start3A_91, %dma_start3A_92] : memref<32x512x64xf32, #tpu.memory_space<hbm>> -> memref<1x512x64xf32, #tpu.memory_space<hbm>>
    %dma_start3A_94 = tpu.memref_squeeze %dma_start3A_93 : memref<1x512x64xf32, #tpu.memory_space<hbm>> -> memref<512x64xf32, #tpu.memory_space<hbm>>
    %dma_start3A_95 = arith.constant 384 : i32
    %dma_start3A_96 = arith.constant 0 : i32
    %dma_start3A_97 = tpu.memref_slice %dma_start3A_94[%dma_start3A_95, %dma_start3A_96] : memref<512x64xf32, #tpu.memory_space<hbm>> -> memref<128x64xf32, #tpu.memory_space<hbm>>
    %dma_start3A_98 = arith.constant 0 : i32
    %dma_start3A_99 = arith.constant 0 : i32
    %dma_start3A_100 = tpu.memref_slice %arg4[%add3A, %dma_start3A_98, %dma_start3A_99] : memref<32x512x64xf32, #tpu.memory_space<hbm>> -> memref<1x512x64xf32, #tpu.memory_space<hbm>>
    %dma_start3A_101 = tpu.memref_squeeze %dma_start3A_100 : memref<1x512x64xf32, #tpu.memory_space<hbm>> -> memref<512x64xf32, #tpu.memory_space<hbm>>
    %dma_start3A_102 = arith.constant 384 : i32
    %dma_start3A_103 = arith.constant 0 : i32
    %dma_start3A_104 = tpu.memref_slice %dma_start3A_101[%dma_start3A_102, %dma_start3A_103] : memref<512x64xf32, #tpu.memory_space<hbm>> -> memref<128x64xf32, #tpu.memory_space<hbm>>
    %dma_start3A_105 = arith.constant 384 : i32
    %dma_start3A_106 = arith.constant 0 : i32
    %dma_start3A_107 = tpu.memref_slice %arg7[%dma_start3A_105, %dma_start3A_106] : memref<512x64xf32, #tpu.memory_space<vmem>> -> memref<128x64xf32, #tpu.memory_space<vmem>>
    tpu.enqueue_dma source(%dma_start3A_107 : memref<128x64xf32, #tpu.memory_space<vmem>>) target(%dma_start3A_104 : memref<128x64xf32, #tpu.memory_space<hbm>>) target_semaphore(%arg9 : memref<!tpu.dma_semaphore, #tpu.memory_space<semaphore_mem>>)
    %dma_wait3A_108 = arith.constant 0 : i32
    %dma_wait3A_109 = arith.constant 0 : i32
    %dma_wait3A_110 = tpu.memref_slice %arg7[%dma_wait3A_108, %dma_wait3A_109] : memref<512x64xf32, #tpu.memory_space<vmem>> -> memref<128x64xf32, #tpu.memory_space<vmem>>
    %dma_wait3A_111 = arith.constant 0 : i32
    %dma_wait3A_112 = arith.constant 0 : i32
    %dma_wait3A_113 = tpu.memref_slice %arg4[%add3A, %dma_wait3A_111, %dma_wait3A_112] : memref<32x512x64xf32, #tpu.memory_space<hbm>> -> memref<1x512x64xf32, #tpu.memory_space<hbm>>
    %dma_wait3A_114 = tpu.memref_squeeze %dma_wait3A_113 : memref<1x512x64xf32, #tpu.memory_space<hbm>> -> memref<512x64xf32, #tpu.memory_space<hbm>>
    %dma_wait3A_115 = arith.constant 0 : i32
    %dma_wait3A_116 = arith.constant 0 : i32
    %dma_wait3A_117 = tpu.memref_slice %dma_wait3A_114[%dma_wait3A_115, %dma_wait3A_116] : memref<512x64xf32, #tpu.memory_space<hbm>> -> memref<128x64xf32, #tpu.memory_space<hbm>>
    %dma_wait3A_118 = arith.constant 0 : i32
    %dma_wait3A_119 = arith.constant 0 : i32
    %dma_wait3A_120 = tpu.memref_slice %arg4[%add3A, %dma_wait3A_118, %dma_wait3A_119] : memref<32x512x64xf32, #tpu.memory_space<hbm>> -> memref<1x512x64xf32, #tpu.memory_space<hbm>>
    %dma_wait3A_121 = tpu.memref_squeeze %dma_wait3A_120 : memref<1x512x64xf32, #tpu.memory_space<hbm>> -> memref<512x64xf32, #tpu.memory_space<hbm>>
    %dma_wait3A_122 = arith.constant 0 : i32
    %dma_wait3A_123 = arith.constant 0 : i32
    %dma_wait3A_124 = tpu.memref_slice %dma_wait3A_121[%dma_wait3A_122, %dma_wait3A_123] : memref<512x64xf32, #tpu.memory_space<hbm>> -> memref<128x64xf32, #tpu.memory_space<hbm>>
    %dma_wait3A_125 = arith.constant 0 : i32
    %dma_wait3A_126 = arith.constant 0 : i32
    %dma_wait3A_127 = tpu.memref_slice %arg7[%dma_wait3A_125, %dma_wait3A_126] : memref<512x64xf32, #tpu.memory_space<vmem>> -> memref<128x64xf32, #tpu.memory_space<vmem>>
    tpu.wait_dma2 semaphore(%arg9 : memref<!tpu.dma_semaphore, #tpu.memory_space<semaphore_mem>>) src(%dma_wait3A_127 : memref<128x64xf32, #tpu.memory_space<vmem>>) dst(%dma_wait3A_124 : memref<128x64xf32, #tpu.memory_space<hbm>>)
    %dma_wait3A_128 = arith.constant 128 : i32
    %dma_wait3A_129 = arith.constant 0 : i32
    %dma_wait3A_130 = tpu.memref_slice %arg7[%dma_wait3A_128, %dma_wait3A_129] : memref<512x64xf32, #tpu.memory_space<vmem>> -> memref<128x64xf32, #tpu.memory_space<vmem>>
    %dma_wait3A_131 = arith.constant 0 : i32
    %dma_wait3A_132 = arith.constant 0 : i32
    %dma_wait3A_133 = tpu.memref_slice %arg4[%add3A, %dma_wait3A_131, %dma_wait3A_132] : memref<32x512x64xf32, #tpu.memory_space<hbm>> -> memref<1x512x64xf32, #tpu.memory_space<hbm>>
    %dma_wait3A_134 = tpu.memref_squeeze %dma_wait3A_133 : memref<1x512x64xf32, #tpu.memory_space<hbm>> -> memref<512x64xf32, #tpu.memory_space<hbm>>
    %dma_wait3A_135 = arith.constant 128 : i32
    %dma_wait3A_136 = arith.constant 0 : i32
    %dma_wait3A_137 = tpu.memref_slice %dma_wait3A_134[%dma_wait3A_135, %dma_wait3A_136] : memref<512x64xf32, #tpu.memory_space<hbm>> -> memref<128x64xf32, #tpu.memory_space<hbm>>
    %dma_wait3A_138 = arith.constant 0 : i32
    %dma_wait3A_139 = arith.constant 0 : i32
    %dma_wait3A_140 = tpu.memref_slice %arg4[%add3A, %dma_wait3A_138, %dma_wait3A_139] : memref<32x512x64xf32, #tpu.memory_space<hbm>> -> memref<1x512x64xf32, #tpu.memory_space<hbm>>
    %dma_wait3A_141 = tpu.memref_squeeze %dma_wait3A_140 : memref<1x512x64xf32, #tpu.memory_space<hbm>> -> memref<512x64xf32, #tpu.memory_space<hbm>>
    %dma_wait3A_142 = arith.constant 128 : i32
    %dma_wait3A_143 = arith.constant 0 : i32
    %dma_wait3A_144 = tpu.memref_slice %dma_wait3A_141[%dma_wait3A_142, %dma_wait3A_143] : memref<512x64xf32, #tpu.memory_space<hbm>> -> memref<128x64xf32, #tpu.memory_space<hbm>>
    %dma_wait3A_145 = arith.constant 128 : i32
    %dma_wait3A_146 = arith.constant 0 : i32
    %dma_wait3A_147 = tpu.memref_slice %arg7[%dma_wait3A_145, %dma_wait3A_146] : memref<512x64xf32, #tpu.memory_space<vmem>> -> memref<128x64xf32, #tpu.memory_space<vmem>>
    tpu.wait_dma2 semaphore(%arg9 : memref<!tpu.dma_semaphore, #tpu.memory_space<semaphore_mem>>) src(%dma_wait3A_147 : memref<128x64xf32, #tpu.memory_space<vmem>>) dst(%dma_wait3A_144 : memref<128x64xf32, #tpu.memory_space<hbm>>)
    %dma_wait3A_148 = arith.constant 256 : i32
    %dma_wait3A_149 = arith.constant 0 : i32
    %dma_wait3A_150 = tpu.memref_slice %arg7[%dma_wait3A_148, %dma_wait3A_149] : memref<512x64xf32, #tpu.memory_space<vmem>> -> memref<128x64xf32, #tpu.memory_space<vmem>>
    %dma_wait3A_151 = arith.constant 0 : i32
    %dma_wait3A_152 = arith.constant 0 : i32
    %dma_wait3A_153 = tpu.memref_slice %arg4[%add3A, %dma_wait3A_151, %dma_wait3A_152] : memref<32x512x64xf32, #tpu.memory_space<hbm>> -> memref<1x512x64xf32, #tpu.memory_space<hbm>>
    %dma_wait3A_154 = tpu.memref_squeeze %dma_wait3A_153 : memref<1x512x64xf32, #tpu.memory_space<hbm>> -> memref<512x64xf32, #tpu.memory_space<hbm>>
    %dma_wait3A_155 = arith.constant 256 : i32
    %dma_wait3A_156 = arith.constant 0 : i32
    %dma_wait3A_157 = tpu.memref_slice %dma_wait3A_154[%dma_wait3A_155, %dma_wait3A_156] : memref<512x64xf32, #tpu.memory_space<hbm>> -> memref<128x64xf32, #tpu.memory_space<hbm>>
    %dma_wait3A_158 = arith.constant 0 : i32
    %dma_wait3A_159 = arith.constant 0 : i32
    %dma_wait3A_160 = tpu.memref_slice %arg4[%add3A, %dma_wait3A_158, %dma_wait3A_159] : memref<32x512x64xf32, #tpu.memory_space<hbm>> -> memref<1x512x64xf32, #tpu.memory_space<hbm>>
    %dma_wait3A_161 = tpu.memref_squeeze %dma_wait3A_160 : memref<1x512x64xf32, #tpu.memory_space<hbm>> -> memref<512x64xf32, #tpu.memory_space<hbm>>
    %dma_wait3A_162 = arith.constant 256 : i32
    %dma_wait3A_163 = arith.constant 0 : i32
    %dma_wait3A_164 = tpu.memref_slice %dma_wait3A_161[%dma_wait3A_162, %dma_wait3A_163] : memref<512x64xf32, #tpu.memory_space<hbm>> -> memref<128x64xf32, #tpu.memory_space<hbm>>
    %dma_wait3A_165 = arith.constant 256 : i32
    %dma_wait3A_166 = arith.constant 0 : i32
    %dma_wait3A_167 = tpu.memref_slice %arg7[%dma_wait3A_165, %dma_wait3A_166] : memref<512x64xf32, #tpu.memory_space<vmem>> -> memref<128x64xf32, #tpu.memory_space<vmem>>
    tpu.wait_dma2 semaphore(%arg9 : memref<!tpu.dma_semaphore, #tpu.memory_space<semaphore_mem>>) src(%dma_wait3A_167 : memref<128x64xf32, #tpu.memory_space<vmem>>) dst(%dma_wait3A_164 : memref<128x64xf32, #tpu.memory_space<hbm>>)
    %dma_wait3A_168 = arith.constant 384 : i32
    %dma_wait3A_169 = arith.constant 0 : i32
    %dma_wait3A_170 = tpu.memref_slice %arg7[%dma_wait3A_168, %dma_wait3A_169] : memref<512x64xf32, #tpu.memory_space<vmem>> -> memref<128x64xf32, #tpu.memory_space<vmem>>
    %dma_wait3A_171 = arith.constant 0 : i32
    %dma_wait3A_172 = arith.constant 0 : i32
    %dma_wait3A_173 = tpu.memref_slice %arg4[%add3A, %dma_wait3A_171, %dma_wait3A_172] : memref<32x512x64xf32, #tpu.memory_space<hbm>> -> memref<1x512x64xf32, #tpu.memory_space<hbm>>
    %dma_wait3A_174 = tpu.memref_squeeze %dma_wait3A_173 : memref<1x512x64xf32, #tpu.memory_space<hbm>> -> memref<512x64xf32, #tpu.memory_space<hbm>>
    %dma_wait3A_175 = arith.constant 384 : i32
    %dma_wait3A_176 = arith.constant 0 : i32
    %dma_wait3A_177 = tpu.memref_slice %dma_wait3A_174[%dma_wait3A_175, %dma_wait3A_176] : memref<512x64xf32, #tpu.memory_space<hbm>> -> memref<128x64xf32, #tpu.memory_space<hbm>>
    %dma_wait3A_178 = arith.constant 0 : i32
    %dma_wait3A_179 = arith.constant 0 : i32
    %dma_wait3A_180 = tpu.memref_slice %arg4[%add3A, %dma_wait3A_178, %dma_wait3A_179] : memref<32x512x64xf32, #tpu.memory_space<hbm>> -> memref<1x512x64xf32, #tpu.memory_space<hbm>>
    %dma_wait3A_181 = tpu.memref_squeeze %dma_wait3A_180 : memref<1x512x64xf32, #tpu.memory_space<hbm>> -> memref<512x64xf32, #tpu.memory_space<hbm>>
    %dma_wait3A_182 = arith.constant 384 : i32
    %dma_wait3A_183 = arith.constant 0 : i32
    %dma_wait3A_184 = tpu.memref_slice %dma_wait3A_181[%dma_wait3A_182, %dma_wait3A_183] : memref<512x64xf32, #tpu.memory_space<hbm>> -> memref<128x64xf32, #tpu.memory_space<hbm>>
    %dma_wait3A_185 = arith.constant 384 : i32
    %dma_wait3A_186 = arith.constant 0 : i32
    %dma_wait3A_187 = tpu.memref_slice %arg7[%dma_wait3A_185, %dma_wait3A_186] : memref<512x64xf32, #tpu.memory_space<vmem>> -> memref<128x64xf32, #tpu.memory_space<vmem>>
    tpu.wait_dma2 semaphore(%arg9 : memref<!tpu.dma_semaphore, #tpu.memory_space<semaphore_mem>>) src(%dma_wait3A_187 : memref<128x64xf32, #tpu.memory_space<vmem>>) dst(%dma_wait3A_184 : memref<128x64xf32, #tpu.memory_space<hbm>>)
    return
  }
}

</mosaic_0001>

<sc_bundles>
// kernel: kernel.4.cloned.1.call-start
scs
__scs_entry_jumppad:
0x0: {  	(pc) =	sbr.rel $0x88, $3  }
0x1: {  	(tag) =	ssettag $0x0;
	lr =	simm.s32 $0x1  }
0x2: {  	[smem:$0x3F9D] =	sst lr;
	_ =	strace $0xD0000000  }
0x3: {  	_ = 	snop  }
0x4: {  	_ = 	snop  }
0x5: {  	_ = 	snop  }
0x6: {  	_ = 	snop  }
0x7: {  	_ = 	snop  }
__scs_overlays_trampoline_lowered:
0x8: {  	[smem:$0x3FAC] =	sst s0  }
0x9: {  	[smem:$0x3FAD] =	sst s1  }
0xa: {  	[smem:$0x3FAE] =	sst s2  }
0xb: {  	[smem:$0x3FAF] =	sst s3  }
0xc: {  	[smem:$0x3FB0] =	sst s4  }
0xd: {  	[smem:$0x3FB1] =	sst s5  }
0xe: {  	[smem:$0x3FB2] =	sst s6  }
0xf: {  	[smem:$0x3FB3] =	sst s7  }
0x10: {  	[smem:$0x3FB4] =	sst s8  }
0x11: {  	[smem:$0x3FB5] =	sst s9;
	s0 =	simm.s32 @!p0 $0x0  }
0x12: {  	s1 =	sld [smem:$0x3F9B];
	s0 =	simm.s32 @p0 $0x1  }
0x13: {  	[smem:$0x3FB6] =	sst s0;
	s0 =	simm.s32 @!p1 $0x0  }
0x14: {  	s2 =	sld [smem:$0x3F9A];
	s0 =	simm.s32 @p1 $0x1  }
0x15: {  	[smem:$0x3FB7] =	sst s0;
	s0 =	simm.s32 @!p2 $0x0  }
0x16: {  	s3 =	sld [smem:$0x3FDB];
	s0 =	simm.s32 @p2 $0x1  }
0x17: {  	s4 =	simm.s32 $0x1BF5;
	[smem:$0x3FB9] =	sst s0  }
0x18: {  	s0 =	sld [smem:$0x3F9C];
	_ =	swait.ge [sflag:s4], $0x0  }
0x19: {  	s7 =	sld [smem:$0x3F9D]  }
0x1a: {  	s8 =	sadd.s32 $0xFFFFE003, lr  }
0x1b: {  	s9 =	sadd.s32 $0xFFFFFEF7, lr;
	s5 =	simm.s32 $0xFFFFFFFF;
	p2 =	slt.u32 s8, $0xFFFFF086  }
0x1c: {  	p1 =	slt.u32 s9, $0xF7A;
	s5 =	simm.s32 @!p2 $0x0  }
0x1d: {  	s5 =	simm.s32 @p1 $0x1;
	p0 =	seq.s32 s7, s2  }
0x1e: {  	s7 =	smul.u32 @!p0 $0xF7A, s2;
	p2 =	seq.s32 @!p0 s5, $0x0  }
0x1f: {  	s9 =	smul.u32 $0xF7A, s1;
	s8 =	simm.s32 @!p0 $0x1BF5;
	p2 =	por !p2, p0  }
0x20: {  	[sflag:s8] =	ssyncset.s32 @!p0 $0xFFFFF086;
	s6 =	sadd.s32 @!p0 s3, s7;
	s7 =	simm.s32 @!p0 $0x108  }
0x21: {  	s3 =	sadd.s32 s3, s9;
	s6 =	sadd.s32 @!p0 $0x88, s6;
	s7 =	simm.s32 @p2 $0x1082  }
0x22: {  	[simem:s7], [sflag:s8] =	dma.local @!p0 [hbm:s6], $0xF7A  }
0x23: {  	s9 =	sor.u32 $0xD0000000, s2;
	s6 =	simm.s32 $0x108;
	_ =	swait.ge @!p0 [sflag:s8], $0x0  }
0x24: {  	s3 =	sadd.s32 $0x88, s3;
	s6 =	simm.s32 @!p1 $0x1082;
	[sflag:s4] =	ssyncset.s32 $0xFFFFF086  }
0x25: {  	[simem:s6], [sflag:s4] =	dma.local [hbm:s3], $0xF7A  }
0x26: {  	[smem:$0x3F9D] =	sst s1;
	(tag) =	ssettag s2;
	_ =	strace s9  }
0x27: {  	s1 =	sld [smem:$0x3FAD]  }
0x28: {  	s2 =	sld [smem:$0x3FAE]  }
0x29: {  	s4 =	sld [smem:$0x3FB0]  }
0x2a: {  	p0 =	seq.s32 s5, $0x0;
	s5 =	sld [smem:$0x3FB1]  }
0x2b: {  	s6 =	sld [smem:$0x3FB2]  }
0x2c: {  	s7 =	sld [smem:$0x3FB3]  }
0x2d: {  	s3 =	simm.s32 $0x108;
	s8 =	sld [smem:$0x3FB4]  }
0x2e: {  	s3 =	simm.s32 @!p0 $0x1082;
	s9 =	sld [smem:$0x3FB5]  }
0x2f: {  	lr =	sadd.s32 s0, s3;
	s0 =	sld [smem:$0x3FAC]  }
0x30: {  	s3 =	sld [smem:$0x3FAF]  }
0x31: {  	[smem:$0x3FB8] =	sst s10  }
0x32: {  	s10 =	sld [smem:$0x3FB6];
	_ =	sdelay $0x3  }
0x33: {  	p0 =	seq.s32 s10, $0x1;
	s10 =	sld [smem:$0x3FB8];
	_ =	sdelay $0x3  }
0x34: {  	[smem:$0x3FB8] =	sst s10  }
0x35: {  	s10 =	sld [smem:$0x3FB7];
	_ =	sdelay $0x3  }
0x36: {  	p1 =	seq.s32 s10, $0x1;
	s10 =	sld [smem:$0x3FB8];
	_ =	sdelay $0x3  }
0x37: {  	[smem:$0x3FB8] =	sst s10  }
0x38: {  	s10 =	sld [smem:$0x3FB9]  }
0x39: {  	_ = 	snop;
	(pc) =	sbr.ind lr, $3  }
0x3a: {  	_ = 	snop  }
0x3b: {  	_ = 	snop  }
0x3c: {  	p2 =	seq.s32 s10, $0x1;
	s10 =	sld [smem:$0x3FB8]  }
0x3d: {  	_ =	shalt  }
0x3e: {  	_ =	shalt  }
0x3f: {  	_ =	shalt  }
0x40: {  	_ =	shalt  }
0x41: {  	_ =	shalt  }
0x42: {  	_ =	shalt  }
0x43: {  	_ =	shalt  }
0x44: {  	_ =	shalt  }
0x45: {  	_ =	shalt  }
0x46: {  	_ =	shalt  }
0x47: {  	_ =	shalt  }
0x48: {  	_ =	shalt  }
0x49: {  	_ =	shalt  }
0x4a: {  	_ =	shalt  }
0x4b: {  	_ =	shalt  }
0x4c: {  	_ =	shalt  }
0x4d: {  	_ =	shalt  }
0x4e: {  	_ =	shalt  }
0x4f: {  	_ =	shalt  }
0x50: {  	_ =	shalt  }
0x51: {  	_ =	shalt  }
0x52: {  	_ =	shalt  }
0x53: {  	_ =	shalt  }
0x54: {  	_ =	shalt  }
0x55: {  	_ =	shalt  }
0x56: {  	_ =	shalt  }
0x57: {  	_ =	shalt  }
0x58: {  	_ =	shalt  }
0x59: {  	_ =	shalt  }
0x5a: {  	_ =	shalt  }
0x5b: {  	_ =	shalt  }
0x5c: {  	_ =	shalt  }
0x5d: {  	_ =	shalt  }
0x5e: {  	_ =	shalt  }
0x5f: {  	_ =	shalt  }
0x60: {  	_ =	shalt  }
0x61: {  	_ =	shalt  }
0x62: {  	_ =	shalt  }
0x63: {  	_ =	shalt  }
0x64: {  	_ =	shalt  }
0x65: {  	_ =	shalt  }
0x66: {  	_ =	shalt  }
0x67: {  	_ =	shalt  }
0x68: {  	_ =	shalt  }
0x69: {  	_ =	shalt  }
0x6a: {  	_ =	shalt  }
0x6b: {  	_ =	shalt  }
0x6c: {  	_ =	shalt  }
0x6d: {  	_ =	shalt  }
0x6e: {  	_ =	shalt  }
0x6f: {  	_ =	shalt  }
0x70: {  	_ =	shalt  }
0x71: {  	_ =	shalt  }
0x72: {  	_ =	shalt  }
0x73: {  	_ =	shalt  }
0x74: {  	_ =	shalt  }
0x75: {  	_ =	shalt  }
0x76: {  	_ =	shalt  }
0x77: {  	_ =	shalt  }
0x78: {  	_ =	shalt  }
0x79: {  	_ =	shalt  }
0x7a: {  	_ =	shalt  }
0x7b: {  	_ =	shalt  }
0x7c: {  	_ =	shalt  }
0x7d: {  	_ =	shalt  }
0x7e: {  	_ =	shalt  }
0x7f: {  	_ =	shalt  }
0x80: {  	_ =	shalt  }
0x81: {  	_ =	shalt  }
0x82: {  	_ =	shalt  }
0x83: {  	_ =	shalt  }
0x84: {  	_ =	shalt  }
0x85: {  	_ =	shalt  }
0x86: {  	_ =	shalt  }
0x87: {  	_ =	shalt  }
.Lfunc_end0:
.L_simem_size_0:
called_computation_lowered:
.L_overlay_start_0:
0x88: {  	s2 =	sld [smem:$0x3FD9]  }
0x89: {  	s3 =	sld [smem:$0x3FFE];
	_ =	sdelay $0x1  }
0x8a: {  	s1 =	srdreg.scid  }
0x8b: {  	s0 =	sand.u32 $0x1, s1  }
0x8c: {  	s17 =	sshll.u32 s0, $0xA;
	s2 =	sadd.s32 s3, s2  }
0x8d: {  	s2 =	sadd.s32 s2, s17  }
0x8e: {  	[smem:$0x3FC4] =	sst s2  }
0x8f: {  	_ = 	snop  }
0x90: {  	s2 =	sld [smem:$0x3FC8]  }
0x91: {  	s18 =	sld [smem:$0x3FD0];
	(tm) =	ssettm $0x1  }
0x92: {  	s4 =	sld [smem:$0x3FFB];
	_ =	sdelay $0x3  }
0x93: {  	_ =	strace s4  }
0x94: {  	s4 =	sld [smem:$0x3FFC];
	_ =	sdelay $0x3  }
0x95: {  	_ =	strace s4  }
0x96: {  	s4 =	sld [smem:$0x3FFD];
	_ =	sdelay $0x3  }
0x97: {  	_ =	strace s4  }
0x98: {  	_ =	strace $0x8FFFFFFF  }
0x99: {  	s19 =	sld [smem:$0x3FDB];
	_ =	sdelay $0x1  }
0x9a: {  	s5 =	simm.s32 $_scs_section_size  }
0x9b: {  	s6 =	simm.s32 $_size__tile_overlayer_lowered;
	s7 =	simm.s32 $_tile_overlayer_lowered  }
0x9c: {  	s22 =	simm.s32 $0x1BFF;
	s21 =	sshll.u32 s7, $0x1;
	s4 =	sadd.s32 s5, s19  }
0x9d: {  	s8 =	simm.s32 $0x0;
	s20 =	sshll.u32 s6, $0x1;
	s6 =	sadd.s32 s21, s4  }
0x9e: {  	[timem:s8], [sflag:s22] =	dma.local [hbm:s6], s20  }
0x9f: {  	_ =	swait.ge [sflag:s22], s20  }
0xa0: {  	s5 =	ssub.s32 $0x0, s20;
	[sflag:s22] =	ssyncset.done $0x0  }
0xa1: {  	[sflag:s22] =	ssyncadd.s32 s5;
	_ =	sdelay $0x1  }
0xa2: {  	s23 =	simm.s32 $0x1B8B  }
0xa3: {  	_ =	swait.ge [sflag:s23], $0x1  }
0xa4: {  	[sflag:s23] =	ssyncset.done $0x0  }
0xa5: {  	s25 =	simm.s32 $0x1B8E;
	s24 =	sld [smem:$0x3FFE];
	[sflag:s23] =	ssyncadd.s32 $0xFFFFFFFF  }
0xa6: {  	s26 =	simm.s32 $execute0_lowered;
	[smem:$0x3FD2] =	sst s25  }
0xa7: {  	s6 =	sshll.u32 s26, $0x1;
	_ =	strace $0x80000046;
	[dreg:$0x1] =	wrdreg $0xFFFFFFFF  }
0xa8: {  	s28 =	simm.s32 $_size_execute0_lowered;
	s4 =	sadd.s32 s4, s6;
	[dreg:$0x0] =	wrdreg $0x0  }
0xa9: {  	s6 =	sshll.u32 s28, $0x1;
	[dreg:$0x2] =	wrdreg s4  }
0xaa: {  	[dreg:$0x3] =	wrdreg s6  }
0xab: {  	[dreg:$0x4] =	wrdreg $0xC0  }
0xac: {  	_ =	task [dreg:s8], $0x5FFFF  }
0xad: {  	[dreg:$0x1] =	wrdreg $0xFFFFFFFF  }
0xae: {  	[dreg:$0x0] =	wrdreg $0x60  }
0xaf: {  	[dreg:$0x2] =	wrdreg s2  }
0xb0: {  	[dreg:$0x3] =	wrdreg s18  }
0xb1: {  	[dreg:$0x4] =	wrdreg s24  }
0xb2: {  	[dreg:$0x5] =	wrdreg $0x9  }
0xb3: {  	_ =	task.clear_ibuf [dreg:s8], $0x6FFFF;
	_ =	strace $0x90000046  }
0xb4: {  	s29 =	simm.s32 $0x9;
	_ =	strace $0x80000048  }
0xb5: {  	_ =	swait.ge [sflag:s29], $0x1  }
0xb6: {  	[sflag:s29] =	ssyncadd.s32 $0xFFFFFFFF  }
0xb7: {  	_ =	strace $0x90000048  }
0xb8: {  	_ =	sfence  }
0xb9: {  	s30 =	sld [smem:$0x0];
	_ =	sdelay $0x2  }
0xba: {  	s31 =	sshll.u32 s1, $0xD;
	s1 =	sshrl.u32 s1, $0x2  }
0xbb: {  	s3 =	sand.u32 $0x4000, s31;
	s1 =	sadd.s32 s1, s30  }
0xbc: {  	s0 =	sor.u32 s3, s0;
	s1 =	sshll.u32 s1, $0x11  }
0xbd: {  	s0 =	sor.u32 s1, s0  }
0xbe: {  	s0 =	sadd.s32 $0x8F2B, s0  }
0xbf: {  	[sflag:s0] =	ssyncadd.remote.s32 $0x1  }
0xc0: {  	_ =	sfence.sel $0xFFFF  }
0xc1: {  	[dreg:$0x0] =	wrdreg $0xFFFFFFFF;
	(pc) =	sbr.abs _section_cstart, $3  }
0xc2: {  	[dreg:$0x1] =	wrdreg $0xFFFFFFFF  }
0xc3: {  	_ =	task.clear_ibuf [dreg:s8], $0x2FFFF;
	_ =	strace $0x9FFFFFFF  }
0xc4: {  	(tm) =	ssettm $0x7FFFFFFF  }
0xc5: {  	_ =	shalt  }
tec
execute0_lowered:
.L_overlay_start_1:
0x0: {  	(tag) =	ssettag $0x1  }
0x1: {  	s4 =	rddreg [dreg:$0x0]  }
0x2: {  	s2 =	rddreg [dreg:$0x1]  }
0x3: {  	s5 =	rddreg [dreg:$0x2]  }
0x4: {  	s0 =	rddreg [dreg:$0x3];
	s6 =	srdreg.scid  }
0x5: {  	s1 =	stileid.u32;
	s3 =	simm.s32 $0x0;
	s9 =	simm.s32 $0x700  }
0x6: {  	s10 =	simm.s32 $0x2700;
	s11 =	simm.s32 $0x4700;
	s12 =	simm.s32 $0x6700  }
0x7: {  	s13 =	simm.s32 $0x2;
	s6 =	sand.u32 $0x1, s6;
	s7 =	sshll.u32 s1, $0x1  }
0x8: {  	s14 =	simm.s32 $0x0;
	[smem:$0x7FF] =	sst s3;
	s7 =	sor.u32 s6, s7  }
0x9: {  	_ =	strace $0x80000047;
	s6 =	ssub.s32 $0x2, s6;
	s8 =	sshll.u32 s7, $0xC  }
0xa: {  	s31 =	sshrl.u32 s6, $0x1;
	s7 =	sshll.u32 s7, $0x6;
	s5 =	sadd.s32 s8, s5  }
0xb: {  	s6 =	ssub.s32 s6, s31;
	s4 =	sadd.s32 s4, s7;
	s7 =	simm.s32 $0x200  }
0xc: {  	s8 =	simm.s32 $0x1;
	s5 =	sadd.s32 $0x800, s5;
	s6 =	smax.u32 s6, $0x1  }
.LBB2_1:
0xd: {  	[tilespmem:s3], [sflag:$0x1] =	stream.linear.gather [hbm4b:s4+s3], $0x200, $0x38;
	[tilespmem:$0x8700] =	vst v63  }
0xe: {  	_ = 	snop  }
0xf: {  	[tilespmem:s7], [sflag:$0x1] =	stream.linear.gather [hbm4b:s2+s3], $0x500, $0x38;
	[tilespmem:$0x8700] =	vst v63  }
0x10: {  	_ =	swait.ge [sflag:s8], $0x200  }
0x11: {  	[sflag:s8] =	ssyncset.done $0x0  }
0x12: {  	[sflag:s8] =	ssyncadd.s32 $0xFFFFFE00  }
0x13: {  	_ =	swait.ge [sflag:s8], $0x500  }
0x14: {  	[sflag:s8] =	ssyncset.done $0x0  }
0x15: {  	s15 =	simm.s32 $0x900;
	s16 =	simm.s32 $0x0;
	[sflag:s8] =	ssyncadd.s32 $0xFFFFFB00  }
.LBB2_2:
0x16: {  	s17 =	sshra.s32 s16, $0x2  }
0x17: {  	v0 =	vld [tilespmem:s17+$0x0];
	_ =	sdelay $0x4  }
0x18: {  	v0 =	vshll.u32 v0, $0x8  }
0x19: {  	v0 =	vshra.s32 v0, $0x2  }
0x1a: {  	(v2sf) =	vpush v0, $0x0;
	_ =	sdelay $0xe  }
0x1b: {  	s29 =	spop (v2sf)  }
0x1c: {  	v1 =	vld [tilespmem:s29+$0x200];
	_ =	sdelay $0x4  }
0x1d: {  	[tilespmem:s15+$0xFFFFFE00] =	vst v1  }
0x1e: {  	v1 =	vld [tilespmem:s29+$0x210];
	_ =	sdelay $0x1  }
0x1f: {  	(v2sf) =	vpush v0, $0x1;
	_ =	sdelay $0x2  }
0x20: {  	[tilespmem:s15+$0xFFFFFE10] =	vst v1  }
0x21: {  	v1 =	vld [tilespmem:s29+$0x220];
	_ =	sdelay $0x4  }
0x22: {  	[tilespmem:s15+$0xFFFFFE20] =	vst v1  }
0x23: {  	v1 =	vld [tilespmem:s29+$0x230];
	_ =	sdelay $0x4  }
0x24: {  	s30 =	spop (v2sf);
	[tilespmem:s15+$0xFFFFFE30] =	vst v1  }
0x25: {  	v1 =	vld [tilespmem:s30+$0x200];
	_ =	sdelay $0x4  }
0x26: {  	[tilespmem:s15+$0xFFFFFE40] =	vst v1  }
0x27: {  	v1 =	vld [tilespmem:s30+$0x210];
	_ =	sdelay $0x1  }
0x28: {  	(v2sf) =	vpush v0, $0x2;
	_ =	sdelay $0x2  }
0x29: {  	[tilespmem:s15+$0xFFFFFE50] =	vst v1  }
0x2a: {  	v1 =	vld [tilespmem:s30+$0x220];
	_ =	sdelay $0x4  }
0x2b: {  	[tilespmem:s15+$0xFFFFFE60] =	vst v1  }
0x2c: {  	v1 =	vld [tilespmem:s30+$0x230];
	_ =	sdelay $0x4  }
0x2d: {  	s31 =	spop (v2sf);
	[tilespmem:s15+$0xFFFFFE70] =	vst v1  }
0x2e: {  	v1 =	vld [tilespmem:s31+$0x200];
	_ =	sdelay $0x4  }
0x2f: {  	[tilespmem:s15+$0xFFFFFE80] =	vst v1  }
0x30: {  	v1 =	vld [tilespmem:s31+$0x210];
	_ =	sdelay $0x1  }
0x31: {  	(v2sf) =	vpush v0, $0x3;
	_ =	sdelay $0x2  }
0x32: {  	[tilespmem:s15+$0xFFFFFE90] =	vst v1  }
0x33: {  	v1 =	vld [tilespmem:s31+$0x220];
	_ =	sdelay $0x4  }
0x34: {  	[tilespmem:s15+$0xFFFFFEA0] =	vst v1  }
0x35: {  	v1 =	vld [tilespmem:s31+$0x230];
	_ =	sdelay $0x4  }
0x36: {  	s18 =	spop (v2sf);
	[tilespmem:s15+$0xFFFFFEB0] =	vst v1  }
0x37: {  	v1 =	vld [tilespmem:s18+$0x200];
	_ =	sdelay $0x4  }
0x38: {  	[tilespmem:s15+$0xFFFFFEC0] =	vst v1  }
0x39: {  	v1 =	vld [tilespmem:s18+$0x210];
	_ =	sdelay $0x1  }
0x3a: {  	(v2sf) =	vpush v0, $0x4;
	_ =	sdelay $0x2  }
0x3b: {  	[tilespmem:s15+$0xFFFFFED0] =	vst v1  }
0x3c: {  	v1 =	vld [tilespmem:s18+$0x220];
	_ =	sdelay $0x4  }
0x3d: {  	[tilespmem:s15+$0xFFFFFEE0] =	vst v1  }
0x3e: {  	v1 =	vld [tilespmem:s18+$0x230];
	_ =	sdelay $0x4  }
0x3f: {  	s19 =	spop (v2sf);
	[tilespmem:s15+$0xFFFFFEF0] =	vst v1  }
0x40: {  	v1 =	vld [tilespmem:s19+$0x200];
	_ =	sdelay $0x4  }
0x41: {  	[tilespmem:s15+$0xFFFFFF00] =	vst v1  }
0x42: {  	v1 =	vld [tilespmem:s19+$0x210];
	_ =	sdelay $0x1  }
0x43: {  	(v2sf) =	vpush v0, $0x5;
	_ =	sdelay $0x2  }
0x44: {  	[tilespmem:s15+$0xFFFFFF10] =	vst v1  }
0x45: {  	v1 =	vld [tilespmem:s19+$0x220];
	_ =	sdelay $0x4  }
0x46: {  	[tilespmem:s15+$0xFFFFFF20] =	vst v1  }
0x47: {  	v1 =	vld [tilespmem:s19+$0x230];
	_ =	sdelay $0x4  }
0x48: {  	s20 =	spop (v2sf);
	[tilespmem:s15+$0xFFFFFF30] =	vst v1  }
0x49: {  	v1 =	vld [tilespmem:s20+$0x200];
	_ =	sdelay $0x4  }
0x4a: {  	[tilespmem:s15+$0xFFFFFF40] =	vst v1  }
0x4b: {  	v1 =	vld [tilespmem:s20+$0x210];
	_ =	sdelay $0x1  }
0x4c: {  	(v2sf) =	vpush v0, $0x6;
	_ =	sdelay $0x2  }
0x4d: {  	[tilespmem:s15+$0xFFFFFF50] =	vst v1  }
0x4e: {  	v1 =	vld [tilespmem:s20+$0x220];
	_ =	sdelay $0x4  }
0x4f: {  	[tilespmem:s15+$0xFFFFFF60] =	vst v1  }
0x50: {  	v1 =	vld [tilespmem:s20+$0x230];
	_ =	sdelay $0x4  }
0x51: {  	s21 =	spop (v2sf);
	[tilespmem:s15+$0xFFFFFF70] =	vst v1  }
0x52: {  	v1 =	vld [tilespmem:s21+$0x200];
	_ =	sdelay $0x4  }
0x53: {  	[tilespmem:s15+$0xFFFFFF80] =	vst v1  }
0x54: {  	v1 =	vld [tilespmem:s21+$0x210];
	_ =	sdelay $0x1  }
0x55: {  	(v2sf) =	vpush v0, $0x7;
	_ =	sdelay $0x2  }
0x56: {  	[tilespmem:s15+$0xFFFFFF90] =	vst v1  }
0x57: {  	v1 =	vld [tilespmem:s21+$0x220];
	_ =	sdelay $0x4  }
0x58: {  	[tilespmem:s15+$0xFFFFFFA0] =	vst v1  }
0x59: {  	v1 =	vld [tilespmem:s21+$0x230];
	_ =	sdelay $0x4  }
0x5a: {  	s22 =	spop (v2sf);
	[tilespmem:s15+$0xFFFFFFB0] =	vst v1  }
0x5b: {  	v1 =	vld [tilespmem:s22+$0x200];
	_ =	sdelay $0x4  }
0x5c: {  	[tilespmem:s15+$0xFFFFFFC0] =	vst v1  }
0x5d: {  	v1 =	vld [tilespmem:s22+$0x210];
	_ =	sdelay $0x1  }
0x5e: {  	(v2sf) =	vpush v0, $0x8;
	_ =	sdelay $0x2  }
0x5f: {  	[tilespmem:s15+$0xFFFFFFD0] =	vst v1  }
0x60: {  	v1 =	vld [tilespmem:s22+$0x220];
	_ =	sdelay $0x4  }
0x61: {  	[tilespmem:s15+$0xFFFFFFE0] =	vst v1  }
0x62: {  	v1 =	vld [tilespmem:s22+$0x230];
	_ =	sdelay $0x4  }
0x63: {  	s23 =	spop (v2sf);
	[tilespmem:s15+$0xFFFFFFF0] =	vst v1  }
0x64: {  	v1 =	vld [tilespmem:s23+$0x200];
	_ =	sdelay $0x4  }
0x65: {  	[tilespmem:s15+$0x0] =	vst v1  }
0x66: {  	v1 =	vld [tilespmem:s23+$0x210];
	_ =	sdelay $0x1  }
0x67: {  	(v2sf) =	vpush v0, $0x9;
	_ =	sdelay $0x2  }
0x68: {  	[tilespmem:s15+$0x10] =	vst v1  }
0x69: {  	v1 =	vld [tilespmem:s23+$0x220];
	_ =	sdelay $0x4  }
0x6a: {  	[tilespmem:s15+$0x20] =	vst v1  }
0x6b: {  	v1 =	vld [tilespmem:s23+$0x230];
	_ =	sdelay $0x4  }
0x6c: {  	s24 =	spop (v2sf);
	[tilespmem:s15+$0x30] =	vst v1  }
0x6d: {  	v1 =	vld [tilespmem:s24+$0x200];
	_ =	sdelay $0x4  }
0x6e: {  	[tilespmem:s15+$0x40] =	vst v1  }
0x6f: {  	v1 =	vld [tilespmem:s24+$0x210];
	_ =	sdelay $0x1  }
0x70: {  	(v2sf) =	vpush v0, $0xA;
	_ =	sdelay $0x2  }
0x71: {  	[tilespmem:s15+$0x50] =	vst v1  }
0x72: {  	v1 =	vld [tilespmem:s24+$0x220];
	_ =	sdelay $0x4  }
0x73: {  	[tilespmem:s15+$0x60] =	vst v1  }
0x74: {  	v1 =	vld [tilespmem:s24+$0x230];
	_ =	sdelay $0x4  }
0x75: {  	s25 =	spop (v2sf);
	[tilespmem:s15+$0x70] =	vst v1  }
0x76: {  	v1 =	vld [tilespmem:s25+$0x200];
	_ =	sdelay $0x4  }
0x77: {  	[tilespmem:s15+$0x80] =	vst v1  }
0x78: {  	v1 =	vld [tilespmem:s25+$0x210];
	_ =	sdelay $0x1  }
0x79: {  	(v2sf) =	vpush v0, $0xB;
	_ =	sdelay $0x2  }
0x7a: {  	[tilespmem:s15+$0x90] =	vst v1  }
0x7b: {  	v1 =	vld [tilespmem:s25+$0x220];
	_ =	sdelay $0x4  }
0x7c: {  	[tilespmem:s15+$0xA0] =	vst v1  }
0x7d: {  	v1 =	vld [tilespmem:s25+$0x230];
	_ =	sdelay $0x4  }
0x7e: {  	s26 =	spop (v2sf);
	[tilespmem:s15+$0xB0] =	vst v1  }
0x7f: {  	v1 =	vld [tilespmem:s26+$0x200];
	_ =	sdelay $0x4  }
0x80: {  	[tilespmem:s15+$0xC0] =	vst v1  }
0x81: {  	v1 =	vld [tilespmem:s26+$0x210];
	_ =	sdelay $0x1  }
0x82: {  	(v2sf) =	vpush v0, $0xC;
	_ =	sdelay $0x2  }
0x83: {  	[tilespmem:s15+$0xD0] =	vst v1  }
0x84: {  	v1 =	vld [tilespmem:s26+$0x220];
	_ =	sdelay $0x4  }
0x85: {  	[tilespmem:s15+$0xE0] =	vst v1  }
0x86: {  	v1 =	vld [tilespmem:s26+$0x230];
	_ =	sdelay $0x4  }
0x87: {  	s28 =	spop (v2sf);
	[tilespmem:s15+$0xF0] =	vst v1  }
0x88: {  	v1 =	vld [tilespmem:s28+$0x200];
	_ =	sdelay $0x4  }
0x89: {  	[tilespmem:s15+$0x100] =	vst v1  }
0x8a: {  	v1 =	vld [tilespmem:s28+$0x210];
	_ =	sdelay $0x1  }
0x8b: {  	(v2sf) =	vpush v0, $0xD;
	_ =	sdelay $0x2  }
0x8c: {  	[tilespmem:s15+$0x110] =	vst v1  }
0x8d: {  	v1 =	vld [tilespmem:s28+$0x220];
	_ =	sdelay $0x4  }
0x8e: {  	[tilespmem:s15+$0x120] =	vst v1  }
0x8f: {  	v1 =	vld [tilespmem:s28+$0x230];
	_ =	sdelay $0x4  }
0x90: {  	s29 =	spop (v2sf);
	[tilespmem:s15+$0x130] =	vst v1  }
0x91: {  	v1 =	vld [tilespmem:s29+$0x200];
	_ =	sdelay $0x4  }
0x92: {  	[tilespmem:s15+$0x140] =	vst v1  }
0x93: {  	v1 =	vld [tilespmem:s29+$0x210];
	_ =	sdelay $0x1  }
0x94: {  	(v2sf) =	vpush v0, $0xE;
	_ =	sdelay $0x2  }
0x95: {  	[tilespmem:s15+$0x150] =	vst v1  }
0x96: {  	v1 =	vld [tilespmem:s29+$0x220];
	_ =	sdelay $0x4  }
0x97: {  	[tilespmem:s15+$0x160] =	vst v1  }
0x98: {  	v1 =	vld [tilespmem:s29+$0x230];
	_ =	sdelay $0x4  }
0x99: {  	s30 =	spop (v2sf);
	[tilespmem:s15+$0x170] =	vst v1  }
0x9a: {  	v1 =	vld [tilespmem:s30+$0x200];
	_ =	sdelay $0x4  }
0x9b: {  	[tilespmem:s15+$0x180] =	vst v1  }
0x9c: {  	v1 =	vld [tilespmem:s30+$0x210];
	_ =	sdelay $0x1  }
0x9d: {  	(v2sf) =	vpush v0, $0xF;
	_ =	sdelay $0x2  }
0x9e: {  	[tilespmem:s15+$0x190] =	vst v1  }
0x9f: {  	v63 =	vld [tilespmem:s30+$0x220];
	_ =	sdelay $0x4  }
0xa0: {  	[tilespmem:s15+$0x1A0] =	vst v63  }
0xa1: {  	v0 =	vld [tilespmem:s30+$0x230];
	_ =	sdelay $0x4  }
0xa2: {  	s31 =	spop (v2sf);
	[tilespmem:s15+$0x1B0] =	vst v0  }
0xa3: {  	v0 =	vld [tilespmem:s31+$0x200];
	_ =	sdelay $0x4  }
0xa4: {  	[tilespmem:s15+$0x1C0] =	vst v0  }
0xa5: {  	v0 =	vld [tilespmem:s31+$0x210];
	_ =	sdelay $0x4  }
0xa6: {  	[tilespmem:s15+$0x1D0] =	vst v0  }
0xa7: {  	v0 =	vld [tilespmem:s31+$0x220];
	_ =	sdelay $0x4  }
0xa8: {  	[tilespmem:s15+$0x1E0] =	vst v0  }
0xa9: {  	p0 =	sne.s32 s16, $0x1C0;
	v0 =	vld [tilespmem:s31+$0x230]  }
.Ltmp0:
0xaa: {  	_ = 	snop;
	(pc) =	sbr.rel @p0 .LBB2_2-.Ltmp0, $2  }
0xab: {  	_ =	sdelay $0x2  }
0xac: {  	s16 =	sadd.s32 $0x40, s16;
	[tilespmem:s15+$0x1F0] =	vst v0;
	s15 =	sadd.s32 $0x400, s15  }
0xad: {  	s15 =	simm.s32 $0x0;
	s16 =	simm.s32 $0x2AF0  }
0xae: {  	[hbm4b:s5+s15] =	stream.linear.scatter [tilespmem:s9], [sflag:$0x2], $0x2000, $0x38;
	[tilespmem:$0x8700] =	vst v63  }
.LBB2_4:
0xaf: {  	s17 =	sshra.s32 s15, $0x2  }
0xb0: {  	v0 =	vld [tilespmem:s17+$0x80];
	_ =	sdelay $0x4  }
0xb1: {  	v0 =	vshll.u32 v0, $0x8  }
0xb2: {  	v0 =	vshra.s32 v0, $0x2  }
0xb3: {  	(v2sf) =	vpush v0, $0x0;
	_ =	sdelay $0xe  }
0xb4: {  	s29 =	spop (v2sf)  }
0xb5: {  	v1 =	vld [tilespmem:s29+$0x200];
	_ =	sdelay $0x4  }
0xb6: {  	[tilespmem:s16+$0xFFFFFC10] =	vst v1  }
0xb7: {  	v1 =	vld [tilespmem:s29+$0x210];
	_ =	sdelay $0x1  }
0xb8: {  	(v2sf) =	vpush v0, $0x1;
	_ =	sdelay $0x2  }
0xb9: {  	[tilespmem:s16+$0xFFFFFC20] =	vst v1  }
0xba: {  	v1 =	vld [tilespmem:s29+$0x220];
	_ =	sdelay $0x4  }
0xbb: {  	[tilespmem:s16+$0xFFFFFC30] =	vst v1  }
0xbc: {  	v1 =	vld [tilespmem:s29+$0x230];
	_ =	sdelay $0x4  }
0xbd: {  	s30 =	spop (v2sf);
	[tilespmem:s16+$0xFFFFFC40] =	vst v1  }
0xbe: {  	v1 =	vld [tilespmem:s30+$0x200];
	_ =	sdelay $0x4  }
0xbf: {  	[tilespmem:s16+$0xFFFFFC50] =	vst v1  }
0xc0: {  	v1 =	vld [tilespmem:s30+$0x210];
	_ =	sdelay $0x1  }
0xc1: {  	(v2sf) =	vpush v0, $0x2;
	_ =	sdelay $0x2  }
0xc2: {  	[tilespmem:s16+$0xFFFFFC60] =	vst v1  }
0xc3: {  	v1 =	vld [tilespmem:s30+$0x220];
	_ =	sdelay $0x4  }
0xc4: {  	[tilespmem:s16+$0xFFFFFC70] =	vst v1  }
0xc5: {  	v1 =	vld [tilespmem:s30+$0x230];
	_ =	sdelay $0x4  }
0xc6: {  	s31 =	spop (v2sf);
	[tilespmem:s16+$0xFFFFFC80] =	vst v1  }
0xc7: {  	v1 =	vld [tilespmem:s31+$0x200];
	_ =	sdelay $0x4  }
0xc8: {  	[tilespmem:s16+$0xFFFFFC90] =	vst v1  }
0xc9: {  	v1 =	vld [tilespmem:s31+$0x210];
	_ =	sdelay $0x1  }
0xca: {  	(v2sf) =	vpush v0, $0x3;
	_ =	sdelay $0x2  }
0xcb: {  	[tilespmem:s16+$0xFFFFFCA0] =	vst v1  }
0xcc: {  	v1 =	vld [tilespmem:s31+$0x220];
	_ =	sdelay $0x4  }
0xcd: {  	[tilespmem:s16+$0xFFFFFCB0] =	vst v1  }
0xce: {  	v1 =	vld [tilespmem:s31+$0x230];
	_ =	sdelay $0x4  }
0xcf: {  	s18 =	spop (v2sf);
	[tilespmem:s16+$0xFFFFFCC0] =	vst v1  }
0xd0: {  	v1 =	vld [tilespmem:s18+$0x200];
	_ =	sdelay $0x4  }
0xd1: {  	[tilespmem:s16+$0xFFFFFCD0] =	vst v1  }
0xd2: {  	v1 =	vld [tilespmem:s18+$0x210];
	_ =	sdelay $0x1  }
0xd3: {  	(v2sf) =	vpush v0, $0x4;
	_ =	sdelay $0x2  }
0xd4: {  	[tilespmem:s16+$0xFFFFFCE0] =	vst v1  }
0xd5: {  	v1 =	vld [tilespmem:s18+$0x220];
	_ =	sdelay $0x4  }
0xd6: {  	[tilespmem:s16+$0xFFFFFCF0] =	vst v1  }
0xd7: {  	v1 =	vld [tilespmem:s18+$0x230];
	_ =	sdelay $0x4  }
0xd8: {  	s19 =	spop (v2sf);
	[tilespmem:s16+$0xFFFFFD00] =	vst v1  }
0xd9: {  	v1 =	vld [tilespmem:s19+$0x200];
	_ =	sdelay $0x4  }
0xda: {  	[tilespmem:s16+$0xFFFFFD10] =	vst v1  }
0xdb: {  	v1 =	vld [tilespmem:s19+$0x210];
	_ =	sdelay $0x1  }
0xdc: {  	(v2sf) =	vpush v0, $0x5;
	_ =	sdelay $0x2  }
0xdd: {  	[tilespmem:s16+$0xFFFFFD20] =	vst v1  }
0xde: {  	v1 =	vld [tilespmem:s19+$0x220];
	_ =	sdelay $0x4  }
0xdf: {  	[tilespmem:s16+$0xFFFFFD30] =	vst v1  }
0xe0: {  	v1 =	vld [tilespmem:s19+$0x230];
	_ =	sdelay $0x4  }
0xe1: {  	s20 =	spop (v2sf);
	[tilespmem:s16+$0xFFFFFD40] =	vst v1  }
0xe2: {  	v1 =	vld [tilespmem:s20+$0x200];
	_ =	sdelay $0x4  }
0xe3: {  	[tilespmem:s16+$0xFFFFFD50] =	vst v1  }
0xe4: {  	v1 =	vld [tilespmem:s20+$0x210];
	_ =	sdelay $0x1  }
0xe5: {  	(v2sf) =	vpush v0, $0x6;
	_ =	sdelay $0x2  }
0xe6: {  	[tilespmem:s16+$0xFFFFFD60] =	vst v1  }
0xe7: {  	v1 =	vld [tilespmem:s20+$0x220];
	_ =	sdelay $0x4  }
0xe8: {  	[tilespmem:s16+$0xFFFFFD70] =	vst v1  }
0xe9: {  	v1 =	vld [tilespmem:s20+$0x230];
	_ =	sdelay $0x4  }
0xea: {  	s21 =	spop (v2sf);
	[tilespmem:s16+$0xFFFFFD80] =	vst v1  }
0xeb: {  	v1 =	vld [tilespmem:s21+$0x200];
	_ =	sdelay $0x4  }
0xec: {  	[tilespmem:s16+$0xFFFFFD90] =	vst v1  }
0xed: {  	v1 =	vld [tilespmem:s21+$0x210];
	_ =	sdelay $0x1  }
0xee: {  	(v2sf) =	vpush v0, $0x7;
	_ =	sdelay $0x2  }
0xef: {  	[tilespmem:s16+$0xFFFFFDA0] =	vst v1  }
0xf0: {  	v1 =	vld [tilespmem:s21+$0x220];
	_ =	sdelay $0x4  }
0xf1: {  	[tilespmem:s16+$0xFFFFFDB0] =	vst v1  }
0xf2: {  	v1 =	vld [tilespmem:s21+$0x230];
	_ =	sdelay $0x4  }
0xf3: {  	s22 =	spop (v2sf);
	[tilespmem:s16+$0xFFFFFDC0] =	vst v1  }
0xf4: {  	v1 =	vld [tilespmem:s22+$0x200];
	_ =	sdelay $0x4  }
0xf5: {  	[tilespmem:s16+$0xFFFFFDD0] =	vst v1  }
0xf6: {  	v1 =	vld [tilespmem:s22+$0x210];
	_ =	sdelay $0x1  }
0xf7: {  	(v2sf) =	vpush v0, $0x8;
	_ =	sdelay $0x2  }
0xf8: {  	[tilespmem:s16+$0xFFFFFDE0] =	vst v1  }
0xf9: {  	v1 =	vld [tilespmem:s22+$0x220];
	_ =	sdelay $0x4  }
0xfa: {  	[tilespmem:s16+$0xFFFFFDF0] =	vst v1  }
0xfb: {  	v1 =	vld [tilespmem:s22+$0x230];
	_ =	sdelay $0x4  }
0xfc: {  	s23 =	spop (v2sf);
	[tilespmem:s16+$0xFFFFFE00] =	vst v1  }
0xfd: {  	v1 =	vld [tilespmem:s23+$0x200];
	_ =	sdelay $0x4  }
0xfe: {  	[tilespmem:s16+$0xFFFFFE10] =	vst v1  }
0xff: {  	v1 =	vld [tilespmem:s23+$0x210];
	_ =	sdelay $0x1  }
0x100: {  	(v2sf) =	vpush v0, $0x9;
	_ =	sdelay $0x2  }
0x101: {  	[tilespmem:s16+$0xFFFFFE20] =	vst v1  }
0x102: {  	v1 =	vld [tilespmem:s23+$0x220];
	_ =	sdelay $0x4  }
0x103: {  	[tilespmem:s16+$0xFFFFFE30] =	vst v1  }
0x104: {  	v1 =	vld [tilespmem:s23+$0x230];
	_ =	sdelay $0x4  }
0x105: {  	s24 =	spop (v2sf);
	[tilespmem:s16+$0xFFFFFE40] =	vst v1  }
0x106: {  	v1 =	vld [tilespmem:s24+$0x200];
	_ =	sdelay $0x4  }
0x107: {  	[tilespmem:s16+$0xFFFFFE50] =	vst v1  }
0x108: {  	v1 =	vld [tilespmem:s24+$0x210];
	_ =	sdelay $0x1  }
0x109: {  	(v2sf) =	vpush v0, $0xA;
	_ =	sdelay $0x2  }
0x10a: {  	[tilespmem:s16+$0xFFFFFE60] =	vst v1  }
0x10b: {  	v1 =	vld [tilespmem:s24+$0x220];
	_ =	sdelay $0x4  }
0x10c: {  	[tilespmem:s16+$0xFFFFFE70] =	vst v1  }
0x10d: {  	v1 =	vld [tilespmem:s24+$0x230];
	_ =	sdelay $0x4  }
0x10e: {  	s25 =	spop (v2sf);
	[tilespmem:s16+$0xFFFFFE80] =	vst v1  }
0x10f: {  	v1 =	vld [tilespmem:s25+$0x200];
	_ =	sdelay $0x4  }
0x110: {  	[tilespmem:s16+$0xFFFFFE90] =	vst v1  }
0x111: {  	v1 =	vld [tilespmem:s25+$0x210];
	_ =	sdelay $0x1  }
0x112: {  	(v2sf) =	vpush v0, $0xB;
	_ =	sdelay $0x2  }
0x113: {  	[tilespmem:s16+$0xFFFFFEA0] =	vst v1  }
0x114: {  	v1 =	vld [tilespmem:s25+$0x220];
	_ =	sdelay $0x4  }
0x115: {  	[tilespmem:s16+$0xFFFFFEB0] =	vst v1  }
0x116: {  	v1 =	vld [tilespmem:s25+$0x230];
	_ =	sdelay $0x4  }
0x117: {  	s26 =	spop (v2sf);
	[tilespmem:s16+$0xFFFFFEC0] =	vst v1  }
0x118: {  	v1 =	vld [tilespmem:s26+$0x200];
	_ =	sdelay $0x4  }
0x119: {  	[tilespmem:s16+$0xFFFFFED0] =	vst v1  }
0x11a: {  	v1 =	vld [tilespmem:s26+$0x210];
	_ =	sdelay $0x1  }
0x11b: {  	(v2sf) =	vpush v0, $0xC;
	_ =	sdelay $0x2  }
0x11c: {  	[tilespmem:s16+$0xFFFFFEE0] =	vst v1  }
0x11d: {  	v1 =	vld [tilespmem:s26+$0x220];
	_ =	sdelay $0x4  }
0x11e: {  	[tilespmem:s16+$0xFFFFFEF0] =	vst v1  }
0x11f: {  	v1 =	vld [tilespmem:s26+$0x230];
	_ =	sdelay $0x4  }
0x120: {  	s28 =	spop (v2sf);
	[tilespmem:s16+$0xFFFFFF00] =	vst v1  }
0x121: {  	v1 =	vld [tilespmem:s28+$0x200];
	_ =	sdelay $0x4  }
0x122: {  	[tilespmem:s16+$0xFFFFFF10] =	vst v1  }
0x123: {  	v1 =	vld [tilespmem:s28+$0x210];
	_ =	sdelay $0x1  }
0x124: {  	(v2sf) =	vpush v0, $0xD;
	_ =	sdelay $0x2  }
0x125: {  	[tilespmem:s16+$0xFFFFFF20] =	vst v1  }
0x126: {  	v1 =	vld [tilespmem:s28+$0x220];
	_ =	sdelay $0x4  }
0x127: {  	[tilespmem:s16+$0xFFFFFF30] =	vst v1  }
0x128: {  	v1 =	vld [tilespmem:s28+$0x230];
	_ =	sdelay $0x4  }
0x129: {  	s29 =	spop (v2sf);
	[tilespmem:s16+$0xFFFFFF40] =	vst v1  }
0x12a: {  	v1 =	vld [tilespmem:s29+$0x200];
	_ =	sdelay $0x4  }
0x12b: {  	[tilespmem:s16+$0xFFFFFF50] =	vst v1  }
0x12c: {  	v1 =	vld [tilespmem:s29+$0x210];
	_ =	sdelay $0x1  }
0x12d: {  	(v2sf) =	vpush v0, $0xE;
	_ =	sdelay $0x2  }
0x12e: {  	[tilespmem:s16+$0xFFFFFF60] =	vst v1  }
0x12f: {  	v1 =	vld [tilespmem:s29+$0x220];
	_ =	sdelay $0x4  }
0x130: {  	[tilespmem:s16+$0xFFFFFF70] =	vst v1  }
0x131: {  	v1 =	vld [tilespmem:s29+$0x230];
	_ =	sdelay $0x4  }
0x132: {  	s30 =	spop (v2sf);
	[tilespmem:s16+$0xFFFFFF80] =	vst v1  }
0x133: {  	v1 =	vld [tilespmem:s30+$0x200];
	_ =	sdelay $0x4  }
0x134: {  	[tilespmem:s16+$0xFFFFFF90] =	vst v1  }
0x135: {  	v1 =	vld [tilespmem:s30+$0x210];
	_ =	sdelay $0x1  }
0x136: {  	(v2sf) =	vpush v0, $0xF;
	_ =	sdelay $0x2  }
0x137: {  	[tilespmem:s16+$0xFFFFFFA0] =	vst v1  }
0x138: {  	v63 =	vld [tilespmem:s30+$0x220];
	_ =	sdelay $0x4  }
0x139: {  	[tilespmem:s16+$0xFFFFFFB0] =	vst v63  }
0x13a: {  	v0 =	vld [tilespmem:s30+$0x230];
	_ =	sdelay $0x4  }
0x13b: {  	s31 =	spop (v2sf);
	[tilespmem:s16+$0xFFFFFFC0] =	vst v0  }
0x13c: {  	v0 =	vld [tilespmem:s31+$0x200];
	_ =	sdelay $0x4  }
0x13d: {  	[tilespmem:s16+$0xFFFFFFD0] =	vst v0  }
0x13e: {  	v0 =	vld [tilespmem:s31+$0x210];
	_ =	sdelay $0x4  }
0x13f: {  	[tilespmem:s16+$0xFFFFFFE0] =	vst v0  }
0x140: {  	v0 =	vld [tilespmem:s31+$0x220];
	_ =	sdelay $0x4  }
0x141: {  	[tilespmem:s16+$0xFFFFFFF0] =	vst v0  }
0x142: {  	p0 =	sne.s32 s15, $0x1C0;
	v0 =	vld [tilespmem:s31+$0x230]  }
.Ltmp1:
0x143: {  	_ = 	snop;
	(pc) =	sbr.rel @p0 .LBB2_4-.Ltmp1, $2  }
0x144: {  	_ =	sdelay $0x2  }
0x145: {  	s15 =	sadd.s32 $0x40, s15;
	[tilespmem:s16+$0x0] =	vst v0;
	s16 =	sadd.s32 $0x400, s16  }
0x146: {  	s16 =	sadd.s32 $0x400, s5;
	s15 =	simm.s32 $0x0  }
0x147: {  	[hbm4b:s16+s15] =	stream.linear.scatter [tilespmem:s10], [sflag:$0x2], $0x2000, $0x38;
	[tilespmem:$0x8700] =	vst v63  }
0x148: {  	s16 =	simm.s32 $0x100  }
.LBB2_6:
0x149: {  	v0 =	vld [tilespmem:s16+$0x0];
	_ =	sdelay $0x4  }
0x14a: {  	v0 =	vshll.u32 v0, $0x8  }
0x14b: {  	v0 =	vshra.s32 v0, $0x2  }
0x14c: {  	(v2sf) =	vpush v0, $0x0;
	_ =	sdelay $0xe  }
0x14d: {  	s18 =	spop (v2sf)  }
0x14e: {  	v1 =	vld [tilespmem:s18+$0x200];
	_ =	sdelay $0x3  }
0x14f: {  	s17 =	sshra.s32 s15, $0x2  }
0x150: {  	[tilespmem:s17+$0x4700] =	vst v1  }
0x151: {  	v1 =	vld [tilespmem:s18+$0x210];
	_ =	sdelay $0x1  }
0x152: {  	(v2sf) =	vpush v0, $0x1;
	_ =	sdelay $0x2  }
0x153: {  	[tilespmem:s17+$0x4710] =	vst v1  }
0x154: {  	v1 =	vld [tilespmem:s18+$0x220];
	_ =	sdelay $0x4  }
0x155: {  	[tilespmem:s17+$0x4720] =	vst v1  }
0x156: {  	v1 =	vld [tilespmem:s18+$0x230];
	_ =	sdelay $0x4  }
0x157: {  	s29 =	spop (v2sf);
	[tilespmem:s17+$0x4730] =	vst v1  }
0x158: {  	v1 =	vld [tilespmem:s29+$0x200];
	_ =	sdelay $0x4  }
0x159: {  	[tilespmem:s17+$0x4740] =	vst v1  }
0x15a: {  	v1 =	vld [tilespmem:s29+$0x210];
	_ =	sdelay $0x1  }
0x15b: {  	(v2sf) =	vpush v0, $0x2;
	_ =	sdelay $0x2  }
0x15c: {  	[tilespmem:s17+$0x4750] =	vst v1  }
0x15d: {  	v1 =	vld [tilespmem:s29+$0x220];
	_ =	sdelay $0x4  }
0x15e: {  	[tilespmem:s17+$0x4760] =	vst v1  }
0x15f: {  	v1 =	vld [tilespmem:s29+$0x230];
	_ =	sdelay $0x4  }
0x160: {  	s30 =	spop (v2sf);
	[tilespmem:s17+$0x4770] =	vst v1  }
0x161: {  	v1 =	vld [tilespmem:s30+$0x200];
	_ =	sdelay $0x4  }
0x162: {  	[tilespmem:s17+$0x4780] =	vst v1  }
0x163: {  	v1 =	vld [tilespmem:s30+$0x210];
	_ =	sdelay $0x1  }
0x164: {  	(v2sf) =	vpush v0, $0x3;
	_ =	sdelay $0x2  }
0x165: {  	[tilespmem:s17+$0x4790] =	vst v1  }
0x166: {  	v1 =	vld [tilespmem:s30+$0x220];
	_ =	sdelay $0x4  }
0x167: {  	[tilespmem:s17+$0x47A0] =	vst v1  }
0x168: {  	v1 =	vld [tilespmem:s30+$0x230];
	_ =	sdelay $0x4  }
0x169: {  	s31 =	spop (v2sf);
	[tilespmem:s17+$0x47B0] =	vst v1  }
0x16a: {  	v1 =	vld [tilespmem:s31+$0x200];
	_ =	sdelay $0x4  }
0x16b: {  	[tilespmem:s17+$0x47C0] =	vst v1  }
0x16c: {  	v1 =	vld [tilespmem:s31+$0x210];
	_ =	sdelay $0x1  }
0x16d: {  	(v2sf) =	vpush v0, $0x4;
	_ =	sdelay $0x2  }
0x16e: {  	[tilespmem:s17+$0x47D0] =	vst v1  }
0x16f: {  	v1 =	vld [tilespmem:s31+$0x220];
	_ =	sdelay $0x4  }
0x170: {  	[tilespmem:s17+$0x47E0] =	vst v1  }
0x171: {  	v1 =	vld [tilespmem:s31+$0x230];
	_ =	sdelay $0x4  }
0x172: {  	s19 =	spop (v2sf);
	[tilespmem:s17+$0x47F0] =	vst v1  }
0x173: {  	v1 =	vld [tilespmem:s19+$0x200];
	_ =	sdelay $0x4  }
0x174: {  	[tilespmem:s17+$0x4800] =	vst v1  }
0x175: {  	v1 =	vld [tilespmem:s19+$0x210];
	_ =	sdelay $0x1  }
0x176: {  	(v2sf) =	vpush v0, $0x5;
	_ =	sdelay $0x2  }
0x177: {  	[tilespmem:s17+$0x4810] =	vst v1  }
0x178: {  	v1 =	vld [tilespmem:s19+$0x220];
	_ =	sdelay $0x4  }
0x179: {  	[tilespmem:s17+$0x4820] =	vst v1  }
0x17a: {  	v1 =	vld [tilespmem:s19+$0x230];
	_ =	sdelay $0x4  }
0x17b: {  	s20 =	spop (v2sf);
	[tilespmem:s17+$0x4830] =	vst v1  }
0x17c: {  	v1 =	vld [tilespmem:s20+$0x200];
	_ =	sdelay $0x4  }
0x17d: {  	[tilespmem:s17+$0x4840] =	vst v1  }
0x17e: {  	v1 =	vld [tilespmem:s20+$0x210];
	_ =	sdelay $0x1  }
0x17f: {  	(v2sf) =	vpush v0, $0x6;
	_ =	sdelay $0x2  }
0x180: {  	[tilespmem:s17+$0x4850] =	vst v1  }
0x181: {  	v1 =	vld [tilespmem:s20+$0x220];
	_ =	sdelay $0x4  }
0x182: {  	[tilespmem:s17+$0x4860] =	vst v1  }
0x183: {  	v1 =	vld [tilespmem:s20+$0x230];
	_ =	sdelay $0x4  }
0x184: {  	s21 =	spop (v2sf);
	[tilespmem:s17+$0x4870] =	vst v1  }
0x185: {  	v1 =	vld [tilespmem:s21+$0x200];
	_ =	sdelay $0x4  }
0x186: {  	[tilespmem:s17+$0x4880] =	vst v1  }
0x187: {  	v1 =	vld [tilespmem:s21+$0x210];
	_ =	sdelay $0x1  }
0x188: {  	(v2sf) =	vpush v0, $0x7;
	_ =	sdelay $0x2  }
0x189: {  	[tilespmem:s17+$0x4890] =	vst v1  }
0x18a: {  	v1 =	vld [tilespmem:s21+$0x220];
	_ =	sdelay $0x4  }
0x18b: {  	[tilespmem:s17+$0x48A0] =	vst v1  }
0x18c: {  	v1 =	vld [tilespmem:s21+$0x230];
	_ =	sdelay $0x4  }
0x18d: {  	s22 =	spop (v2sf);
	[tilespmem:s17+$0x48B0] =	vst v1  }
0x18e: {  	v1 =	vld [tilespmem:s22+$0x200];
	_ =	sdelay $0x4  }
0x18f: {  	[tilespmem:s17+$0x48C0] =	vst v1  }
0x190: {  	v1 =	vld [tilespmem:s22+$0x210];
	_ =	sdelay $0x1  }
0x191: {  	(v2sf) =	vpush v0, $0x8;
	_ =	sdelay $0x2  }
0x192: {  	[tilespmem:s17+$0x48D0] =	vst v1  }
0x193: {  	v1 =	vld [tilespmem:s22+$0x220];
	_ =	sdelay $0x4  }
0x194: {  	[tilespmem:s17+$0x48E0] =	vst v1  }
0x195: {  	v1 =	vld [tilespmem:s22+$0x230];
	_ =	sdelay $0x4  }
0x196: {  	s23 =	spop (v2sf);
	[tilespmem:s17+$0x48F0] =	vst v1  }
0x197: {  	v1 =	vld [tilespmem:s23+$0x200];
	_ =	sdelay $0x4  }
0x198: {  	[tilespmem:s17+$0x4900] =	vst v1  }
0x199: {  	v1 =	vld [tilespmem:s23+$0x210];
	_ =	sdelay $0x1  }
0x19a: {  	(v2sf) =	vpush v0, $0x9;
	_ =	sdelay $0x2  }
0x19b: {  	[tilespmem:s17+$0x4910] =	vst v1  }
0x19c: {  	v1 =	vld [tilespmem:s23+$0x220];
	_ =	sdelay $0x4  }
0x19d: {  	[tilespmem:s17+$0x4920] =	vst v1  }
0x19e: {  	v1 =	vld [tilespmem:s23+$0x230];
	_ =	sdelay $0x4  }
0x19f: {  	s24 =	spop (v2sf);
	[tilespmem:s17+$0x4930] =	vst v1  }
0x1a0: {  	v1 =	vld [tilespmem:s24+$0x200];
	_ =	sdelay $0x4  }
0x1a1: {  	[tilespmem:s17+$0x4940] =	vst v1  }
0x1a2: {  	v1 =	vld [tilespmem:s24+$0x210];
	_ =	sdelay $0x1  }
0x1a3: {  	(v2sf) =	vpush v0, $0xA;
	_ =	sdelay $0x2  }
0x1a4: {  	[tilespmem:s17+$0x4950] =	vst v1  }
0x1a5: {  	v1 =	vld [tilespmem:s24+$0x220];
	_ =	sdelay $0x4  }
0x1a6: {  	[tilespmem:s17+$0x4960] =	vst v1  }
0x1a7: {  	v1 =	vld [tilespmem:s24+$0x230];
	_ =	sdelay $0x4  }
0x1a8: {  	s25 =	spop (v2sf);
	[tilespmem:s17+$0x4970] =	vst v1  }
0x1a9: {  	v1 =	vld [tilespmem:s25+$0x200];
	_ =	sdelay $0x4  }
0x1aa: {  	[tilespmem:s17+$0x4980] =	vst v1  }
0x1ab: {  	v1 =	vld [tilespmem:s25+$0x210];
	_ =	sdelay $0x1  }
0x1ac: {  	(v2sf) =	vpush v0, $0xB;
	_ =	sdelay $0x2  }
0x1ad: {  	[tilespmem:s17+$0x4990] =	vst v1  }
0x1ae: {  	v1 =	vld [tilespmem:s25+$0x220];
	_ =	sdelay $0x4  }
0x1af: {  	[tilespmem:s17+$0x49A0] =	vst v1  }
0x1b0: {  	v1 =	vld [tilespmem:s25+$0x230];
	_ =	sdelay $0x4  }
0x1b1: {  	s26 =	spop (v2sf);
	[tilespmem:s17+$0x49B0] =	vst v1  }
0x1b2: {  	v1 =	vld [tilespmem:s26+$0x200];
	_ =	sdelay $0x4  }
0x1b3: {  	[tilespmem:s17+$0x49C0] =	vst v1  }
0x1b4: {  	v1 =	vld [tilespmem:s26+$0x210];
	_ =	sdelay $0x1  }
0x1b5: {  	(v2sf) =	vpush v0, $0xC;
	_ =	sdelay $0x2  }
0x1b6: {  	[tilespmem:s17+$0x49D0] =	vst v1  }
0x1b7: {  	v1 =	vld [tilespmem:s26+$0x220];
	_ =	sdelay $0x4  }
0x1b8: {  	[tilespmem:s17+$0x49E0] =	vst v1  }
0x1b9: {  	v1 =	vld [tilespmem:s26+$0x230];
	_ =	sdelay $0x4  }
0x1ba: {  	s28 =	spop (v2sf);
	[tilespmem:s17+$0x49F0] =	vst v1  }
0x1bb: {  	v1 =	vld [tilespmem:s28+$0x200];
	_ =	sdelay $0x4  }
0x1bc: {  	[tilespmem:s17+$0x4A00] =	vst v1  }
0x1bd: {  	v1 =	vld [tilespmem:s28+$0x210];
	_ =	sdelay $0x1  }
0x1be: {  	(v2sf) =	vpush v0, $0xD;
	_ =	sdelay $0x2  }
0x1bf: {  	[tilespmem:s17+$0x4A10] =	vst v1  }
0x1c0: {  	v1 =	vld [tilespmem:s28+$0x220];
	_ =	sdelay $0x4  }
0x1c1: {  	[tilespmem:s17+$0x4A20] =	vst v1  }
0x1c2: {  	v1 =	vld [tilespmem:s28+$0x230];
	_ =	sdelay $0x4  }
0x1c3: {  	s29 =	spop (v2sf);
	[tilespmem:s17+$0x4A30] =	vst v1  }
0x1c4: {  	v1 =	vld [tilespmem:s29+$0x200];
	_ =	sdelay $0x4  }
0x1c5: {  	[tilespmem:s17+$0x4A40] =	vst v1  }
0x1c6: {  	v1 =	vld [tilespmem:s29+$0x210];
	_ =	sdelay $0x1  }
0x1c7: {  	(v2sf) =	vpush v0, $0xE;
	_ =	sdelay $0x2  }
0x1c8: {  	[tilespmem:s17+$0x4A50] =	vst v1  }
0x1c9: {  	v1 =	vld [tilespmem:s29+$0x220];
	_ =	sdelay $0x4  }
0x1ca: {  	[tilespmem:s17+$0x4A60] =	vst v1  }
0x1cb: {  	v1 =	vld [tilespmem:s29+$0x230];
	_ =	sdelay $0x4  }
0x1cc: {  	s30 =	spop (v2sf);
	[tilespmem:s17+$0x4A70] =	vst v1  }
0x1cd: {  	v1 =	vld [tilespmem:s30+$0x200];
	_ =	sdelay $0x4  }
0x1ce: {  	[tilespmem:s17+$0x4A80] =	vst v1  }
0x1cf: {  	v1 =	vld [tilespmem:s30+$0x210];
	_ =	sdelay $0x1  }
0x1d0: {  	(v2sf) =	vpush v0, $0xF;
	_ =	sdelay $0x2  }
0x1d1: {  	[tilespmem:s17+$0x4A90] =	vst v1  }
0x1d2: {  	v63 =	vld [tilespmem:s30+$0x220];
	_ =	sdelay $0x4  }
0x1d3: {  	[tilespmem:s17+$0x4AA0] =	vst v63  }
0x1d4: {  	v0 =	vld [tilespmem:s30+$0x230];
	_ =	sdelay $0x4  }
0x1d5: {  	s31 =	spop (v2sf);
	[tilespmem:s17+$0x4AB0] =	vst v0  }
0x1d6: {  	v0 =	vld [tilespmem:s31+$0x200];
	_ =	sdelay $0x4  }
0x1d7: {  	[tilespmem:s17+$0x4AC0] =	vst v0  }
0x1d8: {  	v0 =	vld [tilespmem:s31+$0x210];
	_ =	sdelay $0x4  }
0x1d9: {  	[tilespmem:s17+$0x4AD0] =	vst v0  }
0x1da: {  	v0 =	vld [tilespmem:s31+$0x220];
	_ =	sdelay $0x4  }
0x1db: {  	[tilespmem:s17+$0x4AE0] =	vst v0  }
0x1dc: {  	p0 =	sne.s32 s15, $0x7000;
	v0 =	vld [tilespmem:s31+$0x230]  }
.Ltmp2:
0x1dd: {  	_ = 	snop;
	(pc) =	sbr.rel @p0 .LBB2_6-.Ltmp2, $2  }
0x1de: {  	_ =	sdelay $0x2  }
0x1df: {  	s16 =	sadd.s32 $0x10, s16;
	s15 =	sadd.s32 $0x1000, s15;
	[tilespmem:s17+$0x4AF0] =	vst v0  }
0x1e0: {  	s16 =	sadd.s32 $0x800, s5;
	s15 =	simm.s32 $0x0  }
0x1e1: {  	[hbm4b:s16+s15] =	stream.linear.scatter [tilespmem:s11], [sflag:$0x2], $0x2000, $0x38;
	[tilespmem:$0x8700] =	vst v63  }
0x1e2: {  	s16 =	simm.s32 $0x180  }
.LBB2_8:
0x1e3: {  	v0 =	vld [tilespmem:s16+$0x0];
	_ =	sdelay $0x4  }
0x1e4: {  	v0 =	vshll.u32 v0, $0x8  }
0x1e5: {  	v0 =	vshra.s32 v0, $0x2  }
0x1e6: {  	(v2sf) =	vpush v0, $0x0;
	_ =	sdelay $0xe  }
0x1e7: {  	s18 =	spop (v2sf)  }
0x1e8: {  	v1 =	vld [tilespmem:s18+$0x200];
	_ =	sdelay $0x3  }
0x1e9: {  	s17 =	sshra.s32 s15, $0x2  }
0x1ea: {  	[tilespmem:s17+$0x6700] =	vst v1  }
0x1eb: {  	v1 =	vld [tilespmem:s18+$0x210];
	_ =	sdelay $0x1  }
0x1ec: {  	(v2sf) =	vpush v0, $0x1;
	_ =	sdelay $0x2  }
0x1ed: {  	[tilespmem:s17+$0x6710] =	vst v1  }
0x1ee: {  	v1 =	vld [tilespmem:s18+$0x220];
	_ =	sdelay $0x4  }
0x1ef: {  	[tilespmem:s17+$0x6720] =	vst v1  }
0x1f0: {  	v1 =	vld [tilespmem:s18+$0x230];
	_ =	sdelay $0x4  }
0x1f1: {  	s29 =	spop (v2sf);
	[tilespmem:s17+$0x6730] =	vst v1  }
0x1f2: {  	v1 =	vld [tilespmem:s29+$0x200];
	_ =	sdelay $0x4  }
0x1f3: {  	[tilespmem:s17+$0x6740] =	vst v1  }
0x1f4: {  	v1 =	vld [tilespmem:s29+$0x210];
	_ =	sdelay $0x1  }
0x1f5: {  	(v2sf) =	vpush v0, $0x2;
	_ =	sdelay $0x2  }
0x1f6: {  	[tilespmem:s17+$0x6750] =	vst v1  }
0x1f7: {  	v1 =	vld [tilespmem:s29+$0x220];
	_ =	sdelay $0x4  }
0x1f8: {  	[tilespmem:s17+$0x6760] =	vst v1  }
0x1f9: {  	v1 =	vld [tilespmem:s29+$0x230];
	_ =	sdelay $0x4  }
0x1fa: {  	s30 =	spop (v2sf);
	[tilespmem:s17+$0x6770] =	vst v1  }
0x1fb: {  	v1 =	vld [tilespmem:s30+$0x200];
	_ =	sdelay $0x4  }
0x1fc: {  	[tilespmem:s17+$0x6780] =	vst v1  }
0x1fd: {  	v1 =	vld [tilespmem:s30+$0x210];
	_ =	sdelay $0x1  }
0x1fe: {  	(v2sf) =	vpush v0, $0x3;
	_ =	sdelay $0x2  }
0x1ff: {  	[tilespmem:s17+$0x6790] =	vst v1  }
0x200: {  	v1 =	vld [tilespmem:s30+$0x220];
	_ =	sdelay $0x4  }
0x201: {  	[tilespmem:s17+$0x67A0] =	vst v1  }
0x202: {  	v1 =	vld [tilespmem:s30+$0x230];
	_ =	sdelay $0x4  }
0x203: {  	s31 =	spop (v2sf);
	[tilespmem:s17+$0x67B0] =	vst v1  }
0x204: {  	v1 =	vld [tilespmem:s31+$0x200];
	_ =	sdelay $0x4  }
0x205: {  	[tilespmem:s17+$0x67C0] =	vst v1  }
0x206: {  	v1 =	vld [tilespmem:s31+$0x210];
	_ =	sdelay $0x1  }
0x207: {  	(v2sf) =	vpush v0, $0x4;
	_ =	sdelay $0x2  }
0x208: {  	[tilespmem:s17+$0x67D0] =	vst v1  }
0x209: {  	v1 =	vld [tilespmem:s31+$0x220];
	_ =	sdelay $0x4  }
0x20a: {  	[tilespmem:s17+$0x67E0] =	vst v1  }
0x20b: {  	v1 =	vld [tilespmem:s31+$0x230];
	_ =	sdelay $0x4  }
0x20c: {  	s19 =	spop (v2sf);
	[tilespmem:s17+$0x67F0] =	vst v1  }
0x20d: {  	v1 =	vld [tilespmem:s19+$0x200];
	_ =	sdelay $0x4  }
0x20e: {  	[tilespmem:s17+$0x6800] =	vst v1  }
0x20f: {  	v1 =	vld [tilespmem:s19+$0x210];
	_ =	sdelay $0x1  }
0x210: {  	(v2sf) =	vpush v0, $0x5;
	_ =	sdelay $0x2  }
0x211: {  	[tilespmem:s17+$0x6810] =	vst v1  }
0x212: {  	v1 =	vld [tilespmem:s19+$0x220];
	_ =	sdelay $0x4  }
0x213: {  	[tilespmem:s17+$0x6820] =	vst v1  }
0x214: {  	v1 =	vld [tilespmem:s19+$0x230];
	_ =	sdelay $0x4  }
0x215: {  	s20 =	spop (v2sf);
	[tilespmem:s17+$0x6830] =	vst v1  }
0x216: {  	v1 =	vld [tilespmem:s20+$0x200];
	_ =	sdelay $0x4  }
0x217: {  	[tilespmem:s17+$0x6840] =	vst v1  }
0x218: {  	v1 =	vld [tilespmem:s20+$0x210];
	_ =	sdelay $0x1  }
0x219: {  	(v2sf) =	vpush v0, $0x6;
	_ =	sdelay $0x2  }
0x21a: {  	[tilespmem:s17+$0x6850] =	vst v1  }
0x21b: {  	v1 =	vld [tilespmem:s20+$0x220];
	_ =	sdelay $0x4  }
0x21c: {  	[tilespmem:s17+$0x6860] =	vst v1  }
0x21d: {  	v1 =	vld [tilespmem:s20+$0x230];
	_ =	sdelay $0x4  }
0x21e: {  	s21 =	spop (v2sf);
	[tilespmem:s17+$0x6870] =	vst v1  }
0x21f: {  	v1 =	vld [tilespmem:s21+$0x200];
	_ =	sdelay $0x4  }
0x220: {  	[tilespmem:s17+$0x6880] =	vst v1  }
0x221: {  	v1 =	vld [tilespmem:s21+$0x210];
	_ =	sdelay $0x1  }
0x222: {  	(v2sf) =	vpush v0, $0x7;
	_ =	sdelay $0x2  }
0x223: {  	[tilespmem:s17+$0x6890] =	vst v1  }
0x224: {  	v1 =	vld [tilespmem:s21+$0x220];
	_ =	sdelay $0x4  }
0x225: {  	[tilespmem:s17+$0x68A0] =	vst v1  }
0x226: {  	v1 =	vld [tilespmem:s21+$0x230];
	_ =	sdelay $0x4  }
0x227: {  	s22 =	spop (v2sf);
	[tilespmem:s17+$0x68B0] =	vst v1  }
0x228: {  	v1 =	vld [tilespmem:s22+$0x200];
	_ =	sdelay $0x4  }
0x229: {  	[tilespmem:s17+$0x68C0] =	vst v1  }
0x22a: {  	v1 =	vld [tilespmem:s22+$0x210];
	_ =	sdelay $0x1  }
0x22b: {  	(v2sf) =	vpush v0, $0x8;
	_ =	sdelay $0x2  }
0x22c: {  	[tilespmem:s17+$0x68D0] =	vst v1  }
0x22d: {  	v1 =	vld [tilespmem:s22+$0x220];
	_ =	sdelay $0x4  }
0x22e: {  	[tilespmem:s17+$0x68E0] =	vst v1  }
0x22f: {  	v1 =	vld [tilespmem:s22+$0x230];
	_ =	sdelay $0x4  }
0x230: {  	s23 =	spop (v2sf);
	[tilespmem:s17+$0x68F0] =	vst v1  }
0x231: {  	v1 =	vld [tilespmem:s23+$0x200];
	_ =	sdelay $0x4  }
0x232: {  	[tilespmem:s17+$0x6900] =	vst v1  }
0x233: {  	v1 =	vld [tilespmem:s23+$0x210];
	_ =	sdelay $0x1  }
0x234: {  	(v2sf) =	vpush v0, $0x9;
	_ =	sdelay $0x2  }
0x235: {  	[tilespmem:s17+$0x6910] =	vst v1  }
0x236: {  	v1 =	vld [tilespmem:s23+$0x220];
	_ =	sdelay $0x4  }
0x237: {  	[tilespmem:s17+$0x6920] =	vst v1  }
0x238: {  	v1 =	vld [tilespmem:s23+$0x230];
	_ =	sdelay $0x4  }
0x239: {  	s24 =	spop (v2sf);
	[tilespmem:s17+$0x6930] =	vst v1  }
0x23a: {  	v1 =	vld [tilespmem:s24+$0x200];
	_ =	sdelay $0x4  }
0x23b: {  	[tilespmem:s17+$0x6940] =	vst v1  }
0x23c: {  	v1 =	vld [tilespmem:s24+$0x210];
	_ =	sdelay $0x1  }
0x23d: {  	(v2sf) =	vpush v0, $0xA;
	_ =	sdelay $0x2  }
0x23e: {  	[tilespmem:s17+$0x6950] =	vst v1  }
0x23f: {  	v1 =	vld [tilespmem:s24+$0x220];
	_ =	sdelay $0x4  }
0x240: {  	[tilespmem:s17+$0x6960] =	vst v1  }
0x241: {  	v1 =	vld [tilespmem:s24+$0x230];
	_ =	sdelay $0x4  }
0x242: {  	s25 =	spop (v2sf);
	[tilespmem:s17+$0x6970] =	vst v1  }
0x243: {  	v1 =	vld [tilespmem:s25+$0x200];
	_ =	sdelay $0x4  }
0x244: {  	[tilespmem:s17+$0x6980] =	vst v1  }
0x245: {  	v1 =	vld [tilespmem:s25+$0x210];
	_ =	sdelay $0x1  }
0x246: {  	(v2sf) =	vpush v0, $0xB;
	_ =	sdelay $0x2  }
0x247: {  	[tilespmem:s17+$0x6990] =	vst v1  }
0x248: {  	v1 =	vld [tilespmem:s25+$0x220];
	_ =	sdelay $0x4  }
0x249: {  	[tilespmem:s17+$0x69A0] =	vst v1  }
0x24a: {  	v1 =	vld [tilespmem:s25+$0x230];
	_ =	sdelay $0x4  }
0x24b: {  	s26 =	spop (v2sf);
	[tilespmem:s17+$0x69B0] =	vst v1  }
0x24c: {  	v1 =	vld [tilespmem:s26+$0x200];
	_ =	sdelay $0x4  }
0x24d: {  	[tilespmem:s17+$0x69C0] =	vst v1  }
0x24e: {  	v1 =	vld [tilespmem:s26+$0x210];
	_ =	sdelay $0x1  }
0x24f: {  	(v2sf) =	vpush v0, $0xC;
	_ =	sdelay $0x2  }
0x250: {  	[tilespmem:s17+$0x69D0] =	vst v1  }
0x251: {  	v1 =	vld [tilespmem:s26+$0x220];
	_ =	sdelay $0x4  }
0x252: {  	[tilespmem:s17+$0x69E0] =	vst v1  }
0x253: {  	v1 =	vld [tilespmem:s26+$0x230];
	_ =	sdelay $0x4  }
0x254: {  	s28 =	spop (v2sf);
	[tilespmem:s17+$0x69F0] =	vst v1  }
0x255: {  	v1 =	vld [tilespmem:s28+$0x200];
	_ =	sdelay $0x4  }
0x256: {  	[tilespmem:s17+$0x6A00] =	vst v1  }
0x257: {  	v1 =	vld [tilespmem:s28+$0x210];
	_ =	sdelay $0x1  }
0x258: {  	(v2sf) =	vpush v0, $0xD;
	_ =	sdelay $0x2  }
0x259: {  	[tilespmem:s17+$0x6A10] =	vst v1  }
0x25a: {  	v1 =	vld [tilespmem:s28+$0x220];
	_ =	sdelay $0x4  }
0x25b: {  	[tilespmem:s17+$0x6A20] =	vst v1  }
0x25c: {  	v1 =	vld [tilespmem:s28+$0x230];
	_ =	sdelay $0x4  }
0x25d: {  	s29 =	spop (v2sf);
	[tilespmem:s17+$0x6A30] =	vst v1  }
0x25e: {  	v1 =	vld [tilespmem:s29+$0x200];
	_ =	sdelay $0x4  }
0x25f: {  	[tilespmem:s17+$0x6A40] =	vst v1  }
0x260: {  	v1 =	vld [tilespmem:s29+$0x210];
	_ =	sdelay $0x1  }
0x261: {  	(v2sf) =	vpush v0, $0xE;
	_ =	sdelay $0x2  }
0x262: {  	[tilespmem:s17+$0x6A50] =	vst v1  }
0x263: {  	v1 =	vld [tilespmem:s29+$0x220];
	_ =	sdelay $0x4  }
0x264: {  	[tilespmem:s17+$0x6A60] =	vst v1  }
0x265: {  	v1 =	vld [tilespmem:s29+$0x230];
	_ =	sdelay $0x4  }
0x266: {  	s30 =	spop (v2sf);
	[tilespmem:s17+$0x6A70] =	vst v1  }
0x267: {  	v1 =	vld [tilespmem:s30+$0x200];
	_ =	sdelay $0x4  }
0x268: {  	[tilespmem:s17+$0x6A80] =	vst v1  }
0x269: {  	v1 =	vld [tilespmem:s30+$0x210];
	_ =	sdelay $0x1  }
0x26a: {  	(v2sf) =	vpush v0, $0xF;
	_ =	sdelay $0x2  }
0x26b: {  	[tilespmem:s17+$0x6A90] =	vst v1  }
0x26c: {  	v63 =	vld [tilespmem:s30+$0x220];
	_ =	sdelay $0x4  }
0x26d: {  	[tilespmem:s17+$0x6AA0] =	vst v63  }
0x26e: {  	v0 =	vld [tilespmem:s30+$0x230];
	_ =	sdelay $0x4  }
0x26f: {  	s31 =	spop (v2sf);
	[tilespmem:s17+$0x6AB0] =	vst v0  }
0x270: {  	v0 =	vld [tilespmem:s31+$0x200];
	_ =	sdelay $0x4  }
0x271: {  	[tilespmem:s17+$0x6AC0] =	vst v0  }
0x272: {  	v0 =	vld [tilespmem:s31+$0x210];
	_ =	sdelay $0x4  }
0x273: {  	[tilespmem:s17+$0x6AD0] =	vst v0  }
0x274: {  	v0 =	vld [tilespmem:s31+$0x220];
	_ =	sdelay $0x4  }
0x275: {  	[tilespmem:s17+$0x6AE0] =	vst v0  }
0x276: {  	p0 =	sne.s32 s15, $0x7000;
	v0 =	vld [tilespmem:s31+$0x230]  }
.Ltmp3:
0x277: {  	_ = 	snop;
	(pc) =	sbr.rel @p0 .LBB2_8-.Ltmp3, $2  }
0x278: {  	_ =	sdelay $0x2  }
0x279: {  	s16 =	sadd.s32 $0x10, s16;
	s15 =	sadd.s32 $0x1000, s15;
	[tilespmem:s17+$0x6AF0] =	vst v0  }
0x27a: {  	s15 =	sadd.s32 $0xC00, s5  }
0x27b: {  	[hbm4b:s15+s3] =	stream.linear.scatter [tilespmem:s12], [sflag:$0x2], $0x2000, $0x38;
	[tilespmem:$0x8700] =	vst v63  }
0x27c: {  	_ =	swait.ge [sflag:s13], $0x2000  }
0x27d: {  	[sflag:s13] =	ssyncset.done $0x0  }
0x27e: {  	[sflag:s13] =	ssyncadd.s32 $0xFFFFE000  }
0x27f: {  	_ =	swait.ge [sflag:s13], $0x2000  }
0x280: {  	[sflag:s13] =	ssyncset.done $0x0  }
0x281: {  	s14 =	sadd.s32 $0x1, s14;
	[sflag:s13] =	ssyncadd.s32 $0xFFFFE000  }
0x282: {  	p0 =	sne.s32 s14, s6;
	_ =	swait.ge [sflag:s13], $0x2000  }
.Ltmp4:
0x283: {  	[sflag:s13] =	ssyncset.done $0x0;
	(pc) =	sbr.rel @p0 .LBB2_1-.Ltmp4, $4  }
0x284: {  	[sflag:s13] =	ssyncadd.s32 $0xFFFFE000  }
0x285: {  	_ =	swait.ge [sflag:s13], $0x2000  }
0x286: {  	[sflag:s13] =	ssyncset.done $0x0  }
0x287: {  	[sflag:s13] =	ssyncadd.s32 $0xFFFFE000  }
0x288: {  	_ =	sfence.sel $0x180000  }
0x289: {  	[bflag:$0x0] =	sbarrier.arrive $0xFFFF  }
0x28a: {  	p0 =	sne.s32 s1, $0x0;
	_ =	strace $0x90000047  }
0x28b: {  	s0 =	sadd.s32 @!p0 $0x100000, s0;
	[bflag:$0x2] =	sbarrier.arrive $0xFFFF  }
0x28c: {  	[sflag:s0] =	ssyncadd.tile.s32 @!p0 $0x1;
	_ =	shalt  }
.Lfunc_end2:
_tile_overlayer_lowered:
.L_overlay_start_2:
0x28d: {  	(tag) =	ssettag $0x2  }
0x28e: {  	s0 =	rddreg [dreg:$0x0];
	s2 =	stileid.u32  }
0x28f: {  	s1 =	rddreg [dreg:$0x1];
	p0 =	sne.s32 s2, $0x0  }
0x290: {  	s3 =	rddreg [dreg:$0x2];
	[bflag:$0x3] =	sbarrier.arrive $0xFFFF;
	s2 =	simm.s32 @!p0 $0x1C03  }
0x291: {  	[timem:s3], [sflag:s2] =	dma.local @!p0 [hbm:s0], s1  }
0x292: {  	s0 =	simm.s32 @!p0 $0x3  }
0x293: {  	_ =	swait.ge @!p0 [sflag:s0], s1  }
0x294: {  	s1 =	ssub.s32 @!p0 $0x0, s1;
	[sflag:s0] =	ssyncset.done @!p0 $0x0  }
0x295: {  	[sflag:s0] =	ssyncadd.s32 @!p0 s1  }
0x296: {  	[bflag:$0x3] =	sbarrier.arrive $0xFFFF  }
0x297: {  	_ =	shalt  }

// kernel: kernel.7.cloned.1.call-start
scs
__scs_entry_jumppad:
0x0: {  	(pc) =	sbr.rel $0x88, $3  }
0x1: {  	(tag) =	ssettag $0x0;
	lr =	simm.s32 $0x1  }
0x2: {  	[smem:$0x3F9D] =	sst lr;
	_ =	strace $0xD0000000  }
0x3: {  	_ = 	snop  }
0x4: {  	_ = 	snop  }
0x5: {  	_ = 	snop  }
0x6: {  	_ = 	snop  }
0x7: {  	_ = 	snop  }
__scs_overlays_trampoline_lowered:
0x8: {  	[smem:$0x3FAC] =	sst s0  }
0x9: {  	[smem:$0x3FAD] =	sst s1  }
0xa: {  	[smem:$0x3FAE] =	sst s2  }
0xb: {  	[smem:$0x3FAF] =	sst s3  }
0xc: {  	[smem:$0x3FB0] =	sst s4  }
0xd: {  	[smem:$0x3FB1] =	sst s5  }
0xe: {  	[smem:$0x3FB2] =	sst s6  }
0xf: {  	[smem:$0x3FB3] =	sst s7  }
0x10: {  	[smem:$0x3FB4] =	sst s8  }
0x11: {  	[smem:$0x3FB5] =	sst s9;
	s0 =	simm.s32 @!p0 $0x0  }
0x12: {  	s1 =	sld [smem:$0x3F9B];
	s0 =	simm.s32 @p0 $0x1  }
0x13: {  	[smem:$0x3FB6] =	sst s0;
	s0 =	simm.s32 @!p1 $0x0  }
0x14: {  	s2 =	sld [smem:$0x3F9A];
	s0 =	simm.s32 @p1 $0x1  }
0x15: {  	[smem:$0x3FB7] =	sst s0;
	s0 =	simm.s32 @!p2 $0x0  }
0x16: {  	s3 =	sld [smem:$0x3FDB];
	s0 =	simm.s32 @p2 $0x1  }
0x17: {  	s4 =	simm.s32 $0x1BF5;
	[smem:$0x3FB9] =	sst s0  }
0x18: {  	s0 =	sld [smem:$0x3F9C];
	_ =	swait.ge [sflag:s4], $0x0  }
0x19: {  	s7 =	sld [smem:$0x3F9D]  }
0x1a: {  	s8 =	sadd.s32 $0xFFFFE003, lr  }
0x1b: {  	s9 =	sadd.s32 $0xFFFFFEF7, lr;
	s5 =	simm.s32 $0xFFFFFFFF;
	p2 =	slt.u32 s8, $0xFFFFF086  }
0x1c: {  	p1 =	slt.u32 s9, $0xF7A;
	s5 =	simm.s32 @!p2 $0x0  }
0x1d: {  	s5 =	simm.s32 @p1 $0x1;
	p0 =	seq.s32 s7, s2  }
0x1e: {  	s7 =	smul.u32 @!p0 $0xF7A, s2;
	p2 =	seq.s32 @!p0 s5, $0x0  }
0x1f: {  	s9 =	smul.u32 $0xF7A, s1;
	s8 =	simm.s32 @!p0 $0x1BF5;
	p2 =	por !p2, p0  }
0x20: {  	[sflag:s8] =	ssyncset.s32 @!p0 $0xFFFFF086;
	s6 =	sadd.s32 @!p0 s3, s7;
	s7 =	simm.s32 @!p0 $0x108  }
0x21: {  	s3 =	sadd.s32 s3, s9;
	s6 =	sadd.s32 @!p0 $0x88, s6;
	s7 =	simm.s32 @p2 $0x1082  }
0x22: {  	[simem:s7], [sflag:s8] =	dma.local @!p0 [hbm:s6], $0xF7A  }
0x23: {  	s9 =	sor.u32 $0xD0000000, s2;
	s6 =	simm.s32 $0x108;
	_ =	swait.ge @!p0 [sflag:s8], $0x0  }
0x24: {  	s3 =	sadd.s32 $0x88, s3;
	s6 =	simm.s32 @!p1 $0x1082;
	[sflag:s4] =	ssyncset.s32 $0xFFFFF086  }
0x25: {  	[simem:s6], [sflag:s4] =	dma.local [hbm:s3], $0xF7A  }
0x26: {  	[smem:$0x3F9D] =	sst s1;
	(tag) =	ssettag s2;
	_ =	strace s9  }
0x27: {  	s1 =	sld [smem:$0x3FAD]  }
0x28: {  	s2 =	sld [smem:$0x3FAE]  }
0x29: {  	s4 =	sld [smem:$0x3FB0]  }
0x2a: {  	p0 =	seq.s32 s5, $0x0;
	s5 =	sld [smem:$0x3FB1]  }
0x2b: {  	s6 =	sld [smem:$0x3FB2]  }
0x2c: {  	s7 =	sld [smem:$0x3FB3]  }
0x2d: {  	s3 =	simm.s32 $0x108;
	s8 =	sld [smem:$0x3FB4]  }
0x2e: {  	s3 =	simm.s32 @!p0 $0x1082;
	s9 =	sld [smem:$0x3FB5]  }
0x2f: {  	lr =	sadd.s32 s0, s3;
	s0 =	sld [smem:$0x3FAC]  }
0x30: {  	s3 =	sld [smem:$0x3FAF]  }
0x31: {  	[smem:$0x3FB8] =	sst s10  }
0x32: {  	s10 =	sld [smem:$0x3FB6];
	_ =	sdelay $0x3  }
0x33: {  	p0 =	seq.s32 s10, $0x1;
	s10 =	sld [smem:$0x3FB8];
	_ =	sdelay $0x3  }
0x34: {  	[smem:$0x3FB8] =	sst s10  }
0x35: {  	s10 =	sld [smem:$0x3FB7];
	_ =	sdelay $0x3  }
0x36: {  	p1 =	seq.s32 s10, $0x1;
	s10 =	sld [smem:$0x3FB8];
	_ =	sdelay $0x3  }
0x37: {  	[smem:$0x3FB8] =	sst s10  }
0x38: {  	s10 =	sld [smem:$0x3FB9]  }
0x39: {  	_ = 	snop;
	(pc) =	sbr.ind lr, $3  }
0x3a: {  	_ = 	snop  }
0x3b: {  	_ = 	snop  }
0x3c: {  	p2 =	seq.s32 s10, $0x1;
	s10 =	sld [smem:$0x3FB8]  }
0x3d: {  	_ =	shalt  }
0x3e: {  	_ =	shalt  }
0x3f: {  	_ =	shalt  }
0x40: {  	_ =	shalt  }
0x41: {  	_ =	shalt  }
0x42: {  	_ =	shalt  }
0x43: {  	_ =	shalt  }
0x44: {  	_ =	shalt  }
0x45: {  	_ =	shalt  }
0x46: {  	_ =	shalt  }
0x47: {  	_ =	shalt  }
0x48: {  	_ =	shalt  }
0x49: {  	_ =	shalt  }
0x4a: {  	_ =	shalt  }
0x4b: {  	_ =	shalt  }
0x4c: {  	_ =	shalt  }
0x4d: {  	_ =	shalt  }
0x4e: {  	_ =	shalt  }
0x4f: {  	_ =	shalt  }
0x50: {  	_ =	shalt  }
0x51: {  	_ =	shalt  }
0x52: {  	_ =	shalt  }
0x53: {  	_ =	shalt  }
0x54: {  	_ =	shalt  }
0x55: {  	_ =	shalt  }
0x56: {  	_ =	shalt  }
0x57: {  	_ =	shalt  }
0x58: {  	_ =	shalt  }
0x59: {  	_ =	shalt  }
0x5a: {  	_ =	shalt  }
0x5b: {  	_ =	shalt  }
0x5c: {  	_ =	shalt  }
0x5d: {  	_ =	shalt  }
0x5e: {  	_ =	shalt  }
0x5f: {  	_ =	shalt  }
0x60: {  	_ =	shalt  }
0x61: {  	_ =	shalt  }
0x62: {  	_ =	shalt  }
0x63: {  	_ =	shalt  }
0x64: {  	_ =	shalt  }
0x65: {  	_ =	shalt  }
0x66: {  	_ =	shalt  }
0x67: {  	_ =	shalt  }
0x68: {  	_ =	shalt  }
0x69: {  	_ =	shalt  }
0x6a: {  	_ =	shalt  }
0x6b: {  	_ =	shalt  }
0x6c: {  	_ =	shalt  }
0x6d: {  	_ =	shalt  }
0x6e: {  	_ =	shalt  }
0x6f: {  	_ =	shalt  }
0x70: {  	_ =	shalt  }
0x71: {  	_ =	shalt  }
0x72: {  	_ =	shalt  }
0x73: {  	_ =	shalt  }
0x74: {  	_ =	shalt  }
0x75: {  	_ =	shalt  }
0x76: {  	_ =	shalt  }
0x77: {  	_ =	shalt  }
0x78: {  	_ =	shalt  }
0x79: {  	_ =	shalt  }
0x7a: {  	_ =	shalt  }
0x7b: {  	_ =	shalt  }
0x7c: {  	_ =	shalt  }
0x7d: {  	_ =	shalt  }
0x7e: {  	_ =	shalt  }
0x7f: {  	_ =	shalt  }
0x80: {  	_ =	shalt  }
0x81: {  	_ =	shalt  }
0x82: {  	_ =	shalt  }
0x83: {  	_ =	shalt  }
0x84: {  	_ =	shalt  }
0x85: {  	_ =	shalt  }
0x86: {  	_ =	shalt  }
0x87: {  	_ =	shalt  }
.Lfunc_end0:
.L_simem_size_0:
called_computation.1_lowered:
.L_overlay_start_0:
0x88: {  	s2 =	sld [smem:$0x3FD9]  }
0x89: {  	s3 =	sld [smem:$0x3FFE];
	_ =	sdelay $0x1  }
0x8a: {  	s1 =	srdreg.scid  }
0x8b: {  	s0 =	sand.u32 $0x1, s1  }
0x8c: {  	s17 =	sshll.u32 s0, $0xA;
	s2 =	sadd.s32 s3, s2  }
0x8d: {  	s2 =	sadd.s32 s2, s17  }
0x8e: {  	[smem:$0x3FC4] =	sst s2  }
0x8f: {  	_ = 	snop  }
0x90: {  	s2 =	sld [smem:$0x3FC9]  }
0x91: {  	s18 =	sld [smem:$0x3FD0];
	(tm) =	ssettm $0x1  }
0x92: {  	s4 =	sld [smem:$0x3FFB];
	_ =	sdelay $0x3  }
0x93: {  	_ =	strace s4  }
0x94: {  	s4 =	sld [smem:$0x3FFC];
	_ =	sdelay $0x3  }
0x95: {  	_ =	strace s4  }
0x96: {  	s4 =	sld [smem:$0x3FFD];
	_ =	sdelay $0x3  }
0x97: {  	_ =	strace s4  }
0x98: {  	_ =	strace $0x8FFFFFFF  }
0x99: {  	s19 =	sld [smem:$0x3FDB];
	_ =	sdelay $0x1  }
0x9a: {  	s5 =	simm.s32 $_scs_section_size  }
0x9b: {  	s6 =	simm.s32 $_size__tile_overlayer_lowered;
	s7 =	simm.s32 $_tile_overlayer_lowered  }
0x9c: {  	s22 =	simm.s32 $0x1BFF;
	s21 =	sshll.u32 s7, $0x1;
	s4 =	sadd.s32 s5, s19  }
0x9d: {  	s8 =	simm.s32 $0x0;
	s20 =	sshll.u32 s6, $0x1;
	s6 =	sadd.s32 s21, s4  }
0x9e: {  	[timem:s8], [sflag:s22] =	dma.local [hbm:s6], s20  }
0x9f: {  	_ =	swait.ge [sflag:s22], s20  }
0xa0: {  	s5 =	ssub.s32 $0x0, s20;
	[sflag:s22] =	ssyncset.done $0x0  }
0xa1: {  	[sflag:s22] =	ssyncadd.s32 s5;
	_ =	sdelay $0x1  }
0xa2: {  	s23 =	simm.s32 $0x1B8B  }
0xa3: {  	_ =	swait.ge [sflag:s23], $0x1  }
0xa4: {  	[sflag:s23] =	ssyncset.done $0x0  }
0xa5: {  	s25 =	simm.s32 $0x1B8E;
	s24 =	sld [smem:$0x3FFE];
	[sflag:s23] =	ssyncadd.s32 $0xFFFFFFFF  }
0xa6: {  	s26 =	simm.s32 $execute0_lowered;
	[smem:$0x3FD2] =	sst s25  }
0xa7: {  	s6 =	sshll.u32 s26, $0x1;
	_ =	strace $0x80000049;
	[dreg:$0x1] =	wrdreg $0xFFFFFFFF  }
0xa8: {  	s28 =	simm.s32 $_size_execute0_lowered;
	s4 =	sadd.s32 s4, s6;
	[dreg:$0x0] =	wrdreg $0x0  }
0xa9: {  	s6 =	sshll.u32 s28, $0x1;
	[dreg:$0x2] =	wrdreg s4  }
0xaa: {  	[dreg:$0x3] =	wrdreg s6  }
0xab: {  	[dreg:$0x4] =	wrdreg $0xC0  }
0xac: {  	_ =	task [dreg:s8], $0x5FFFF  }
0xad: {  	[dreg:$0x1] =	wrdreg $0xFFFFFFFF  }
0xae: {  	[dreg:$0x0] =	wrdreg $0x60  }
0xaf: {  	[dreg:$0x2] =	wrdreg s2  }
0xb0: {  	[dreg:$0x3] =	wrdreg s24  }
0xb1: {  	[dreg:$0x4] =	wrdreg s18  }
0xb2: {  	[dreg:$0x5] =	wrdreg $0x9  }
0xb3: {  	_ =	task.clear_ibuf [dreg:s8], $0x6FFFF;
	_ =	strace $0x90000049  }
0xb4: {  	s29 =	simm.s32 $0x9;
	_ =	strace $0x8000004B  }
0xb5: {  	_ =	swait.ge [sflag:s29], $0x1  }
0xb6: {  	[sflag:s29] =	ssyncadd.s32 $0xFFFFFFFF  }
0xb7: {  	_ =	strace $0x9000004B  }
0xb8: {  	_ =	sfence  }
0xb9: {  	s30 =	sld [smem:$0x0];
	_ =	sdelay $0x2  }
0xba: {  	s31 =	sshll.u32 s1, $0xD;
	s1 =	sshrl.u32 s1, $0x2  }
0xbb: {  	s3 =	sand.u32 $0x4000, s31;
	s1 =	sadd.s32 s1, s30  }
0xbc: {  	s0 =	sor.u32 s3, s0;
	s1 =	sshll.u32 s1, $0x11  }
0xbd: {  	s0 =	sor.u32 s1, s0  }
0xbe: {  	s0 =	sadd.s32 $0x8F2B, s0  }
0xbf: {  	[sflag:s0] =	ssyncadd.remote.s32 $0x1  }
0xc0: {  	_ =	sfence.sel $0xFFFF  }
0xc1: {  	[dreg:$0x0] =	wrdreg $0xFFFFFFFF;
	(pc) =	sbr.abs _section_cstart, $3  }
0xc2: {  	[dreg:$0x1] =	wrdreg $0xFFFFFFFF  }
0xc3: {  	_ =	task.clear_ibuf [dreg:s8], $0x2FFFF;
	_ =	strace $0x9FFFFFFF  }
0xc4: {  	(tm) =	ssettm $0x7FFFFFFF  }
0xc5: {  	_ =	shalt  }
tec
execute0_lowered:
.L_overlay_start_1:
0x0: {  	(tag) =	ssettag $0x1  }
0x1: {  	s3 =	rddreg [dreg:$0x0]  }
0x2: {  	s1 =	srdreg.scid;
	s0 =	stileid.u32  }
0x3: {  	s14 =	rddreg [dreg:$0x1];
	s31 =	sand.u32 $0x1, s1;
	s4 =	sshll.u32 s0, $0x1  }
0x4: {  	s22 =	rddreg [dreg:$0x2];
	s2 =	simm.s32 $0x0;
	s4 =	sor.u32 s31, s4  }
0x5: {  	[smem:$0x7FF] =	sst s2;
	s23 =	sshll.u32 s4, $0xC;
	s4 =	sshll.u32 s4, $0x6  }
0x6: {  	_ =	strace $0x8000004A;
	s10 =	sadd.s32 s23, s14;
	s3 =	sadd.s32 s3, s4  }
0x7: {  	[tilespmem:s2], [sflag:$0x1] =	stream.linear.gather [hbm4b:s3+s2], $0x200, $0x38;
	[tilespmem:$0x8200] =	vst v63  }
0x8: {  	s5 =	simm.s32 $0x200;
	s4 =	sadd.s32 $0x800, s10  }
0x9: {  	[tilespmem:s5], [sflag:$0x2] =	stream.linear.gather [hbm4b:s4+s2], $0x2000, $0x38;
	[tilespmem:$0x8200] =	vst v63  }
0xa: {  	s7 =	simm.s32 $0x2200;
	s6 =	sadd.s32 $0xC00, s10  }
0xb: {  	[tilespmem:s7], [sflag:$0x3] =	stream.linear.gather [hbm4b:s6+s2], $0x2000, $0x38;
	[tilespmem:$0x8200] =	vst v63  }
0xc: {  	s9 =	simm.s32 $0x4200;
	s8 =	sadd.s32 $0x1000, s10  }
0xd: {  	[tilespmem:s9], [sflag:$0x4] =	stream.linear.gather [hbm4b:s8+s2], $0x2000, $0x38;
	[tilespmem:$0x8200] =	vst v63  }
0xe: {  	s11 =	simm.s32 $0x6200;
	s12 =	simm.s32 $0x1;
	s10 =	sadd.s32 $0x1400, s10  }
0xf: {  	[tilespmem:s11], [sflag:$0x5] =	stream.linear.gather [hbm4b:s10+s2], $0x2000, $0x38;
	[tilespmem:$0x8200] =	vst v63  }
0x10: {  	_ =	swait.ge [sflag:s12], $0x200  }
0x11: {  	[sflag:s12] =	ssyncset.done $0x0  }
0x12: {  	s13 =	simm.s32 $0x2;
	[sflag:s12] =	ssyncadd.s32 $0xFFFFFE00  }
0x13: {  	_ =	swait.ge [sflag:s13], $0x2000  }
0x14: {  	s15 =	simm.s32 $0x80;
	[sflag:s13] =	ssyncset.done $0x0  }
0x15: {  	s16 =	simm.s32 $0x3;
	s14 =	sadd.s32 $0x1A7200, s14;
	[sflag:s13] =	ssyncadd.s32 $0xFFFFE000  }
0x16: {  	[tilespmem:s5], [sflag:$0x6] =	stream.indirect.gather.add.f32 [hbm:s14], $0x40, s2, s15, $0xb8;
	[tilespmem:$0x8200] =	vst v63  }
0x17: {  	_ =	swait.ge [sflag:s16], $0x2000  }
0x18: {  	[sflag:s16] =	ssyncset.done $0x0  }
0x19: {  	s17 =	simm.s32 $0x4;
	[sflag:s16] =	ssyncadd.s32 $0xFFFFE000  }
0x1a: {  	[tilespmem:s7], [sflag:$0x7] =	stream.indirect.gather.add.f32 [hbm:s14], $0x40, s15, s15, $0xb8;
	[tilespmem:$0x8200] =	vst v63  }
0x1b: {  	_ =	swait.ge [sflag:s17], $0x2000  }
0x1c: {  	[sflag:s17] =	ssyncset.done $0x0  }
0x1d: {  	s18 =	simm.s32 $0x100;
	s19 =	simm.s32 $0x5;
	[sflag:s17] =	ssyncadd.s32 $0xFFFFE000  }
0x1e: {  	[tilespmem:s9], [sflag:$0x8] =	stream.indirect.gather.add.f32 [hbm:s14], $0x40, s18, s15, $0xb8;
	[tilespmem:$0x8200] =	vst v63  }
0x1f: {  	_ =	swait.ge [sflag:s19], $0x2000  }
0x20: {  	[sflag:s19] =	ssyncset.done $0x0  }
0x21: {  	s20 =	simm.s32 $0x180;
	s21 =	simm.s32 $0x6;
	[sflag:s19] =	ssyncadd.s32 $0xFFFFE000  }
0x22: {  	[tilespmem:s11], [sflag:$0x9] =	stream.indirect.gather.add.f32 [hbm:s14], $0x40, s20, s15, $0xb8;
	[tilespmem:$0x8200] =	vst v63  }
0x23: {  	_ =	swait.ge [sflag:s21], $0x2000  }
0x24: {  	[sflag:s21] =	ssyncset.done $0x0  }
0x25: {  	s22 =	sadd.s32 s22, s23;
	s23 =	simm.s32 $0x7;
	[sflag:s21] =	ssyncadd.s32 $0xFFFFE000  }
0x26: {  	[hbm4b:s22+s2] =	stream.linear.scatter [tilespmem:s5], [sflag:$0xA], $0x2000, $0x38;
	[tilespmem:$0x8200] =	vst v63  }
0x27: {  	_ =	swait.ge [sflag:s23], $0x2000  }
0x28: {  	[sflag:s23] =	ssyncset.done $0x0  }
0x29: {  	s25 =	simm.s32 $0x8;
	s24 =	sadd.s32 $0x400, s22;
	[sflag:s23] =	ssyncadd.s32 $0xFFFFE000  }
0x2a: {  	[hbm4b:s24+s2] =	stream.linear.scatter [tilespmem:s7], [sflag:$0xA], $0x2000, $0x38;
	[tilespmem:$0x8200] =	vst v63  }
0x2b: {  	_ =	swait.ge [sflag:s25], $0x2000  }
0x2c: {  	[sflag:s25] =	ssyncset.done $0x0  }
0x2d: {  	s28 =	simm.s32 $0x9;
	s26 =	sadd.s32 $0x800, s22;
	[sflag:s25] =	ssyncadd.s32 $0xFFFFE000  }
0x2e: {  	[hbm4b:s26+s2] =	stream.linear.scatter [tilespmem:s9], [sflag:$0xA], $0x2000, $0x38;
	[tilespmem:$0x8200] =	vst v63  }
0x2f: {  	_ =	swait.ge [sflag:s28], $0x2000  }
0x30: {  	[sflag:s28] =	ssyncset.done $0x0  }
0x31: {  	s30 =	simm.s32 $0xA;
	s29 =	sadd.s32 $0xC00, s22;
	[sflag:s28] =	ssyncadd.s32 $0xFFFFE000  }
0x32: {  	[hbm4b:s29+s2] =	stream.linear.scatter [tilespmem:s11], [sflag:$0xA], $0x2000, $0x38;
	[tilespmem:$0x8200] =	vst v63  }
0x33: {  	_ =	swait.ge [sflag:s30], $0x2000  }
0x34: {  	s31 =	ssub.s32 $0x2, s31;
	[sflag:s30] =	ssyncset.done $0x0  }
0x35: {  	s1 =	sshrl.u32 s31, $0x1;
	[sflag:s30] =	ssyncadd.s32 $0xFFFFE000  }
0x36: {  	s1 =	ssub.s32 s31, s1;
	_ =	swait.ge [sflag:s30], $0x2000  }
0x37: {  	s1 =	smax.u32 s1, $0x1;
	[sflag:s30] =	ssyncset.done $0x0  }
0x38: {  	p0 =	sne.s32 s1, $0x1;
	[sflag:s30] =	ssyncadd.s32 $0xFFFFE000  }
.Ltmp0:
0x39: {  	_ =	swait.ge [sflag:s30], $0x2000;
	(pc) =	sbr.rel @!p0 .LBB2_2-.Ltmp0, $4  }
0x3a: {  	[sflag:s30] =	ssyncset.done $0x0  }
0x3b: {  	[sflag:s30] =	ssyncadd.s32 $0xFFFFE000  }
0x3c: {  	_ =	swait.ge [sflag:s30], $0x2000  }
0x3d: {  	s31 =	sadd.s32 $0xFFFFFFFF, s1;
	[sflag:s30] =	ssyncset.done $0x0  }
.LBB2_1:
0x3e: {  	p0 =	sne.s32 s31, $0x1;
	s31 =	sadd.s32 $0xFFFFFFFF, s31;
	[sflag:s30] =	ssyncadd.s32 $0xFFFFE000  }
0x3f: {  	[tilespmem:s2], [sflag:$0x1] =	stream.linear.gather [hbm4b:s3+s2], $0x200, $0x38;
	[tilespmem:$0x8200] =	vst v63  }
0x40: {  	_ = 	snop  }
0x41: {  	[tilespmem:s5], [sflag:$0x2] =	stream.linear.gather [hbm4b:s4+s2], $0x2000, $0x38;
	[tilespmem:$0x8200] =	vst v63  }
0x42: {  	_ = 	snop  }
0x43: {  	[tilespmem:s7], [sflag:$0x3] =	stream.linear.gather [hbm4b:s6+s2], $0x2000, $0x38;
	[tilespmem:$0x8200] =	vst v63  }
0x44: {  	_ = 	snop  }
0x45: {  	[tilespmem:s9], [sflag:$0x4] =	stream.linear.gather [hbm4b:s8+s2], $0x2000, $0x38;
	[tilespmem:$0x8200] =	vst v63  }
0x46: {  	_ = 	snop  }
0x47: {  	[tilespmem:s11], [sflag:$0x5] =	stream.linear.gather [hbm4b:s10+s2], $0x2000, $0x38;
	[tilespmem:$0x8200] =	vst v63  }
0x48: {  	_ =	swait.ge [sflag:s12], $0x200  }
0x49: {  	[sflag:s12] =	ssyncset.done $0x0  }
0x4a: {  	[sflag:s12] =	ssyncadd.s32 $0xFFFFFE00  }
0x4b: {  	_ =	swait.ge [sflag:s13], $0x2000  }
0x4c: {  	[sflag:s13] =	ssyncset.done $0x0  }
0x4d: {  	[sflag:s13] =	ssyncadd.s32 $0xFFFFE000  }
0x4e: {  	[tilespmem:s5], [sflag:$0x6] =	stream.indirect.gather.add.f32 [hbm:s14], $0x40, s2, s15, $0xb8;
	[tilespmem:$0x8200] =	vst v63  }
0x4f: {  	_ =	swait.ge [sflag:s16], $0x2000  }
0x50: {  	[sflag:s16] =	ssyncset.done $0x0  }
0x51: {  	[sflag:s16] =	ssyncadd.s32 $0xFFFFE000  }
0x52: {  	[tilespmem:s7], [sflag:$0x7] =	stream.indirect.gather.add.f32 [hbm:s14], $0x40, s15, s15, $0xb8;
	[tilespmem:$0x8200] =	vst v63  }
0x53: {  	_ =	swait.ge [sflag:s17], $0x2000  }
0x54: {  	[sflag:s17] =	ssyncset.done $0x0  }
0x55: {  	[sflag:s17] =	ssyncadd.s32 $0xFFFFE000  }
0x56: {  	[tilespmem:s9], [sflag:$0x8] =	stream.indirect.gather.add.f32 [hbm:s14], $0x40, s18, s15, $0xb8;
	[tilespmem:$0x8200] =	vst v63  }
0x57: {  	_ =	swait.ge [sflag:s19], $0x2000  }
0x58: {  	[sflag:s19] =	ssyncset.done $0x0  }
0x59: {  	[sflag:s19] =	ssyncadd.s32 $0xFFFFE000  }
0x5a: {  	[tilespmem:s11], [sflag:$0x9] =	stream.indirect.gather.add.f32 [hbm:s14], $0x40, s20, s15, $0xb8;
	[tilespmem:$0x8200] =	vst v63  }
0x5b: {  	_ =	swait.ge [sflag:s21], $0x2000  }
0x5c: {  	[sflag:s21] =	ssyncset.done $0x0  }
0x5d: {  	[sflag:s21] =	ssyncadd.s32 $0xFFFFE000  }
0x5e: {  	[hbm4b:s22+s2] =	stream.linear.scatter [tilespmem:s5], [sflag:$0xA], $0x2000, $0x38;
	[tilespmem:$0x8200] =	vst v63  }
0x5f: {  	_ =	swait.ge [sflag:s23], $0x2000  }
0x60: {  	[sflag:s23] =	ssyncset.done $0x0  }
0x61: {  	[sflag:s23] =	ssyncadd.s32 $0xFFFFE000  }
0x62: {  	[hbm4b:s24+s2] =	stream.linear.scatter [tilespmem:s7], [sflag:$0xA], $0x2000, $0x38;
	[tilespmem:$0x8200] =	vst v63  }
0x63: {  	_ =	swait.ge [sflag:s25], $0x2000  }
0x64: {  	[sflag:s25] =	ssyncset.done $0x0  }
0x65: {  	[sflag:s25] =	ssyncadd.s32 $0xFFFFE000  }
0x66: {  	[hbm4b:s26+s2] =	stream.linear.scatter [tilespmem:s9], [sflag:$0xA], $0x2000, $0x38;
	[tilespmem:$0x8200] =	vst v63  }
0x67: {  	_ =	swait.ge [sflag:s28], $0x2000  }
0x68: {  	[sflag:s28] =	ssyncset.done $0x0  }
0x69: {  	[sflag:s28] =	ssyncadd.s32 $0xFFFFE000  }
0x6a: {  	[hbm4b:s29+s2] =	stream.linear.scatter [tilespmem:s11], [sflag:$0xA], $0x2000, $0x38;
	[tilespmem:$0x8200] =	vst v63  }
0x6b: {  	_ =	swait.ge [sflag:s30], $0x2000  }
0x6c: {  	[sflag:s30] =	ssyncset.done $0x0  }
0x6d: {  	[sflag:s30] =	ssyncadd.s32 $0xFFFFE000  }
0x6e: {  	_ =	swait.ge [sflag:s30], $0x2000  }
0x6f: {  	[sflag:s30] =	ssyncset.done $0x0  }
0x70: {  	[sflag:s30] =	ssyncadd.s32 $0xFFFFE000  }
.Ltmp1:
0x71: {  	_ =	swait.ge [sflag:s30], $0x2000;
	(pc) =	sbr.rel @p0 .LBB2_1-.Ltmp1, $4  }
0x72: {  	[sflag:s30] =	ssyncset.done $0x0  }
0x73: {  	[sflag:s30] =	ssyncadd.s32 $0xFFFFE000  }
0x74: {  	_ =	swait.ge [sflag:s30], $0x2000  }
0x75: {  	[sflag:s30] =	ssyncset.done $0x0  }
.LBB2_2:
0x76: {  	[sflag:s30] =	ssyncadd.s32 $0xFFFFE000  }
0x77: {  	_ =	sfence.sel $0x180000  }
0x78: {  	[bflag:$0x0] =	sbarrier.arrive $0xFFFF  }
0x79: {  	_ =	strace $0x9000004A  }
0x7a: {  	[bflag:$0x2] =	sbarrier.arrive $0xFFFF  }
0x7b: {  	p0 =	sne.s32 s0, $0x0;
	s0 =	rddreg [dreg:$0x3]  }
0x7c: {  	s0 =	sadd.s32 @!p0 $0x100000, s0  }
0x7d: {  	[sflag:s0] =	ssyncadd.tile.s32 @!p0 $0x1;
	_ =	shalt  }
.Lfunc_end2:
_tile_overlayer_lowered:
.L_overlay_start_2:
0x7e: {  	(tag) =	ssettag $0x2  }
0x7f: {  	s0 =	rddreg [dreg:$0x0];
	s2 =	stileid.u32  }
0x80: {  	s1 =	rddreg [dreg:$0x1];
	p0 =	sne.s32 s2, $0x0  }
0x81: {  	s3 =	rddreg [dreg:$0x2];
	[bflag:$0x3] =	sbarrier.arrive $0xFFFF;
	s2 =	simm.s32 @!p0 $0x1C0B  }
0x82: {  	[timem:s3], [sflag:s2] =	dma.local @!p0 [hbm:s0], s1  }
0x83: {  	s0 =	simm.s32 @!p0 $0xB  }
0x84: {  	_ =	swait.ge @!p0 [sflag:s0], s1  }
0x85: {  	s1 =	ssub.s32 @!p0 $0x0, s1;
	[sflag:s0] =	ssyncset.done @!p0 $0x0  }
0x86: {  	[sflag:s0] =	ssyncadd.s32 @!p0 s1  }
0x87: {  	[bflag:$0x3] =	sbarrier.arrive $0xFFFF  }
0x88: {  	_ =	shalt  }

</sc_bundles>
